<compile_context>
chip_gen: v7x
topology: tpu7x:2x2x1
jax: 0.10.2.dev20260603
libtpu: 0.0.44.dev20260713+nightly
codegen_flags: <defaults>
</compile_context>

<pallas_src>
import functools

import jax
import jax.numpy as jnp
from jax import lax
from jax.experimental import pallas as pl
from jax.experimental.pallas import tpu as pltpu
from jax.experimental.pallas import tpu_sc as plsc

_B = 64
_K = 8192
_L = 64
_BIG = 99999.0
_P_CODING = 5471
_NBITS = 8


def _conv(x, w, s, p):
    return jax.lax.conv_general_dilated(
        x, w, (s, s), [(p, p), (p, p)], dimension_numbers=('NCHW', 'OIHW', 'NCHW'))


def _convT16(x, w, s, p):
    k = w.shape[2]
    wk = jnp.flip(w, axis=(2, 3)).transpose(1, 0, 2, 3)
    q = k - 1 - p
    return jax.lax.conv_general_dilated(
        x.astype(jnp.bfloat16), wk.astype(jnp.bfloat16), (1, 1),
        [(q, q), (q, q)], lhs_dilation=(s, s),
        dimension_numbers=('NCHW', 'OIHW', 'NCHW'),
        preferred_element_type=jnp.float32)


def _convT16_final(z, w):
    wk = jnp.flip(w, axis=(2, 3)).transpose(1, 0, 2, 3)
    co, ci = wk.shape[0], wk.shape[1]
    k1 = wk.transpose(2, 3, 0, 1).reshape(16 * co, ci, 1, 1)
    p = jax.lax.conv_general_dilated(
        z.astype(jnp.bfloat16), k1.astype(jnp.bfloat16), (1, 1),
        [(0, 0), (0, 0)], dimension_numbers=('NCHW', 'OIHW', 'NCHW'),
        preferred_element_type=jnp.float32)
    pp = jnp.pad(p, ((0, 0), (0, 0), (2, 2), (2, 2)))
    out = jnp.zeros((z.shape[0], co, 32, 32), jnp.float32)
    for dy in range(4):
        for dx in range(4):
            t = dy * 4 + dx
            out = out + pp[:, t * co:(t + 1) * co, dy:dy + 32, dx:dx + 32]
    return out


def _bn(x, g, b):
    m = x.mean(axis=(0, 2, 3), keepdims=True)
    v = x.var(axis=(0, 2, 3), keepdims=True)
    return (x - m) / jnp.sqrt(v + 1e-5) * g.reshape(1, -1, 1, 1) + b.reshape(1, -1, 1, 1)


def _lrelu(x):
    return jnp.where(x >= 0, x, 0.01 * x)


def _bn1p(x, g, b):
    m = x.mean(axis=(0, 2, 3), keepdims=True)
    m2 = (x * x).mean(axis=(0, 2, 3), keepdims=True)
    v = m2 - m * m
    return (x - m) / jnp.sqrt(v + 1e-5) * g.reshape(1, -1, 1, 1) + b.reshape(1, -1, 1, 1)


def _match_fc_body(emb_ref, codesT_ref, bits_ref, w1e_ref, w1t_ref,
                   b1_ref, w2_ref, b2_ref, z2_ref, dist_ref):
    emb = emb_ref[:]
    codesT = codesT_ref[:]
    g = jax.lax.dot_general(emb, codesT, (((1,), (0,)), ((), ())),
                            precision=jax.lax.Precision.HIGHEST,
                            preferred_element_type=jnp.float32)
    c2 = jnp.sum(codesT * codesT, axis=0, keepdims=True)
    e2 = jnp.sum(emb * emb, axis=1, keepdims=True)
    dist_ref[:] = (e2 - 2.0 * g) + c2

    zz = jnp.dot(emb, w1e_ref[:], preferred_element_type=jnp.float32)
    zz = zz + jnp.dot(bits_ref[:], w1t_ref[:], preferred_element_type=jnp.float32)
    zz = zz + b1_ref[:]
    zz = jnp.where(zz >= 0, zz, 0.01 * zz)
    z2 = jnp.dot(zz, w2_ref[:], preferred_element_type=jnp.float32) + b2_ref[:]
    z2_ref[:] = jnp.where(z2 >= 0, z2, 0.01 * z2)


_NWK = 16
_CPW = _K // _NWK
_NCH = _CPW // 16


def _sc_greedy_body(dist_hbm, sel_hbm, sum_hbm,
                    blk_v, excl_v, tmpf_v, tmpi_v, allm_v, alli_v, selbuf_v,
                    rotf_v, roti_v, shm_s, shi_s, winm_s, wini_s):
    cid = lax.axis_index("c")
    sid = lax.axis_index("s")
    lanes = lax.broadcasted_iota(jnp.int32, (16,), 0)
    ones = jnp.full((16,), 1.0, jnp.float32)
    onesi = jnp.full((16,), 1, jnp.int32)

    @pl.when(cid == 0)
    def _run():
        base = sid * _CPW
        for r in range(_B):
            pltpu.sync_copy(dist_hbm.at[pl.ds(r * _K + base, _CPW)],
                            blk_v.at[pl.ds(r * _CPW, _CPW)])
        for c in range(_NCH):
            excl_v[pl.ds(c * 16, 16)] = jnp.zeros((16,), jnp.float32)

        def step(i, carry):
            i_vec, wiprev, s = carry

            def chunk(j, c2_):
                vmin, vidx = c2_
                v = blk_v[pl.ds(i * _CPW + j * 16, 16)]
                gidx = base + j * 16 + lanes
                e = excl_v[pl.ds(j * 16, 16)]
                e = jnp.where(gidx == wiprev, ones, e)
                excl_v[pl.ds(j * 16, 16)] = e
                veff = jnp.where(e > 0.0, _BIG, v)
                better = veff < vmin
                return (jnp.where(better, veff, vmin),
                        jnp.where(better, gidx, vidx))

            vmin, vidx = lax.fori_loop(
                0, _NCH, chunk,
                (jnp.full((16,), jnp.inf, jnp.float32),
                 jnp.zeros((16,), jnp.int32)))
            tmpf_v[...] = vmin
            tmpi_v[...] = vidx
            pltpu.sync_copy(tmpf_v, shm_s.at[pl.ds(sid * 16, 16)])
            pltpu.sync_copy(tmpi_v, shi_s.at[pl.ds(sid * 16, 16)])
            plsc.subcore_barrier()

            @pl.when(sid == 0)
            def _reduce():
                for r in range(_NWK):
                    pltpu.sync_copy(shm_s.at[pl.ds(r * 16, 16)], allm_v.at[pl.ds(r * 16, 16)])
                    pltpu.sync_copy(shi_s.at[pl.ds(r * 16, 16)], alli_v.at[pl.ds(r * 16, 16)])

                def red(r, c3_):
                    bm, bi = c3_
                    mr = allm_v[pl.ds(r * 16, 16)]
                    ir = alli_v[pl.ds(r * 16, 16)]
                    take = (mr < bm) | ((mr == bm) & (ir < bi))
                    return jnp.where(take, mr, bm), jnp.where(take, ir, bi)

                bm, bi = lax.fori_loop(
                    0, _NWK, red,
                    (jnp.full((16,), jnp.inf, jnp.float32),
                     jnp.full((16,), _K, jnp.int32)))
                for sh in (8, 4, 2, 1):
                    rotf_v[pl.ds(0, 16)] = bm
                    rotf_v[pl.ds(16, 16)] = bm
                    roti_v[pl.ds(0, 16)] = bi
                    roti_v[pl.ds(16, 16)] = bi
                    bm2 = rotf_v[pl.ds(sh, 16)]
                    bi2 = roti_v[pl.ds(sh, 16)]
                    take = (bm2 < bm) | ((bm2 == bm) & (bi2 < bi))
                    bm = jnp.where(take, bm2, bm)
                    bi = jnp.where(take, bi2, bi)
                tmpf_v[...] = bm
                tmpi_v[...] = bi
                pltpu.sync_copy(tmpf_v, winm_s)
                pltpu.sync_copy(tmpi_v, wini_s)
                for c in range(_B // 16):
                    cur = selbuf_v[pl.ds(c * 16, 16)]
                    hit = (c * 16 + lanes) == i_vec
                    selbuf_v[pl.ds(c * 16, 16)] = jnp.where(hit, bi, cur)

            plsc.subcore_barrier()
            pltpu.sync_copy(winm_s, tmpf_v)
            pltpu.sync_copy(wini_s, tmpi_v)
            wm = tmpf_v[...]
            wi = tmpi_v[...]
            return i_vec + onesi, wi, s + wm

        _, _, s = lax.fori_loop(
            0, _B, step,
            (jnp.zeros((16,), jnp.int32),
             jnp.full((16,), -1, jnp.int32),
             jnp.zeros((16,), jnp.float32)))

        @pl.when(sid == 0)
        def _out():
            tmpf_v[...] = s
            pltpu.sync_copy(tmpf_v, sum_hbm)
            pltpu.sync_copy(selbuf_v, sel_hbm)


def _sc_greedy(dist):
    f = functools.partial(
        pl.kernel,
        out_type=(jax.ShapeDtypeStruct((_B,), jnp.int32),
                  jax.ShapeDtypeStruct((16,), jnp.float32)),
        mesh=plsc.VectorSubcoreMesh(core_axis_name="c", subcore_axis_name="s"),
        scratch_types=[
            pltpu.VMEM((_B * _CPW,), jnp.float32),
            pltpu.VMEM((_CPW,), jnp.float32),
            pltpu.VMEM((16,), jnp.float32),
            pltpu.VMEM((16,), jnp.int32),
            pltpu.VMEM((_NWK * 16,), jnp.float32),
            pltpu.VMEM((_NWK * 16,), jnp.int32),
            pltpu.VMEM((_B,), jnp.int32),
            pltpu.VMEM((32,), jnp.float32),
            pltpu.VMEM((32,), jnp.int32),
            pltpu.VMEM_SHARED((_NWK * 16,), jnp.float32),
            pltpu.VMEM_SHARED((_NWK * 16,), jnp.int32),
            pltpu.VMEM_SHARED((16,), jnp.float32),
            pltpu.VMEM_SHARED((16,), jnp.int32),
        ],
    )(_sc_greedy_body)
    return f(dist.reshape(-1))


def kernel(x, task_id, codes_rep, conv1_w, bn1_g, bn1_b, conv2_w, bn2_g, bn2_b,
           conv3_w, bn3_g, bn3_b, enc_w, enc_b, fc1_w, fc1_b, fc2_w, fc2_b,
           dc1_w, bnd1_g, bnd1_b, dc2_w, bnd2_g, bnd2_b, dc3_w, bnd3_g, bnd3_b,
           dc4_w):
    batch = x.shape[0]
    h = _lrelu(_bn(_conv(x, conv1_w, 2, 1), bn1_g, bn1_b))
    h = _lrelu(_bn(_conv(h, conv2_w, 2, 1), bn2_g, bn2_b))
    h = _lrelu(_bn(_conv(h, conv3_w, 2, 1), bn3_g, bn3_b))
    h = h.reshape(batch, -1)
    emb = h @ enc_w.T + enc_b

    codesT = codes_rep[0].T
    code = (jnp.asarray(task_id) * _P_CODING) % (2 ** _NBITS)
    shifts = jnp.asarray([_NBITS - 1 - j for j in range(_NBITS)], dtype=code.dtype)
    bits = ((code >> shifts) & 1).astype(jnp.float32).reshape(1, _NBITS)
    w1e = fc1_w[:, :_L].T
    w1t = fc1_w[:, _L:].T

    z2, dist = pl.pallas_call(
        _match_fc_body,
        out_shape=(
            jax.ShapeDtypeStruct((batch, fc2_w.shape[0]), jnp.float32),
            jax.ShapeDtypeStruct((_B, _K), jnp.float32),
        ),
    )(emb, codesT, bits, w1e, w1t,
      fc1_b.reshape(1, -1), fc2_w.T, fc2_b.reshape(1, -1))

    sel, sumv = _sc_greedy(dist)
    sum_dist = sumv[0]

    z = z2.reshape(batch, 64, 8, 8)
    z = _lrelu(_bn1p(_convT16(z, dc1_w, 2, 2), bnd1_g, bnd1_b))
    z = _lrelu(_bn1p(_convT16(z, dc2_w, 2, 0), bnd2_g, bnd2_b))
    z = _lrelu(_bn1p(_convT16(z, dc3_w, 1, 0), bnd3_g, bnd3_b))
    recon = _convT16_final(z, dc4_w)
    return (recon, sum_dist, sel)

# --- scband reference (transcript-rebuilt; emitter-appended) ---
"""Pipeline reference for scband-vae-38242388804192 (READ-ONLY COPY).

The authoritative reference and input builder live on the scoring server;
editing this copy changes nothing except your own understanding.
"""

import jax, jax.numpy as jnp
import numpy as np

B = 64
K = 8192
LATENT = 64
D = 64
P_CODING = 5471
NBITS = 8
BIG = 99999.0


def _conv(x, w, s, p):
    return jax.lax.conv_general_dilated(x, w, (s, s), [(p, p), (p, p)], dimension_numbers=('NCHW', 'OIHW', 'NCHW'))


def _convT(x, w, s, p):
    k = w.shape[2]
    wk = jnp.flip(w, axis=(2, 3)).transpose(1, 0, 2, 3)
    q = k - 1 - p
    return jax.lax.conv_general_dilated(x, wk, (1, 1), [(q, q), (q, q)], lhs_dilation=(s, s), dimension_numbers=('NCHW', 'OIHW', 'NCHW'))


def _bn(x, g, b):
    m = x.mean(axis=(0, 2, 3), keepdims=True)
    v = x.var(axis=(0, 2, 3), keepdims=True)
    return (x - m) / jnp.sqrt(v + 1e-5) * g.reshape(1, -1, 1, 1) + b.reshape(1, -1, 1, 1)


def _lrelu(x):
    return jnp.where(x >= 0, x, 0.01 * x)


def setup_inputs(seed: int = 0):
    key = jax.random.key(seed)
    ks = jax.random.split(key, 16)
    inp = {}
    inp['x'] = jax.random.normal(ks[0], (B, 3, 32, 32), jnp.float32)
    inp['task_id'] = 3
    inp['codes_rep'] = jax.random.normal(ks[1], (1, K, LATENT), jnp.float32)
    inp['conv1_w'] = jax.random.normal(ks[2], (D, 3, 3, 3), jnp.float32) * 0.05
    inp['bn1_g'] = jnp.ones((D,), jnp.float32)
    inp['bn1_b'] = jnp.zeros((D,), jnp.float32)
    inp['conv2_w'] = jax.random.normal(ks[3], (2 * D, D, 3, 3), jnp.float32) * 0.05
    inp['bn2_g'] = jnp.ones((2 * D,), jnp.float32)
    inp['bn2_b'] = jnp.zeros((2 * D,), jnp.float32)
    inp['conv3_w'] = jax.random.normal(ks[4], (4 * D, 2 * D, 3, 3), jnp.float32) * 0.05
    inp['bn3_g'] = jnp.ones((4 * D,), jnp.float32)
    inp['bn3_b'] = jnp.zeros((4 * D,), jnp.float32)
    inp['enc_w'] = jax.random.normal(ks[5], (LATENT, 4 * D * 4 * 4), jnp.float32) * 0.02
    inp['enc_b'] = jnp.zeros((LATENT,), jnp.float32)
    inp['fc1_w'] = jax.random.normal(ks[6], (int(LATENT * 1.5), LATENT + NBITS), jnp.float32) * 0.05
    inp['fc1_b'] = jnp.zeros((int(LATENT * 1.5),), jnp.float32)
    inp['fc2_w'] = jax.random.normal(ks[7], (D * 64, int(LATENT * 1.5)), jnp.float32) * 0.05
    inp['fc2_b'] = jnp.zeros((D * 64,), jnp.float32)
    inp['dc1_w'] = jax.random.normal(ks[8], (D, 4 * D, 3, 3), jnp.float32) * 0.05
    inp['bnd1_g'] = jnp.ones((4 * D,), jnp.float32)
    inp['bnd1_b'] = jnp.zeros((4 * D,), jnp.float32)
    inp['dc2_w'] = jax.random.normal(ks[9], (4 * D, 6 * D, 4, 4), jnp.float32) * 0.05
    inp['bnd2_g'] = jnp.ones((6 * D,), jnp.float32)
    inp['bnd2_b'] = jnp.zeros((6 * D,), jnp.float32)
    inp['dc3_w'] = jax.random.normal(ks[10], (6 * D, 5 * D, 4, 4), jnp.float32) * 0.05
    inp['bnd3_g'] = jnp.ones((5 * D,), jnp.float32)
    inp['bnd3_b'] = jnp.zeros((5 * D,), jnp.float32)
    inp['dc4_w'] = jax.random.normal(ks[11], (5 * D, 3, 4, 4), jnp.float32) * 0.05
    return inp


def reference(x, task_id, codes_rep, conv1_w, bn1_g, bn1_b, conv2_w, bn2_g, bn2_b, conv3_w, bn3_g, bn3_b, enc_w, enc_b, fc1_w, fc1_b, fc2_w, fc2_b, dc1_w, bnd1_g, bnd1_b, dc2_w, bnd2_g, bnd2_b, dc3_w, bnd3_g, bnd3_b, dc4_w):
    batch = x.shape[0]
    # encoder
    h = _lrelu(_bn(_conv(x, conv1_w, 2, 1), bn1_g, bn1_b))
    h = _lrelu(_bn(_conv(h, conv2_w, 2, 1), bn2_g, bn2_b))
    h = _lrelu(_bn(_conv(h, conv3_w, 2, 1), bn3_g, bn3_b))
    h = h.reshape(batch, -1)
    emb = h @ enc_w.T + enc_b
    # codes_rep repeat branch (batch != codes_rep.shape[0])
    if batch != codes_rep.shape[0]:
        cr = jnp.broadcast_to(codes_rep[0], (batch, K, LATENT))
    else:
        cr = codes_rep
    min_codes = ((cr - emb[:, None, :]) ** 2).sum(2)
    # greedy exclusive nearest-code assignment
    mc = min_codes
    sum_dist = jnp.float32(0.0)
    sel = []
    for i in range(batch):
        idx = jnp.argmin(mc[i])
        sum_dist = sum_dist + mc[i, idx]
        sel.append(idx)
        mc = mc.at[:, idx].set(BIG)
    # decoder with task-id bit coding
    code = (jnp.asarray(task_id) * P_CODING) % (2 ** NBITS)
    shifts = jnp.asarray([NBITS - 1 - j for j in range(NBITS)], dtype=code.dtype)
    bits = ((code >> shifts) & 1).astype(jnp.float32)
    tid = jnp.broadcast_to(bits, (batch, NBITS))
    z = jnp.concatenate([emb, tid], axis=1)
    z = _lrelu(z @ fc1_w.T + fc1_b)
    z = _lrelu(z @ fc2_w.T + fc2_b)
    z = z.reshape(batch, D, 8, 8)
    z = _lrelu(_bn(_convT(z, dc1_w, 2, 2), bnd1_g, bnd1_b))
    z = _lrelu(_bn(_convT(z, dc2_w, 2, 0), bnd2_g, bnd2_b))
    z = _lrelu(_bn(_convT(z, dc3_w, 1, 0), bnd3_g, bnd3_b))
    recon = _convT(z, dc4_w, 1, 1)
    return (recon, sum_dist, jnp.stack(sel))

if __name__ == "__main__":
    import jax
    _d = setup_inputs()
    print(jax.jit(kernel)(*tuple(_d.values())))

</pallas_src>

<mosaic_0001>
#map = affine_map<(d0, d1) -> (0)>
module attributes {stable_mosaic.version = 14 : i64} {
  func.func @_sc_greedy_body(%arg0: i32, %arg1: i32, %arg2: memref<524288xf32, #tpu.memory_space<hbm>>, %arg3: memref<64xi32, #tpu.memory_space<hbm>>, %arg4: memref<16xf32, #tpu.memory_space<hbm>>, %arg5: memref<32768xf32, #tpu.memory_space<vmem>>, %arg6: memref<512xf32, #tpu.memory_space<vmem>>, %arg7: memref<16xf32, #tpu.memory_space<vmem>>, %arg8: memref<16xi32, #tpu.memory_space<vmem>>, %arg9: memref<256xf32, #tpu.memory_space<vmem>>, %arg10: memref<256xi32, #tpu.memory_space<vmem>>, %arg11: memref<64xi32, #tpu.memory_space<vmem>>, %arg12: memref<32xf32, #tpu.memory_space<vmem>>, %arg13: memref<32xi32, #tpu.memory_space<vmem>>, %arg14: memref<256xf32, #tpu.memory_space<vmem_shared>>, %arg15: memref<256xi32, #tpu.memory_space<vmem_shared>>, %arg16: memref<16xf32, #tpu.memory_space<vmem_shared>>, %arg17: memref<16xi32, #tpu.memory_space<vmem_shared>>) attributes {dimension_semantics = [#tpu.dimension_semantics<core_parallel>, #tpu.dimension_semantics<subcore_parallel>], iteration_bounds = array<i64: 2, 16>, scalar_prefetch = 0 : i64, scratch_operands = 13 : i64, tpu.core_type = #tpu.core_type<sc_vector_subcore>, window_params = [{transform_indices = #map}, {transform_indices = #map}, {transform_indices = #map}]} {
    %iota3A = tpu.iota {dimensions = array<i32: 0>} : vector<16xi32>
    %broadcast_in_dim3A = arith.constant 1.000000e+00 : f32
    %broadcast_in_dim3A_0 = vector.broadcast %broadcast_in_dim3A : f32 to vector<16xf32>
    %broadcast_in_dim3A_1 = arith.constant 1 : i32
    %broadcast_in_dim3A_2 = vector.broadcast %broadcast_in_dim3A_1 : i32 to vector<16xi32>
    %eq3A = arith.constant 0 : i32
    %eq3A_3 = arith.cmpi eq, %arg0, %eq3A : i32
    %convert_element_type3A = arith.extui %eq3A_3 : i1 to i32
    %cond3A = arith.constant 0 : i32
    %cond3A_4 = arith.cmpi ne, %convert_element_type3A, %cond3A : i32
    scf.if %cond3A_4 {
      %mul3A = arith.constant 512 : i32
      %mul3A_5 = arith.muli %arg1, %mul3A : i32
      %add3A = arith.constant 0 : i32
      %add3A_6 = arith.addi %add3A, %mul3A_5 : i32
      "tpu.region"() ({
        %run_scoped3A = tpu.sem_alloc : memref<!tpu.dma_semaphore, #tpu.memory_space<semaphore_mem>>
        %dma_start3A = arith.constant 0 : i32
        %dma_start3A_340 = tpu.memref_slice %arg5[%dma_start3A] : memref<32768xf32, #tpu.memory_space<vmem>> -> memref<512xf32, #tpu.memory_space<vmem>>
        %dma_start3A_341 = tpu.memref_slice %arg2[%add3A_6] : memref<524288xf32, #tpu.memory_space<hbm>> -> memref<512xf32, #tpu.memory_space<hbm>>
        %dma_start3A_342 = arith.constant 0 : i32
        %dma_start3A_343 = tpu.memref_slice %arg5[%dma_start3A_342] : memref<32768xf32, #tpu.memory_space<vmem>> -> memref<512xf32, #tpu.memory_space<vmem>>
        %dma_start3A_344 = tpu.memref_slice %arg2[%add3A_6] : memref<524288xf32, #tpu.memory_space<hbm>> -> memref<512xf32, #tpu.memory_space<hbm>>
        tpu.enqueue_dma source(%dma_start3A_344 : memref<512xf32, #tpu.memory_space<hbm>>) target(%dma_start3A_343 : memref<512xf32, #tpu.memory_space<vmem>>) target_semaphore(%run_scoped3A : memref<!tpu.dma_semaphore, #tpu.memory_space<semaphore_mem>>)
        %dma_wait3A = arith.constant 0 : i32
        %dma_wait3A_345 = tpu.memref_slice %arg5[%dma_wait3A] : memref<32768xf32, #tpu.memory_space<vmem>> -> memref<512xf32, #tpu.memory_space<vmem>>
        %dma_wait3A_346 = tpu.memref_slice %arg2[%add3A_6] : memref<524288xf32, #tpu.memory_space<hbm>> -> memref<512xf32, #tpu.memory_space<hbm>>
        %dma_wait3A_347 = arith.constant 0 : i32
        %dma_wait3A_348 = tpu.memref_slice %arg5[%dma_wait3A_347] : memref<32768xf32, #tpu.memory_space<vmem>> -> memref<512xf32, #tpu.memory_space<vmem>>
        %dma_wait3A_349 = tpu.memref_slice %arg2[%add3A_6] : memref<524288xf32, #tpu.memory_space<hbm>> -> memref<512xf32, #tpu.memory_space<hbm>>
        tpu.wait_dma2 semaphore(%run_scoped3A : memref<!tpu.dma_semaphore, #tpu.memory_space<semaphore_mem>>) src(%dma_wait3A_349 : memref<512xf32, #tpu.memory_space<hbm>>) dst(%dma_wait3A_348 : memref<512xf32, #tpu.memory_space<vmem>>)
        tpu.yield
      }) : () -> ()
      %add3A_7 = arith.constant 8192 : i32
      %add3A_8 = arith.addi %add3A_7, %mul3A_5 : i32
      "tpu.region"() ({
        %run_scoped3A = tpu.sem_alloc : memref<!tpu.dma_semaphore, #tpu.memory_space<semaphore_mem>>
        %dma_start3A = arith.constant 512 : i32
        %dma_start3A_340 = tpu.memref_slice %arg5[%dma_start3A] : memref<32768xf32, #tpu.memory_space<vmem>> -> memref<512xf32, #tpu.memory_space<vmem>>
        %dma_start3A_341 = tpu.memref_slice %arg2[%add3A_8] : memref<524288xf32, #tpu.memory_space<hbm>> -> memref<512xf32, #tpu.memory_space<hbm>>
        %dma_start3A_342 = arith.constant 512 : i32
        %dma_start3A_343 = tpu.memref_slice %arg5[%dma_start3A_342] : memref<32768xf32, #tpu.memory_space<vmem>> -> memref<512xf32, #tpu.memory_space<vmem>>
        %dma_start3A_344 = tpu.memref_slice %arg2[%add3A_8] : memref<524288xf32, #tpu.memory_space<hbm>> -> memref<512xf32, #tpu.memory_space<hbm>>
        tpu.enqueue_dma source(%dma_start3A_344 : memref<512xf32, #tpu.memory_space<hbm>>) target(%dma_start3A_343 : memref<512xf32, #tpu.memory_space<vmem>>) target_semaphore(%run_scoped3A : memref<!tpu.dma_semaphore, #tpu.memory_space<semaphore_mem>>)
        %dma_wait3A = arith.constant 512 : i32
        %dma_wait3A_345 = tpu.memref_slice %arg5[%dma_wait3A] : memref<32768xf32, #tpu.memory_space<vmem>> -> memref<512xf32, #tpu.memory_space<vmem>>
        %dma_wait3A_346 = tpu.memref_slice %arg2[%add3A_8] : memref<524288xf32, #tpu.memory_space<hbm>> -> memref<512xf32, #tpu.memory_space<hbm>>
        %dma_wait3A_347 = arith.constant 512 : i32
        %dma_wait3A_348 = tpu.memref_slice %arg5[%dma_wait3A_347] : memref<32768xf32, #tpu.memory_space<vmem>> -> memref<512xf32, #tpu.memory_space<vmem>>
        %dma_wait3A_349 = tpu.memref_slice %arg2[%add3A_8] : memref<524288xf32, #tpu.memory_space<hbm>> -> memref<512xf32, #tpu.memory_space<hbm>>
        tpu.wait_dma2 semaphore(%run_scoped3A : memref<!tpu.dma_semaphore, #tpu.memory_space<semaphore_mem>>) src(%dma_wait3A_349 : memref<512xf32, #tpu.memory_space<hbm>>) dst(%dma_wait3A_348 : memref<512xf32, #tpu.memory_space<vmem>>)
        tpu.yield
      }) : () -> ()
      %add3A_9 = arith.constant 16384 : i32
      %add3A_10 = arith.addi %add3A_9, %mul3A_5 : i32
      "tpu.region"() ({
        %run_scoped3A = tpu.sem_alloc : memref<!tpu.dma_semaphore, #tpu.memory_space<semaphore_mem>>
        %dma_start3A = arith.constant 1024 : i32
        %dma_start3A_340 = tpu.memref_slice %arg5[%dma_start3A] : memref<32768xf32, #tpu.memory_space<vmem>> -> memref<512xf32, #tpu.memory_space<vmem>>
        %dma_start3A_341 = tpu.memref_slice %arg2[%add3A_10] : memref<524288xf32, #tpu.memory_space<hbm>> -> memref<512xf32, #tpu.memory_space<hbm>>
        %dma_start3A_342 = arith.constant 1024 : i32
        %dma_start3A_343 = tpu.memref_slice %arg5[%dma_start3A_342] : memref<32768xf32, #tpu.memory_space<vmem>> -> memref<512xf32, #tpu.memory_space<vmem>>
        %dma_start3A_344 = tpu.memref_slice %arg2[%add3A_10] : memref<524288xf32, #tpu.memory_space<hbm>> -> memref<512xf32, #tpu.memory_space<hbm>>
        tpu.enqueue_dma source(%dma_start3A_344 : memref<512xf32, #tpu.memory_space<hbm>>) target(%dma_start3A_343 : memref<512xf32, #tpu.memory_space<vmem>>) target_semaphore(%run_scoped3A : memref<!tpu.dma_semaphore, #tpu.memory_space<semaphore_mem>>)
        %dma_wait3A = arith.constant 1024 : i32
        %dma_wait3A_345 = tpu.memref_slice %arg5[%dma_wait3A] : memref<32768xf32, #tpu.memory_space<vmem>> -> memref<512xf32, #tpu.memory_space<vmem>>
        %dma_wait3A_346 = tpu.memref_slice %arg2[%add3A_10] : memref<524288xf32, #tpu.memory_space<hbm>> -> memref<512xf32, #tpu.memory_space<hbm>>
        %dma_wait3A_347 = arith.constant 1024 : i32
        %dma_wait3A_348 = tpu.memref_slice %arg5[%dma_wait3A_347] : memref<32768xf32, #tpu.memory_space<vmem>> -> memref<512xf32, #tpu.memory_space<vmem>>
        %dma_wait3A_349 = tpu.memref_slice %arg2[%add3A_10] : memref<524288xf32, #tpu.memory_space<hbm>> -> memref<512xf32, #tpu.memory_space<hbm>>
        tpu.wait_dma2 semaphore(%run_scoped3A : memref<!tpu.dma_semaphore, #tpu.memory_space<semaphore_mem>>) src(%dma_wait3A_349 : memref<512xf32, #tpu.memory_space<hbm>>) dst(%dma_wait3A_348 : memref<512xf32, #tpu.memory_space<vmem>>)
        tpu.yield
      }) : () -> ()
      %add3A_11 = arith.constant 24576 : i32
      %add3A_12 = arith.addi %add3A_11, %mul3A_5 : i32
      "tpu.region"() ({
        %run_scoped3A = tpu.sem_alloc : memref<!tpu.dma_semaphore, #tpu.memory_space<semaphore_mem>>
        %dma_start3A = arith.constant 1536 : i32
        %dma_start3A_340 = tpu.memref_slice %arg5[%dma_start3A] : memref<32768xf32, #tpu.memory_space<vmem>> -> memref<512xf32, #tpu.memory_space<vmem>>
        %dma_start3A_341 = tpu.memref_slice %arg2[%add3A_12] : memref<524288xf32, #tpu.memory_space<hbm>> -> memref<512xf32, #tpu.memory_space<hbm>>
        %dma_start3A_342 = arith.constant 1536 : i32
        %dma_start3A_343 = tpu.memref_slice %arg5[%dma_start3A_342] : memref<32768xf32, #tpu.memory_space<vmem>> -> memref<512xf32, #tpu.memory_space<vmem>>
        %dma_start3A_344 = tpu.memref_slice %arg2[%add3A_12] : memref<524288xf32, #tpu.memory_space<hbm>> -> memref<512xf32, #tpu.memory_space<hbm>>
        tpu.enqueue_dma source(%dma_start3A_344 : memref<512xf32, #tpu.memory_space<hbm>>) target(%dma_start3A_343 : memref<512xf32, #tpu.memory_space<vmem>>) target_semaphore(%run_scoped3A : memref<!tpu.dma_semaphore, #tpu.memory_space<semaphore_mem>>)
        %dma_wait3A = arith.constant 1536 : i32
        %dma_wait3A_345 = tpu.memref_slice %arg5[%dma_wait3A] : memref<32768xf32, #tpu.memory_space<vmem>> -> memref<512xf32, #tpu.memory_space<vmem>>
        %dma_wait3A_346 = tpu.memref_slice %arg2[%add3A_12] : memref<524288xf32, #tpu.memory_space<hbm>> -> memref<512xf32, #tpu.memory_space<hbm>>
        %dma_wait3A_347 = arith.constant 1536 : i32
        %dma_wait3A_348 = tpu.memref_slice %arg5[%dma_wait3A_347] : memref<32768xf32, #tpu.memory_space<vmem>> -> memref<512xf32, #tpu.memory_space<vmem>>
        %dma_wait3A_349 = tpu.memref_slice %arg2[%add3A_12] : memref<524288xf32, #tpu.memory_space<hbm>> -> memref<512xf32, #tpu.memory_space<hbm>>
        tpu.wait_dma2 semaphore(%run_scoped3A : memref<!tpu.dma_semaphore, #tpu.memory_space<semaphore_mem>>) src(%dma_wait3A_349 : memref<512xf32, #tpu.memory_space<hbm>>) dst(%dma_wait3A_348 : memref<512xf32, #tpu.memory_space<vmem>>)
        tpu.yield
      }) : () -> ()
      %add3A_13 = arith.constant 32768 : i32
      %add3A_14 = arith.addi %add3A_13, %mul3A_5 : i32
      "tpu.region"() ({
        %run_scoped3A = tpu.sem_alloc : memref<!tpu.dma_semaphore, #tpu.memory_space<semaphore_mem>>
        %dma_start3A = arith.constant 2048 : i32
        %dma_start3A_340 = tpu.memref_slice %arg5[%dma_start3A] : memref<32768xf32, #tpu.memory_space<vmem>> -> memref<512xf32, #tpu.memory_space<vmem>>
        %dma_start3A_341 = tpu.memref_slice %arg2[%add3A_14] : memref<524288xf32, #tpu.memory_space<hbm>> -> memref<512xf32, #tpu.memory_space<hbm>>
        %dma_start3A_342 = arith.constant 2048 : i32
        %dma_start3A_343 = tpu.memref_slice %arg5[%dma_start3A_342] : memref<32768xf32, #tpu.memory_space<vmem>> -> memref<512xf32, #tpu.memory_space<vmem>>
        %dma_start3A_344 = tpu.memref_slice %arg2[%add3A_14] : memref<524288xf32, #tpu.memory_space<hbm>> -> memref<512xf32, #tpu.memory_space<hbm>>
        tpu.enqueue_dma source(%dma_start3A_344 : memref<512xf32, #tpu.memory_space<hbm>>) target(%dma_start3A_343 : memref<512xf32, #tpu.memory_space<vmem>>) target_semaphore(%run_scoped3A : memref<!tpu.dma_semaphore, #tpu.memory_space<semaphore_mem>>)
        %dma_wait3A = arith.constant 2048 : i32
        %dma_wait3A_345 = tpu.memref_slice %arg5[%dma_wait3A] : memref<32768xf32, #tpu.memory_space<vmem>> -> memref<512xf32, #tpu.memory_space<vmem>>
        %dma_wait3A_346 = tpu.memref_slice %arg2[%add3A_14] : memref<524288xf32, #tpu.memory_space<hbm>> -> memref<512xf32, #tpu.memory_space<hbm>>
        %dma_wait3A_347 = arith.constant 2048 : i32
        %dma_wait3A_348 = tpu.memref_slice %arg5[%dma_wait3A_347] : memref<32768xf32, #tpu.memory_space<vmem>> -> memref<512xf32, #tpu.memory_space<vmem>>
        %dma_wait3A_349 = tpu.memref_slice %arg2[%add3A_14] : memref<524288xf32, #tpu.memory_space<hbm>> -> memref<512xf32, #tpu.memory_space<hbm>>
        tpu.wait_dma2 semaphore(%run_scoped3A : memref<!tpu.dma_semaphore, #tpu.memory_space<semaphore_mem>>) src(%dma_wait3A_349 : memref<512xf32, #tpu.memory_space<hbm>>) dst(%dma_wait3A_348 : memref<512xf32, #tpu.memory_space<vmem>>)
        tpu.yield
      }) : () -> ()
      %add3A_15 = arith.constant 40960 : i32
      %add3A_16 = arith.addi %add3A_15, %mul3A_5 : i32
      "tpu.region"() ({
        %run_scoped3A = tpu.sem_alloc : memref<!tpu.dma_semaphore, #tpu.memory_space<semaphore_mem>>
        %dma_start3A = arith.constant 2560 : i32
        %dma_start3A_340 = tpu.memref_slice %arg5[%dma_start3A] : memref<32768xf32, #tpu.memory_space<vmem>> -> memref<512xf32, #tpu.memory_space<vmem>>
        %dma_start3A_341 = tpu.memref_slice %arg2[%add3A_16] : memref<524288xf32, #tpu.memory_space<hbm>> -> memref<512xf32, #tpu.memory_space<hbm>>
        %dma_start3A_342 = arith.constant 2560 : i32
        %dma_start3A_343 = tpu.memref_slice %arg5[%dma_start3A_342] : memref<32768xf32, #tpu.memory_space<vmem>> -> memref<512xf32, #tpu.memory_space<vmem>>
        %dma_start3A_344 = tpu.memref_slice %arg2[%add3A_16] : memref<524288xf32, #tpu.memory_space<hbm>> -> memref<512xf32, #tpu.memory_space<hbm>>
        tpu.enqueue_dma source(%dma_start3A_344 : memref<512xf32, #tpu.memory_space<hbm>>) target(%dma_start3A_343 : memref<512xf32, #tpu.memory_space<vmem>>) target_semaphore(%run_scoped3A : memref<!tpu.dma_semaphore, #tpu.memory_space<semaphore_mem>>)
        %dma_wait3A = arith.constant 2560 : i32
        %dma_wait3A_345 = tpu.memref_slice %arg5[%dma_wait3A] : memref<32768xf32, #tpu.memory_space<vmem>> -> memref<512xf32, #tpu.memory_space<vmem>>
        %dma_wait3A_346 = tpu.memref_slice %arg2[%add3A_16] : memref<524288xf32, #tpu.memory_space<hbm>> -> memref<512xf32, #tpu.memory_space<hbm>>
        %dma_wait3A_347 = arith.constant 2560 : i32
        %dma_wait3A_348 = tpu.memref_slice %arg5[%dma_wait3A_347] : memref<32768xf32, #tpu.memory_space<vmem>> -> memref<512xf32, #tpu.memory_space<vmem>>
        %dma_wait3A_349 = tpu.memref_slice %arg2[%add3A_16] : memref<524288xf32, #tpu.memory_space<hbm>> -> memref<512xf32, #tpu.memory_space<hbm>>
        tpu.wait_dma2 semaphore(%run_scoped3A : memref<!tpu.dma_semaphore, #tpu.memory_space<semaphore_mem>>) src(%dma_wait3A_349 : memref<512xf32, #tpu.memory_space<hbm>>) dst(%dma_wait3A_348 : memref<512xf32, #tpu.memory_space<vmem>>)
        tpu.yield
      }) : () -> ()
      %add3A_17 = arith.constant 49152 : i32
      %add3A_18 = arith.addi %add3A_17, %mul3A_5 : i32
      "tpu.region"() ({
        %run_scoped3A = tpu.sem_alloc : memref<!tpu.dma_semaphore, #tpu.memory_space<semaphore_mem>>
        %dma_start3A = arith.constant 3072 : i32
        %dma_start3A_340 = tpu.memref_slice %arg5[%dma_start3A] : memref<32768xf32, #tpu.memory_space<vmem>> -> memref<512xf32, #tpu.memory_space<vmem>>
        %dma_start3A_341 = tpu.memref_slice %arg2[%add3A_18] : memref<524288xf32, #tpu.memory_space<hbm>> -> memref<512xf32, #tpu.memory_space<hbm>>
        %dma_start3A_342 = arith.constant 3072 : i32
        %dma_start3A_343 = tpu.memref_slice %arg5[%dma_start3A_342] : memref<32768xf32, #tpu.memory_space<vmem>> -> memref<512xf32, #tpu.memory_space<vmem>>
        %dma_start3A_344 = tpu.memref_slice %arg2[%add3A_18] : memref<524288xf32, #tpu.memory_space<hbm>> -> memref<512xf32, #tpu.memory_space<hbm>>
        tpu.enqueue_dma source(%dma_start3A_344 : memref<512xf32, #tpu.memory_space<hbm>>) target(%dma_start3A_343 : memref<512xf32, #tpu.memory_space<vmem>>) target_semaphore(%run_scoped3A : memref<!tpu.dma_semaphore, #tpu.memory_space<semaphore_mem>>)
        %dma_wait3A = arith.constant 3072 : i32
        %dma_wait3A_345 = tpu.memref_slice %arg5[%dma_wait3A] : memref<32768xf32, #tpu.memory_space<vmem>> -> memref<512xf32, #tpu.memory_space<vmem>>
        %dma_wait3A_346 = tpu.memref_slice %arg2[%add3A_18] : memref<524288xf32, #tpu.memory_space<hbm>> -> memref<512xf32, #tpu.memory_space<hbm>>
        %dma_wait3A_347 = arith.constant 3072 : i32
        %dma_wait3A_348 = tpu.memref_slice %arg5[%dma_wait3A_347] : memref<32768xf32, #tpu.memory_space<vmem>> -> memref<512xf32, #tpu.memory_space<vmem>>
        %dma_wait3A_349 = tpu.memref_slice %arg2[%add3A_18] : memref<524288xf32, #tpu.memory_space<hbm>> -> memref<512xf32, #tpu.memory_space<hbm>>
        tpu.wait_dma2 semaphore(%run_scoped3A : memref<!tpu.dma_semaphore, #tpu.memory_space<semaphore_mem>>) src(%dma_wait3A_349 : memref<512xf32, #tpu.memory_space<hbm>>) dst(%dma_wait3A_348 : memref<512xf32, #tpu.memory_space<vmem>>)
        tpu.yield
      }) : () -> ()
      %add3A_19 = arith.constant 57344 : i32
      %add3A_20 = arith.addi %add3A_19, %mul3A_5 : i32
      "tpu.region"() ({
        %run_scoped3A = tpu.sem_alloc : memref<!tpu.dma_semaphore, #tpu.memory_space<semaphore_mem>>
        %dma_start3A = arith.constant 3584 : i32
        %dma_start3A_340 = tpu.memref_slice %arg5[%dma_start3A] : memref<32768xf32, #tpu.memory_space<vmem>> -> memref<512xf32, #tpu.memory_space<vmem>>
        %dma_start3A_341 = tpu.memref_slice %arg2[%add3A_20] : memref<524288xf32, #tpu.memory_space<hbm>> -> memref<512xf32, #tpu.memory_space<hbm>>
        %dma_start3A_342 = arith.constant 3584 : i32
        %dma_start3A_343 = tpu.memref_slice %arg5[%dma_start3A_342] : memref<32768xf32, #tpu.memory_space<vmem>> -> memref<512xf32, #tpu.memory_space<vmem>>
        %dma_start3A_344 = tpu.memref_slice %arg2[%add3A_20] : memref<524288xf32, #tpu.memory_space<hbm>> -> memref<512xf32, #tpu.memory_space<hbm>>
        tpu.enqueue_dma source(%dma_start3A_344 : memref<512xf32, #tpu.memory_space<hbm>>) target(%dma_start3A_343 : memref<512xf32, #tpu.memory_space<vmem>>) target_semaphore(%run_scoped3A : memref<!tpu.dma_semaphore, #tpu.memory_space<semaphore_mem>>)
        %dma_wait3A = arith.constant 3584 : i32
        %dma_wait3A_345 = tpu.memref_slice %arg5[%dma_wait3A] : memref<32768xf32, #tpu.memory_space<vmem>> -> memref<512xf32, #tpu.memory_space<vmem>>
        %dma_wait3A_346 = tpu.memref_slice %arg2[%add3A_20] : memref<524288xf32, #tpu.memory_space<hbm>> -> memref<512xf32, #tpu.memory_space<hbm>>
        %dma_wait3A_347 = arith.constant 3584 : i32
        %dma_wait3A_348 = tpu.memref_slice %arg5[%dma_wait3A_347] : memref<32768xf32, #tpu.memory_space<vmem>> -> memref<512xf32, #tpu.memory_space<vmem>>
        %dma_wait3A_349 = tpu.memref_slice %arg2[%add3A_20] : memref<524288xf32, #tpu.memory_space<hbm>> -> memref<512xf32, #tpu.memory_space<hbm>>
        tpu.wait_dma2 semaphore(%run_scoped3A : memref<!tpu.dma_semaphore, #tpu.memory_space<semaphore_mem>>) src(%dma_wait3A_349 : memref<512xf32, #tpu.memory_space<hbm>>) dst(%dma_wait3A_348 : memref<512xf32, #tpu.memory_space<vmem>>)
        tpu.yield
      }) : () -> ()
      %add3A_21 = arith.constant 65536 : i32
      %add3A_22 = arith.addi %add3A_21, %mul3A_5 : i32
      "tpu.region"() ({
        %run_scoped3A = tpu.sem_alloc : memref<!tpu.dma_semaphore, #tpu.memory_space<semaphore_mem>>
        %dma_start3A = arith.constant 4096 : i32
        %dma_start3A_340 = tpu.memref_slice %arg5[%dma_start3A] : memref<32768xf32, #tpu.memory_space<vmem>> -> memref<512xf32, #tpu.memory_space<vmem>>
        %dma_start3A_341 = tpu.memref_slice %arg2[%add3A_22] : memref<524288xf32, #tpu.memory_space<hbm>> -> memref<512xf32, #tpu.memory_space<hbm>>
        %dma_start3A_342 = arith.constant 4096 : i32
        %dma_start3A_343 = tpu.memref_slice %arg5[%dma_start3A_342] : memref<32768xf32, #tpu.memory_space<vmem>> -> memref<512xf32, #tpu.memory_space<vmem>>
        %dma_start3A_344 = tpu.memref_slice %arg2[%add3A_22] : memref<524288xf32, #tpu.memory_space<hbm>> -> memref<512xf32, #tpu.memory_space<hbm>>
        tpu.enqueue_dma source(%dma_start3A_344 : memref<512xf32, #tpu.memory_space<hbm>>) target(%dma_start3A_343 : memref<512xf32, #tpu.memory_space<vmem>>) target_semaphore(%run_scoped3A : memref<!tpu.dma_semaphore, #tpu.memory_space<semaphore_mem>>)
        %dma_wait3A = arith.constant 4096 : i32
        %dma_wait3A_345 = tpu.memref_slice %arg5[%dma_wait3A] : memref<32768xf32, #tpu.memory_space<vmem>> -> memref<512xf32, #tpu.memory_space<vmem>>
        %dma_wait3A_346 = tpu.memref_slice %arg2[%add3A_22] : memref<524288xf32, #tpu.memory_space<hbm>> -> memref<512xf32, #tpu.memory_space<hbm>>
        %dma_wait3A_347 = arith.constant 4096 : i32
        %dma_wait3A_348 = tpu.memref_slice %arg5[%dma_wait3A_347] : memref<32768xf32, #tpu.memory_space<vmem>> -> memref<512xf32, #tpu.memory_space<vmem>>
        %dma_wait3A_349 = tpu.memref_slice %arg2[%add3A_22] : memref<524288xf32, #tpu.memory_space<hbm>> -> memref<512xf32, #tpu.memory_space<hbm>>
        tpu.wait_dma2 semaphore(%run_scoped3A : memref<!tpu.dma_semaphore, #tpu.memory_space<semaphore_mem>>) src(%dma_wait3A_349 : memref<512xf32, #tpu.memory_space<hbm>>) dst(%dma_wait3A_348 : memref<512xf32, #tpu.memory_space<vmem>>)
        tpu.yield
      }) : () -> ()
      %add3A_23 = arith.constant 73728 : i32
      %add3A_24 = arith.addi %add3A_23, %mul3A_5 : i32
      "tpu.region"() ({
        %run_scoped3A = tpu.sem_alloc : memref<!tpu.dma_semaphore, #tpu.memory_space<semaphore_mem>>
        %dma_start3A = arith.constant 4608 : i32
        %dma_start3A_340 = tpu.memref_slice %arg5[%dma_start3A] : memref<32768xf32, #tpu.memory_space<vmem>> -> memref<512xf32, #tpu.memory_space<vmem>>
        %dma_start3A_341 = tpu.memref_slice %arg2[%add3A_24] : memref<524288xf32, #tpu.memory_space<hbm>> -> memref<512xf32, #tpu.memory_space<hbm>>
        %dma_start3A_342 = arith.constant 4608 : i32
        %dma_start3A_343 = tpu.memref_slice %arg5[%dma_start3A_342] : memref<32768xf32, #tpu.memory_space<vmem>> -> memref<512xf32, #tpu.memory_space<vmem>>
        %dma_start3A_344 = tpu.memref_slice %arg2[%add3A_24] : memref<524288xf32, #tpu.memory_space<hbm>> -> memref<512xf32, #tpu.memory_space<hbm>>
        tpu.enqueue_dma source(%dma_start3A_344 : memref<512xf32, #tpu.memory_space<hbm>>) target(%dma_start3A_343 : memref<512xf32, #tpu.memory_space<vmem>>) target_semaphore(%run_scoped3A : memref<!tpu.dma_semaphore, #tpu.memory_space<semaphore_mem>>)
        %dma_wait3A = arith.constant 4608 : i32
        %dma_wait3A_345 = tpu.memref_slice %arg5[%dma_wait3A] : memref<32768xf32, #tpu.memory_space<vmem>> -> memref<512xf32, #tpu.memory_space<vmem>>
        %dma_wait3A_346 = tpu.memref_slice %arg2[%add3A_24] : memref<524288xf32, #tpu.memory_space<hbm>> -> memref<512xf32, #tpu.memory_space<hbm>>
        %dma_wait3A_347 = arith.constant 4608 : i32
        %dma_wait3A_348 = tpu.memref_slice %arg5[%dma_wait3A_347] : memref<32768xf32, #tpu.memory_space<vmem>> -> memref<512xf32, #tpu.memory_space<vmem>>
        %dma_wait3A_349 = tpu.memref_slice %arg2[%add3A_24] : memref<524288xf32, #tpu.memory_space<hbm>> -> memref<512xf32, #tpu.memory_space<hbm>>
        tpu.wait_dma2 semaphore(%run_scoped3A : memref<!tpu.dma_semaphore, #tpu.memory_space<semaphore_mem>>) src(%dma_wait3A_349 : memref<512xf32, #tpu.memory_space<hbm>>) dst(%dma_wait3A_348 : memref<512xf32, #tpu.memory_space<vmem>>)
        tpu.yield
      }) : () -> ()
      %add3A_25 = arith.constant 81920 : i32
      %add3A_26 = arith.addi %add3A_25, %mul3A_5 : i32
      "tpu.region"() ({
        %run_scoped3A = tpu.sem_alloc : memref<!tpu.dma_semaphore, #tpu.memory_space<semaphore_mem>>
        %dma_start3A = arith.constant 5120 : i32
        %dma_start3A_340 = tpu.memref_slice %arg5[%dma_start3A] : memref<32768xf32, #tpu.memory_space<vmem>> -> memref<512xf32, #tpu.memory_space<vmem>>
        %dma_start3A_341 = tpu.memref_slice %arg2[%add3A_26] : memref<524288xf32, #tpu.memory_space<hbm>> -> memref<512xf32, #tpu.memory_space<hbm>>
        %dma_start3A_342 = arith.constant 5120 : i32
        %dma_start3A_343 = tpu.memref_slice %arg5[%dma_start3A_342] : memref<32768xf32, #tpu.memory_space<vmem>> -> memref<512xf32, #tpu.memory_space<vmem>>
        %dma_start3A_344 = tpu.memref_slice %arg2[%add3A_26] : memref<524288xf32, #tpu.memory_space<hbm>> -> memref<512xf32, #tpu.memory_space<hbm>>
        tpu.enqueue_dma source(%dma_start3A_344 : memref<512xf32, #tpu.memory_space<hbm>>) target(%dma_start3A_343 : memref<512xf32, #tpu.memory_space<vmem>>) target_semaphore(%run_scoped3A : memref<!tpu.dma_semaphore, #tpu.memory_space<semaphore_mem>>)
        %dma_wait3A = arith.constant 5120 : i32
        %dma_wait3A_345 = tpu.memref_slice %arg5[%dma_wait3A] : memref<32768xf32, #tpu.memory_space<vmem>> -> memref<512xf32, #tpu.memory_space<vmem>>
        %dma_wait3A_346 = tpu.memref_slice %arg2[%add3A_26] : memref<524288xf32, #tpu.memory_space<hbm>> -> memref<512xf32, #tpu.memory_space<hbm>>
        %dma_wait3A_347 = arith.constant 5120 : i32
        %dma_wait3A_348 = tpu.memref_slice %arg5[%dma_wait3A_347] : memref<32768xf32, #tpu.memory_space<vmem>> -> memref<512xf32, #tpu.memory_space<vmem>>
        %dma_wait3A_349 = tpu.memref_slice %arg2[%add3A_26] : memref<524288xf32, #tpu.memory_space<hbm>> -> memref<512xf32, #tpu.memory_space<hbm>>
        tpu.wait_dma2 semaphore(%run_scoped3A : memref<!tpu.dma_semaphore, #tpu.memory_space<semaphore_mem>>) src(%dma_wait3A_349 : memref<512xf32, #tpu.memory_space<hbm>>) dst(%dma_wait3A_348 : memref<512xf32, #tpu.memory_space<vmem>>)
        tpu.yield
      }) : () -> ()
      %add3A_27 = arith.constant 90112 : i32
      %add3A_28 = arith.addi %add3A_27, %mul3A_5 : i32
      "tpu.region"() ({
        %run_scoped3A = tpu.sem_alloc : memref<!tpu.dma_semaphore, #tpu.memory_space<semaphore_mem>>
        %dma_start3A = arith.constant 5632 : i32
        %dma_start3A_340 = tpu.memref_slice %arg5[%dma_start3A] : memref<32768xf32, #tpu.memory_space<vmem>> -> memref<512xf32, #tpu.memory_space<vmem>>
        %dma_start3A_341 = tpu.memref_slice %arg2[%add3A_28] : memref<524288xf32, #tpu.memory_space<hbm>> -> memref<512xf32, #tpu.memory_space<hbm>>
        %dma_start3A_342 = arith.constant 5632 : i32
        %dma_start3A_343 = tpu.memref_slice %arg5[%dma_start3A_342] : memref<32768xf32, #tpu.memory_space<vmem>> -> memref<512xf32, #tpu.memory_space<vmem>>
        %dma_start3A_344 = tpu.memref_slice %arg2[%add3A_28] : memref<524288xf32, #tpu.memory_space<hbm>> -> memref<512xf32, #tpu.memory_space<hbm>>
        tpu.enqueue_dma source(%dma_start3A_344 : memref<512xf32, #tpu.memory_space<hbm>>) target(%dma_start3A_343 : memref<512xf32, #tpu.memory_space<vmem>>) target_semaphore(%run_scoped3A : memref<!tpu.dma_semaphore, #tpu.memory_space<semaphore_mem>>)
        %dma_wait3A = arith.constant 5632 : i32
        %dma_wait3A_345 = tpu.memref_slice %arg5[%dma_wait3A] : memref<32768xf32, #tpu.memory_space<vmem>> -> memref<512xf32, #tpu.memory_space<vmem>>
        %dma_wait3A_346 = tpu.memref_slice %arg2[%add3A_28] : memref<524288xf32, #tpu.memory_space<hbm>> -> memref<512xf32, #tpu.memory_space<hbm>>
        %dma_wait3A_347 = arith.constant 5632 : i32
        %dma_wait3A_348 = tpu.memref_slice %arg5[%dma_wait3A_347] : memref<32768xf32, #tpu.memory_space<vmem>> -> memref<512xf32, #tpu.memory_space<vmem>>
        %dma_wait3A_349 = tpu.memref_slice %arg2[%add3A_28] : memref<524288xf32, #tpu.memory_space<hbm>> -> memref<512xf32, #tpu.memory_space<hbm>>
        tpu.wait_dma2 semaphore(%run_scoped3A : memref<!tpu.dma_semaphore, #tpu.memory_space<semaphore_mem>>) src(%dma_wait3A_349 : memref<512xf32, #tpu.memory_space<hbm>>) dst(%dma_wait3A_348 : memref<512xf32, #tpu.memory_space<vmem>>)
        tpu.yield
      }) : () -> ()
      %add3A_29 = arith.constant 98304 : i32
      %add3A_30 = arith.addi %add3A_29, %mul3A_5 : i32
      "tpu.region"() ({
        %run_scoped3A = tpu.sem_alloc : memref<!tpu.dma_semaphore, #tpu.memory_space<semaphore_mem>>
        %dma_start3A = arith.constant 6144 : i32
        %dma_start3A_340 = tpu.memref_slice %arg5[%dma_start3A] : memref<32768xf32, #tpu.memory_space<vmem>> -> memref<512xf32, #tpu.memory_space<vmem>>
        %dma_start3A_341 = tpu.memref_slice %arg2[%add3A_30] : memref<524288xf32, #tpu.memory_space<hbm>> -> memref<512xf32, #tpu.memory_space<hbm>>
        %dma_start3A_342 = arith.constant 6144 : i32
        %dma_start3A_343 = tpu.memref_slice %arg5[%dma_start3A_342] : memref<32768xf32, #tpu.memory_space<vmem>> -> memref<512xf32, #tpu.memory_space<vmem>>
        %dma_start3A_344 = tpu.memref_slice %arg2[%add3A_30] : memref<524288xf32, #tpu.memory_space<hbm>> -> memref<512xf32, #tpu.memory_space<hbm>>
        tpu.enqueue_dma source(%dma_start3A_344 : memref<512xf32, #tpu.memory_space<hbm>>) target(%dma_start3A_343 : memref<512xf32, #tpu.memory_space<vmem>>) target_semaphore(%run_scoped3A : memref<!tpu.dma_semaphore, #tpu.memory_space<semaphore_mem>>)
        %dma_wait3A = arith.constant 6144 : i32
        %dma_wait3A_345 = tpu.memref_slice %arg5[%dma_wait3A] : memref<32768xf32, #tpu.memory_space<vmem>> -> memref<512xf32, #tpu.memory_space<vmem>>
        %dma_wait3A_346 = tpu.memref_slice %arg2[%add3A_30] : memref<524288xf32, #tpu.memory_space<hbm>> -> memref<512xf32, #tpu.memory_space<hbm>>
        %dma_wait3A_347 = arith.constant 6144 : i32
        %dma_wait3A_348 = tpu.memref_slice %arg5[%dma_wait3A_347] : memref<32768xf32, #tpu.memory_space<vmem>> -> memref<512xf32, #tpu.memory_space<vmem>>
        %dma_wait3A_349 = tpu.memref_slice %arg2[%add3A_30] : memref<524288xf32, #tpu.memory_space<hbm>> -> memref<512xf32, #tpu.memory_space<hbm>>
        tpu.wait_dma2 semaphore(%run_scoped3A : memref<!tpu.dma_semaphore, #tpu.memory_space<semaphore_mem>>) src(%dma_wait3A_349 : memref<512xf32, #tpu.memory_space<hbm>>) dst(%dma_wait3A_348 : memref<512xf32, #tpu.memory_space<vmem>>)
        tpu.yield
      }) : () -> ()
      %add3A_31 = arith.constant 106496 : i32
      %add3A_32 = arith.addi %add3A_31, %mul3A_5 : i32
      "tpu.region"() ({
        %run_scoped3A = tpu.sem_alloc : memref<!tpu.dma_semaphore, #tpu.memory_space<semaphore_mem>>
        %dma_start3A = arith.constant 6656 : i32
        %dma_start3A_340 = tpu.memref_slice %arg5[%dma_start3A] : memref<32768xf32, #tpu.memory_space<vmem>> -> memref<512xf32, #tpu.memory_space<vmem>>
        %dma_start3A_341 = tpu.memref_slice %arg2[%add3A_32] : memref<524288xf32, #tpu.memory_space<hbm>> -> memref<512xf32, #tpu.memory_space<hbm>>
        %dma_start3A_342 = arith.constant 6656 : i32
        %dma_start3A_343 = tpu.memref_slice %arg5[%dma_start3A_342] : memref<32768xf32, #tpu.memory_space<vmem>> -> memref<512xf32, #tpu.memory_space<vmem>>
        %dma_start3A_344 = tpu.memref_slice %arg2[%add3A_32] : memref<524288xf32, #tpu.memory_space<hbm>> -> memref<512xf32, #tpu.memory_space<hbm>>
        tpu.enqueue_dma source(%dma_start3A_344 : memref<512xf32, #tpu.memory_space<hbm>>) target(%dma_start3A_343 : memref<512xf32, #tpu.memory_space<vmem>>) target_semaphore(%run_scoped3A : memref<!tpu.dma_semaphore, #tpu.memory_space<semaphore_mem>>)
        %dma_wait3A = arith.constant 6656 : i32
        %dma_wait3A_345 = tpu.memref_slice %arg5[%dma_wait3A] : memref<32768xf32, #tpu.memory_space<vmem>> -> memref<512xf32, #tpu.memory_space<vmem>>
        %dma_wait3A_346 = tpu.memref_slice %arg2[%add3A_32] : memref<524288xf32, #tpu.memory_space<hbm>> -> memref<512xf32, #tpu.memory_space<hbm>>
        %dma_wait3A_347 = arith.constant 6656 : i32
        %dma_wait3A_348 = tpu.memref_slice %arg5[%dma_wait3A_347] : memref<32768xf32, #tpu.memory_space<vmem>> -> memref<512xf32, #tpu.memory_space<vmem>>
        %dma_wait3A_349 = tpu.memref_slice %arg2[%add3A_32] : memref<524288xf32, #tpu.memory_space<hbm>> -> memref<512xf32, #tpu.memory_space<hbm>>
        tpu.wait_dma2 semaphore(%run_scoped3A : memref<!tpu.dma_semaphore, #tpu.memory_space<semaphore_mem>>) src(%dma_wait3A_349 : memref<512xf32, #tpu.memory_space<hbm>>) dst(%dma_wait3A_348 : memref<512xf32, #tpu.memory_space<vmem>>)
        tpu.yield
      }) : () -> ()
      %add3A_33 = arith.constant 114688 : i32
      %add3A_34 = arith.addi %add3A_33, %mul3A_5 : i32
      "tpu.region"() ({
        %run_scoped3A = tpu.sem_alloc : memref<!tpu.dma_semaphore, #tpu.memory_space<semaphore_mem>>
        %dma_start3A = arith.constant 7168 : i32
        %dma_start3A_340 = tpu.memref_slice %arg5[%dma_start3A] : memref<32768xf32, #tpu.memory_space<vmem>> -> memref<512xf32, #tpu.memory_space<vmem>>
        %dma_start3A_341 = tpu.memref_slice %arg2[%add3A_34] : memref<524288xf32, #tpu.memory_space<hbm>> -> memref<512xf32, #tpu.memory_space<hbm>>
        %dma_start3A_342 = arith.constant 7168 : i32
        %dma_start3A_343 = tpu.memref_slice %arg5[%dma_start3A_342] : memref<32768xf32, #tpu.memory_space<vmem>> -> memref<512xf32, #tpu.memory_space<vmem>>
        %dma_start3A_344 = tpu.memref_slice %arg2[%add3A_34] : memref<524288xf32, #tpu.memory_space<hbm>> -> memref<512xf32, #tpu.memory_space<hbm>>
        tpu.enqueue_dma source(%dma_start3A_344 : memref<512xf32, #tpu.memory_space<hbm>>) target(%dma_start3A_343 : memref<512xf32, #tpu.memory_space<vmem>>) target_semaphore(%run_scoped3A : memref<!tpu.dma_semaphore, #tpu.memory_space<semaphore_mem>>)
        %dma_wait3A = arith.constant 7168 : i32
        %dma_wait3A_345 = tpu.memref_slice %arg5[%dma_wait3A] : memref<32768xf32, #tpu.memory_space<vmem>> -> memref<512xf32, #tpu.memory_space<vmem>>
        %dma_wait3A_346 = tpu.memref_slice %arg2[%add3A_34] : memref<524288xf32, #tpu.memory_space<hbm>> -> memref<512xf32, #tpu.memory_space<hbm>>
        %dma_wait3A_347 = arith.constant 7168 : i32
        %dma_wait3A_348 = tpu.memref_slice %arg5[%dma_wait3A_347] : memref<32768xf32, #tpu.memory_space<vmem>> -> memref<512xf32, #tpu.memory_space<vmem>>
        %dma_wait3A_349 = tpu.memref_slice %arg2[%add3A_34] : memref<524288xf32, #tpu.memory_space<hbm>> -> memref<512xf32, #tpu.memory_space<hbm>>
        tpu.wait_dma2 semaphore(%run_scoped3A : memref<!tpu.dma_semaphore, #tpu.memory_space<semaphore_mem>>) src(%dma_wait3A_349 : memref<512xf32, #tpu.memory_space<hbm>>) dst(%dma_wait3A_348 : memref<512xf32, #tpu.memory_space<vmem>>)
        tpu.yield
      }) : () -> ()
      %add3A_35 = arith.constant 122880 : i32
      %add3A_36 = arith.addi %add3A_35, %mul3A_5 : i32
      "tpu.region"() ({
        %run_scoped3A = tpu.sem_alloc : memref<!tpu.dma_semaphore, #tpu.memory_space<semaphore_mem>>
        %dma_start3A = arith.constant 7680 : i32
        %dma_start3A_340 = tpu.memref_slice %arg5[%dma_start3A] : memref<32768xf32, #tpu.memory_space<vmem>> -> memref<512xf32, #tpu.memory_space<vmem>>
        %dma_start3A_341 = tpu.memref_slice %arg2[%add3A_36] : memref<524288xf32, #tpu.memory_space<hbm>> -> memref<512xf32, #tpu.memory_space<hbm>>
        %dma_start3A_342 = arith.constant 7680 : i32
        %dma_start3A_343 = tpu.memref_slice %arg5[%dma_start3A_342] : memref<32768xf32, #tpu.memory_space<vmem>> -> memref<512xf32, #tpu.memory_space<vmem>>
        %dma_start3A_344 = tpu.memref_slice %arg2[%add3A_36] : memref<524288xf32, #tpu.memory_space<hbm>> -> memref<512xf32, #tpu.memory_space<hbm>>
        tpu.enqueue_dma source(%dma_start3A_344 : memref<512xf32, #tpu.memory_space<hbm>>) target(%dma_start3A_343 : memref<512xf32, #tpu.memory_space<vmem>>) target_semaphore(%run_scoped3A : memref<!tpu.dma_semaphore, #tpu.memory_space<semaphore_mem>>)
        %dma_wait3A = arith.constant 7680 : i32
        %dma_wait3A_345 = tpu.memref_slice %arg5[%dma_wait3A] : memref<32768xf32, #tpu.memory_space<vmem>> -> memref<512xf32, #tpu.memory_space<vmem>>
        %dma_wait3A_346 = tpu.memref_slice %arg2[%add3A_36] : memref<524288xf32, #tpu.memory_space<hbm>> -> memref<512xf32, #tpu.memory_space<hbm>>
        %dma_wait3A_347 = arith.constant 7680 : i32
        %dma_wait3A_348 = tpu.memref_slice %arg5[%dma_wait3A_347] : memref<32768xf32, #tpu.memory_space<vmem>> -> memref<512xf32, #tpu.memory_space<vmem>>
        %dma_wait3A_349 = tpu.memref_slice %arg2[%add3A_36] : memref<524288xf32, #tpu.memory_space<hbm>> -> memref<512xf32, #tpu.memory_space<hbm>>
        tpu.wait_dma2 semaphore(%run_scoped3A : memref<!tpu.dma_semaphore, #tpu.memory_space<semaphore_mem>>) src(%dma_wait3A_349 : memref<512xf32, #tpu.memory_space<hbm>>) dst(%dma_wait3A_348 : memref<512xf32, #tpu.memory_space<vmem>>)
        tpu.yield
      }) : () -> ()
      %add3A_37 = arith.constant 131072 : i32
      %add3A_38 = arith.addi %add3A_37, %mul3A_5 : i32
      "tpu.region"() ({
        %run_scoped3A = tpu.sem_alloc : memref<!tpu.dma_semaphore, #tpu.memory_space<semaphore_mem>>
        %dma_start3A = arith.constant 8192 : i32
        %dma_start3A_340 = tpu.memref_slice %arg5[%dma_start3A] : memref<32768xf32, #tpu.memory_space<vmem>> -> memref<512xf32, #tpu.memory_space<vmem>>
        %dma_start3A_341 = tpu.memref_slice %arg2[%add3A_38] : memref<524288xf32, #tpu.memory_space<hbm>> -> memref<512xf32, #tpu.memory_space<hbm>>
        %dma_start3A_342 = arith.constant 8192 : i32
        %dma_start3A_343 = tpu.memref_slice %arg5[%dma_start3A_342] : memref<32768xf32, #tpu.memory_space<vmem>> -> memref<512xf32, #tpu.memory_space<vmem>>
        %dma_start3A_344 = tpu.memref_slice %arg2[%add3A_38] : memref<524288xf32, #tpu.memory_space<hbm>> -> memref<512xf32, #tpu.memory_space<hbm>>
        tpu.enqueue_dma source(%dma_start3A_344 : memref<512xf32, #tpu.memory_space<hbm>>) target(%dma_start3A_343 : memref<512xf32, #tpu.memory_space<vmem>>) target_semaphore(%run_scoped3A : memref<!tpu.dma_semaphore, #tpu.memory_space<semaphore_mem>>)
        %dma_wait3A = arith.constant 8192 : i32
        %dma_wait3A_345 = tpu.memref_slice %arg5[%dma_wait3A] : memref<32768xf32, #tpu.memory_space<vmem>> -> memref<512xf32, #tpu.memory_space<vmem>>
        %dma_wait3A_346 = tpu.memref_slice %arg2[%add3A_38] : memref<524288xf32, #tpu.memory_space<hbm>> -> memref<512xf32, #tpu.memory_space<hbm>>
        %dma_wait3A_347 = arith.constant 8192 : i32
        %dma_wait3A_348 = tpu.memref_slice %arg5[%dma_wait3A_347] : memref<32768xf32, #tpu.memory_space<vmem>> -> memref<512xf32, #tpu.memory_space<vmem>>
        %dma_wait3A_349 = tpu.memref_slice %arg2[%add3A_38] : memref<524288xf32, #tpu.memory_space<hbm>> -> memref<512xf32, #tpu.memory_space<hbm>>
        tpu.wait_dma2 semaphore(%run_scoped3A : memref<!tpu.dma_semaphore, #tpu.memory_space<semaphore_mem>>) src(%dma_wait3A_349 : memref<512xf32, #tpu.memory_space<hbm>>) dst(%dma_wait3A_348 : memref<512xf32, #tpu.memory_space<vmem>>)
        tpu.yield
      }) : () -> ()
      %add3A_39 = arith.constant 139264 : i32
      %add3A_40 = arith.addi %add3A_39, %mul3A_5 : i32
      "tpu.region"() ({
        %run_scoped3A = tpu.sem_alloc : memref<!tpu.dma_semaphore, #tpu.memory_space<semaphore_mem>>
        %dma_start3A = arith.constant 8704 : i32
        %dma_start3A_340 = tpu.memref_slice %arg5[%dma_start3A] : memref<32768xf32, #tpu.memory_space<vmem>> -> memref<512xf32, #tpu.memory_space<vmem>>
        %dma_start3A_341 = tpu.memref_slice %arg2[%add3A_40] : memref<524288xf32, #tpu.memory_space<hbm>> -> memref<512xf32, #tpu.memory_space<hbm>>
        %dma_start3A_342 = arith.constant 8704 : i32
        %dma_start3A_343 = tpu.memref_slice %arg5[%dma_start3A_342] : memref<32768xf32, #tpu.memory_space<vmem>> -> memref<512xf32, #tpu.memory_space<vmem>>
        %dma_start3A_344 = tpu.memref_slice %arg2[%add3A_40] : memref<524288xf32, #tpu.memory_space<hbm>> -> memref<512xf32, #tpu.memory_space<hbm>>
        tpu.enqueue_dma source(%dma_start3A_344 : memref<512xf32, #tpu.memory_space<hbm>>) target(%dma_start3A_343 : memref<512xf32, #tpu.memory_space<vmem>>) target_semaphore(%run_scoped3A : memref<!tpu.dma_semaphore, #tpu.memory_space<semaphore_mem>>)
        %dma_wait3A = arith.constant 8704 : i32
        %dma_wait3A_345 = tpu.memref_slice %arg5[%dma_wait3A] : memref<32768xf32, #tpu.memory_space<vmem>> -> memref<512xf32, #tpu.memory_space<vmem>>
        %dma_wait3A_346 = tpu.memref_slice %arg2[%add3A_40] : memref<524288xf32, #tpu.memory_space<hbm>> -> memref<512xf32, #tpu.memory_space<hbm>>
        %dma_wait3A_347 = arith.constant 8704 : i32
        %dma_wait3A_348 = tpu.memref_slice %arg5[%dma_wait3A_347] : memref<32768xf32, #tpu.memory_space<vmem>> -> memref<512xf32, #tpu.memory_space<vmem>>
        %dma_wait3A_349 = tpu.memref_slice %arg2[%add3A_40] : memref<524288xf32, #tpu.memory_space<hbm>> -> memref<512xf32, #tpu.memory_space<hbm>>
        tpu.wait_dma2 semaphore(%run_scoped3A : memref<!tpu.dma_semaphore, #tpu.memory_space<semaphore_mem>>) src(%dma_wait3A_349 : memref<512xf32, #tpu.memory_space<hbm>>) dst(%dma_wait3A_348 : memref<512xf32, #tpu.memory_space<vmem>>)
        tpu.yield
      }) : () -> ()
      %add3A_41 = arith.constant 147456 : i32
      %add3A_42 = arith.addi %add3A_41, %mul3A_5 : i32
      "tpu.region"() ({
        %run_scoped3A = tpu.sem_alloc : memref<!tpu.dma_semaphore, #tpu.memory_space<semaphore_mem>>
        %dma_start3A = arith.constant 9216 : i32
        %dma_start3A_340 = tpu.memref_slice %arg5[%dma_start3A] : memref<32768xf32, #tpu.memory_space<vmem>> -> memref<512xf32, #tpu.memory_space<vmem>>
        %dma_start3A_341 = tpu.memref_slice %arg2[%add3A_42] : memref<524288xf32, #tpu.memory_space<hbm>> -> memref<512xf32, #tpu.memory_space<hbm>>
        %dma_start3A_342 = arith.constant 9216 : i32
        %dma_start3A_343 = tpu.memref_slice %arg5[%dma_start3A_342] : memref<32768xf32, #tpu.memory_space<vmem>> -> memref<512xf32, #tpu.memory_space<vmem>>
        %dma_start3A_344 = tpu.memref_slice %arg2[%add3A_42] : memref<524288xf32, #tpu.memory_space<hbm>> -> memref<512xf32, #tpu.memory_space<hbm>>
        tpu.enqueue_dma source(%dma_start3A_344 : memref<512xf32, #tpu.memory_space<hbm>>) target(%dma_start3A_343 : memref<512xf32, #tpu.memory_space<vmem>>) target_semaphore(%run_scoped3A : memref<!tpu.dma_semaphore, #tpu.memory_space<semaphore_mem>>)
        %dma_wait3A = arith.constant 9216 : i32
        %dma_wait3A_345 = tpu.memref_slice %arg5[%dma_wait3A] : memref<32768xf32, #tpu.memory_space<vmem>> -> memref<512xf32, #tpu.memory_space<vmem>>
        %dma_wait3A_346 = tpu.memref_slice %arg2[%add3A_42] : memref<524288xf32, #tpu.memory_space<hbm>> -> memref<512xf32, #tpu.memory_space<hbm>>
        %dma_wait3A_347 = arith.constant 9216 : i32
        %dma_wait3A_348 = tpu.memref_slice %arg5[%dma_wait3A_347] : memref<32768xf32, #tpu.memory_space<vmem>> -> memref<512xf32, #tpu.memory_space<vmem>>
        %dma_wait3A_349 = tpu.memref_slice %arg2[%add3A_42] : memref<524288xf32, #tpu.memory_space<hbm>> -> memref<512xf32, #tpu.memory_space<hbm>>
        tpu.wait_dma2 semaphore(%run_scoped3A : memref<!tpu.dma_semaphore, #tpu.memory_space<semaphore_mem>>) src(%dma_wait3A_349 : memref<512xf32, #tpu.memory_space<hbm>>) dst(%dma_wait3A_348 : memref<512xf32, #tpu.memory_space<vmem>>)
        tpu.yield
      }) : () -> ()
      %add3A_43 = arith.constant 155648 : i32
      %add3A_44 = arith.addi %add3A_43, %mul3A_5 : i32
      "tpu.region"() ({
        %run_scoped3A = tpu.sem_alloc : memref<!tpu.dma_semaphore, #tpu.memory_space<semaphore_mem>>
        %dma_start3A = arith.constant 9728 : i32
        %dma_start3A_340 = tpu.memref_slice %arg5[%dma_start3A] : memref<32768xf32, #tpu.memory_space<vmem>> -> memref<512xf32, #tpu.memory_space<vmem>>
        %dma_start3A_341 = tpu.memref_slice %arg2[%add3A_44] : memref<524288xf32, #tpu.memory_space<hbm>> -> memref<512xf32, #tpu.memory_space<hbm>>
        %dma_start3A_342 = arith.constant 9728 : i32
        %dma_start3A_343 = tpu.memref_slice %arg5[%dma_start3A_342] : memref<32768xf32, #tpu.memory_space<vmem>> -> memref<512xf32, #tpu.memory_space<vmem>>
        %dma_start3A_344 = tpu.memref_slice %arg2[%add3A_44] : memref<524288xf32, #tpu.memory_space<hbm>> -> memref<512xf32, #tpu.memory_space<hbm>>
        tpu.enqueue_dma source(%dma_start3A_344 : memref<512xf32, #tpu.memory_space<hbm>>) target(%dma_start3A_343 : memref<512xf32, #tpu.memory_space<vmem>>) target_semaphore(%run_scoped3A : memref<!tpu.dma_semaphore, #tpu.memory_space<semaphore_mem>>)
        %dma_wait3A = arith.constant 9728 : i32
        %dma_wait3A_345 = tpu.memref_slice %arg5[%dma_wait3A] : memref<32768xf32, #tpu.memory_space<vmem>> -> memref<512xf32, #tpu.memory_space<vmem>>
        %dma_wait3A_346 = tpu.memref_slice %arg2[%add3A_44] : memref<524288xf32, #tpu.memory_space<hbm>> -> memref<512xf32, #tpu.memory_space<hbm>>
        %dma_wait3A_347 = arith.constant 9728 : i32
        %dma_wait3A_348 = tpu.memref_slice %arg5[%dma_wait3A_347] : memref<32768xf32, #tpu.memory_space<vmem>> -> memref<512xf32, #tpu.memory_space<vmem>>
        %dma_wait3A_349 = tpu.memref_slice %arg2[%add3A_44] : memref<524288xf32, #tpu.memory_space<hbm>> -> memref<512xf32, #tpu.memory_space<hbm>>
        tpu.wait_dma2 semaphore(%run_scoped3A : memref<!tpu.dma_semaphore, #tpu.memory_space<semaphore_mem>>) src(%dma_wait3A_349 : memref<512xf32, #tpu.memory_space<hbm>>) dst(%dma_wait3A_348 : memref<512xf32, #tpu.memory_space<vmem>>)
        tpu.yield
      }) : () -> ()
      %add3A_45 = arith.constant 163840 : i32
      %add3A_46 = arith.addi %add3A_45, %mul3A_5 : i32
      "tpu.region"() ({
        %run_scoped3A = tpu.sem_alloc : memref<!tpu.dma_semaphore, #tpu.memory_space<semaphore_mem>>
        %dma_start3A = arith.constant 10240 : i32
        %dma_start3A_340 = tpu.memref_slice %arg5[%dma_start3A] : memref<32768xf32, #tpu.memory_space<vmem>> -> memref<512xf32, #tpu.memory_space<vmem>>
        %dma_start3A_341 = tpu.memref_slice %arg2[%add3A_46] : memref<524288xf32, #tpu.memory_space<hbm>> -> memref<512xf32, #tpu.memory_space<hbm>>
        %dma_start3A_342 = arith.constant 10240 : i32
        %dma_start3A_343 = tpu.memref_slice %arg5[%dma_start3A_342] : memref<32768xf32, #tpu.memory_space<vmem>> -> memref<512xf32, #tpu.memory_space<vmem>>
        %dma_start3A_344 = tpu.memref_slice %arg2[%add3A_46] : memref<524288xf32, #tpu.memory_space<hbm>> -> memref<512xf32, #tpu.memory_space<hbm>>
        tpu.enqueue_dma source(%dma_start3A_344 : memref<512xf32, #tpu.memory_space<hbm>>) target(%dma_start3A_343 : memref<512xf32, #tpu.memory_space<vmem>>) target_semaphore(%run_scoped3A : memref<!tpu.dma_semaphore, #tpu.memory_space<semaphore_mem>>)
        %dma_wait3A = arith.constant 10240 : i32
        %dma_wait3A_345 = tpu.memref_slice %arg5[%dma_wait3A] : memref<32768xf32, #tpu.memory_space<vmem>> -> memref<512xf32, #tpu.memory_space<vmem>>
        %dma_wait3A_346 = tpu.memref_slice %arg2[%add3A_46] : memref<524288xf32, #tpu.memory_space<hbm>> -> memref<512xf32, #tpu.memory_space<hbm>>
        %dma_wait3A_347 = arith.constant 10240 : i32
        %dma_wait3A_348 = tpu.memref_slice %arg5[%dma_wait3A_347] : memref<32768xf32, #tpu.memory_space<vmem>> -> memref<512xf32, #tpu.memory_space<vmem>>
        %dma_wait3A_349 = tpu.memref_slice %arg2[%add3A_46] : memref<524288xf32, #tpu.memory_space<hbm>> -> memref<512xf32, #tpu.memory_space<hbm>>
        tpu.wait_dma2 semaphore(%run_scoped3A : memref<!tpu.dma_semaphore, #tpu.memory_space<semaphore_mem>>) src(%dma_wait3A_349 : memref<512xf32, #tpu.memory_space<hbm>>) dst(%dma_wait3A_348 : memref<512xf32, #tpu.memory_space<vmem>>)
        tpu.yield
      }) : () -> ()
      %add3A_47 = arith.constant 172032 : i32
      %add3A_48 = arith.addi %add3A_47, %mul3A_5 : i32
      "tpu.region"() ({
        %run_scoped3A = tpu.sem_alloc : memref<!tpu.dma_semaphore, #tpu.memory_space<semaphore_mem>>
        %dma_start3A = arith.constant 10752 : i32
        %dma_start3A_340 = tpu.memref_slice %arg5[%dma_start3A] : memref<32768xf32, #tpu.memory_space<vmem>> -> memref<512xf32, #tpu.memory_space<vmem>>
        %dma_start3A_341 = tpu.memref_slice %arg2[%add3A_48] : memref<524288xf32, #tpu.memory_space<hbm>> -> memref<512xf32, #tpu.memory_space<hbm>>
        %dma_start3A_342 = arith.constant 10752 : i32
        %dma_start3A_343 = tpu.memref_slice %arg5[%dma_start3A_342] : memref<32768xf32, #tpu.memory_space<vmem>> -> memref<512xf32, #tpu.memory_space<vmem>>
        %dma_start3A_344 = tpu.memref_slice %arg2[%add3A_48] : memref<524288xf32, #tpu.memory_space<hbm>> -> memref<512xf32, #tpu.memory_space<hbm>>
        tpu.enqueue_dma source(%dma_start3A_344 : memref<512xf32, #tpu.memory_space<hbm>>) target(%dma_start3A_343 : memref<512xf32, #tpu.memory_space<vmem>>) target_semaphore(%run_scoped3A : memref<!tpu.dma_semaphore, #tpu.memory_space<semaphore_mem>>)
        %dma_wait3A = arith.constant 10752 : i32
        %dma_wait3A_345 = tpu.memref_slice %arg5[%dma_wait3A] : memref<32768xf32, #tpu.memory_space<vmem>> -> memref<512xf32, #tpu.memory_space<vmem>>
        %dma_wait3A_346 = tpu.memref_slice %arg2[%add3A_48] : memref<524288xf32, #tpu.memory_space<hbm>> -> memref<512xf32, #tpu.memory_space<hbm>>
        %dma_wait3A_347 = arith.constant 10752 : i32
        %dma_wait3A_348 = tpu.memref_slice %arg5[%dma_wait3A_347] : memref<32768xf32, #tpu.memory_space<vmem>> -> memref<512xf32, #tpu.memory_space<vmem>>
        %dma_wait3A_349 = tpu.memref_slice %arg2[%add3A_48] : memref<524288xf32, #tpu.memory_space<hbm>> -> memref<512xf32, #tpu.memory_space<hbm>>
        tpu.wait_dma2 semaphore(%run_scoped3A : memref<!tpu.dma_semaphore, #tpu.memory_space<semaphore_mem>>) src(%dma_wait3A_349 : memref<512xf32, #tpu.memory_space<hbm>>) dst(%dma_wait3A_348 : memref<512xf32, #tpu.memory_space<vmem>>)
        tpu.yield
      }) : () -> ()
      %add3A_49 = arith.constant 180224 : i32
      %add3A_50 = arith.addi %add3A_49, %mul3A_5 : i32
      "tpu.region"() ({
        %run_scoped3A = tpu.sem_alloc : memref<!tpu.dma_semaphore, #tpu.memory_space<semaphore_mem>>
        %dma_start3A = arith.constant 11264 : i32
        %dma_start3A_340 = tpu.memref_slice %arg5[%dma_start3A] : memref<32768xf32, #tpu.memory_space<vmem>> -> memref<512xf32, #tpu.memory_space<vmem>>
        %dma_start3A_341 = tpu.memref_slice %arg2[%add3A_50] : memref<524288xf32, #tpu.memory_space<hbm>> -> memref<512xf32, #tpu.memory_space<hbm>>
        %dma_start3A_342 = arith.constant 11264 : i32
        %dma_start3A_343 = tpu.memref_slice %arg5[%dma_start3A_342] : memref<32768xf32, #tpu.memory_space<vmem>> -> memref<512xf32, #tpu.memory_space<vmem>>
        %dma_start3A_344 = tpu.memref_slice %arg2[%add3A_50] : memref<524288xf32, #tpu.memory_space<hbm>> -> memref<512xf32, #tpu.memory_space<hbm>>
        tpu.enqueue_dma source(%dma_start3A_344 : memref<512xf32, #tpu.memory_space<hbm>>) target(%dma_start3A_343 : memref<512xf32, #tpu.memory_space<vmem>>) target_semaphore(%run_scoped3A : memref<!tpu.dma_semaphore, #tpu.memory_space<semaphore_mem>>)
        %dma_wait3A = arith.constant 11264 : i32
        %dma_wait3A_345 = tpu.memref_slice %arg5[%dma_wait3A] : memref<32768xf32, #tpu.memory_space<vmem>> -> memref<512xf32, #tpu.memory_space<vmem>>
        %dma_wait3A_346 = tpu.memref_slice %arg2[%add3A_50] : memref<524288xf32, #tpu.memory_space<hbm>> -> memref<512xf32, #tpu.memory_space<hbm>>
        %dma_wait3A_347 = arith.constant 11264 : i32
        %dma_wait3A_348 = tpu.memref_slice %arg5[%dma_wait3A_347] : memref<32768xf32, #tpu.memory_space<vmem>> -> memref<512xf32, #tpu.memory_space<vmem>>
        %dma_wait3A_349 = tpu.memref_slice %arg2[%add3A_50] : memref<524288xf32, #tpu.memory_space<hbm>> -> memref<512xf32, #tpu.memory_space<hbm>>
        tpu.wait_dma2 semaphore(%run_scoped3A : memref<!tpu.dma_semaphore, #tpu.memory_space<semaphore_mem>>) src(%dma_wait3A_349 : memref<512xf32, #tpu.memory_space<hbm>>) dst(%dma_wait3A_348 : memref<512xf32, #tpu.memory_space<vmem>>)
        tpu.yield
      }) : () -> ()
      %add3A_51 = arith.constant 188416 : i32
      %add3A_52 = arith.addi %add3A_51, %mul3A_5 : i32
      "tpu.region"() ({
        %run_scoped3A = tpu.sem_alloc : memref<!tpu.dma_semaphore, #tpu.memory_space<semaphore_mem>>
        %dma_start3A = arith.constant 11776 : i32
        %dma_start3A_340 = tpu.memref_slice %arg5[%dma_start3A] : memref<32768xf32, #tpu.memory_space<vmem>> -> memref<512xf32, #tpu.memory_space<vmem>>
        %dma_start3A_341 = tpu.memref_slice %arg2[%add3A_52] : memref<524288xf32, #tpu.memory_space<hbm>> -> memref<512xf32, #tpu.memory_space<hbm>>
        %dma_start3A_342 = arith.constant 11776 : i32
        %dma_start3A_343 = tpu.memref_slice %arg5[%dma_start3A_342] : memref<32768xf32, #tpu.memory_space<vmem>> -> memref<512xf32, #tpu.memory_space<vmem>>
        %dma_start3A_344 = tpu.memref_slice %arg2[%add3A_52] : memref<524288xf32, #tpu.memory_space<hbm>> -> memref<512xf32, #tpu.memory_space<hbm>>
        tpu.enqueue_dma source(%dma_start3A_344 : memref<512xf32, #tpu.memory_space<hbm>>) target(%dma_start3A_343 : memref<512xf32, #tpu.memory_space<vmem>>) target_semaphore(%run_scoped3A : memref<!tpu.dma_semaphore, #tpu.memory_space<semaphore_mem>>)
        %dma_wait3A = arith.constant 11776 : i32
        %dma_wait3A_345 = tpu.memref_slice %arg5[%dma_wait3A] : memref<32768xf32, #tpu.memory_space<vmem>> -> memref<512xf32, #tpu.memory_space<vmem>>
        %dma_wait3A_346 = tpu.memref_slice %arg2[%add3A_52] : memref<524288xf32, #tpu.memory_space<hbm>> -> memref<512xf32, #tpu.memory_space<hbm>>
        %dma_wait3A_347 = arith.constant 11776 : i32
        %dma_wait3A_348 = tpu.memref_slice %arg5[%dma_wait3A_347] : memref<32768xf32, #tpu.memory_space<vmem>> -> memref<512xf32, #tpu.memory_space<vmem>>
        %dma_wait3A_349 = tpu.memref_slice %arg2[%add3A_52] : memref<524288xf32, #tpu.memory_space<hbm>> -> memref<512xf32, #tpu.memory_space<hbm>>
        tpu.wait_dma2 semaphore(%run_scoped3A : memref<!tpu.dma_semaphore, #tpu.memory_space<semaphore_mem>>) src(%dma_wait3A_349 : memref<512xf32, #tpu.memory_space<hbm>>) dst(%dma_wait3A_348 : memref<512xf32, #tpu.memory_space<vmem>>)
        tpu.yield
      }) : () -> ()
      %add3A_53 = arith.constant 196608 : i32
      %add3A_54 = arith.addi %add3A_53, %mul3A_5 : i32
      "tpu.region"() ({
        %run_scoped3A = tpu.sem_alloc : memref<!tpu.dma_semaphore, #tpu.memory_space<semaphore_mem>>
        %dma_start3A = arith.constant 12288 : i32
        %dma_start3A_340 = tpu.memref_slice %arg5[%dma_start3A] : memref<32768xf32, #tpu.memory_space<vmem>> -> memref<512xf32, #tpu.memory_space<vmem>>
        %dma_start3A_341 = tpu.memref_slice %arg2[%add3A_54] : memref<524288xf32, #tpu.memory_space<hbm>> -> memref<512xf32, #tpu.memory_space<hbm>>
        %dma_start3A_342 = arith.constant 12288 : i32
        %dma_start3A_343 = tpu.memref_slice %arg5[%dma_start3A_342] : memref<32768xf32, #tpu.memory_space<vmem>> -> memref<512xf32, #tpu.memory_space<vmem>>
        %dma_start3A_344 = tpu.memref_slice %arg2[%add3A_54] : memref<524288xf32, #tpu.memory_space<hbm>> -> memref<512xf32, #tpu.memory_space<hbm>>
        tpu.enqueue_dma source(%dma_start3A_344 : memref<512xf32, #tpu.memory_space<hbm>>) target(%dma_start3A_343 : memref<512xf32, #tpu.memory_space<vmem>>) target_semaphore(%run_scoped3A : memref<!tpu.dma_semaphore, #tpu.memory_space<semaphore_mem>>)
        %dma_wait3A = arith.constant 12288 : i32
        %dma_wait3A_345 = tpu.memref_slice %arg5[%dma_wait3A] : memref<32768xf32, #tpu.memory_space<vmem>> -> memref<512xf32, #tpu.memory_space<vmem>>
        %dma_wait3A_346 = tpu.memref_slice %arg2[%add3A_54] : memref<524288xf32, #tpu.memory_space<hbm>> -> memref<512xf32, #tpu.memory_space<hbm>>
        %dma_wait3A_347 = arith.constant 12288 : i32
        %dma_wait3A_348 = tpu.memref_slice %arg5[%dma_wait3A_347] : memref<32768xf32, #tpu.memory_space<vmem>> -> memref<512xf32, #tpu.memory_space<vmem>>
        %dma_wait3A_349 = tpu.memref_slice %arg2[%add3A_54] : memref<524288xf32, #tpu.memory_space<hbm>> -> memref<512xf32, #tpu.memory_space<hbm>>
        tpu.wait_dma2 semaphore(%run_scoped3A : memref<!tpu.dma_semaphore, #tpu.memory_space<semaphore_mem>>) src(%dma_wait3A_349 : memref<512xf32, #tpu.memory_space<hbm>>) dst(%dma_wait3A_348 : memref<512xf32, #tpu.memory_space<vmem>>)
        tpu.yield
      }) : () -> ()
      %add3A_55 = arith.constant 204800 : i32
      %add3A_56 = arith.addi %add3A_55, %mul3A_5 : i32
      "tpu.region"() ({
        %run_scoped3A = tpu.sem_alloc : memref<!tpu.dma_semaphore, #tpu.memory_space<semaphore_mem>>
        %dma_start3A = arith.constant 12800 : i32
        %dma_start3A_340 = tpu.memref_slice %arg5[%dma_start3A] : memref<32768xf32, #tpu.memory_space<vmem>> -> memref<512xf32, #tpu.memory_space<vmem>>
        %dma_start3A_341 = tpu.memref_slice %arg2[%add3A_56] : memref<524288xf32, #tpu.memory_space<hbm>> -> memref<512xf32, #tpu.memory_space<hbm>>
        %dma_start3A_342 = arith.constant 12800 : i32
        %dma_start3A_343 = tpu.memref_slice %arg5[%dma_start3A_342] : memref<32768xf32, #tpu.memory_space<vmem>> -> memref<512xf32, #tpu.memory_space<vmem>>
        %dma_start3A_344 = tpu.memref_slice %arg2[%add3A_56] : memref<524288xf32, #tpu.memory_space<hbm>> -> memref<512xf32, #tpu.memory_space<hbm>>
        tpu.enqueue_dma source(%dma_start3A_344 : memref<512xf32, #tpu.memory_space<hbm>>) target(%dma_start3A_343 : memref<512xf32, #tpu.memory_space<vmem>>) target_semaphore(%run_scoped3A : memref<!tpu.dma_semaphore, #tpu.memory_space<semaphore_mem>>)
        %dma_wait3A = arith.constant 12800 : i32
        %dma_wait3A_345 = tpu.memref_slice %arg5[%dma_wait3A] : memref<32768xf32, #tpu.memory_space<vmem>> -> memref<512xf32, #tpu.memory_space<vmem>>
        %dma_wait3A_346 = tpu.memref_slice %arg2[%add3A_56] : memref<524288xf32, #tpu.memory_space<hbm>> -> memref<512xf32, #tpu.memory_space<hbm>>
        %dma_wait3A_347 = arith.constant 12800 : i32
        %dma_wait3A_348 = tpu.memref_slice %arg5[%dma_wait3A_347] : memref<32768xf32, #tpu.memory_space<vmem>> -> memref<512xf32, #tpu.memory_space<vmem>>
        %dma_wait3A_349 = tpu.memref_slice %arg2[%add3A_56] : memref<524288xf32, #tpu.memory_space<hbm>> -> memref<512xf32, #tpu.memory_space<hbm>>
        tpu.wait_dma2 semaphore(%run_scoped3A : memref<!tpu.dma_semaphore, #tpu.memory_space<semaphore_mem>>) src(%dma_wait3A_349 : memref<512xf32, #tpu.memory_space<hbm>>) dst(%dma_wait3A_348 : memref<512xf32, #tpu.memory_space<vmem>>)
        tpu.yield
      }) : () -> ()
      %add3A_57 = arith.constant 212992 : i32
      %add3A_58 = arith.addi %add3A_57, %mul3A_5 : i32
      "tpu.region"() ({
        %run_scoped3A = tpu.sem_alloc : memref<!tpu.dma_semaphore, #tpu.memory_space<semaphore_mem>>
        %dma_start3A = arith.constant 13312 : i32
        %dma_start3A_340 = tpu.memref_slice %arg5[%dma_start3A] : memref<32768xf32, #tpu.memory_space<vmem>> -> memref<512xf32, #tpu.memory_space<vmem>>
        %dma_start3A_341 = tpu.memref_slice %arg2[%add3A_58] : memref<524288xf32, #tpu.memory_space<hbm>> -> memref<512xf32, #tpu.memory_space<hbm>>
        %dma_start3A_342 = arith.constant 13312 : i32
        %dma_start3A_343 = tpu.memref_slice %arg5[%dma_start3A_342] : memref<32768xf32, #tpu.memory_space<vmem>> -> memref<512xf32, #tpu.memory_space<vmem>>
        %dma_start3A_344 = tpu.memref_slice %arg2[%add3A_58] : memref<524288xf32, #tpu.memory_space<hbm>> -> memref<512xf32, #tpu.memory_space<hbm>>
        tpu.enqueue_dma source(%dma_start3A_344 : memref<512xf32, #tpu.memory_space<hbm>>) target(%dma_start3A_343 : memref<512xf32, #tpu.memory_space<vmem>>) target_semaphore(%run_scoped3A : memref<!tpu.dma_semaphore, #tpu.memory_space<semaphore_mem>>)
        %dma_wait3A = arith.constant 13312 : i32
        %dma_wait3A_345 = tpu.memref_slice %arg5[%dma_wait3A] : memref<32768xf32, #tpu.memory_space<vmem>> -> memref<512xf32, #tpu.memory_space<vmem>>
        %dma_wait3A_346 = tpu.memref_slice %arg2[%add3A_58] : memref<524288xf32, #tpu.memory_space<hbm>> -> memref<512xf32, #tpu.memory_space<hbm>>
        %dma_wait3A_347 = arith.constant 13312 : i32
        %dma_wait3A_348 = tpu.memref_slice %arg5[%dma_wait3A_347] : memref<32768xf32, #tpu.memory_space<vmem>> -> memref<512xf32, #tpu.memory_space<vmem>>
        %dma_wait3A_349 = tpu.memref_slice %arg2[%add3A_58] : memref<524288xf32, #tpu.memory_space<hbm>> -> memref<512xf32, #tpu.memory_space<hbm>>
        tpu.wait_dma2 semaphore(%run_scoped3A : memref<!tpu.dma_semaphore, #tpu.memory_space<semaphore_mem>>) src(%dma_wait3A_349 : memref<512xf32, #tpu.memory_space<hbm>>) dst(%dma_wait3A_348 : memref<512xf32, #tpu.memory_space<vmem>>)
        tpu.yield
      }) : () -> ()
      %add3A_59 = arith.constant 221184 : i32
      %add3A_60 = arith.addi %add3A_59, %mul3A_5 : i32
      "tpu.region"() ({
        %run_scoped3A = tpu.sem_alloc : memref<!tpu.dma_semaphore, #tpu.memory_space<semaphore_mem>>
        %dma_start3A = arith.constant 13824 : i32
        %dma_start3A_340 = tpu.memref_slice %arg5[%dma_start3A] : memref<32768xf32, #tpu.memory_space<vmem>> -> memref<512xf32, #tpu.memory_space<vmem>>
        %dma_start3A_341 = tpu.memref_slice %arg2[%add3A_60] : memref<524288xf32, #tpu.memory_space<hbm>> -> memref<512xf32, #tpu.memory_space<hbm>>
        %dma_start3A_342 = arith.constant 13824 : i32
        %dma_start3A_343 = tpu.memref_slice %arg5[%dma_start3A_342] : memref<32768xf32, #tpu.memory_space<vmem>> -> memref<512xf32, #tpu.memory_space<vmem>>
        %dma_start3A_344 = tpu.memref_slice %arg2[%add3A_60] : memref<524288xf32, #tpu.memory_space<hbm>> -> memref<512xf32, #tpu.memory_space<hbm>>
        tpu.enqueue_dma source(%dma_start3A_344 : memref<512xf32, #tpu.memory_space<hbm>>) target(%dma_start3A_343 : memref<512xf32, #tpu.memory_space<vmem>>) target_semaphore(%run_scoped3A : memref<!tpu.dma_semaphore, #tpu.memory_space<semaphore_mem>>)
        %dma_wait3A = arith.constant 13824 : i32
        %dma_wait3A_345 = tpu.memref_slice %arg5[%dma_wait3A] : memref<32768xf32, #tpu.memory_space<vmem>> -> memref<512xf32, #tpu.memory_space<vmem>>
        %dma_wait3A_346 = tpu.memref_slice %arg2[%add3A_60] : memref<524288xf32, #tpu.memory_space<hbm>> -> memref<512xf32, #tpu.memory_space<hbm>>
        %dma_wait3A_347 = arith.constant 13824 : i32
        %dma_wait3A_348 = tpu.memref_slice %arg5[%dma_wait3A_347] : memref<32768xf32, #tpu.memory_space<vmem>> -> memref<512xf32, #tpu.memory_space<vmem>>
        %dma_wait3A_349 = tpu.memref_slice %arg2[%add3A_60] : memref<524288xf32, #tpu.memory_space<hbm>> -> memref<512xf32, #tpu.memory_space<hbm>>
        tpu.wait_dma2 semaphore(%run_scoped3A : memref<!tpu.dma_semaphore, #tpu.memory_space<semaphore_mem>>) src(%dma_wait3A_349 : memref<512xf32, #tpu.memory_space<hbm>>) dst(%dma_wait3A_348 : memref<512xf32, #tpu.memory_space<vmem>>)
        tpu.yield
      }) : () -> ()
      %add3A_61 = arith.constant 229376 : i32
      %add3A_62 = arith.addi %add3A_61, %mul3A_5 : i32
      "tpu.region"() ({
        %run_scoped3A = tpu.sem_alloc : memref<!tpu.dma_semaphore, #tpu.memory_space<semaphore_mem>>
        %dma_start3A = arith.constant 14336 : i32
        %dma_start3A_340 = tpu.memref_slice %arg5[%dma_start3A] : memref<32768xf32, #tpu.memory_space<vmem>> -> memref<512xf32, #tpu.memory_space<vmem>>
        %dma_start3A_341 = tpu.memref_slice %arg2[%add3A_62] : memref<524288xf32, #tpu.memory_space<hbm>> -> memref<512xf32, #tpu.memory_space<hbm>>
        %dma_start3A_342 = arith.constant 14336 : i32
        %dma_start3A_343 = tpu.memref_slice %arg5[%dma_start3A_342] : memref<32768xf32, #tpu.memory_space<vmem>> -> memref<512xf32, #tpu.memory_space<vmem>>
        %dma_start3A_344 = tpu.memref_slice %arg2[%add3A_62] : memref<524288xf32, #tpu.memory_space<hbm>> -> memref<512xf32, #tpu.memory_space<hbm>>
        tpu.enqueue_dma source(%dma_start3A_344 : memref<512xf32, #tpu.memory_space<hbm>>) target(%dma_start3A_343 : memref<512xf32, #tpu.memory_space<vmem>>) target_semaphore(%run_scoped3A : memref<!tpu.dma_semaphore, #tpu.memory_space<semaphore_mem>>)
        %dma_wait3A = arith.constant 14336 : i32
        %dma_wait3A_345 = tpu.memref_slice %arg5[%dma_wait3A] : memref<32768xf32, #tpu.memory_space<vmem>> -> memref<512xf32, #tpu.memory_space<vmem>>
        %dma_wait3A_346 = tpu.memref_slice %arg2[%add3A_62] : memref<524288xf32, #tpu.memory_space<hbm>> -> memref<512xf32, #tpu.memory_space<hbm>>
        %dma_wait3A_347 = arith.constant 14336 : i32
        %dma_wait3A_348 = tpu.memref_slice %arg5[%dma_wait3A_347] : memref<32768xf32, #tpu.memory_space<vmem>> -> memref<512xf32, #tpu.memory_space<vmem>>
        %dma_wait3A_349 = tpu.memref_slice %arg2[%add3A_62] : memref<524288xf32, #tpu.memory_space<hbm>> -> memref<512xf32, #tpu.memory_space<hbm>>
        tpu.wait_dma2 semaphore(%run_scoped3A : memref<!tpu.dma_semaphore, #tpu.memory_space<semaphore_mem>>) src(%dma_wait3A_349 : memref<512xf32, #tpu.memory_space<hbm>>) dst(%dma_wait3A_348 : memref<512xf32, #tpu.memory_space<vmem>>)
        tpu.yield
      }) : () -> ()
      %add3A_63 = arith.constant 237568 : i32
      %add3A_64 = arith.addi %add3A_63, %mul3A_5 : i32
      "tpu.region"() ({
        %run_scoped3A = tpu.sem_alloc : memref<!tpu.dma_semaphore, #tpu.memory_space<semaphore_mem>>
        %dma_start3A = arith.constant 14848 : i32
        %dma_start3A_340 = tpu.memref_slice %arg5[%dma_start3A] : memref<32768xf32, #tpu.memory_space<vmem>> -> memref<512xf32, #tpu.memory_space<vmem>>
        %dma_start3A_341 = tpu.memref_slice %arg2[%add3A_64] : memref<524288xf32, #tpu.memory_space<hbm>> -> memref<512xf32, #tpu.memory_space<hbm>>
        %dma_start3A_342 = arith.constant 14848 : i32
        %dma_start3A_343 = tpu.memref_slice %arg5[%dma_start3A_342] : memref<32768xf32, #tpu.memory_space<vmem>> -> memref<512xf32, #tpu.memory_space<vmem>>
        %dma_start3A_344 = tpu.memref_slice %arg2[%add3A_64] : memref<524288xf32, #tpu.memory_space<hbm>> -> memref<512xf32, #tpu.memory_space<hbm>>
        tpu.enqueue_dma source(%dma_start3A_344 : memref<512xf32, #tpu.memory_space<hbm>>) target(%dma_start3A_343 : memref<512xf32, #tpu.memory_space<vmem>>) target_semaphore(%run_scoped3A : memref<!tpu.dma_semaphore, #tpu.memory_space<semaphore_mem>>)
        %dma_wait3A = arith.constant 14848 : i32
        %dma_wait3A_345 = tpu.memref_slice %arg5[%dma_wait3A] : memref<32768xf32, #tpu.memory_space<vmem>> -> memref<512xf32, #tpu.memory_space<vmem>>
        %dma_wait3A_346 = tpu.memref_slice %arg2[%add3A_64] : memref<524288xf32, #tpu.memory_space<hbm>> -> memref<512xf32, #tpu.memory_space<hbm>>
        %dma_wait3A_347 = arith.constant 14848 : i32
        %dma_wait3A_348 = tpu.memref_slice %arg5[%dma_wait3A_347] : memref<32768xf32, #tpu.memory_space<vmem>> -> memref<512xf32, #tpu.memory_space<vmem>>
        %dma_wait3A_349 = tpu.memref_slice %arg2[%add3A_64] : memref<524288xf32, #tpu.memory_space<hbm>> -> memref<512xf32, #tpu.memory_space<hbm>>
        tpu.wait_dma2 semaphore(%run_scoped3A : memref<!tpu.dma_semaphore, #tpu.memory_space<semaphore_mem>>) src(%dma_wait3A_349 : memref<512xf32, #tpu.memory_space<hbm>>) dst(%dma_wait3A_348 : memref<512xf32, #tpu.memory_space<vmem>>)
        tpu.yield
      }) : () -> ()
      %add3A_65 = arith.constant 245760 : i32
      %add3A_66 = arith.addi %add3A_65, %mul3A_5 : i32
      "tpu.region"() ({
        %run_scoped3A = tpu.sem_alloc : memref<!tpu.dma_semaphore, #tpu.memory_space<semaphore_mem>>
        %dma_start3A = arith.constant 15360 : i32
        %dma_start3A_340 = tpu.memref_slice %arg5[%dma_start3A] : memref<32768xf32, #tpu.memory_space<vmem>> -> memref<512xf32, #tpu.memory_space<vmem>>
        %dma_start3A_341 = tpu.memref_slice %arg2[%add3A_66] : memref<524288xf32, #tpu.memory_space<hbm>> -> memref<512xf32, #tpu.memory_space<hbm>>
        %dma_start3A_342 = arith.constant 15360 : i32
        %dma_start3A_343 = tpu.memref_slice %arg5[%dma_start3A_342] : memref<32768xf32, #tpu.memory_space<vmem>> -> memref<512xf32, #tpu.memory_space<vmem>>
        %dma_start3A_344 = tpu.memref_slice %arg2[%add3A_66] : memref<524288xf32, #tpu.memory_space<hbm>> -> memref<512xf32, #tpu.memory_space<hbm>>
        tpu.enqueue_dma source(%dma_start3A_344 : memref<512xf32, #tpu.memory_space<hbm>>) target(%dma_start3A_343 : memref<512xf32, #tpu.memory_space<vmem>>) target_semaphore(%run_scoped3A : memref<!tpu.dma_semaphore, #tpu.memory_space<semaphore_mem>>)
        %dma_wait3A = arith.constant 15360 : i32
        %dma_wait3A_345 = tpu.memref_slice %arg5[%dma_wait3A] : memref<32768xf32, #tpu.memory_space<vmem>> -> memref<512xf32, #tpu.memory_space<vmem>>
        %dma_wait3A_346 = tpu.memref_slice %arg2[%add3A_66] : memref<524288xf32, #tpu.memory_space<hbm>> -> memref<512xf32, #tpu.memory_space<hbm>>
        %dma_wait3A_347 = arith.constant 15360 : i32
        %dma_wait3A_348 = tpu.memref_slice %arg5[%dma_wait3A_347] : memref<32768xf32, #tpu.memory_space<vmem>> -> memref<512xf32, #tpu.memory_space<vmem>>
        %dma_wait3A_349 = tpu.memref_slice %arg2[%add3A_66] : memref<524288xf32, #tpu.memory_space<hbm>> -> memref<512xf32, #tpu.memory_space<hbm>>
        tpu.wait_dma2 semaphore(%run_scoped3A : memref<!tpu.dma_semaphore, #tpu.memory_space<semaphore_mem>>) src(%dma_wait3A_349 : memref<512xf32, #tpu.memory_space<hbm>>) dst(%dma_wait3A_348 : memref<512xf32, #tpu.memory_space<vmem>>)
        tpu.yield
      }) : () -> ()
      %add3A_67 = arith.constant 253952 : i32
      %add3A_68 = arith.addi %add3A_67, %mul3A_5 : i32
      "tpu.region"() ({
        %run_scoped3A = tpu.sem_alloc : memref<!tpu.dma_semaphore, #tpu.memory_space<semaphore_mem>>
        %dma_start3A = arith.constant 15872 : i32
        %dma_start3A_340 = tpu.memref_slice %arg5[%dma_start3A] : memref<32768xf32, #tpu.memory_space<vmem>> -> memref<512xf32, #tpu.memory_space<vmem>>
        %dma_start3A_341 = tpu.memref_slice %arg2[%add3A_68] : memref<524288xf32, #tpu.memory_space<hbm>> -> memref<512xf32, #tpu.memory_space<hbm>>
        %dma_start3A_342 = arith.constant 15872 : i32
        %dma_start3A_343 = tpu.memref_slice %arg5[%dma_start3A_342] : memref<32768xf32, #tpu.memory_space<vmem>> -> memref<512xf32, #tpu.memory_space<vmem>>
        %dma_start3A_344 = tpu.memref_slice %arg2[%add3A_68] : memref<524288xf32, #tpu.memory_space<hbm>> -> memref<512xf32, #tpu.memory_space<hbm>>
        tpu.enqueue_dma source(%dma_start3A_344 : memref<512xf32, #tpu.memory_space<hbm>>) target(%dma_start3A_343 : memref<512xf32, #tpu.memory_space<vmem>>) target_semaphore(%run_scoped3A : memref<!tpu.dma_semaphore, #tpu.memory_space<semaphore_mem>>)
        %dma_wait3A = arith.constant 15872 : i32
        %dma_wait3A_345 = tpu.memref_slice %arg5[%dma_wait3A] : memref<32768xf32, #tpu.memory_space<vmem>> -> memref<512xf32, #tpu.memory_space<vmem>>
        %dma_wait3A_346 = tpu.memref_slice %arg2[%add3A_68] : memref<524288xf32, #tpu.memory_space<hbm>> -> memref<512xf32, #tpu.memory_space<hbm>>
        %dma_wait3A_347 = arith.constant 15872 : i32
        %dma_wait3A_348 = tpu.memref_slice %arg5[%dma_wait3A_347] : memref<32768xf32, #tpu.memory_space<vmem>> -> memref<512xf32, #tpu.memory_space<vmem>>
        %dma_wait3A_349 = tpu.memref_slice %arg2[%add3A_68] : memref<524288xf32, #tpu.memory_space<hbm>> -> memref<512xf32, #tpu.memory_space<hbm>>
        tpu.wait_dma2 semaphore(%run_scoped3A : memref<!tpu.dma_semaphore, #tpu.memory_space<semaphore_mem>>) src(%dma_wait3A_349 : memref<512xf32, #tpu.memory_space<hbm>>) dst(%dma_wait3A_348 : memref<512xf32, #tpu.memory_space<vmem>>)
        tpu.yield
      }) : () -> ()
      %add3A_69 = arith.constant 262144 : i32
      %add3A_70 = arith.addi %add3A_69, %mul3A_5 : i32
      "tpu.region"() ({
        %run_scoped3A = tpu.sem_alloc : memref<!tpu.dma_semaphore, #tpu.memory_space<semaphore_mem>>
        %dma_start3A = arith.constant 16384 : i32
        %dma_start3A_340 = tpu.memref_slice %arg5[%dma_start3A] : memref<32768xf32, #tpu.memory_space<vmem>> -> memref<512xf32, #tpu.memory_space<vmem>>
        %dma_start3A_341 = tpu.memref_slice %arg2[%add3A_70] : memref<524288xf32, #tpu.memory_space<hbm>> -> memref<512xf32, #tpu.memory_space<hbm>>
        %dma_start3A_342 = arith.constant 16384 : i32
        %dma_start3A_343 = tpu.memref_slice %arg5[%dma_start3A_342] : memref<32768xf32, #tpu.memory_space<vmem>> -> memref<512xf32, #tpu.memory_space<vmem>>
        %dma_start3A_344 = tpu.memref_slice %arg2[%add3A_70] : memref<524288xf32, #tpu.memory_space<hbm>> -> memref<512xf32, #tpu.memory_space<hbm>>
        tpu.enqueue_dma source(%dma_start3A_344 : memref<512xf32, #tpu.memory_space<hbm>>) target(%dma_start3A_343 : memref<512xf32, #tpu.memory_space<vmem>>) target_semaphore(%run_scoped3A : memref<!tpu.dma_semaphore, #tpu.memory_space<semaphore_mem>>)
        %dma_wait3A = arith.constant 16384 : i32
        %dma_wait3A_345 = tpu.memref_slice %arg5[%dma_wait3A] : memref<32768xf32, #tpu.memory_space<vmem>> -> memref<512xf32, #tpu.memory_space<vmem>>
        %dma_wait3A_346 = tpu.memref_slice %arg2[%add3A_70] : memref<524288xf32, #tpu.memory_space<hbm>> -> memref<512xf32, #tpu.memory_space<hbm>>
        %dma_wait3A_347 = arith.constant 16384 : i32
        %dma_wait3A_348 = tpu.memref_slice %arg5[%dma_wait3A_347] : memref<32768xf32, #tpu.memory_space<vmem>> -> memref<512xf32, #tpu.memory_space<vmem>>
        %dma_wait3A_349 = tpu.memref_slice %arg2[%add3A_70] : memref<524288xf32, #tpu.memory_space<hbm>> -> memref<512xf32, #tpu.memory_space<hbm>>
        tpu.wait_dma2 semaphore(%run_scoped3A : memref<!tpu.dma_semaphore, #tpu.memory_space<semaphore_mem>>) src(%dma_wait3A_349 : memref<512xf32, #tpu.memory_space<hbm>>) dst(%dma_wait3A_348 : memref<512xf32, #tpu.memory_space<vmem>>)
        tpu.yield
      }) : () -> ()
      %add3A_71 = arith.constant 270336 : i32
      %add3A_72 = arith.addi %add3A_71, %mul3A_5 : i32
      "tpu.region"() ({
        %run_scoped3A = tpu.sem_alloc : memref<!tpu.dma_semaphore, #tpu.memory_space<semaphore_mem>>
        %dma_start3A = arith.constant 16896 : i32
        %dma_start3A_340 = tpu.memref_slice %arg5[%dma_start3A] : memref<32768xf32, #tpu.memory_space<vmem>> -> memref<512xf32, #tpu.memory_space<vmem>>
        %dma_start3A_341 = tpu.memref_slice %arg2[%add3A_72] : memref<524288xf32, #tpu.memory_space<hbm>> -> memref<512xf32, #tpu.memory_space<hbm>>
        %dma_start3A_342 = arith.constant 16896 : i32
        %dma_start3A_343 = tpu.memref_slice %arg5[%dma_start3A_342] : memref<32768xf32, #tpu.memory_space<vmem>> -> memref<512xf32, #tpu.memory_space<vmem>>
        %dma_start3A_344 = tpu.memref_slice %arg2[%add3A_72] : memref<524288xf32, #tpu.memory_space<hbm>> -> memref<512xf32, #tpu.memory_space<hbm>>
        tpu.enqueue_dma source(%dma_start3A_344 : memref<512xf32, #tpu.memory_space<hbm>>) target(%dma_start3A_343 : memref<512xf32, #tpu.memory_space<vmem>>) target_semaphore(%run_scoped3A : memref<!tpu.dma_semaphore, #tpu.memory_space<semaphore_mem>>)
        %dma_wait3A = arith.constant 16896 : i32
        %dma_wait3A_345 = tpu.memref_slice %arg5[%dma_wait3A] : memref<32768xf32, #tpu.memory_space<vmem>> -> memref<512xf32, #tpu.memory_space<vmem>>
        %dma_wait3A_346 = tpu.memref_slice %arg2[%add3A_72] : memref<524288xf32, #tpu.memory_space<hbm>> -> memref<512xf32, #tpu.memory_space<hbm>>
        %dma_wait3A_347 = arith.constant 16896 : i32
        %dma_wait3A_348 = tpu.memref_slice %arg5[%dma_wait3A_347] : memref<32768xf32, #tpu.memory_space<vmem>> -> memref<512xf32, #tpu.memory_space<vmem>>
        %dma_wait3A_349 = tpu.memref_slice %arg2[%add3A_72] : memref<524288xf32, #tpu.memory_space<hbm>> -> memref<512xf32, #tpu.memory_space<hbm>>
        tpu.wait_dma2 semaphore(%run_scoped3A : memref<!tpu.dma_semaphore, #tpu.memory_space<semaphore_mem>>) src(%dma_wait3A_349 : memref<512xf32, #tpu.memory_space<hbm>>) dst(%dma_wait3A_348 : memref<512xf32, #tpu.memory_space<vmem>>)
        tpu.yield
      }) : () -> ()
      %add3A_73 = arith.constant 278528 : i32
      %add3A_74 = arith.addi %add3A_73, %mul3A_5 : i32
      "tpu.region"() ({
        %run_scoped3A = tpu.sem_alloc : memref<!tpu.dma_semaphore, #tpu.memory_space<semaphore_mem>>
        %dma_start3A = arith.constant 17408 : i32
        %dma_start3A_340 = tpu.memref_slice %arg5[%dma_start3A] : memref<32768xf32, #tpu.memory_space<vmem>> -> memref<512xf32, #tpu.memory_space<vmem>>
        %dma_start3A_341 = tpu.memref_slice %arg2[%add3A_74] : memref<524288xf32, #tpu.memory_space<hbm>> -> memref<512xf32, #tpu.memory_space<hbm>>
        %dma_start3A_342 = arith.constant 17408 : i32
        %dma_start3A_343 = tpu.memref_slice %arg5[%dma_start3A_342] : memref<32768xf32, #tpu.memory_space<vmem>> -> memref<512xf32, #tpu.memory_space<vmem>>
        %dma_start3A_344 = tpu.memref_slice %arg2[%add3A_74] : memref<524288xf32, #tpu.memory_space<hbm>> -> memref<512xf32, #tpu.memory_space<hbm>>
        tpu.enqueue_dma source(%dma_start3A_344 : memref<512xf32, #tpu.memory_space<hbm>>) target(%dma_start3A_343 : memref<512xf32, #tpu.memory_space<vmem>>) target_semaphore(%run_scoped3A : memref<!tpu.dma_semaphore, #tpu.memory_space<semaphore_mem>>)
        %dma_wait3A = arith.constant 17408 : i32
        %dma_wait3A_345 = tpu.memref_slice %arg5[%dma_wait3A] : memref<32768xf32, #tpu.memory_space<vmem>> -> memref<512xf32, #tpu.memory_space<vmem>>
        %dma_wait3A_346 = tpu.memref_slice %arg2[%add3A_74] : memref<524288xf32, #tpu.memory_space<hbm>> -> memref<512xf32, #tpu.memory_space<hbm>>
        %dma_wait3A_347 = arith.constant 17408 : i32
        %dma_wait3A_348 = tpu.memref_slice %arg5[%dma_wait3A_347] : memref<32768xf32, #tpu.memory_space<vmem>> -> memref<512xf32, #tpu.memory_space<vmem>>
        %dma_wait3A_349 = tpu.memref_slice %arg2[%add3A_74] : memref<524288xf32, #tpu.memory_space<hbm>> -> memref<512xf32, #tpu.memory_space<hbm>>
        tpu.wait_dma2 semaphore(%run_scoped3A : memref<!tpu.dma_semaphore, #tpu.memory_space<semaphore_mem>>) src(%dma_wait3A_349 : memref<512xf32, #tpu.memory_space<hbm>>) dst(%dma_wait3A_348 : memref<512xf32, #tpu.memory_space<vmem>>)
        tpu.yield
      }) : () -> ()
      %add3A_75 = arith.constant 286720 : i32
      %add3A_76 = arith.addi %add3A_75, %mul3A_5 : i32
      "tpu.region"() ({
        %run_scoped3A = tpu.sem_alloc : memref<!tpu.dma_semaphore, #tpu.memory_space<semaphore_mem>>
        %dma_start3A = arith.constant 17920 : i32
        %dma_start3A_340 = tpu.memref_slice %arg5[%dma_start3A] : memref<32768xf32, #tpu.memory_space<vmem>> -> memref<512xf32, #tpu.memory_space<vmem>>
        %dma_start3A_341 = tpu.memref_slice %arg2[%add3A_76] : memref<524288xf32, #tpu.memory_space<hbm>> -> memref<512xf32, #tpu.memory_space<hbm>>
        %dma_start3A_342 = arith.constant 17920 : i32
        %dma_start3A_343 = tpu.memref_slice %arg5[%dma_start3A_342] : memref<32768xf32, #tpu.memory_space<vmem>> -> memref<512xf32, #tpu.memory_space<vmem>>
        %dma_start3A_344 = tpu.memref_slice %arg2[%add3A_76] : memref<524288xf32, #tpu.memory_space<hbm>> -> memref<512xf32, #tpu.memory_space<hbm>>
        tpu.enqueue_dma source(%dma_start3A_344 : memref<512xf32, #tpu.memory_space<hbm>>) target(%dma_start3A_343 : memref<512xf32, #tpu.memory_space<vmem>>) target_semaphore(%run_scoped3A : memref<!tpu.dma_semaphore, #tpu.memory_space<semaphore_mem>>)
        %dma_wait3A = arith.constant 17920 : i32
        %dma_wait3A_345 = tpu.memref_slice %arg5[%dma_wait3A] : memref<32768xf32, #tpu.memory_space<vmem>> -> memref<512xf32, #tpu.memory_space<vmem>>
        %dma_wait3A_346 = tpu.memref_slice %arg2[%add3A_76] : memref<524288xf32, #tpu.memory_space<hbm>> -> memref<512xf32, #tpu.memory_space<hbm>>
        %dma_wait3A_347 = arith.constant 17920 : i32
        %dma_wait3A_348 = tpu.memref_slice %arg5[%dma_wait3A_347] : memref<32768xf32, #tpu.memory_space<vmem>> -> memref<512xf32, #tpu.memory_space<vmem>>
        %dma_wait3A_349 = tpu.memref_slice %arg2[%add3A_76] : memref<524288xf32, #tpu.memory_space<hbm>> -> memref<512xf32, #tpu.memory_space<hbm>>
        tpu.wait_dma2 semaphore(%run_scoped3A : memref<!tpu.dma_semaphore, #tpu.memory_space<semaphore_mem>>) src(%dma_wait3A_349 : memref<512xf32, #tpu.memory_space<hbm>>) dst(%dma_wait3A_348 : memref<512xf32, #tpu.memory_space<vmem>>)
        tpu.yield
      }) : () -> ()
      %add3A_77 = arith.constant 294912 : i32
      %add3A_78 = arith.addi %add3A_77, %mul3A_5 : i32
      "tpu.region"() ({
        %run_scoped3A = tpu.sem_alloc : memref<!tpu.dma_semaphore, #tpu.memory_space<semaphore_mem>>
        %dma_start3A = arith.constant 18432 : i32
        %dma_start3A_340 = tpu.memref_slice %arg5[%dma_start3A] : memref<32768xf32, #tpu.memory_space<vmem>> -> memref<512xf32, #tpu.memory_space<vmem>>
        %dma_start3A_341 = tpu.memref_slice %arg2[%add3A_78] : memref<524288xf32, #tpu.memory_space<hbm>> -> memref<512xf32, #tpu.memory_space<hbm>>
        %dma_start3A_342 = arith.constant 18432 : i32
        %dma_start3A_343 = tpu.memref_slice %arg5[%dma_start3A_342] : memref<32768xf32, #tpu.memory_space<vmem>> -> memref<512xf32, #tpu.memory_space<vmem>>
        %dma_start3A_344 = tpu.memref_slice %arg2[%add3A_78] : memref<524288xf32, #tpu.memory_space<hbm>> -> memref<512xf32, #tpu.memory_space<hbm>>
        tpu.enqueue_dma source(%dma_start3A_344 : memref<512xf32, #tpu.memory_space<hbm>>) target(%dma_start3A_343 : memref<512xf32, #tpu.memory_space<vmem>>) target_semaphore(%run_scoped3A : memref<!tpu.dma_semaphore, #tpu.memory_space<semaphore_mem>>)
        %dma_wait3A = arith.constant 18432 : i32
        %dma_wait3A_345 = tpu.memref_slice %arg5[%dma_wait3A] : memref<32768xf32, #tpu.memory_space<vmem>> -> memref<512xf32, #tpu.memory_space<vmem>>
        %dma_wait3A_346 = tpu.memref_slice %arg2[%add3A_78] : memref<524288xf32, #tpu.memory_space<hbm>> -> memref<512xf32, #tpu.memory_space<hbm>>
        %dma_wait3A_347 = arith.constant 18432 : i32
        %dma_wait3A_348 = tpu.memref_slice %arg5[%dma_wait3A_347] : memref<32768xf32, #tpu.memory_space<vmem>> -> memref<512xf32, #tpu.memory_space<vmem>>
        %dma_wait3A_349 = tpu.memref_slice %arg2[%add3A_78] : memref<524288xf32, #tpu.memory_space<hbm>> -> memref<512xf32, #tpu.memory_space<hbm>>
        tpu.wait_dma2 semaphore(%run_scoped3A : memref<!tpu.dma_semaphore, #tpu.memory_space<semaphore_mem>>) src(%dma_wait3A_349 : memref<512xf32, #tpu.memory_space<hbm>>) dst(%dma_wait3A_348 : memref<512xf32, #tpu.memory_space<vmem>>)
        tpu.yield
      }) : () -> ()
      %add3A_79 = arith.constant 303104 : i32
      %add3A_80 = arith.addi %add3A_79, %mul3A_5 : i32
      "tpu.region"() ({
        %run_scoped3A = tpu.sem_alloc : memref<!tpu.dma_semaphore, #tpu.memory_space<semaphore_mem>>
        %dma_start3A = arith.constant 18944 : i32
        %dma_start3A_340 = tpu.memref_slice %arg5[%dma_start3A] : memref<32768xf32, #tpu.memory_space<vmem>> -> memref<512xf32, #tpu.memory_space<vmem>>
        %dma_start3A_341 = tpu.memref_slice %arg2[%add3A_80] : memref<524288xf32, #tpu.memory_space<hbm>> -> memref<512xf32, #tpu.memory_space<hbm>>
        %dma_start3A_342 = arith.constant 18944 : i32
        %dma_start3A_343 = tpu.memref_slice %arg5[%dma_start3A_342] : memref<32768xf32, #tpu.memory_space<vmem>> -> memref<512xf32, #tpu.memory_space<vmem>>
        %dma_start3A_344 = tpu.memref_slice %arg2[%add3A_80] : memref<524288xf32, #tpu.memory_space<hbm>> -> memref<512xf32, #tpu.memory_space<hbm>>
        tpu.enqueue_dma source(%dma_start3A_344 : memref<512xf32, #tpu.memory_space<hbm>>) target(%dma_start3A_343 : memref<512xf32, #tpu.memory_space<vmem>>) target_semaphore(%run_scoped3A : memref<!tpu.dma_semaphore, #tpu.memory_space<semaphore_mem>>)
        %dma_wait3A = arith.constant 18944 : i32
        %dma_wait3A_345 = tpu.memref_slice %arg5[%dma_wait3A] : memref<32768xf32, #tpu.memory_space<vmem>> -> memref<512xf32, #tpu.memory_space<vmem>>
        %dma_wait3A_346 = tpu.memref_slice %arg2[%add3A_80] : memref<524288xf32, #tpu.memory_space<hbm>> -> memref<512xf32, #tpu.memory_space<hbm>>
        %dma_wait3A_347 = arith.constant 18944 : i32
        %dma_wait3A_348 = tpu.memref_slice %arg5[%dma_wait3A_347] : memref<32768xf32, #tpu.memory_space<vmem>> -> memref<512xf32, #tpu.memory_space<vmem>>
        %dma_wait3A_349 = tpu.memref_slice %arg2[%add3A_80] : memref<524288xf32, #tpu.memory_space<hbm>> -> memref<512xf32, #tpu.memory_space<hbm>>
        tpu.wait_dma2 semaphore(%run_scoped3A : memref<!tpu.dma_semaphore, #tpu.memory_space<semaphore_mem>>) src(%dma_wait3A_349 : memref<512xf32, #tpu.memory_space<hbm>>) dst(%dma_wait3A_348 : memref<512xf32, #tpu.memory_space<vmem>>)
        tpu.yield
      }) : () -> ()
      %add3A_81 = arith.constant 311296 : i32
      %add3A_82 = arith.addi %add3A_81, %mul3A_5 : i32
      "tpu.region"() ({
        %run_scoped3A = tpu.sem_alloc : memref<!tpu.dma_semaphore, #tpu.memory_space<semaphore_mem>>
        %dma_start3A = arith.constant 19456 : i32
        %dma_start3A_340 = tpu.memref_slice %arg5[%dma_start3A] : memref<32768xf32, #tpu.memory_space<vmem>> -> memref<512xf32, #tpu.memory_space<vmem>>
        %dma_start3A_341 = tpu.memref_slice %arg2[%add3A_82] : memref<524288xf32, #tpu.memory_space<hbm>> -> memref<512xf32, #tpu.memory_space<hbm>>
        %dma_start3A_342 = arith.constant 19456 : i32
        %dma_start3A_343 = tpu.memref_slice %arg5[%dma_start3A_342] : memref<32768xf32, #tpu.memory_space<vmem>> -> memref<512xf32, #tpu.memory_space<vmem>>
        %dma_start3A_344 = tpu.memref_slice %arg2[%add3A_82] : memref<524288xf32, #tpu.memory_space<hbm>> -> memref<512xf32, #tpu.memory_space<hbm>>
        tpu.enqueue_dma source(%dma_start3A_344 : memref<512xf32, #tpu.memory_space<hbm>>) target(%dma_start3A_343 : memref<512xf32, #tpu.memory_space<vmem>>) target_semaphore(%run_scoped3A : memref<!tpu.dma_semaphore, #tpu.memory_space<semaphore_mem>>)
        %dma_wait3A = arith.constant 19456 : i32
        %dma_wait3A_345 = tpu.memref_slice %arg5[%dma_wait3A] : memref<32768xf32, #tpu.memory_space<vmem>> -> memref<512xf32, #tpu.memory_space<vmem>>
        %dma_wait3A_346 = tpu.memref_slice %arg2[%add3A_82] : memref<524288xf32, #tpu.memory_space<hbm>> -> memref<512xf32, #tpu.memory_space<hbm>>
        %dma_wait3A_347 = arith.constant 19456 : i32
        %dma_wait3A_348 = tpu.memref_slice %arg5[%dma_wait3A_347] : memref<32768xf32, #tpu.memory_space<vmem>> -> memref<512xf32, #tpu.memory_space<vmem>>
        %dma_wait3A_349 = tpu.memref_slice %arg2[%add3A_82] : memref<524288xf32, #tpu.memory_space<hbm>> -> memref<512xf32, #tpu.memory_space<hbm>>
        tpu.wait_dma2 semaphore(%run_scoped3A : memref<!tpu.dma_semaphore, #tpu.memory_space<semaphore_mem>>) src(%dma_wait3A_349 : memref<512xf32, #tpu.memory_space<hbm>>) dst(%dma_wait3A_348 : memref<512xf32, #tpu.memory_space<vmem>>)
        tpu.yield
      }) : () -> ()
      %add3A_83 = arith.constant 319488 : i32
      %add3A_84 = arith.addi %add3A_83, %mul3A_5 : i32
      "tpu.region"() ({
        %run_scoped3A = tpu.sem_alloc : memref<!tpu.dma_semaphore, #tpu.memory_space<semaphore_mem>>
        %dma_start3A = arith.constant 19968 : i32
        %dma_start3A_340 = tpu.memref_slice %arg5[%dma_start3A] : memref<32768xf32, #tpu.memory_space<vmem>> -> memref<512xf32, #tpu.memory_space<vmem>>
        %dma_start3A_341 = tpu.memref_slice %arg2[%add3A_84] : memref<524288xf32, #tpu.memory_space<hbm>> -> memref<512xf32, #tpu.memory_space<hbm>>
        %dma_start3A_342 = arith.constant 19968 : i32
        %dma_start3A_343 = tpu.memref_slice %arg5[%dma_start3A_342] : memref<32768xf32, #tpu.memory_space<vmem>> -> memref<512xf32, #tpu.memory_space<vmem>>
        %dma_start3A_344 = tpu.memref_slice %arg2[%add3A_84] : memref<524288xf32, #tpu.memory_space<hbm>> -> memref<512xf32, #tpu.memory_space<hbm>>
        tpu.enqueue_dma source(%dma_start3A_344 : memref<512xf32, #tpu.memory_space<hbm>>) target(%dma_start3A_343 : memref<512xf32, #tpu.memory_space<vmem>>) target_semaphore(%run_scoped3A : memref<!tpu.dma_semaphore, #tpu.memory_space<semaphore_mem>>)
        %dma_wait3A = arith.constant 19968 : i32
        %dma_wait3A_345 = tpu.memref_slice %arg5[%dma_wait3A] : memref<32768xf32, #tpu.memory_space<vmem>> -> memref<512xf32, #tpu.memory_space<vmem>>
        %dma_wait3A_346 = tpu.memref_slice %arg2[%add3A_84] : memref<524288xf32, #tpu.memory_space<hbm>> -> memref<512xf32, #tpu.memory_space<hbm>>
        %dma_wait3A_347 = arith.constant 19968 : i32
        %dma_wait3A_348 = tpu.memref_slice %arg5[%dma_wait3A_347] : memref<32768xf32, #tpu.memory_space<vmem>> -> memref<512xf32, #tpu.memory_space<vmem>>
        %dma_wait3A_349 = tpu.memref_slice %arg2[%add3A_84] : memref<524288xf32, #tpu.memory_space<hbm>> -> memref<512xf32, #tpu.memory_space<hbm>>
        tpu.wait_dma2 semaphore(%run_scoped3A : memref<!tpu.dma_semaphore, #tpu.memory_space<semaphore_mem>>) src(%dma_wait3A_349 : memref<512xf32, #tpu.memory_space<hbm>>) dst(%dma_wait3A_348 : memref<512xf32, #tpu.memory_space<vmem>>)
        tpu.yield
      }) : () -> ()
      %add3A_85 = arith.constant 327680 : i32
      %add3A_86 = arith.addi %add3A_85, %mul3A_5 : i32
      "tpu.region"() ({
        %run_scoped3A = tpu.sem_alloc : memref<!tpu.dma_semaphore, #tpu.memory_space<semaphore_mem>>
        %dma_start3A = arith.constant 20480 : i32
        %dma_start3A_340 = tpu.memref_slice %arg5[%dma_start3A] : memref<32768xf32, #tpu.memory_space<vmem>> -> memref<512xf32, #tpu.memory_space<vmem>>
        %dma_start3A_341 = tpu.memref_slice %arg2[%add3A_86] : memref<524288xf32, #tpu.memory_space<hbm>> -> memref<512xf32, #tpu.memory_space<hbm>>
        %dma_start3A_342 = arith.constant 20480 : i32
        %dma_start3A_343 = tpu.memref_slice %arg5[%dma_start3A_342] : memref<32768xf32, #tpu.memory_space<vmem>> -> memref<512xf32, #tpu.memory_space<vmem>>
        %dma_start3A_344 = tpu.memref_slice %arg2[%add3A_86] : memref<524288xf32, #tpu.memory_space<hbm>> -> memref<512xf32, #tpu.memory_space<hbm>>
        tpu.enqueue_dma source(%dma_start3A_344 : memref<512xf32, #tpu.memory_space<hbm>>) target(%dma_start3A_343 : memref<512xf32, #tpu.memory_space<vmem>>) target_semaphore(%run_scoped3A : memref<!tpu.dma_semaphore, #tpu.memory_space<semaphore_mem>>)
        %dma_wait3A = arith.constant 20480 : i32
        %dma_wait3A_345 = tpu.memref_slice %arg5[%dma_wait3A] : memref<32768xf32, #tpu.memory_space<vmem>> -> memref<512xf32, #tpu.memory_space<vmem>>
        %dma_wait3A_346 = tpu.memref_slice %arg2[%add3A_86] : memref<524288xf32, #tpu.memory_space<hbm>> -> memref<512xf32, #tpu.memory_space<hbm>>
        %dma_wait3A_347 = arith.constant 20480 : i32
        %dma_wait3A_348 = tpu.memref_slice %arg5[%dma_wait3A_347] : memref<32768xf32, #tpu.memory_space<vmem>> -> memref<512xf32, #tpu.memory_space<vmem>>
        %dma_wait3A_349 = tpu.memref_slice %arg2[%add3A_86] : memref<524288xf32, #tpu.memory_space<hbm>> -> memref<512xf32, #tpu.memory_space<hbm>>
        tpu.wait_dma2 semaphore(%run_scoped3A : memref<!tpu.dma_semaphore, #tpu.memory_space<semaphore_mem>>) src(%dma_wait3A_349 : memref<512xf32, #tpu.memory_space<hbm>>) dst(%dma_wait3A_348 : memref<512xf32, #tpu.memory_space<vmem>>)
        tpu.yield
      }) : () -> ()
      %add3A_87 = arith.constant 335872 : i32
      %add3A_88 = arith.addi %add3A_87, %mul3A_5 : i32
      "tpu.region"() ({
        %run_scoped3A = tpu.sem_alloc : memref<!tpu.dma_semaphore, #tpu.memory_space<semaphore_mem>>
        %dma_start3A = arith.constant 20992 : i32
        %dma_start3A_340 = tpu.memref_slice %arg5[%dma_start3A] : memref<32768xf32, #tpu.memory_space<vmem>> -> memref<512xf32, #tpu.memory_space<vmem>>
        %dma_start3A_341 = tpu.memref_slice %arg2[%add3A_88] : memref<524288xf32, #tpu.memory_space<hbm>> -> memref<512xf32, #tpu.memory_space<hbm>>
        %dma_start3A_342 = arith.constant 20992 : i32
        %dma_start3A_343 = tpu.memref_slice %arg5[%dma_start3A_342] : memref<32768xf32, #tpu.memory_space<vmem>> -> memref<512xf32, #tpu.memory_space<vmem>>
        %dma_start3A_344 = tpu.memref_slice %arg2[%add3A_88] : memref<524288xf32, #tpu.memory_space<hbm>> -> memref<512xf32, #tpu.memory_space<hbm>>
        tpu.enqueue_dma source(%dma_start3A_344 : memref<512xf32, #tpu.memory_space<hbm>>) target(%dma_start3A_343 : memref<512xf32, #tpu.memory_space<vmem>>) target_semaphore(%run_scoped3A : memref<!tpu.dma_semaphore, #tpu.memory_space<semaphore_mem>>)
        %dma_wait3A = arith.constant 20992 : i32
        %dma_wait3A_345 = tpu.memref_slice %arg5[%dma_wait3A] : memref<32768xf32, #tpu.memory_space<vmem>> -> memref<512xf32, #tpu.memory_space<vmem>>
        %dma_wait3A_346 = tpu.memref_slice %arg2[%add3A_88] : memref<524288xf32, #tpu.memory_space<hbm>> -> memref<512xf32, #tpu.memory_space<hbm>>
        %dma_wait3A_347 = arith.constant 20992 : i32
        %dma_wait3A_348 = tpu.memref_slice %arg5[%dma_wait3A_347] : memref<32768xf32, #tpu.memory_space<vmem>> -> memref<512xf32, #tpu.memory_space<vmem>>
        %dma_wait3A_349 = tpu.memref_slice %arg2[%add3A_88] : memref<524288xf32, #tpu.memory_space<hbm>> -> memref<512xf32, #tpu.memory_space<hbm>>
        tpu.wait_dma2 semaphore(%run_scoped3A : memref<!tpu.dma_semaphore, #tpu.memory_space<semaphore_mem>>) src(%dma_wait3A_349 : memref<512xf32, #tpu.memory_space<hbm>>) dst(%dma_wait3A_348 : memref<512xf32, #tpu.memory_space<vmem>>)
        tpu.yield
      }) : () -> ()
      %add3A_89 = arith.constant 344064 : i32
      %add3A_90 = arith.addi %add3A_89, %mul3A_5 : i32
      "tpu.region"() ({
        %run_scoped3A = tpu.sem_alloc : memref<!tpu.dma_semaphore, #tpu.memory_space<semaphore_mem>>
        %dma_start3A = arith.constant 21504 : i32
        %dma_start3A_340 = tpu.memref_slice %arg5[%dma_start3A] : memref<32768xf32, #tpu.memory_space<vmem>> -> memref<512xf32, #tpu.memory_space<vmem>>
        %dma_start3A_341 = tpu.memref_slice %arg2[%add3A_90] : memref<524288xf32, #tpu.memory_space<hbm>> -> memref<512xf32, #tpu.memory_space<hbm>>
        %dma_start3A_342 = arith.constant 21504 : i32
        %dma_start3A_343 = tpu.memref_slice %arg5[%dma_start3A_342] : memref<32768xf32, #tpu.memory_space<vmem>> -> memref<512xf32, #tpu.memory_space<vmem>>
        %dma_start3A_344 = tpu.memref_slice %arg2[%add3A_90] : memref<524288xf32, #tpu.memory_space<hbm>> -> memref<512xf32, #tpu.memory_space<hbm>>
        tpu.enqueue_dma source(%dma_start3A_344 : memref<512xf32, #tpu.memory_space<hbm>>) target(%dma_start3A_343 : memref<512xf32, #tpu.memory_space<vmem>>) target_semaphore(%run_scoped3A : memref<!tpu.dma_semaphore, #tpu.memory_space<semaphore_mem>>)
        %dma_wait3A = arith.constant 21504 : i32
        %dma_wait3A_345 = tpu.memref_slice %arg5[%dma_wait3A] : memref<32768xf32, #tpu.memory_space<vmem>> -> memref<512xf32, #tpu.memory_space<vmem>>
        %dma_wait3A_346 = tpu.memref_slice %arg2[%add3A_90] : memref<524288xf32, #tpu.memory_space<hbm>> -> memref<512xf32, #tpu.memory_space<hbm>>
        %dma_wait3A_347 = arith.constant 21504 : i32
        %dma_wait3A_348 = tpu.memref_slice %arg5[%dma_wait3A_347] : memref<32768xf32, #tpu.memory_space<vmem>> -> memref<512xf32, #tpu.memory_space<vmem>>
        %dma_wait3A_349 = tpu.memref_slice %arg2[%add3A_90] : memref<524288xf32, #tpu.memory_space<hbm>> -> memref<512xf32, #tpu.memory_space<hbm>>
        tpu.wait_dma2 semaphore(%run_scoped3A : memref<!tpu.dma_semaphore, #tpu.memory_space<semaphore_mem>>) src(%dma_wait3A_349 : memref<512xf32, #tpu.memory_space<hbm>>) dst(%dma_wait3A_348 : memref<512xf32, #tpu.memory_space<vmem>>)
        tpu.yield
      }) : () -> ()
      %add3A_91 = arith.constant 352256 : i32
      %add3A_92 = arith.addi %add3A_91, %mul3A_5 : i32
      "tpu.region"() ({
        %run_scoped3A = tpu.sem_alloc : memref<!tpu.dma_semaphore, #tpu.memory_space<semaphore_mem>>
        %dma_start3A = arith.constant 22016 : i32
        %dma_start3A_340 = tpu.memref_slice %arg5[%dma_start3A] : memref<32768xf32, #tpu.memory_space<vmem>> -> memref<512xf32, #tpu.memory_space<vmem>>
        %dma_start3A_341 = tpu.memref_slice %arg2[%add3A_92] : memref<524288xf32, #tpu.memory_space<hbm>> -> memref<512xf32, #tpu.memory_space<hbm>>
        %dma_start3A_342 = arith.constant 22016 : i32
        %dma_start3A_343 = tpu.memref_slice %arg5[%dma_start3A_342] : memref<32768xf32, #tpu.memory_space<vmem>> -> memref<512xf32, #tpu.memory_space<vmem>>
        %dma_start3A_344 = tpu.memref_slice %arg2[%add3A_92] : memref<524288xf32, #tpu.memory_space<hbm>> -> memref<512xf32, #tpu.memory_space<hbm>>
        tpu.enqueue_dma source(%dma_start3A_344 : memref<512xf32, #tpu.memory_space<hbm>>) target(%dma_start3A_343 : memref<512xf32, #tpu.memory_space<vmem>>) target_semaphore(%run_scoped3A : memref<!tpu.dma_semaphore, #tpu.memory_space<semaphore_mem>>)
        %dma_wait3A = arith.constant 22016 : i32
        %dma_wait3A_345 = tpu.memref_slice %arg5[%dma_wait3A] : memref<32768xf32, #tpu.memory_space<vmem>> -> memref<512xf32, #tpu.memory_space<vmem>>
        %dma_wait3A_346 = tpu.memref_slice %arg2[%add3A_92] : memref<524288xf32, #tpu.memory_space<hbm>> -> memref<512xf32, #tpu.memory_space<hbm>>
        %dma_wait3A_347 = arith.constant 22016 : i32
        %dma_wait3A_348 = tpu.memref_slice %arg5[%dma_wait3A_347] : memref<32768xf32, #tpu.memory_space<vmem>> -> memref<512xf32, #tpu.memory_space<vmem>>
        %dma_wait3A_349 = tpu.memref_slice %arg2[%add3A_92] : memref<524288xf32, #tpu.memory_space<hbm>> -> memref<512xf32, #tpu.memory_space<hbm>>
        tpu.wait_dma2 semaphore(%run_scoped3A : memref<!tpu.dma_semaphore, #tpu.memory_space<semaphore_mem>>) src(%dma_wait3A_349 : memref<512xf32, #tpu.memory_space<hbm>>) dst(%dma_wait3A_348 : memref<512xf32, #tpu.memory_space<vmem>>)
        tpu.yield
      }) : () -> ()
      %add3A_93 = arith.constant 360448 : i32
      %add3A_94 = arith.addi %add3A_93, %mul3A_5 : i32
      "tpu.region"() ({
        %run_scoped3A = tpu.sem_alloc : memref<!tpu.dma_semaphore, #tpu.memory_space<semaphore_mem>>
        %dma_start3A = arith.constant 22528 : i32
        %dma_start3A_340 = tpu.memref_slice %arg5[%dma_start3A] : memref<32768xf32, #tpu.memory_space<vmem>> -> memref<512xf32, #tpu.memory_space<vmem>>
        %dma_start3A_341 = tpu.memref_slice %arg2[%add3A_94] : memref<524288xf32, #tpu.memory_space<hbm>> -> memref<512xf32, #tpu.memory_space<hbm>>
        %dma_start3A_342 = arith.constant 22528 : i32
        %dma_start3A_343 = tpu.memref_slice %arg5[%dma_start3A_342] : memref<32768xf32, #tpu.memory_space<vmem>> -> memref<512xf32, #tpu.memory_space<vmem>>
        %dma_start3A_344 = tpu.memref_slice %arg2[%add3A_94] : memref<524288xf32, #tpu.memory_space<hbm>> -> memref<512xf32, #tpu.memory_space<hbm>>
        tpu.enqueue_dma source(%dma_start3A_344 : memref<512xf32, #tpu.memory_space<hbm>>) target(%dma_start3A_343 : memref<512xf32, #tpu.memory_space<vmem>>) target_semaphore(%run_scoped3A : memref<!tpu.dma_semaphore, #tpu.memory_space<semaphore_mem>>)
        %dma_wait3A = arith.constant 22528 : i32
        %dma_wait3A_345 = tpu.memref_slice %arg5[%dma_wait3A] : memref<32768xf32, #tpu.memory_space<vmem>> -> memref<512xf32, #tpu.memory_space<vmem>>
        %dma_wait3A_346 = tpu.memref_slice %arg2[%add3A_94] : memref<524288xf32, #tpu.memory_space<hbm>> -> memref<512xf32, #tpu.memory_space<hbm>>
        %dma_wait3A_347 = arith.constant 22528 : i32
        %dma_wait3A_348 = tpu.memref_slice %arg5[%dma_wait3A_347] : memref<32768xf32, #tpu.memory_space<vmem>> -> memref<512xf32, #tpu.memory_space<vmem>>
        %dma_wait3A_349 = tpu.memref_slice %arg2[%add3A_94] : memref<524288xf32, #tpu.memory_space<hbm>> -> memref<512xf32, #tpu.memory_space<hbm>>
        tpu.wait_dma2 semaphore(%run_scoped3A : memref<!tpu.dma_semaphore, #tpu.memory_space<semaphore_mem>>) src(%dma_wait3A_349 : memref<512xf32, #tpu.memory_space<hbm>>) dst(%dma_wait3A_348 : memref<512xf32, #tpu.memory_space<vmem>>)
        tpu.yield
      }) : () -> ()
      %add3A_95 = arith.constant 368640 : i32
      %add3A_96 = arith.addi %add3A_95, %mul3A_5 : i32
      "tpu.region"() ({
        %run_scoped3A = tpu.sem_alloc : memref<!tpu.dma_semaphore, #tpu.memory_space<semaphore_mem>>
        %dma_start3A = arith.constant 23040 : i32
        %dma_start3A_340 = tpu.memref_slice %arg5[%dma_start3A] : memref<32768xf32, #tpu.memory_space<vmem>> -> memref<512xf32, #tpu.memory_space<vmem>>
        %dma_start3A_341 = tpu.memref_slice %arg2[%add3A_96] : memref<524288xf32, #tpu.memory_space<hbm>> -> memref<512xf32, #tpu.memory_space<hbm>>
        %dma_start3A_342 = arith.constant 23040 : i32
        %dma_start3A_343 = tpu.memref_slice %arg5[%dma_start3A_342] : memref<32768xf32, #tpu.memory_space<vmem>> -> memref<512xf32, #tpu.memory_space<vmem>>
        %dma_start3A_344 = tpu.memref_slice %arg2[%add3A_96] : memref<524288xf32, #tpu.memory_space<hbm>> -> memref<512xf32, #tpu.memory_space<hbm>>
        tpu.enqueue_dma source(%dma_start3A_344 : memref<512xf32, #tpu.memory_space<hbm>>) target(%dma_start3A_343 : memref<512xf32, #tpu.memory_space<vmem>>) target_semaphore(%run_scoped3A : memref<!tpu.dma_semaphore, #tpu.memory_space<semaphore_mem>>)
        %dma_wait3A = arith.constant 23040 : i32
        %dma_wait3A_345 = tpu.memref_slice %arg5[%dma_wait3A] : memref<32768xf32, #tpu.memory_space<vmem>> -> memref<512xf32, #tpu.memory_space<vmem>>
        %dma_wait3A_346 = tpu.memref_slice %arg2[%add3A_96] : memref<524288xf32, #tpu.memory_space<hbm>> -> memref<512xf32, #tpu.memory_space<hbm>>
        %dma_wait3A_347 = arith.constant 23040 : i32
        %dma_wait3A_348 = tpu.memref_slice %arg5[%dma_wait3A_347] : memref<32768xf32, #tpu.memory_space<vmem>> -> memref<512xf32, #tpu.memory_space<vmem>>
        %dma_wait3A_349 = tpu.memref_slice %arg2[%add3A_96] : memref<524288xf32, #tpu.memory_space<hbm>> -> memref<512xf32, #tpu.memory_space<hbm>>
        tpu.wait_dma2 semaphore(%run_scoped3A : memref<!tpu.dma_semaphore, #tpu.memory_space<semaphore_mem>>) src(%dma_wait3A_349 : memref<512xf32, #tpu.memory_space<hbm>>) dst(%dma_wait3A_348 : memref<512xf32, #tpu.memory_space<vmem>>)
        tpu.yield
      }) : () -> ()
      %add3A_97 = arith.constant 376832 : i32
      %add3A_98 = arith.addi %add3A_97, %mul3A_5 : i32
      "tpu.region"() ({
        %run_scoped3A = tpu.sem_alloc : memref<!tpu.dma_semaphore, #tpu.memory_space<semaphore_mem>>
        %dma_start3A = arith.constant 23552 : i32
        %dma_start3A_340 = tpu.memref_slice %arg5[%dma_start3A] : memref<32768xf32, #tpu.memory_space<vmem>> -> memref<512xf32, #tpu.memory_space<vmem>>
        %dma_start3A_341 = tpu.memref_slice %arg2[%add3A_98] : memref<524288xf32, #tpu.memory_space<hbm>> -> memref<512xf32, #tpu.memory_space<hbm>>
        %dma_start3A_342 = arith.constant 23552 : i32
        %dma_start3A_343 = tpu.memref_slice %arg5[%dma_start3A_342] : memref<32768xf32, #tpu.memory_space<vmem>> -> memref<512xf32, #tpu.memory_space<vmem>>
        %dma_start3A_344 = tpu.memref_slice %arg2[%add3A_98] : memref<524288xf32, #tpu.memory_space<hbm>> -> memref<512xf32, #tpu.memory_space<hbm>>
        tpu.enqueue_dma source(%dma_start3A_344 : memref<512xf32, #tpu.memory_space<hbm>>) target(%dma_start3A_343 : memref<512xf32, #tpu.memory_space<vmem>>) target_semaphore(%run_scoped3A : memref<!tpu.dma_semaphore, #tpu.memory_space<semaphore_mem>>)
        %dma_wait3A = arith.constant 23552 : i32
        %dma_wait3A_345 = tpu.memref_slice %arg5[%dma_wait3A] : memref<32768xf32, #tpu.memory_space<vmem>> -> memref<512xf32, #tpu.memory_space<vmem>>
        %dma_wait3A_346 = tpu.memref_slice %arg2[%add3A_98] : memref<524288xf32, #tpu.memory_space<hbm>> -> memref<512xf32, #tpu.memory_space<hbm>>
        %dma_wait3A_347 = arith.constant 23552 : i32
        %dma_wait3A_348 = tpu.memref_slice %arg5[%dma_wait3A_347] : memref<32768xf32, #tpu.memory_space<vmem>> -> memref<512xf32, #tpu.memory_space<vmem>>
        %dma_wait3A_349 = tpu.memref_slice %arg2[%add3A_98] : memref<524288xf32, #tpu.memory_space<hbm>> -> memref<512xf32, #tpu.memory_space<hbm>>
        tpu.wait_dma2 semaphore(%run_scoped3A : memref<!tpu.dma_semaphore, #tpu.memory_space<semaphore_mem>>) src(%dma_wait3A_349 : memref<512xf32, #tpu.memory_space<hbm>>) dst(%dma_wait3A_348 : memref<512xf32, #tpu.memory_space<vmem>>)
        tpu.yield
      }) : () -> ()
      %add3A_99 = arith.constant 385024 : i32
      %add3A_100 = arith.addi %add3A_99, %mul3A_5 : i32
      "tpu.region"() ({
        %run_scoped3A = tpu.sem_alloc : memref<!tpu.dma_semaphore, #tpu.memory_space<semaphore_mem>>
        %dma_start3A = arith.constant 24064 : i32
        %dma_start3A_340 = tpu.memref_slice %arg5[%dma_start3A] : memref<32768xf32, #tpu.memory_space<vmem>> -> memref<512xf32, #tpu.memory_space<vmem>>
        %dma_start3A_341 = tpu.memref_slice %arg2[%add3A_100] : memref<524288xf32, #tpu.memory_space<hbm>> -> memref<512xf32, #tpu.memory_space<hbm>>
        %dma_start3A_342 = arith.constant 24064 : i32
        %dma_start3A_343 = tpu.memref_slice %arg5[%dma_start3A_342] : memref<32768xf32, #tpu.memory_space<vmem>> -> memref<512xf32, #tpu.memory_space<vmem>>
        %dma_start3A_344 = tpu.memref_slice %arg2[%add3A_100] : memref<524288xf32, #tpu.memory_space<hbm>> -> memref<512xf32, #tpu.memory_space<hbm>>
        tpu.enqueue_dma source(%dma_start3A_344 : memref<512xf32, #tpu.memory_space<hbm>>) target(%dma_start3A_343 : memref<512xf32, #tpu.memory_space<vmem>>) target_semaphore(%run_scoped3A : memref<!tpu.dma_semaphore, #tpu.memory_space<semaphore_mem>>)
        %dma_wait3A = arith.constant 24064 : i32
        %dma_wait3A_345 = tpu.memref_slice %arg5[%dma_wait3A] : memref<32768xf32, #tpu.memory_space<vmem>> -> memref<512xf32, #tpu.memory_space<vmem>>
        %dma_wait3A_346 = tpu.memref_slice %arg2[%add3A_100] : memref<524288xf32, #tpu.memory_space<hbm>> -> memref<512xf32, #tpu.memory_space<hbm>>
        %dma_wait3A_347 = arith.constant 24064 : i32
        %dma_wait3A_348 = tpu.memref_slice %arg5[%dma_wait3A_347] : memref<32768xf32, #tpu.memory_space<vmem>> -> memref<512xf32, #tpu.memory_space<vmem>>
        %dma_wait3A_349 = tpu.memref_slice %arg2[%add3A_100] : memref<524288xf32, #tpu.memory_space<hbm>> -> memref<512xf32, #tpu.memory_space<hbm>>
        tpu.wait_dma2 semaphore(%run_scoped3A : memref<!tpu.dma_semaphore, #tpu.memory_space<semaphore_mem>>) src(%dma_wait3A_349 : memref<512xf32, #tpu.memory_space<hbm>>) dst(%dma_wait3A_348 : memref<512xf32, #tpu.memory_space<vmem>>)
        tpu.yield
      }) : () -> ()
      %add3A_101 = arith.constant 393216 : i32
      %add3A_102 = arith.addi %add3A_101, %mul3A_5 : i32
      "tpu.region"() ({
        %run_scoped3A = tpu.sem_alloc : memref<!tpu.dma_semaphore, #tpu.memory_space<semaphore_mem>>
        %dma_start3A = arith.constant 24576 : i32
        %dma_start3A_340 = tpu.memref_slice %arg5[%dma_start3A] : memref<32768xf32, #tpu.memory_space<vmem>> -> memref<512xf32, #tpu.memory_space<vmem>>
        %dma_start3A_341 = tpu.memref_slice %arg2[%add3A_102] : memref<524288xf32, #tpu.memory_space<hbm>> -> memref<512xf32, #tpu.memory_space<hbm>>
        %dma_start3A_342 = arith.constant 24576 : i32
        %dma_start3A_343 = tpu.memref_slice %arg5[%dma_start3A_342] : memref<32768xf32, #tpu.memory_space<vmem>> -> memref<512xf32, #tpu.memory_space<vmem>>
        %dma_start3A_344 = tpu.memref_slice %arg2[%add3A_102] : memref<524288xf32, #tpu.memory_space<hbm>> -> memref<512xf32, #tpu.memory_space<hbm>>
        tpu.enqueue_dma source(%dma_start3A_344 : memref<512xf32, #tpu.memory_space<hbm>>) target(%dma_start3A_343 : memref<512xf32, #tpu.memory_space<vmem>>) target_semaphore(%run_scoped3A : memref<!tpu.dma_semaphore, #tpu.memory_space<semaphore_mem>>)
        %dma_wait3A = arith.constant 24576 : i32
        %dma_wait3A_345 = tpu.memref_slice %arg5[%dma_wait3A] : memref<32768xf32, #tpu.memory_space<vmem>> -> memref<512xf32, #tpu.memory_space<vmem>>
        %dma_wait3A_346 = tpu.memref_slice %arg2[%add3A_102] : memref<524288xf32, #tpu.memory_space<hbm>> -> memref<512xf32, #tpu.memory_space<hbm>>
        %dma_wait3A_347 = arith.constant 24576 : i32
        %dma_wait3A_348 = tpu.memref_slice %arg5[%dma_wait3A_347] : memref<32768xf32, #tpu.memory_space<vmem>> -> memref<512xf32, #tpu.memory_space<vmem>>
        %dma_wait3A_349 = tpu.memref_slice %arg2[%add3A_102] : memref<524288xf32, #tpu.memory_space<hbm>> -> memref<512xf32, #tpu.memory_space<hbm>>
        tpu.wait_dma2 semaphore(%run_scoped3A : memref<!tpu.dma_semaphore, #tpu.memory_space<semaphore_mem>>) src(%dma_wait3A_349 : memref<512xf32, #tpu.memory_space<hbm>>) dst(%dma_wait3A_348 : memref<512xf32, #tpu.memory_space<vmem>>)
        tpu.yield
      }) : () -> ()
      %add3A_103 = arith.constant 401408 : i32
      %add3A_104 = arith.addi %add3A_103, %mul3A_5 : i32
      "tpu.region"() ({
        %run_scoped3A = tpu.sem_alloc : memref<!tpu.dma_semaphore, #tpu.memory_space<semaphore_mem>>
        %dma_start3A = arith.constant 25088 : i32
        %dma_start3A_340 = tpu.memref_slice %arg5[%dma_start3A] : memref<32768xf32, #tpu.memory_space<vmem>> -> memref<512xf32, #tpu.memory_space<vmem>>
        %dma_start3A_341 = tpu.memref_slice %arg2[%add3A_104] : memref<524288xf32, #tpu.memory_space<hbm>> -> memref<512xf32, #tpu.memory_space<hbm>>
        %dma_start3A_342 = arith.constant 25088 : i32
        %dma_start3A_343 = tpu.memref_slice %arg5[%dma_start3A_342] : memref<32768xf32, #tpu.memory_space<vmem>> -> memref<512xf32, #tpu.memory_space<vmem>>
        %dma_start3A_344 = tpu.memref_slice %arg2[%add3A_104] : memref<524288xf32, #tpu.memory_space<hbm>> -> memref<512xf32, #tpu.memory_space<hbm>>
        tpu.enqueue_dma source(%dma_start3A_344 : memref<512xf32, #tpu.memory_space<hbm>>) target(%dma_start3A_343 : memref<512xf32, #tpu.memory_space<vmem>>) target_semaphore(%run_scoped3A : memref<!tpu.dma_semaphore, #tpu.memory_space<semaphore_mem>>)
        %dma_wait3A = arith.constant 25088 : i32
        %dma_wait3A_345 = tpu.memref_slice %arg5[%dma_wait3A] : memref<32768xf32, #tpu.memory_space<vmem>> -> memref<512xf32, #tpu.memory_space<vmem>>
        %dma_wait3A_346 = tpu.memref_slice %arg2[%add3A_104] : memref<524288xf32, #tpu.memory_space<hbm>> -> memref<512xf32, #tpu.memory_space<hbm>>
        %dma_wait3A_347 = arith.constant 25088 : i32
        %dma_wait3A_348 = tpu.memref_slice %arg5[%dma_wait3A_347] : memref<32768xf32, #tpu.memory_space<vmem>> -> memref<512xf32, #tpu.memory_space<vmem>>
        %dma_wait3A_349 = tpu.memref_slice %arg2[%add3A_104] : memref<524288xf32, #tpu.memory_space<hbm>> -> memref<512xf32, #tpu.memory_space<hbm>>
        tpu.wait_dma2 semaphore(%run_scoped3A : memref<!tpu.dma_semaphore, #tpu.memory_space<semaphore_mem>>) src(%dma_wait3A_349 : memref<512xf32, #tpu.memory_space<hbm>>) dst(%dma_wait3A_348 : memref<512xf32, #tpu.memory_space<vmem>>)
        tpu.yield
      }) : () -> ()
      %add3A_105 = arith.constant 409600 : i32
      %add3A_106 = arith.addi %add3A_105, %mul3A_5 : i32
      "tpu.region"() ({
        %run_scoped3A = tpu.sem_alloc : memref<!tpu.dma_semaphore, #tpu.memory_space<semaphore_mem>>
        %dma_start3A = arith.constant 25600 : i32
        %dma_start3A_340 = tpu.memref_slice %arg5[%dma_start3A] : memref<32768xf32, #tpu.memory_space<vmem>> -> memref<512xf32, #tpu.memory_space<vmem>>
        %dma_start3A_341 = tpu.memref_slice %arg2[%add3A_106] : memref<524288xf32, #tpu.memory_space<hbm>> -> memref<512xf32, #tpu.memory_space<hbm>>
        %dma_start3A_342 = arith.constant 25600 : i32
        %dma_start3A_343 = tpu.memref_slice %arg5[%dma_start3A_342] : memref<32768xf32, #tpu.memory_space<vmem>> -> memref<512xf32, #tpu.memory_space<vmem>>
        %dma_start3A_344 = tpu.memref_slice %arg2[%add3A_106] : memref<524288xf32, #tpu.memory_space<hbm>> -> memref<512xf32, #tpu.memory_space<hbm>>
        tpu.enqueue_dma source(%dma_start3A_344 : memref<512xf32, #tpu.memory_space<hbm>>) target(%dma_start3A_343 : memref<512xf32, #tpu.memory_space<vmem>>) target_semaphore(%run_scoped3A : memref<!tpu.dma_semaphore, #tpu.memory_space<semaphore_mem>>)
        %dma_wait3A = arith.constant 25600 : i32
        %dma_wait3A_345 = tpu.memref_slice %arg5[%dma_wait3A] : memref<32768xf32, #tpu.memory_space<vmem>> -> memref<512xf32, #tpu.memory_space<vmem>>
        %dma_wait3A_346 = tpu.memref_slice %arg2[%add3A_106] : memref<524288xf32, #tpu.memory_space<hbm>> -> memref<512xf32, #tpu.memory_space<hbm>>
        %dma_wait3A_347 = arith.constant 25600 : i32
        %dma_wait3A_348 = tpu.memref_slice %arg5[%dma_wait3A_347] : memref<32768xf32, #tpu.memory_space<vmem>> -> memref<512xf32, #tpu.memory_space<vmem>>
        %dma_wait3A_349 = tpu.memref_slice %arg2[%add3A_106] : memref<524288xf32, #tpu.memory_space<hbm>> -> memref<512xf32, #tpu.memory_space<hbm>>
        tpu.wait_dma2 semaphore(%run_scoped3A : memref<!tpu.dma_semaphore, #tpu.memory_space<semaphore_mem>>) src(%dma_wait3A_349 : memref<512xf32, #tpu.memory_space<hbm>>) dst(%dma_wait3A_348 : memref<512xf32, #tpu.memory_space<vmem>>)
        tpu.yield
      }) : () -> ()
      %add3A_107 = arith.constant 417792 : i32
      %add3A_108 = arith.addi %add3A_107, %mul3A_5 : i32
      "tpu.region"() ({
        %run_scoped3A = tpu.sem_alloc : memref<!tpu.dma_semaphore, #tpu.memory_space<semaphore_mem>>
        %dma_start3A = arith.constant 26112 : i32
        %dma_start3A_340 = tpu.memref_slice %arg5[%dma_start3A] : memref<32768xf32, #tpu.memory_space<vmem>> -> memref<512xf32, #tpu.memory_space<vmem>>
        %dma_start3A_341 = tpu.memref_slice %arg2[%add3A_108] : memref<524288xf32, #tpu.memory_space<hbm>> -> memref<512xf32, #tpu.memory_space<hbm>>
        %dma_start3A_342 = arith.constant 26112 : i32
        %dma_start3A_343 = tpu.memref_slice %arg5[%dma_start3A_342] : memref<32768xf32, #tpu.memory_space<vmem>> -> memref<512xf32, #tpu.memory_space<vmem>>
        %dma_start3A_344 = tpu.memref_slice %arg2[%add3A_108] : memref<524288xf32, #tpu.memory_space<hbm>> -> memref<512xf32, #tpu.memory_space<hbm>>
        tpu.enqueue_dma source(%dma_start3A_344 : memref<512xf32, #tpu.memory_space<hbm>>) target(%dma_start3A_343 : memref<512xf32, #tpu.memory_space<vmem>>) target_semaphore(%run_scoped3A : memref<!tpu.dma_semaphore, #tpu.memory_space<semaphore_mem>>)
        %dma_wait3A = arith.constant 26112 : i32
        %dma_wait3A_345 = tpu.memref_slice %arg5[%dma_wait3A] : memref<32768xf32, #tpu.memory_space<vmem>> -> memref<512xf32, #tpu.memory_space<vmem>>
        %dma_wait3A_346 = tpu.memref_slice %arg2[%add3A_108] : memref<524288xf32, #tpu.memory_space<hbm>> -> memref<512xf32, #tpu.memory_space<hbm>>
        %dma_wait3A_347 = arith.constant 26112 : i32
        %dma_wait3A_348 = tpu.memref_slice %arg5[%dma_wait3A_347] : memref<32768xf32, #tpu.memory_space<vmem>> -> memref<512xf32, #tpu.memory_space<vmem>>
        %dma_wait3A_349 = tpu.memref_slice %arg2[%add3A_108] : memref<524288xf32, #tpu.memory_space<hbm>> -> memref<512xf32, #tpu.memory_space<hbm>>
        tpu.wait_dma2 semaphore(%run_scoped3A : memref<!tpu.dma_semaphore, #tpu.memory_space<semaphore_mem>>) src(%dma_wait3A_349 : memref<512xf32, #tpu.memory_space<hbm>>) dst(%dma_wait3A_348 : memref<512xf32, #tpu.memory_space<vmem>>)
        tpu.yield
      }) : () -> ()
      %add3A_109 = arith.constant 425984 : i32
      %add3A_110 = arith.addi %add3A_109, %mul3A_5 : i32
      "tpu.region"() ({
        %run_scoped3A = tpu.sem_alloc : memref<!tpu.dma_semaphore, #tpu.memory_space<semaphore_mem>>
        %dma_start3A = arith.constant 26624 : i32
        %dma_start3A_340 = tpu.memref_slice %arg5[%dma_start3A] : memref<32768xf32, #tpu.memory_space<vmem>> -> memref<512xf32, #tpu.memory_space<vmem>>
        %dma_start3A_341 = tpu.memref_slice %arg2[%add3A_110] : memref<524288xf32, #tpu.memory_space<hbm>> -> memref<512xf32, #tpu.memory_space<hbm>>
        %dma_start3A_342 = arith.constant 26624 : i32
        %dma_start3A_343 = tpu.memref_slice %arg5[%dma_start3A_342] : memref<32768xf32, #tpu.memory_space<vmem>> -> memref<512xf32, #tpu.memory_space<vmem>>
        %dma_start3A_344 = tpu.memref_slice %arg2[%add3A_110] : memref<524288xf32, #tpu.memory_space<hbm>> -> memref<512xf32, #tpu.memory_space<hbm>>
        tpu.enqueue_dma source(%dma_start3A_344 : memref<512xf32, #tpu.memory_space<hbm>>) target(%dma_start3A_343 : memref<512xf32, #tpu.memory_space<vmem>>) target_semaphore(%run_scoped3A : memref<!tpu.dma_semaphore, #tpu.memory_space<semaphore_mem>>)
        %dma_wait3A = arith.constant 26624 : i32
        %dma_wait3A_345 = tpu.memref_slice %arg5[%dma_wait3A] : memref<32768xf32, #tpu.memory_space<vmem>> -> memref<512xf32, #tpu.memory_space<vmem>>
        %dma_wait3A_346 = tpu.memref_slice %arg2[%add3A_110] : memref<524288xf32, #tpu.memory_space<hbm>> -> memref<512xf32, #tpu.memory_space<hbm>>
        %dma_wait3A_347 = arith.constant 26624 : i32
        %dma_wait3A_348 = tpu.memref_slice %arg5[%dma_wait3A_347] : memref<32768xf32, #tpu.memory_space<vmem>> -> memref<512xf32, #tpu.memory_space<vmem>>
        %dma_wait3A_349 = tpu.memref_slice %arg2[%add3A_110] : memref<524288xf32, #tpu.memory_space<hbm>> -> memref<512xf32, #tpu.memory_space<hbm>>
        tpu.wait_dma2 semaphore(%run_scoped3A : memref<!tpu.dma_semaphore, #tpu.memory_space<semaphore_mem>>) src(%dma_wait3A_349 : memref<512xf32, #tpu.memory_space<hbm>>) dst(%dma_wait3A_348 : memref<512xf32, #tpu.memory_space<vmem>>)
        tpu.yield
      }) : () -> ()
      %add3A_111 = arith.constant 434176 : i32
      %add3A_112 = arith.addi %add3A_111, %mul3A_5 : i32
      "tpu.region"() ({
        %run_scoped3A = tpu.sem_alloc : memref<!tpu.dma_semaphore, #tpu.memory_space<semaphore_mem>>
        %dma_start3A = arith.constant 27136 : i32
        %dma_start3A_340 = tpu.memref_slice %arg5[%dma_start3A] : memref<32768xf32, #tpu.memory_space<vmem>> -> memref<512xf32, #tpu.memory_space<vmem>>
        %dma_start3A_341 = tpu.memref_slice %arg2[%add3A_112] : memref<524288xf32, #tpu.memory_space<hbm>> -> memref<512xf32, #tpu.memory_space<hbm>>
        %dma_start3A_342 = arith.constant 27136 : i32
        %dma_start3A_343 = tpu.memref_slice %arg5[%dma_start3A_342] : memref<32768xf32, #tpu.memory_space<vmem>> -> memref<512xf32, #tpu.memory_space<vmem>>
        %dma_start3A_344 = tpu.memref_slice %arg2[%add3A_112] : memref<524288xf32, #tpu.memory_space<hbm>> -> memref<512xf32, #tpu.memory_space<hbm>>
        tpu.enqueue_dma source(%dma_start3A_344 : memref<512xf32, #tpu.memory_space<hbm>>) target(%dma_start3A_343 : memref<512xf32, #tpu.memory_space<vmem>>) target_semaphore(%run_scoped3A : memref<!tpu.dma_semaphore, #tpu.memory_space<semaphore_mem>>)
        %dma_wait3A = arith.constant 27136 : i32
        %dma_wait3A_345 = tpu.memref_slice %arg5[%dma_wait3A] : memref<32768xf32, #tpu.memory_space<vmem>> -> memref<512xf32, #tpu.memory_space<vmem>>
        %dma_wait3A_346 = tpu.memref_slice %arg2[%add3A_112] : memref<524288xf32, #tpu.memory_space<hbm>> -> memref<512xf32, #tpu.memory_space<hbm>>
        %dma_wait3A_347 = arith.constant 27136 : i32
        %dma_wait3A_348 = tpu.memref_slice %arg5[%dma_wait3A_347] : memref<32768xf32, #tpu.memory_space<vmem>> -> memref<512xf32, #tpu.memory_space<vmem>>
        %dma_wait3A_349 = tpu.memref_slice %arg2[%add3A_112] : memref<524288xf32, #tpu.memory_space<hbm>> -> memref<512xf32, #tpu.memory_space<hbm>>
        tpu.wait_dma2 semaphore(%run_scoped3A : memref<!tpu.dma_semaphore, #tpu.memory_space<semaphore_mem>>) src(%dma_wait3A_349 : memref<512xf32, #tpu.memory_space<hbm>>) dst(%dma_wait3A_348 : memref<512xf32, #tpu.memory_space<vmem>>)
        tpu.yield
      }) : () -> ()
      %add3A_113 = arith.constant 442368 : i32
      %add3A_114 = arith.addi %add3A_113, %mul3A_5 : i32
      "tpu.region"() ({
        %run_scoped3A = tpu.sem_alloc : memref<!tpu.dma_semaphore, #tpu.memory_space<semaphore_mem>>
        %dma_start3A = arith.constant 27648 : i32
        %dma_start3A_340 = tpu.memref_slice %arg5[%dma_start3A] : memref<32768xf32, #tpu.memory_space<vmem>> -> memref<512xf32, #tpu.memory_space<vmem>>
        %dma_start3A_341 = tpu.memref_slice %arg2[%add3A_114] : memref<524288xf32, #tpu.memory_space<hbm>> -> memref<512xf32, #tpu.memory_space<hbm>>
        %dma_start3A_342 = arith.constant 27648 : i32
        %dma_start3A_343 = tpu.memref_slice %arg5[%dma_start3A_342] : memref<32768xf32, #tpu.memory_space<vmem>> -> memref<512xf32, #tpu.memory_space<vmem>>
        %dma_start3A_344 = tpu.memref_slice %arg2[%add3A_114] : memref<524288xf32, #tpu.memory_space<hbm>> -> memref<512xf32, #tpu.memory_space<hbm>>
        tpu.enqueue_dma source(%dma_start3A_344 : memref<512xf32, #tpu.memory_space<hbm>>) target(%dma_start3A_343 : memref<512xf32, #tpu.memory_space<vmem>>) target_semaphore(%run_scoped3A : memref<!tpu.dma_semaphore, #tpu.memory_space<semaphore_mem>>)
        %dma_wait3A = arith.constant 27648 : i32
        %dma_wait3A_345 = tpu.memref_slice %arg5[%dma_wait3A] : memref<32768xf32, #tpu.memory_space<vmem>> -> memref<512xf32, #tpu.memory_space<vmem>>
        %dma_wait3A_346 = tpu.memref_slice %arg2[%add3A_114] : memref<524288xf32, #tpu.memory_space<hbm>> -> memref<512xf32, #tpu.memory_space<hbm>>
        %dma_wait3A_347 = arith.constant 27648 : i32
        %dma_wait3A_348 = tpu.memref_slice %arg5[%dma_wait3A_347] : memref<32768xf32, #tpu.memory_space<vmem>> -> memref<512xf32, #tpu.memory_space<vmem>>
        %dma_wait3A_349 = tpu.memref_slice %arg2[%add3A_114] : memref<524288xf32, #tpu.memory_space<hbm>> -> memref<512xf32, #tpu.memory_space<hbm>>
        tpu.wait_dma2 semaphore(%run_scoped3A : memref<!tpu.dma_semaphore, #tpu.memory_space<semaphore_mem>>) src(%dma_wait3A_349 : memref<512xf32, #tpu.memory_space<hbm>>) dst(%dma_wait3A_348 : memref<512xf32, #tpu.memory_space<vmem>>)
        tpu.yield
      }) : () -> ()
      %add3A_115 = arith.constant 450560 : i32
      %add3A_116 = arith.addi %add3A_115, %mul3A_5 : i32
      "tpu.region"() ({
        %run_scoped3A = tpu.sem_alloc : memref<!tpu.dma_semaphore, #tpu.memory_space<semaphore_mem>>
        %dma_start3A = arith.constant 28160 : i32
        %dma_start3A_340 = tpu.memref_slice %arg5[%dma_start3A] : memref<32768xf32, #tpu.memory_space<vmem>> -> memref<512xf32, #tpu.memory_space<vmem>>
        %dma_start3A_341 = tpu.memref_slice %arg2[%add3A_116] : memref<524288xf32, #tpu.memory_space<hbm>> -> memref<512xf32, #tpu.memory_space<hbm>>
        %dma_start3A_342 = arith.constant 28160 : i32
        %dma_start3A_343 = tpu.memref_slice %arg5[%dma_start3A_342] : memref<32768xf32, #tpu.memory_space<vmem>> -> memref<512xf32, #tpu.memory_space<vmem>>
        %dma_start3A_344 = tpu.memref_slice %arg2[%add3A_116] : memref<524288xf32, #tpu.memory_space<hbm>> -> memref<512xf32, #tpu.memory_space<hbm>>
        tpu.enqueue_dma source(%dma_start3A_344 : memref<512xf32, #tpu.memory_space<hbm>>) target(%dma_start3A_343 : memref<512xf32, #tpu.memory_space<vmem>>) target_semaphore(%run_scoped3A : memref<!tpu.dma_semaphore, #tpu.memory_space<semaphore_mem>>)
        %dma_wait3A = arith.constant 28160 : i32
        %dma_wait3A_345 = tpu.memref_slice %arg5[%dma_wait3A] : memref<32768xf32, #tpu.memory_space<vmem>> -> memref<512xf32, #tpu.memory_space<vmem>>
        %dma_wait3A_346 = tpu.memref_slice %arg2[%add3A_116] : memref<524288xf32, #tpu.memory_space<hbm>> -> memref<512xf32, #tpu.memory_space<hbm>>
        %dma_wait3A_347 = arith.constant 28160 : i32
        %dma_wait3A_348 = tpu.memref_slice %arg5[%dma_wait3A_347] : memref<32768xf32, #tpu.memory_space<vmem>> -> memref<512xf32, #tpu.memory_space<vmem>>
        %dma_wait3A_349 = tpu.memref_slice %arg2[%add3A_116] : memref<524288xf32, #tpu.memory_space<hbm>> -> memref<512xf32, #tpu.memory_space<hbm>>
        tpu.wait_dma2 semaphore(%run_scoped3A : memref<!tpu.dma_semaphore, #tpu.memory_space<semaphore_mem>>) src(%dma_wait3A_349 : memref<512xf32, #tpu.memory_space<hbm>>) dst(%dma_wait3A_348 : memref<512xf32, #tpu.memory_space<vmem>>)
        tpu.yield
      }) : () -> ()
      %add3A_117 = arith.constant 458752 : i32
      %add3A_118 = arith.addi %add3A_117, %mul3A_5 : i32
      "tpu.region"() ({
        %run_scoped3A = tpu.sem_alloc : memref<!tpu.dma_semaphore, #tpu.memory_space<semaphore_mem>>
        %dma_start3A = arith.constant 28672 : i32
        %dma_start3A_340 = tpu.memref_slice %arg5[%dma_start3A] : memref<32768xf32, #tpu.memory_space<vmem>> -> memref<512xf32, #tpu.memory_space<vmem>>
        %dma_start3A_341 = tpu.memref_slice %arg2[%add3A_118] : memref<524288xf32, #tpu.memory_space<hbm>> -> memref<512xf32, #tpu.memory_space<hbm>>
        %dma_start3A_342 = arith.constant 28672 : i32
        %dma_start3A_343 = tpu.memref_slice %arg5[%dma_start3A_342] : memref<32768xf32, #tpu.memory_space<vmem>> -> memref<512xf32, #tpu.memory_space<vmem>>
        %dma_start3A_344 = tpu.memref_slice %arg2[%add3A_118] : memref<524288xf32, #tpu.memory_space<hbm>> -> memref<512xf32, #tpu.memory_space<hbm>>
        tpu.enqueue_dma source(%dma_start3A_344 : memref<512xf32, #tpu.memory_space<hbm>>) target(%dma_start3A_343 : memref<512xf32, #tpu.memory_space<vmem>>) target_semaphore(%run_scoped3A : memref<!tpu.dma_semaphore, #tpu.memory_space<semaphore_mem>>)
        %dma_wait3A = arith.constant 28672 : i32
        %dma_wait3A_345 = tpu.memref_slice %arg5[%dma_wait3A] : memref<32768xf32, #tpu.memory_space<vmem>> -> memref<512xf32, #tpu.memory_space<vmem>>
        %dma_wait3A_346 = tpu.memref_slice %arg2[%add3A_118] : memref<524288xf32, #tpu.memory_space<hbm>> -> memref<512xf32, #tpu.memory_space<hbm>>
        %dma_wait3A_347 = arith.constant 28672 : i32
        %dma_wait3A_348 = tpu.memref_slice %arg5[%dma_wait3A_347] : memref<32768xf32, #tpu.memory_space<vmem>> -> memref<512xf32, #tpu.memory_space<vmem>>
        %dma_wait3A_349 = tpu.memref_slice %arg2[%add3A_118] : memref<524288xf32, #tpu.memory_space<hbm>> -> memref<512xf32, #tpu.memory_space<hbm>>
        tpu.wait_dma2 semaphore(%run_scoped3A : memref<!tpu.dma_semaphore, #tpu.memory_space<semaphore_mem>>) src(%dma_wait3A_349 : memref<512xf32, #tpu.memory_space<hbm>>) dst(%dma_wait3A_348 : memref<512xf32, #tpu.memory_space<vmem>>)
        tpu.yield
      }) : () -> ()
      %add3A_119 = arith.constant 466944 : i32
      %add3A_120 = arith.addi %add3A_119, %mul3A_5 : i32
      "tpu.region"() ({
        %run_scoped3A = tpu.sem_alloc : memref<!tpu.dma_semaphore, #tpu.memory_space<semaphore_mem>>
        %dma_start3A = arith.constant 29184 : i32
        %dma_start3A_340 = tpu.memref_slice %arg5[%dma_start3A] : memref<32768xf32, #tpu.memory_space<vmem>> -> memref<512xf32, #tpu.memory_space<vmem>>
        %dma_start3A_341 = tpu.memref_slice %arg2[%add3A_120] : memref<524288xf32, #tpu.memory_space<hbm>> -> memref<512xf32, #tpu.memory_space<hbm>>
        %dma_start3A_342 = arith.constant 29184 : i32
        %dma_start3A_343 = tpu.memref_slice %arg5[%dma_start3A_342] : memref<32768xf32, #tpu.memory_space<vmem>> -> memref<512xf32, #tpu.memory_space<vmem>>
        %dma_start3A_344 = tpu.memref_slice %arg2[%add3A_120] : memref<524288xf32, #tpu.memory_space<hbm>> -> memref<512xf32, #tpu.memory_space<hbm>>
        tpu.enqueue_dma source(%dma_start3A_344 : memref<512xf32, #tpu.memory_space<hbm>>) target(%dma_start3A_343 : memref<512xf32, #tpu.memory_space<vmem>>) target_semaphore(%run_scoped3A : memref<!tpu.dma_semaphore, #tpu.memory_space<semaphore_mem>>)
        %dma_wait3A = arith.constant 29184 : i32
        %dma_wait3A_345 = tpu.memref_slice %arg5[%dma_wait3A] : memref<32768xf32, #tpu.memory_space<vmem>> -> memref<512xf32, #tpu.memory_space<vmem>>
        %dma_wait3A_346 = tpu.memref_slice %arg2[%add3A_120] : memref<524288xf32, #tpu.memory_space<hbm>> -> memref<512xf32, #tpu.memory_space<hbm>>
        %dma_wait3A_347 = arith.constant 29184 : i32
        %dma_wait3A_348 = tpu.memref_slice %arg5[%dma_wait3A_347] : memref<32768xf32, #tpu.memory_space<vmem>> -> memref<512xf32, #tpu.memory_space<vmem>>
        %dma_wait3A_349 = tpu.memref_slice %arg2[%add3A_120] : memref<524288xf32, #tpu.memory_space<hbm>> -> memref<512xf32, #tpu.memory_space<hbm>>
        tpu.wait_dma2 semaphore(%run_scoped3A : memref<!tpu.dma_semaphore, #tpu.memory_space<semaphore_mem>>) src(%dma_wait3A_349 : memref<512xf32, #tpu.memory_space<hbm>>) dst(%dma_wait3A_348 : memref<512xf32, #tpu.memory_space<vmem>>)
        tpu.yield
      }) : () -> ()
      %add3A_121 = arith.constant 475136 : i32
      %add3A_122 = arith.addi %add3A_121, %mul3A_5 : i32
      "tpu.region"() ({
        %run_scoped3A = tpu.sem_alloc : memref<!tpu.dma_semaphore, #tpu.memory_space<semaphore_mem>>
        %dma_start3A = arith.constant 29696 : i32
        %dma_start3A_340 = tpu.memref_slice %arg5[%dma_start3A] : memref<32768xf32, #tpu.memory_space<vmem>> -> memref<512xf32, #tpu.memory_space<vmem>>
        %dma_start3A_341 = tpu.memref_slice %arg2[%add3A_122] : memref<524288xf32, #tpu.memory_space<hbm>> -> memref<512xf32, #tpu.memory_space<hbm>>
        %dma_start3A_342 = arith.constant 29696 : i32
        %dma_start3A_343 = tpu.memref_slice %arg5[%dma_start3A_342] : memref<32768xf32, #tpu.memory_space<vmem>> -> memref<512xf32, #tpu.memory_space<vmem>>
        %dma_start3A_344 = tpu.memref_slice %arg2[%add3A_122] : memref<524288xf32, #tpu.memory_space<hbm>> -> memref<512xf32, #tpu.memory_space<hbm>>
        tpu.enqueue_dma source(%dma_start3A_344 : memref<512xf32, #tpu.memory_space<hbm>>) target(%dma_start3A_343 : memref<512xf32, #tpu.memory_space<vmem>>) target_semaphore(%run_scoped3A : memref<!tpu.dma_semaphore, #tpu.memory_space<semaphore_mem>>)
        %dma_wait3A = arith.constant 29696 : i32
        %dma_wait3A_345 = tpu.memref_slice %arg5[%dma_wait3A] : memref<32768xf32, #tpu.memory_space<vmem>> -> memref<512xf32, #tpu.memory_space<vmem>>
        %dma_wait3A_346 = tpu.memref_slice %arg2[%add3A_122] : memref<524288xf32, #tpu.memory_space<hbm>> -> memref<512xf32, #tpu.memory_space<hbm>>
        %dma_wait3A_347 = arith.constant 29696 : i32
        %dma_wait3A_348 = tpu.memref_slice %arg5[%dma_wait3A_347] : memref<32768xf32, #tpu.memory_space<vmem>> -> memref<512xf32, #tpu.memory_space<vmem>>
        %dma_wait3A_349 = tpu.memref_slice %arg2[%add3A_122] : memref<524288xf32, #tpu.memory_space<hbm>> -> memref<512xf32, #tpu.memory_space<hbm>>
        tpu.wait_dma2 semaphore(%run_scoped3A : memref<!tpu.dma_semaphore, #tpu.memory_space<semaphore_mem>>) src(%dma_wait3A_349 : memref<512xf32, #tpu.memory_space<hbm>>) dst(%dma_wait3A_348 : memref<512xf32, #tpu.memory_space<vmem>>)
        tpu.yield
      }) : () -> ()
      %add3A_123 = arith.constant 483328 : i32
      %add3A_124 = arith.addi %add3A_123, %mul3A_5 : i32
      "tpu.region"() ({
        %run_scoped3A = tpu.sem_alloc : memref<!tpu.dma_semaphore, #tpu.memory_space<semaphore_mem>>
        %dma_start3A = arith.constant 30208 : i32
        %dma_start3A_340 = tpu.memref_slice %arg5[%dma_start3A] : memref<32768xf32, #tpu.memory_space<vmem>> -> memref<512xf32, #tpu.memory_space<vmem>>
        %dma_start3A_341 = tpu.memref_slice %arg2[%add3A_124] : memref<524288xf32, #tpu.memory_space<hbm>> -> memref<512xf32, #tpu.memory_space<hbm>>
        %dma_start3A_342 = arith.constant 30208 : i32
        %dma_start3A_343 = tpu.memref_slice %arg5[%dma_start3A_342] : memref<32768xf32, #tpu.memory_space<vmem>> -> memref<512xf32, #tpu.memory_space<vmem>>
        %dma_start3A_344 = tpu.memref_slice %arg2[%add3A_124] : memref<524288xf32, #tpu.memory_space<hbm>> -> memref<512xf32, #tpu.memory_space<hbm>>
        tpu.enqueue_dma source(%dma_start3A_344 : memref<512xf32, #tpu.memory_space<hbm>>) target(%dma_start3A_343 : memref<512xf32, #tpu.memory_space<vmem>>) target_semaphore(%run_scoped3A : memref<!tpu.dma_semaphore, #tpu.memory_space<semaphore_mem>>)
        %dma_wait3A = arith.constant 30208 : i32
        %dma_wait3A_345 = tpu.memref_slice %arg5[%dma_wait3A] : memref<32768xf32, #tpu.memory_space<vmem>> -> memref<512xf32, #tpu.memory_space<vmem>>
        %dma_wait3A_346 = tpu.memref_slice %arg2[%add3A_124] : memref<524288xf32, #tpu.memory_space<hbm>> -> memref<512xf32, #tpu.memory_space<hbm>>
        %dma_wait3A_347 = arith.constant 30208 : i32
        %dma_wait3A_348 = tpu.memref_slice %arg5[%dma_wait3A_347] : memref<32768xf32, #tpu.memory_space<vmem>> -> memref<512xf32, #tpu.memory_space<vmem>>
        %dma_wait3A_349 = tpu.memref_slice %arg2[%add3A_124] : memref<524288xf32, #tpu.memory_space<hbm>> -> memref<512xf32, #tpu.memory_space<hbm>>
        tpu.wait_dma2 semaphore(%run_scoped3A : memref<!tpu.dma_semaphore, #tpu.memory_space<semaphore_mem>>) src(%dma_wait3A_349 : memref<512xf32, #tpu.memory_space<hbm>>) dst(%dma_wait3A_348 : memref<512xf32, #tpu.memory_space<vmem>>)
        tpu.yield
      }) : () -> ()
      %add3A_125 = arith.constant 491520 : i32
      %add3A_126 = arith.addi %add3A_125, %mul3A_5 : i32
      "tpu.region"() ({
        %run_scoped3A = tpu.sem_alloc : memref<!tpu.dma_semaphore, #tpu.memory_space<semaphore_mem>>
        %dma_start3A = arith.constant 30720 : i32
        %dma_start3A_340 = tpu.memref_slice %arg5[%dma_start3A] : memref<32768xf32, #tpu.memory_space<vmem>> -> memref<512xf32, #tpu.memory_space<vmem>>
        %dma_start3A_341 = tpu.memref_slice %arg2[%add3A_126] : memref<524288xf32, #tpu.memory_space<hbm>> -> memref<512xf32, #tpu.memory_space<hbm>>
        %dma_start3A_342 = arith.constant 30720 : i32
        %dma_start3A_343 = tpu.memref_slice %arg5[%dma_start3A_342] : memref<32768xf32, #tpu.memory_space<vmem>> -> memref<512xf32, #tpu.memory_space<vmem>>
        %dma_start3A_344 = tpu.memref_slice %arg2[%add3A_126] : memref<524288xf32, #tpu.memory_space<hbm>> -> memref<512xf32, #tpu.memory_space<hbm>>
        tpu.enqueue_dma source(%dma_start3A_344 : memref<512xf32, #tpu.memory_space<hbm>>) target(%dma_start3A_343 : memref<512xf32, #tpu.memory_space<vmem>>) target_semaphore(%run_scoped3A : memref<!tpu.dma_semaphore, #tpu.memory_space<semaphore_mem>>)
        %dma_wait3A = arith.constant 30720 : i32
        %dma_wait3A_345 = tpu.memref_slice %arg5[%dma_wait3A] : memref<32768xf32, #tpu.memory_space<vmem>> -> memref<512xf32, #tpu.memory_space<vmem>>
        %dma_wait3A_346 = tpu.memref_slice %arg2[%add3A_126] : memref<524288xf32, #tpu.memory_space<hbm>> -> memref<512xf32, #tpu.memory_space<hbm>>
        %dma_wait3A_347 = arith.constant 30720 : i32
        %dma_wait3A_348 = tpu.memref_slice %arg5[%dma_wait3A_347] : memref<32768xf32, #tpu.memory_space<vmem>> -> memref<512xf32, #tpu.memory_space<vmem>>
        %dma_wait3A_349 = tpu.memref_slice %arg2[%add3A_126] : memref<524288xf32, #tpu.memory_space<hbm>> -> memref<512xf32, #tpu.memory_space<hbm>>
        tpu.wait_dma2 semaphore(%run_scoped3A : memref<!tpu.dma_semaphore, #tpu.memory_space<semaphore_mem>>) src(%dma_wait3A_349 : memref<512xf32, #tpu.memory_space<hbm>>) dst(%dma_wait3A_348 : memref<512xf32, #tpu.memory_space<vmem>>)
        tpu.yield
      }) : () -> ()
      %add3A_127 = arith.constant 499712 : i32
      %add3A_128 = arith.addi %add3A_127, %mul3A_5 : i32
      "tpu.region"() ({
        %run_scoped3A = tpu.sem_alloc : memref<!tpu.dma_semaphore, #tpu.memory_space<semaphore_mem>>
        %dma_start3A = arith.constant 31232 : i32
        %dma_start3A_340 = tpu.memref_slice %arg5[%dma_start3A] : memref<32768xf32, #tpu.memory_space<vmem>> -> memref<512xf32, #tpu.memory_space<vmem>>
        %dma_start3A_341 = tpu.memref_slice %arg2[%add3A_128] : memref<524288xf32, #tpu.memory_space<hbm>> -> memref<512xf32, #tpu.memory_space<hbm>>
        %dma_start3A_342 = arith.constant 31232 : i32
        %dma_start3A_343 = tpu.memref_slice %arg5[%dma_start3A_342] : memref<32768xf32, #tpu.memory_space<vmem>> -> memref<512xf32, #tpu.memory_space<vmem>>
        %dma_start3A_344 = tpu.memref_slice %arg2[%add3A_128] : memref<524288xf32, #tpu.memory_space<hbm>> -> memref<512xf32, #tpu.memory_space<hbm>>
        tpu.enqueue_dma source(%dma_start3A_344 : memref<512xf32, #tpu.memory_space<hbm>>) target(%dma_start3A_343 : memref<512xf32, #tpu.memory_space<vmem>>) target_semaphore(%run_scoped3A : memref<!tpu.dma_semaphore, #tpu.memory_space<semaphore_mem>>)
        %dma_wait3A = arith.constant 31232 : i32
        %dma_wait3A_345 = tpu.memref_slice %arg5[%dma_wait3A] : memref<32768xf32, #tpu.memory_space<vmem>> -> memref<512xf32, #tpu.memory_space<vmem>>
        %dma_wait3A_346 = tpu.memref_slice %arg2[%add3A_128] : memref<524288xf32, #tpu.memory_space<hbm>> -> memref<512xf32, #tpu.memory_space<hbm>>
        %dma_wait3A_347 = arith.constant 31232 : i32
        %dma_wait3A_348 = tpu.memref_slice %arg5[%dma_wait3A_347] : memref<32768xf32, #tpu.memory_space<vmem>> -> memref<512xf32, #tpu.memory_space<vmem>>
        %dma_wait3A_349 = tpu.memref_slice %arg2[%add3A_128] : memref<524288xf32, #tpu.memory_space<hbm>> -> memref<512xf32, #tpu.memory_space<hbm>>
        tpu.wait_dma2 semaphore(%run_scoped3A : memref<!tpu.dma_semaphore, #tpu.memory_space<semaphore_mem>>) src(%dma_wait3A_349 : memref<512xf32, #tpu.memory_space<hbm>>) dst(%dma_wait3A_348 : memref<512xf32, #tpu.memory_space<vmem>>)
        tpu.yield
      }) : () -> ()
      %add3A_129 = arith.constant 507904 : i32
      %add3A_130 = arith.addi %add3A_129, %mul3A_5 : i32
      "tpu.region"() ({
        %run_scoped3A = tpu.sem_alloc : memref<!tpu.dma_semaphore, #tpu.memory_space<semaphore_mem>>
        %dma_start3A = arith.constant 31744 : i32
        %dma_start3A_340 = tpu.memref_slice %arg5[%dma_start3A] : memref<32768xf32, #tpu.memory_space<vmem>> -> memref<512xf32, #tpu.memory_space<vmem>>
        %dma_start3A_341 = tpu.memref_slice %arg2[%add3A_130] : memref<524288xf32, #tpu.memory_space<hbm>> -> memref<512xf32, #tpu.memory_space<hbm>>
        %dma_start3A_342 = arith.constant 31744 : i32
        %dma_start3A_343 = tpu.memref_slice %arg5[%dma_start3A_342] : memref<32768xf32, #tpu.memory_space<vmem>> -> memref<512xf32, #tpu.memory_space<vmem>>
        %dma_start3A_344 = tpu.memref_slice %arg2[%add3A_130] : memref<524288xf32, #tpu.memory_space<hbm>> -> memref<512xf32, #tpu.memory_space<hbm>>
        tpu.enqueue_dma source(%dma_start3A_344 : memref<512xf32, #tpu.memory_space<hbm>>) target(%dma_start3A_343 : memref<512xf32, #tpu.memory_space<vmem>>) target_semaphore(%run_scoped3A : memref<!tpu.dma_semaphore, #tpu.memory_space<semaphore_mem>>)
        %dma_wait3A = arith.constant 31744 : i32
        %dma_wait3A_345 = tpu.memref_slice %arg5[%dma_wait3A] : memref<32768xf32, #tpu.memory_space<vmem>> -> memref<512xf32, #tpu.memory_space<vmem>>
        %dma_wait3A_346 = tpu.memref_slice %arg2[%add3A_130] : memref<524288xf32, #tpu.memory_space<hbm>> -> memref<512xf32, #tpu.memory_space<hbm>>
        %dma_wait3A_347 = arith.constant 31744 : i32
        %dma_wait3A_348 = tpu.memref_slice %arg5[%dma_wait3A_347] : memref<32768xf32, #tpu.memory_space<vmem>> -> memref<512xf32, #tpu.memory_space<vmem>>
        %dma_wait3A_349 = tpu.memref_slice %arg2[%add3A_130] : memref<524288xf32, #tpu.memory_space<hbm>> -> memref<512xf32, #tpu.memory_space<hbm>>
        tpu.wait_dma2 semaphore(%run_scoped3A : memref<!tpu.dma_semaphore, #tpu.memory_space<semaphore_mem>>) src(%dma_wait3A_349 : memref<512xf32, #tpu.memory_space<hbm>>) dst(%dma_wait3A_348 : memref<512xf32, #tpu.memory_space<vmem>>)
        tpu.yield
      }) : () -> ()
      %add3A_131 = arith.constant 516096 : i32
      %add3A_132 = arith.addi %add3A_131, %mul3A_5 : i32
      "tpu.region"() ({
        %run_scoped3A = tpu.sem_alloc : memref<!tpu.dma_semaphore, #tpu.memory_space<semaphore_mem>>
        %dma_start3A = arith.constant 32256 : i32
        %dma_start3A_340 = tpu.memref_slice %arg5[%dma_start3A] : memref<32768xf32, #tpu.memory_space<vmem>> -> memref<512xf32, #tpu.memory_space<vmem>>
        %dma_start3A_341 = tpu.memref_slice %arg2[%add3A_132] : memref<524288xf32, #tpu.memory_space<hbm>> -> memref<512xf32, #tpu.memory_space<hbm>>
        %dma_start3A_342 = arith.constant 32256 : i32
        %dma_start3A_343 = tpu.memref_slice %arg5[%dma_start3A_342] : memref<32768xf32, #tpu.memory_space<vmem>> -> memref<512xf32, #tpu.memory_space<vmem>>
        %dma_start3A_344 = tpu.memref_slice %arg2[%add3A_132] : memref<524288xf32, #tpu.memory_space<hbm>> -> memref<512xf32, #tpu.memory_space<hbm>>
        tpu.enqueue_dma source(%dma_start3A_344 : memref<512xf32, #tpu.memory_space<hbm>>) target(%dma_start3A_343 : memref<512xf32, #tpu.memory_space<vmem>>) target_semaphore(%run_scoped3A : memref<!tpu.dma_semaphore, #tpu.memory_space<semaphore_mem>>)
        %dma_wait3A = arith.constant 32256 : i32
        %dma_wait3A_345 = tpu.memref_slice %arg5[%dma_wait3A] : memref<32768xf32, #tpu.memory_space<vmem>> -> memref<512xf32, #tpu.memory_space<vmem>>
        %dma_wait3A_346 = tpu.memref_slice %arg2[%add3A_132] : memref<524288xf32, #tpu.memory_space<hbm>> -> memref<512xf32, #tpu.memory_space<hbm>>
        %dma_wait3A_347 = arith.constant 32256 : i32
        %dma_wait3A_348 = tpu.memref_slice %arg5[%dma_wait3A_347] : memref<32768xf32, #tpu.memory_space<vmem>> -> memref<512xf32, #tpu.memory_space<vmem>>
        %dma_wait3A_349 = tpu.memref_slice %arg2[%add3A_132] : memref<524288xf32, #tpu.memory_space<hbm>> -> memref<512xf32, #tpu.memory_space<hbm>>
        tpu.wait_dma2 semaphore(%run_scoped3A : memref<!tpu.dma_semaphore, #tpu.memory_space<semaphore_mem>>) src(%dma_wait3A_349 : memref<512xf32, #tpu.memory_space<hbm>>) dst(%dma_wait3A_348 : memref<512xf32, #tpu.memory_space<vmem>>)
        tpu.yield
      }) : () -> ()
      %broadcast_in_dim3A_133 = arith.constant 0.000000e+00 : f32
      %broadcast_in_dim3A_134 = vector.broadcast %broadcast_in_dim3A_133 : f32 to vector<16xf32>
      %swap3A = arith.constant 0 : index
      %swap3A_135 = tpu.vector_load %arg6[%swap3A] {strides = array<i32>} : memref<512xf32, #tpu.memory_space<vmem>>, vector<16xf32>,
      %swap3A_136 = vector.shape_cast %swap3A_135 : vector<16xf32> to vector<16xf32>
      %swap3A_137 = vector.shape_cast %broadcast_in_dim3A_134 : vector<16xf32> to vector<16xf32>
      tpu.vector_store %arg6[%swap3A], %swap3A_137 {strides = array<i32>} : memref<512xf32, #tpu.memory_space<vmem>>, vector<16xf32>,
      %broadcast_in_dim3A_138 = arith.constant 0.000000e+00 : f32
      %broadcast_in_dim3A_139 = vector.broadcast %broadcast_in_dim3A_138 : f32 to vector<16xf32>
      %swap3A_140 = arith.constant 16 : index
      %swap3A_141 = tpu.vector_load %arg6[%swap3A_140] {strides = array<i32>} : memref<512xf32, #tpu.memory_space<vmem>>, vector<16xf32>,
      %swap3A_142 = vector.shape_cast %swap3A_141 : vector<16xf32> to vector<16xf32>
      %swap3A_143 = vector.shape_cast %broadcast_in_dim3A_139 : vector<16xf32> to vector<16xf32>
      tpu.vector_store %arg6[%swap3A_140], %swap3A_143 {strides = array<i32>} : memref<512xf32, #tpu.memory_space<vmem>>, vector<16xf32>,
      %broadcast_in_dim3A_144 = arith.constant 0.000000e+00 : f32
      %broadcast_in_dim3A_145 = vector.broadcast %broadcast_in_dim3A_144 : f32 to vector<16xf32>
      %swap3A_146 = arith.constant 32 : index
      %swap3A_147 = tpu.vector_load %arg6[%swap3A_146] {strides = array<i32>} : memref<512xf32, #tpu.memory_space<vmem>>, vector<16xf32>,
      %swap3A_148 = vector.shape_cast %swap3A_147 : vector<16xf32> to vector<16xf32>
      %swap3A_149 = vector.shape_cast %broadcast_in_dim3A_145 : vector<16xf32> to vector<16xf32>
      tpu.vector_store %arg6[%swap3A_146], %swap3A_149 {strides = array<i32>} : memref<512xf32, #tpu.memory_space<vmem>>, vector<16xf32>,
      %broadcast_in_dim3A_150 = arith.constant 0.000000e+00 : f32
      %broadcast_in_dim3A_151 = vector.broadcast %broadcast_in_dim3A_150 : f32 to vector<16xf32>
      %swap3A_152 = arith.constant 48 : index
      %swap3A_153 = tpu.vector_load %arg6[%swap3A_152] {strides = array<i32>} : memref<512xf32, #tpu.memory_space<vmem>>, vector<16xf32>,
      %swap3A_154 = vector.shape_cast %swap3A_153 : vector<16xf32> to vector<16xf32>
      %swap3A_155 = vector.shape_cast %broadcast_in_dim3A_151 : vector<16xf32> to vector<16xf32>
      tpu.vector_store %arg6[%swap3A_152], %swap3A_155 {strides = array<i32>} : memref<512xf32, #tpu.memory_space<vmem>>, vector<16xf32>,
      %broadcast_in_dim3A_156 = arith.constant 0.000000e+00 : f32
      %broadcast_in_dim3A_157 = vector.broadcast %broadcast_in_dim3A_156 : f32 to vector<16xf32>
      %swap3A_158 = arith.constant 64 : index
      %swap3A_159 = tpu.vector_load %arg6[%swap3A_158] {strides = array<i32>} : memref<512xf32, #tpu.memory_space<vmem>>, vector<16xf32>,
      %swap3A_160 = vector.shape_cast %swap3A_159 : vector<16xf32> to vector<16xf32>
      %swap3A_161 = vector.shape_cast %broadcast_in_dim3A_157 : vector<16xf32> to vector<16xf32>
      tpu.vector_store %arg6[%swap3A_158], %swap3A_161 {strides = array<i32>} : memref<512xf32, #tpu.memory_space<vmem>>, vector<16xf32>,
      %broadcast_in_dim3A_162 = arith.constant 0.000000e+00 : f32
      %broadcast_in_dim3A_163 = vector.broadcast %broadcast_in_dim3A_162 : f32 to vector<16xf32>
      %swap3A_164 = arith.constant 80 : index
      %swap3A_165 = tpu.vector_load %arg6[%swap3A_164] {strides = array<i32>} : memref<512xf32, #tpu.memory_space<vmem>>, vector<16xf32>,
      %swap3A_166 = vector.shape_cast %swap3A_165 : vector<16xf32> to vector<16xf32>
      %swap3A_167 = vector.shape_cast %broadcast_in_dim3A_163 : vector<16xf32> to vector<16xf32>
      tpu.vector_store %arg6[%swap3A_164], %swap3A_167 {strides = array<i32>} : memref<512xf32, #tpu.memory_space<vmem>>, vector<16xf32>,
      %broadcast_in_dim3A_168 = arith.constant 0.000000e+00 : f32
      %broadcast_in_dim3A_169 = vector.broadcast %broadcast_in_dim3A_168 : f32 to vector<16xf32>
      %swap3A_170 = arith.constant 96 : index
      %swap3A_171 = tpu.vector_load %arg6[%swap3A_170] {strides = array<i32>} : memref<512xf32, #tpu.memory_space<vmem>>, vector<16xf32>,
      %swap3A_172 = vector.shape_cast %swap3A_171 : vector<16xf32> to vector<16xf32>
      %swap3A_173 = vector.shape_cast %broadcast_in_dim3A_169 : vector<16xf32> to vector<16xf32>
      tpu.vector_store %arg6[%swap3A_170], %swap3A_173 {strides = array<i32>} : memref<512xf32, #tpu.memory_space<vmem>>, vector<16xf32>,
      %broadcast_in_dim3A_174 = arith.constant 0.000000e+00 : f32
      %broadcast_in_dim3A_175 = vector.broadcast %broadcast_in_dim3A_174 : f32 to vector<16xf32>
      %swap3A_176 = arith.constant 112 : index
      %swap3A_177 = tpu.vector_load %arg6[%swap3A_176] {strides = array<i32>} : memref<512xf32, #tpu.memory_space<vmem>>, vector<16xf32>,
      %swap3A_178 = vector.shape_cast %swap3A_177 : vector<16xf32> to vector<16xf32>
      %swap3A_179 = vector.shape_cast %broadcast_in_dim3A_175 : vector<16xf32> to vector<16xf32>
      tpu.vector_store %arg6[%swap3A_176], %swap3A_179 {strides = array<i32>} : memref<512xf32, #tpu.memory_space<vmem>>, vector<16xf32>,
      %broadcast_in_dim3A_180 = arith.constant 0.000000e+00 : f32
      %broadcast_in_dim3A_181 = vector.broadcast %broadcast_in_dim3A_180 : f32 to vector<16xf32>
      %swap3A_182 = arith.constant 128 : index
      %swap3A_183 = tpu.vector_load %arg6[%swap3A_182] {strides = array<i32>} : memref<512xf32, #tpu.memory_space<vmem>>, vector<16xf32>,
      %swap3A_184 = vector.shape_cast %swap3A_183 : vector<16xf32> to vector<16xf32>
      %swap3A_185 = vector.shape_cast %broadcast_in_dim3A_181 : vector<16xf32> to vector<16xf32>
      tpu.vector_store %arg6[%swap3A_182], %swap3A_185 {strides = array<i32>} : memref<512xf32, #tpu.memory_space<vmem>>, vector<16xf32>,
      %broadcast_in_dim3A_186 = arith.constant 0.000000e+00 : f32
      %broadcast_in_dim3A_187 = vector.broadcast %broadcast_in_dim3A_186 : f32 to vector<16xf32>
      %swap3A_188 = arith.constant 144 : index
      %swap3A_189 = tpu.vector_load %arg6[%swap3A_188] {strides = array<i32>} : memref<512xf32, #tpu.memory_space<vmem>>, vector<16xf32>,
      %swap3A_190 = vector.shape_cast %swap3A_189 : vector<16xf32> to vector<16xf32>
      %swap3A_191 = vector.shape_cast %broadcast_in_dim3A_187 : vector<16xf32> to vector<16xf32>
      tpu.vector_store %arg6[%swap3A_188], %swap3A_191 {strides = array<i32>} : memref<512xf32, #tpu.memory_space<vmem>>, vector<16xf32>,
      %broadcast_in_dim3A_192 = arith.constant 0.000000e+00 : f32
      %broadcast_in_dim3A_193 = vector.broadcast %broadcast_in_dim3A_192 : f32 to vector<16xf32>
      %swap3A_194 = arith.constant 160 : index
      %swap3A_195 = tpu.vector_load %arg6[%swap3A_194] {strides = array<i32>} : memref<512xf32, #tpu.memory_space<vmem>>, vector<16xf32>,
      %swap3A_196 = vector.shape_cast %swap3A_195 : vector<16xf32> to vector<16xf32>
      %swap3A_197 = vector.shape_cast %broadcast_in_dim3A_193 : vector<16xf32> to vector<16xf32>
      tpu.vector_store %arg6[%swap3A_194], %swap3A_197 {strides = array<i32>} : memref<512xf32, #tpu.memory_space<vmem>>, vector<16xf32>,
      %broadcast_in_dim3A_198 = arith.constant 0.000000e+00 : f32
      %broadcast_in_dim3A_199 = vector.broadcast %broadcast_in_dim3A_198 : f32 to vector<16xf32>
      %swap3A_200 = arith.constant 176 : index
      %swap3A_201 = tpu.vector_load %arg6[%swap3A_200] {strides = array<i32>} : memref<512xf32, #tpu.memory_space<vmem>>, vector<16xf32>,
      %swap3A_202 = vector.shape_cast %swap3A_201 : vector<16xf32> to vector<16xf32>
      %swap3A_203 = vector.shape_cast %broadcast_in_dim3A_199 : vector<16xf32> to vector<16xf32>
      tpu.vector_store %arg6[%swap3A_200], %swap3A_203 {strides = array<i32>} : memref<512xf32, #tpu.memory_space<vmem>>, vector<16xf32>,
      %broadcast_in_dim3A_204 = arith.constant 0.000000e+00 : f32
      %broadcast_in_dim3A_205 = vector.broadcast %broadcast_in_dim3A_204 : f32 to vector<16xf32>
      %swap3A_206 = arith.constant 192 : index
      %swap3A_207 = tpu.vector_load %arg6[%swap3A_206] {strides = array<i32>} : memref<512xf32, #tpu.memory_space<vmem>>, vector<16xf32>,
      %swap3A_208 = vector.shape_cast %swap3A_207 : vector<16xf32> to vector<16xf32>
      %swap3A_209 = vector.shape_cast %broadcast_in_dim3A_205 : vector<16xf32> to vector<16xf32>
      tpu.vector_store %arg6[%swap3A_206], %swap3A_209 {strides = array<i32>} : memref<512xf32, #tpu.memory_space<vmem>>, vector<16xf32>,
      %broadcast_in_dim3A_210 = arith.constant 0.000000e+00 : f32
      %broadcast_in_dim3A_211 = vector.broadcast %broadcast_in_dim3A_210 : f32 to vector<16xf32>
      %swap3A_212 = arith.constant 208 : index
      %swap3A_213 = tpu.vector_load %arg6[%swap3A_212] {strides = array<i32>} : memref<512xf32, #tpu.memory_space<vmem>>, vector<16xf32>,
      %swap3A_214 = vector.shape_cast %swap3A_213 : vector<16xf32> to vector<16xf32>
      %swap3A_215 = vector.shape_cast %broadcast_in_dim3A_211 : vector<16xf32> to vector<16xf32>
      tpu.vector_store %arg6[%swap3A_212], %swap3A_215 {strides = array<i32>} : memref<512xf32, #tpu.memory_space<vmem>>, vector<16xf32>,
      %broadcast_in_dim3A_216 = arith.constant 0.000000e+00 : f32
      %broadcast_in_dim3A_217 = vector.broadcast %broadcast_in_dim3A_216 : f32 to vector<16xf32>
      %swap3A_218 = arith.constant 224 : index
      %swap3A_219 = tpu.vector_load %arg6[%swap3A_218] {strides = array<i32>} : memref<512xf32, #tpu.memory_space<vmem>>, vector<16xf32>,
      %swap3A_220 = vector.shape_cast %swap3A_219 : vector<16xf32> to vector<16xf32>
      %swap3A_221 = vector.shape_cast %broadcast_in_dim3A_217 : vector<16xf32> to vector<16xf32>
      tpu.vector_store %arg6[%swap3A_218], %swap3A_221 {strides = array<i32>} : memref<512xf32, #tpu.memory_space<vmem>>, vector<16xf32>,
      %broadcast_in_dim3A_222 = arith.constant 0.000000e+00 : f32
      %broadcast_in_dim3A_223 = vector.broadcast %broadcast_in_dim3A_222 : f32 to vector<16xf32>
      %swap3A_224 = arith.constant 240 : index
      %swap3A_225 = tpu.vector_load %arg6[%swap3A_224] {strides = array<i32>} : memref<512xf32, #tpu.memory_space<vmem>>, vector<16xf32>,
      %swap3A_226 = vector.shape_cast %swap3A_225 : vector<16xf32> to vector<16xf32>
      %swap3A_227 = vector.shape_cast %broadcast_in_dim3A_223 : vector<16xf32> to vector<16xf32>
      tpu.vector_store %arg6[%swap3A_224], %swap3A_227 {strides = array<i32>} : memref<512xf32, #tpu.memory_space<vmem>>, vector<16xf32>,
      %broadcast_in_dim3A_228 = arith.constant 0.000000e+00 : f32
      %broadcast_in_dim3A_229 = vector.broadcast %broadcast_in_dim3A_228 : f32 to vector<16xf32>
      %swap3A_230 = arith.constant 256 : index
      %swap3A_231 = tpu.vector_load %arg6[%swap3A_230] {strides = array<i32>} : memref<512xf32, #tpu.memory_space<vmem>>, vector<16xf32>,
      %swap3A_232 = vector.shape_cast %swap3A_231 : vector<16xf32> to vector<16xf32>
      %swap3A_233 = vector.shape_cast %broadcast_in_dim3A_229 : vector<16xf32> to vector<16xf32>
      tpu.vector_store %arg6[%swap3A_230], %swap3A_233 {strides = array<i32>} : memref<512xf32, #tpu.memory_space<vmem>>, vector<16xf32>,
      %broadcast_in_dim3A_234 = arith.constant 0.000000e+00 : f32
      %broadcast_in_dim3A_235 = vector.broadcast %broadcast_in_dim3A_234 : f32 to vector<16xf32>
      %swap3A_236 = arith.constant 272 : index
      %swap3A_237 = tpu.vector_load %arg6[%swap3A_236] {strides = array<i32>} : memref<512xf32, #tpu.memory_space<vmem>>, vector<16xf32>,
      %swap3A_238 = vector.shape_cast %swap3A_237 : vector<16xf32> to vector<16xf32>
      %swap3A_239 = vector.shape_cast %broadcast_in_dim3A_235 : vector<16xf32> to vector<16xf32>
      tpu.vector_store %arg6[%swap3A_236], %swap3A_239 {strides = array<i32>} : memref<512xf32, #tpu.memory_space<vmem>>, vector<16xf32>,
      %broadcast_in_dim3A_240 = arith.constant 0.000000e+00 : f32
      %broadcast_in_dim3A_241 = vector.broadcast %broadcast_in_dim3A_240 : f32 to vector<16xf32>
      %swap3A_242 = arith.constant 288 : index
      %swap3A_243 = tpu.vector_load %arg6[%swap3A_242] {strides = array<i32>} : memref<512xf32, #tpu.memory_space<vmem>>, vector<16xf32>,
      %swap3A_244 = vector.shape_cast %swap3A_243 : vector<16xf32> to vector<16xf32>
      %swap3A_245 = vector.shape_cast %broadcast_in_dim3A_241 : vector<16xf32> to vector<16xf32>
      tpu.vector_store %arg6[%swap3A_242], %swap3A_245 {strides = array<i32>} : memref<512xf32, #tpu.memory_space<vmem>>, vector<16xf32>,
      %broadcast_in_dim3A_246 = arith.constant 0.000000e+00 : f32
      %broadcast_in_dim3A_247 = vector.broadcast %broadcast_in_dim3A_246 : f32 to vector<16xf32>
      %swap3A_248 = arith.constant 304 : index
      %swap3A_249 = tpu.vector_load %arg6[%swap3A_248] {strides = array<i32>} : memref<512xf32, #tpu.memory_space<vmem>>, vector<16xf32>,
      %swap3A_250 = vector.shape_cast %swap3A_249 : vector<16xf32> to vector<16xf32>
      %swap3A_251 = vector.shape_cast %broadcast_in_dim3A_247 : vector<16xf32> to vector<16xf32>
      tpu.vector_store %arg6[%swap3A_248], %swap3A_251 {strides = array<i32>} : memref<512xf32, #tpu.memory_space<vmem>>, vector<16xf32>,
      %broadcast_in_dim3A_252 = arith.constant 0.000000e+00 : f32
      %broadcast_in_dim3A_253 = vector.broadcast %broadcast_in_dim3A_252 : f32 to vector<16xf32>
      %swap3A_254 = arith.constant 320 : index
      %swap3A_255 = tpu.vector_load %arg6[%swap3A_254] {strides = array<i32>} : memref<512xf32, #tpu.memory_space<vmem>>, vector<16xf32>,
      %swap3A_256 = vector.shape_cast %swap3A_255 : vector<16xf32> to vector<16xf32>
      %swap3A_257 = vector.shape_cast %broadcast_in_dim3A_253 : vector<16xf32> to vector<16xf32>
      tpu.vector_store %arg6[%swap3A_254], %swap3A_257 {strides = array<i32>} : memref<512xf32, #tpu.memory_space<vmem>>, vector<16xf32>,
      %broadcast_in_dim3A_258 = arith.constant 0.000000e+00 : f32
      %broadcast_in_dim3A_259 = vector.broadcast %broadcast_in_dim3A_258 : f32 to vector<16xf32>
      %swap3A_260 = arith.constant 336 : index
      %swap3A_261 = tpu.vector_load %arg6[%swap3A_260] {strides = array<i32>} : memref<512xf32, #tpu.memory_space<vmem>>, vector<16xf32>,
      %swap3A_262 = vector.shape_cast %swap3A_261 : vector<16xf32> to vector<16xf32>
      %swap3A_263 = vector.shape_cast %broadcast_in_dim3A_259 : vector<16xf32> to vector<16xf32>
      tpu.vector_store %arg6[%swap3A_260], %swap3A_263 {strides = array<i32>} : memref<512xf32, #tpu.memory_space<vmem>>, vector<16xf32>,
      %broadcast_in_dim3A_264 = arith.constant 0.000000e+00 : f32
      %broadcast_in_dim3A_265 = vector.broadcast %broadcast_in_dim3A_264 : f32 to vector<16xf32>
      %swap3A_266 = arith.constant 352 : index
      %swap3A_267 = tpu.vector_load %arg6[%swap3A_266] {strides = array<i32>} : memref<512xf32, #tpu.memory_space<vmem>>, vector<16xf32>,
      %swap3A_268 = vector.shape_cast %swap3A_267 : vector<16xf32> to vector<16xf32>
      %swap3A_269 = vector.shape_cast %broadcast_in_dim3A_265 : vector<16xf32> to vector<16xf32>
      tpu.vector_store %arg6[%swap3A_266], %swap3A_269 {strides = array<i32>} : memref<512xf32, #tpu.memory_space<vmem>>, vector<16xf32>,
      %broadcast_in_dim3A_270 = arith.constant 0.000000e+00 : f32
      %broadcast_in_dim3A_271 = vector.broadcast %broadcast_in_dim3A_270 : f32 to vector<16xf32>
      %swap3A_272 = arith.constant 368 : index
      %swap3A_273 = tpu.vector_load %arg6[%swap3A_272] {strides = array<i32>} : memref<512xf32, #tpu.memory_space<vmem>>, vector<16xf32>,
      %swap3A_274 = vector.shape_cast %swap3A_273 : vector<16xf32> to vector<16xf32>
      %swap3A_275 = vector.shape_cast %broadcast_in_dim3A_271 : vector<16xf32> to vector<16xf32>
      tpu.vector_store %arg6[%swap3A_272], %swap3A_275 {strides = array<i32>} : memref<512xf32, #tpu.memory_space<vmem>>, vector<16xf32>,
      %broadcast_in_dim3A_276 = arith.constant 0.000000e+00 : f32
      %broadcast_in_dim3A_277 = vector.broadcast %broadcast_in_dim3A_276 : f32 to vector<16xf32>
      %swap3A_278 = arith.constant 384 : index
      %swap3A_279 = tpu.vector_load %arg6[%swap3A_278] {strides = array<i32>} : memref<512xf32, #tpu.memory_space<vmem>>, vector<16xf32>,
      %swap3A_280 = vector.shape_cast %swap3A_279 : vector<16xf32> to vector<16xf32>
      %swap3A_281 = vector.shape_cast %broadcast_in_dim3A_277 : vector<16xf32> to vector<16xf32>
      tpu.vector_store %arg6[%swap3A_278], %swap3A_281 {strides = array<i32>} : memref<512xf32, #tpu.memory_space<vmem>>, vector<16xf32>,
      %broadcast_in_dim3A_282 = arith.constant 0.000000e+00 : f32
      %broadcast_in_dim3A_283 = vector.broadcast %broadcast_in_dim3A_282 : f32 to vector<16xf32>
      %swap3A_284 = arith.constant 400 : index
      %swap3A_285 = tpu.vector_load %arg6[%swap3A_284] {strides = array<i32>} : memref<512xf32, #tpu.memory_space<vmem>>, vector<16xf32>,
      %swap3A_286 = vector.shape_cast %swap3A_285 : vector<16xf32> to vector<16xf32>
      %swap3A_287 = vector.shape_cast %broadcast_in_dim3A_283 : vector<16xf32> to vector<16xf32>
      tpu.vector_store %arg6[%swap3A_284], %swap3A_287 {strides = array<i32>} : memref<512xf32, #tpu.memory_space<vmem>>, vector<16xf32>,
      %broadcast_in_dim3A_288 = arith.constant 0.000000e+00 : f32
      %broadcast_in_dim3A_289 = vector.broadcast %broadcast_in_dim3A_288 : f32 to vector<16xf32>
      %swap3A_290 = arith.constant 416 : index
      %swap3A_291 = tpu.vector_load %arg6[%swap3A_290] {strides = array<i32>} : memref<512xf32, #tpu.memory_space<vmem>>, vector<16xf32>,
      %swap3A_292 = vector.shape_cast %swap3A_291 : vector<16xf32> to vector<16xf32>
      %swap3A_293 = vector.shape_cast %broadcast_in_dim3A_289 : vector<16xf32> to vector<16xf32>
      tpu.vector_store %arg6[%swap3A_290], %swap3A_293 {strides = array<i32>} : memref<512xf32, #tpu.memory_space<vmem>>, vector<16xf32>,
      %broadcast_in_dim3A_294 = arith.constant 0.000000e+00 : f32
      %broadcast_in_dim3A_295 = vector.broadcast %broadcast_in_dim3A_294 : f32 to vector<16xf32>
      %swap3A_296 = arith.constant 432 : index
      %swap3A_297 = tpu.vector_load %arg6[%swap3A_296] {strides = array<i32>} : memref<512xf32, #tpu.memory_space<vmem>>, vector<16xf32>,
      %swap3A_298 = vector.shape_cast %swap3A_297 : vector<16xf32> to vector<16xf32>
      %swap3A_299 = vector.shape_cast %broadcast_in_dim3A_295 : vector<16xf32> to vector<16xf32>
      tpu.vector_store %arg6[%swap3A_296], %swap3A_299 {strides = array<i32>} : memref<512xf32, #tpu.memory_space<vmem>>, vector<16xf32>,
      %broadcast_in_dim3A_300 = arith.constant 0.000000e+00 : f32
      %broadcast_in_dim3A_301 = vector.broadcast %broadcast_in_dim3A_300 : f32 to vector<16xf32>
      %swap3A_302 = arith.constant 448 : index
      %swap3A_303 = tpu.vector_load %arg6[%swap3A_302] {strides = array<i32>} : memref<512xf32, #tpu.memory_space<vmem>>, vector<16xf32>,
      %swap3A_304 = vector.shape_cast %swap3A_303 : vector<16xf32> to vector<16xf32>
      %swap3A_305 = vector.shape_cast %broadcast_in_dim3A_301 : vector<16xf32> to vector<16xf32>
      tpu.vector_store %arg6[%swap3A_302], %swap3A_305 {strides = array<i32>} : memref<512xf32, #tpu.memory_space<vmem>>, vector<16xf32>,
      %broadcast_in_dim3A_306 = arith.constant 0.000000e+00 : f32
      %broadcast_in_dim3A_307 = vector.broadcast %broadcast_in_dim3A_306 : f32 to vector<16xf32>
      %swap3A_308 = arith.constant 464 : index
      %swap3A_309 = tpu.vector_load %arg6[%swap3A_308] {strides = array<i32>} : memref<512xf32, #tpu.memory_space<vmem>>, vector<16xf32>,
      %swap3A_310 = vector.shape_cast %swap3A_309 : vector<16xf32> to vector<16xf32>
      %swap3A_311 = vector.shape_cast %broadcast_in_dim3A_307 : vector<16xf32> to vector<16xf32>
      tpu.vector_store %arg6[%swap3A_308], %swap3A_311 {strides = array<i32>} : memref<512xf32, #tpu.memory_space<vmem>>, vector<16xf32>,
      %broadcast_in_dim3A_312 = arith.constant 0.000000e+00 : f32
      %broadcast_in_dim3A_313 = vector.broadcast %broadcast_in_dim3A_312 : f32 to vector<16xf32>
      %swap3A_314 = arith.constant 480 : index
      %swap3A_315 = tpu.vector_load %arg6[%swap3A_314] {strides = array<i32>} : memref<512xf32, #tpu.memory_space<vmem>>, vector<16xf32>,
      %swap3A_316 = vector.shape_cast %swap3A_315 : vector<16xf32> to vector<16xf32>
      %swap3A_317 = vector.shape_cast %broadcast_in_dim3A_313 : vector<16xf32> to vector<16xf32>
      tpu.vector_store %arg6[%swap3A_314], %swap3A_317 {strides = array<i32>} : memref<512xf32, #tpu.memory_space<vmem>>, vector<16xf32>,
      %broadcast_in_dim3A_318 = arith.constant 0.000000e+00 : f32
      %broadcast_in_dim3A_319 = vector.broadcast %broadcast_in_dim3A_318 : f32 to vector<16xf32>
      %swap3A_320 = arith.constant 496 : index
      %swap3A_321 = tpu.vector_load %arg6[%swap3A_320] {strides = array<i32>} : memref<512xf32, #tpu.memory_space<vmem>>, vector<16xf32>,
      %swap3A_322 = vector.shape_cast %swap3A_321 : vector<16xf32> to vector<16xf32>
      %swap3A_323 = vector.shape_cast %broadcast_in_dim3A_319 : vector<16xf32> to vector<16xf32>
      tpu.vector_store %arg6[%swap3A_320], %swap3A_323 {strides = array<i32>} : memref<512xf32, #tpu.memory_space<vmem>>, vector<16xf32>,
      %broadcast_in_dim3A_324 = arith.constant 0 : i32
      %broadcast_in_dim3A_325 = vector.broadcast %broadcast_in_dim3A_324 : i32 to vector<16xi32>
      %broadcast_in_dim3A_326 = arith.constant -1 : i32
      %broadcast_in_dim3A_327 = vector.broadcast %broadcast_in_dim3A_326 : i32 to vector<16xi32>
      %broadcast_in_dim3A_328 = arith.constant 0.000000e+00 : f32
      %broadcast_in_dim3A_329 = vector.broadcast %broadcast_in_dim3A_328 : f32 to vector<16xf32>
      %scan3A = arith.constant 0 : i32
      %scan3A_330 = arith.constant 64 : i32
      %scan3A_331 = arith.addi %scan3A, %scan3A_330 : i32
      %scan3A_332 = arith.constant 1 : i32
      %scan3A_333:3 = scf.for %scan3A_340 = %scan3A to %scan3A_331 step %scan3A_332 iter_args(%scan3A_341 = %broadcast_in_dim3A_325, %scan3A_342 = %broadcast_in_dim3A_327, %scan3A_343 = %broadcast_in_dim3A_329) -> (vector<16xi32>, vector<16xi32>, vector<16xf32>)  : i32 {
        %broadcast_in_dim3A_344 = arith.constant 0x7F800000 : f32
        %broadcast_in_dim3A_345 = vector.broadcast %broadcast_in_dim3A_344 : f32 to vector<16xf32>
        %broadcast_in_dim3A_346 = arith.constant 0 : i32
        %broadcast_in_dim3A_347 = vector.broadcast %broadcast_in_dim3A_346 : i32 to vector<16xi32>
        %scan3A_348 = arith.constant 0 : i32
        %scan3A_349 = arith.constant 32 : i32
        %scan3A_350 = arith.addi %scan3A_348, %scan3A_349 : i32
        %scan3A_351 = arith.constant 1 : i32
        %scan3A_352:2 = scf.for %scan3A_379 = %scan3A_348 to %scan3A_350 step %scan3A_351 iter_args(%scan3A_380 = %broadcast_in_dim3A_345, %scan3A_381 = %broadcast_in_dim3A_347) -> (vector<16xf32>, vector<16xi32>)  : i32 {
          %mul3A_382 = arith.constant 512 : i32
          %mul3A_383 = arith.muli %scan3A_340, %mul3A_382 : i32
          %mul3A_384 = arith.constant 16 : i32
          %mul3A_385 = arith.muli %scan3A_379, %mul3A_384 : i32
          %add3A_386 = arith.addi %mul3A_383, %mul3A_385 : i32
          %get3A_387 = arith.index_cast %add3A_386 : i32 to index
          %get3A_388 = tpu.vector_load %arg5[%get3A_387] {strides = array<i32>} : memref<32768xf32, #tpu.memory_space<vmem>>, vector<16xf32>,
          %get3A_389 = vector.shape_cast %get3A_388 : vector<16xf32> to vector<16xf32>
          %mul3A_390 = arith.constant 16 : i32
          %mul3A_391 = arith.muli %scan3A_379, %mul3A_390 : i32
          %add3A_392 = arith.addi %mul3A_5, %mul3A_391 : i32
          %add3A_393 = vector.broadcast %add3A_392 : i32 to vector<16xi32>
          %add3A_394 = arith.addi %add3A_393, %iota3A : vector<16xi32>
          %mul3A_395 = arith.constant 16 : i32
          %mul3A_396 = arith.muli %scan3A_379, %mul3A_395 : i32
          %get3A_397 = arith.index_cast %mul3A_396 : i32 to index
          %get3A_398 = tpu.vector_load %arg6[%get3A_397] {strides = array<i32>} : memref<512xf32, #tpu.memory_space<vmem>>, vector<16xf32>,
          %get3A_399 = vector.shape_cast %get3A_398 : vector<16xf32> to vector<16xf32>
          %eq3A_400 = arith.cmpi eq, %add3A_394, %scan3A_342 : vector<16xi32>
          %select_n3A = arith.select %eq3A_400, %broadcast_in_dim3A_0, %get3A_399 : vector<16xi1>, vector<16xf32>
          %mul3A_401 = arith.constant 16 : i32
          %mul3A_402 = arith.muli %scan3A_379, %mul3A_401 : i32
          %swap3A_403 = arith.index_cast %mul3A_402 : i32 to index
          %swap3A_404 = tpu.vector_load %arg6[%swap3A_403] {strides = array<i32>} : memref<512xf32, #tpu.memory_space<vmem>>, vector<16xf32>,
          %swap3A_405 = vector.shape_cast %swap3A_404 : vector<16xf32> to vector<16xf32>
          %swap3A_406 = vector.shape_cast %select_n3A : vector<16xf32> to vector<16xf32>
          tpu.vector_store %arg6[%swap3A_403], %swap3A_406 {strides = array<i32>} : memref<512xf32, #tpu.memory_space<vmem>>, vector<16xf32>,
          %gt3A = arith.constant 0.000000e+00 : f32
          %gt3A_407 = vector.broadcast %gt3A : f32 to vector<16xf32>
          %gt3A_408 = arith.cmpf ogt, %select_n3A, %gt3A_407 : vector<16xf32>
          %jit3A = arith.constant 9.999900e+04 : f32
          %broadcast_in_dim3A_409 = vector.broadcast %jit3A : f32 to vector<16xf32>
          %select_n3A_410 = arith.select %gt3A_408, %broadcast_in_dim3A_409, %get3A_389 : vector<16xi1>, vector<16xf32>
          %lt3A = arith.cmpf olt, %select_n3A_410, %scan3A_380 : vector<16xf32>
          %select_n3A_411 = arith.select %lt3A, %select_n3A_410, %scan3A_380 : vector<16xi1>, vector<16xf32>
          %select_n3A_412 = arith.select %lt3A, %add3A_394, %scan3A_381 : vector<16xi1>, vector<16xi32>
          scf.yield %select_n3A_411, %select_n3A_412 : vector<16xf32>, vector<16xi32>
        }
        %scan3A_353 = arith.constant 32 : i32
        %swap3A_354 = arith.constant 0 : index
        %swap3A_355 = tpu.vector_load %arg7[%swap3A_354] {strides = array<i32>} : memref<16xf32, #tpu.memory_space<vmem>>, vector<16xf32>,
        %swap3A_356 = vector.shape_cast %swap3A_355 : vector<16xf32> to vector<16xf32>
        %swap3A_357 = vector.shape_cast %scan3A_352#0 : vector<16xf32> to vector<16xf32>
        tpu.vector_store %arg7[%swap3A_354], %swap3A_357 {strides = array<i32>} : memref<16xf32, #tpu.memory_space<vmem>>, vector<16xf32>,
        %swap3A_358 = arith.constant 0 : index
        %swap3A_359 = tpu.vector_load %arg8[%swap3A_358] {strides = array<i32>} : memref<16xi32, #tpu.memory_space<vmem>>, vector<16xi32>,
        %swap3A_360 = vector.shape_cast %swap3A_359 : vector<16xi32> to vector<16xi32>
        %swap3A_361 = vector.shape_cast %scan3A_352#1 : vector<16xi32> to vector<16xi32>
        tpu.vector_store %arg8[%swap3A_358], %swap3A_361 {strides = array<i32>} : memref<16xi32, #tpu.memory_space<vmem>>, vector<16xi32>,
        %mul3A_362 = arith.constant 16 : i32
        %mul3A_363 = arith.muli %arg1, %mul3A_362 : i32
        "tpu.region"() ({
          %run_scoped3A = tpu.sem_alloc : memref<!tpu.dma_semaphore, #tpu.memory_space<semaphore_mem>>
          %dma_start3A = tpu.memref_slice %arg14[%mul3A_363] : memref<256xf32, #tpu.memory_space<vmem_shared>> -> memref<16xf32, #tpu.memory_space<vmem_shared>>
          %dma_start3A_379 = tpu.memref_slice %arg14[%mul3A_363] : memref<256xf32, #tpu.memory_space<vmem_shared>> -> memref<16xf32, #tpu.memory_space<vmem_shared>>
          tpu.enqueue_dma source(%arg7 : memref<16xf32, #tpu.memory_space<vmem>>) target(%dma_start3A_379 : memref<16xf32, #tpu.memory_space<vmem_shared>>) target_semaphore(%run_scoped3A : memref<!tpu.dma_semaphore, #tpu.memory_space<semaphore_mem>>)
          %dma_wait3A = tpu.memref_slice %arg14[%mul3A_363] : memref<256xf32, #tpu.memory_space<vmem_shared>> -> memref<16xf32, #tpu.memory_space<vmem_shared>>
          %dma_wait3A_380 = tpu.memref_slice %arg14[%mul3A_363] : memref<256xf32, #tpu.memory_space<vmem_shared>> -> memref<16xf32, #tpu.memory_space<vmem_shared>>
          tpu.wait_dma2 semaphore(%run_scoped3A : memref<!tpu.dma_semaphore, #tpu.memory_space<semaphore_mem>>) src(%arg7 : memref<16xf32, #tpu.memory_space<vmem>>) dst(%dma_wait3A_380 : memref<16xf32, #tpu.memory_space<vmem_shared>>)
          tpu.yield
        }) : () -> ()
        %mul3A_364 = arith.constant 16 : i32
        %mul3A_365 = arith.muli %arg1, %mul3A_364 : i32
        "tpu.region"() ({
          %run_scoped3A = tpu.sem_alloc : memref<!tpu.dma_semaphore, #tpu.memory_space<semaphore_mem>>
          %dma_start3A = tpu.memref_slice %arg15[%mul3A_365] : memref<256xi32, #tpu.memory_space<vmem_shared>> -> memref<16xi32, #tpu.memory_space<vmem_shared>>
          %dma_start3A_379 = tpu.memref_slice %arg15[%mul3A_365] : memref<256xi32, #tpu.memory_space<vmem_shared>> -> memref<16xi32, #tpu.memory_space<vmem_shared>>
          tpu.enqueue_dma source(%arg8 : memref<16xi32, #tpu.memory_space<vmem>>) target(%dma_start3A_379 : memref<16xi32, #tpu.memory_space<vmem_shared>>) target_semaphore(%run_scoped3A : memref<!tpu.dma_semaphore, #tpu.memory_space<semaphore_mem>>)
          %dma_wait3A = tpu.memref_slice %arg15[%mul3A_365] : memref<256xi32, #tpu.memory_space<vmem_shared>> -> memref<16xi32, #tpu.memory_space<vmem_shared>>
          %dma_wait3A_380 = tpu.memref_slice %arg15[%mul3A_365] : memref<256xi32, #tpu.memory_space<vmem_shared>> -> memref<16xi32, #tpu.memory_space<vmem_shared>>
          tpu.wait_dma2 semaphore(%run_scoped3A : memref<!tpu.dma_semaphore, #tpu.memory_space<semaphore_mem>>) src(%arg8 : memref<16xi32, #tpu.memory_space<vmem>>) dst(%dma_wait3A_380 : memref<16xi32, #tpu.memory_space<vmem_shared>>)
          tpu.yield
        }) : () -> ()
        %barrier3A = arith.constant 0 : index
        tpu.barrier barrier_id(%barrier3A)
        %eq3A_366 = arith.constant 0 : i32
        %eq3A_367 = arith.cmpi eq, %arg1, %eq3A_366 : i32
        %convert_element_type3A_368 = arith.extui %eq3A_367 : i1 to i32
        %cond3A_369 = arith.constant 0 : i32
        %cond3A_370 = arith.cmpi ne, %convert_element_type3A_368, %cond3A_369 : i32
        scf.if %cond3A_370 {
          "tpu.region"() ({
            %run_scoped3A = tpu.sem_alloc : memref<!tpu.dma_semaphore, #tpu.memory_space<semaphore_mem>>
            %dma_start3A = arith.constant 0 : i32
            %dma_start3A_557 = tpu.memref_slice %arg9[%dma_start3A] : memref<256xf32, #tpu.memory_space<vmem>> -> memref<16xf32, #tpu.memory_space<vmem>>
            %dma_start3A_558 = arith.constant 0 : i32
            %dma_start3A_559 = tpu.memref_slice %arg14[%dma_start3A_558] : memref<256xf32, #tpu.memory_space<vmem_shared>> -> memref<16xf32, #tpu.memory_space<vmem_shared>>
            %dma_start3A_560 = arith.constant 0 : i32
            %dma_start3A_561 = tpu.memref_slice %arg9[%dma_start3A_560] : memref<256xf32, #tpu.memory_space<vmem>> -> memref<16xf32, #tpu.memory_space<vmem>>
            %dma_start3A_562 = arith.constant 0 : i32
            %dma_start3A_563 = tpu.memref_slice %arg14[%dma_start3A_562] : memref<256xf32, #tpu.memory_space<vmem_shared>> -> memref<16xf32, #tpu.memory_space<vmem_shared>>
            tpu.enqueue_dma source(%dma_start3A_563 : memref<16xf32, #tpu.memory_space<vmem_shared>>) target(%dma_start3A_561 : memref<16xf32, #tpu.memory_space<vmem>>) target_semaphore(%run_scoped3A : memref<!tpu.dma_semaphore, #tpu.memory_space<semaphore_mem>>)
            %dma_wait3A = arith.constant 0 : i32
            %dma_wait3A_564 = tpu.memref_slice %arg9[%dma_wait3A] : memref<256xf32, #tpu.memory_space<vmem>> -> memref<16xf32, #tpu.memory_space<vmem>>
            %dma_wait3A_565 = arith.constant 0 : i32
            %dma_wait3A_566 = tpu.memref_slice %arg14[%dma_wait3A_565] : memref<256xf32, #tpu.memory_space<vmem_shared>> -> memref<16xf32, #tpu.memory_space<vmem_shared>>
            %dma_wait3A_567 = arith.constant 0 : i32
            %dma_wait3A_568 = tpu.memref_slice %arg9[%dma_wait3A_567] : memref<256xf32, #tpu.memory_space<vmem>> -> memref<16xf32, #tpu.memory_space<vmem>>
            %dma_wait3A_569 = arith.constant 0 : i32
            %dma_wait3A_570 = tpu.memref_slice %arg14[%dma_wait3A_569] : memref<256xf32, #tpu.memory_space<vmem_shared>> -> memref<16xf32, #tpu.memory_space<vmem_shared>>
            tpu.wait_dma2 semaphore(%run_scoped3A : memref<!tpu.dma_semaphore, #tpu.memory_space<semaphore_mem>>) src(%dma_wait3A_570 : memref<16xf32, #tpu.memory_space<vmem_shared>>) dst(%dma_wait3A_568 : memref<16xf32, #tpu.memory_space<vmem>>)
            tpu.yield
          }) : () -> ()
          "tpu.region"() ({
            %run_scoped3A = tpu.sem_alloc : memref<!tpu.dma_semaphore, #tpu.memory_space<semaphore_mem>>
            %dma_start3A = arith.constant 0 : i32
            %dma_start3A_557 = tpu.memref_slice %arg10[%dma_start3A] : memref<256xi32, #tpu.memory_space<vmem>> -> memref<16xi32, #tpu.memory_space<vmem>>
            %dma_start3A_558 = arith.constant 0 : i32
            %dma_start3A_559 = tpu.memref_slice %arg15[%dma_start3A_558] : memref<256xi32, #tpu.memory_space<vmem_shared>> -> memref<16xi32, #tpu.memory_space<vmem_shared>>
            %dma_start3A_560 = arith.constant 0 : i32
            %dma_start3A_561 = tpu.memref_slice %arg10[%dma_start3A_560] : memref<256xi32, #tpu.memory_space<vmem>> -> memref<16xi32, #tpu.memory_space<vmem>>
            %dma_start3A_562 = arith.constant 0 : i32
            %dma_start3A_563 = tpu.memref_slice %arg15[%dma_start3A_562] : memref<256xi32, #tpu.memory_space<vmem_shared>> -> memref<16xi32, #tpu.memory_space<vmem_shared>>
            tpu.enqueue_dma source(%dma_start3A_563 : memref<16xi32, #tpu.memory_space<vmem_shared>>) target(%dma_start3A_561 : memref<16xi32, #tpu.memory_space<vmem>>) target_semaphore(%run_scoped3A : memref<!tpu.dma_semaphore, #tpu.memory_space<semaphore_mem>>)
            %dma_wait3A = arith.constant 0 : i32
            %dma_wait3A_564 = tpu.memref_slice %arg10[%dma_wait3A] : memref<256xi32, #tpu.memory_space<vmem>> -> memref<16xi32, #tpu.memory_space<vmem>>
            %dma_wait3A_565 = arith.constant 0 : i32
            %dma_wait3A_566 = tpu.memref_slice %arg15[%dma_wait3A_565] : memref<256xi32, #tpu.memory_space<vmem_shared>> -> memref<16xi32, #tpu.memory_space<vmem_shared>>
            %dma_wait3A_567 = arith.constant 0 : i32
            %dma_wait3A_568 = tpu.memref_slice %arg10[%dma_wait3A_567] : memref<256xi32, #tpu.memory_space<vmem>> -> memref<16xi32, #tpu.memory_space<vmem>>
            %dma_wait3A_569 = arith.constant 0 : i32
            %dma_wait3A_570 = tpu.memref_slice %arg15[%dma_wait3A_569] : memref<256xi32, #tpu.memory_space<vmem_shared>> -> memref<16xi32, #tpu.memory_space<vmem_shared>>
            tpu.wait_dma2 semaphore(%run_scoped3A : memref<!tpu.dma_semaphore, #tpu.memory_space<semaphore_mem>>) src(%dma_wait3A_570 : memref<16xi32, #tpu.memory_space<vmem_shared>>) dst(%dma_wait3A_568 : memref<16xi32, #tpu.memory_space<vmem>>)
            tpu.yield
          }) : () -> ()
          "tpu.region"() ({
            %run_scoped3A = tpu.sem_alloc : memref<!tpu.dma_semaphore, #tpu.memory_space<semaphore_mem>>
            %dma_start3A = arith.constant 16 : i32
            %dma_start3A_557 = tpu.memref_slice %arg9[%dma_start3A] : memref<256xf32, #tpu.memory_space<vmem>> -> memref<16xf32, #tpu.memory_space<vmem>>
            %dma_start3A_558 = arith.constant 16 : i32
            %dma_start3A_559 = tpu.memref_slice %arg14[%dma_start3A_558] : memref<256xf32, #tpu.memory_space<vmem_shared>> -> memref<16xf32, #tpu.memory_space<vmem_shared>>
            %dma_start3A_560 = arith.constant 16 : i32
            %dma_start3A_561 = tpu.memref_slice %arg9[%dma_start3A_560] : memref<256xf32, #tpu.memory_space<vmem>> -> memref<16xf32, #tpu.memory_space<vmem>>
            %dma_start3A_562 = arith.constant 16 : i32
            %dma_start3A_563 = tpu.memref_slice %arg14[%dma_start3A_562] : memref<256xf32, #tpu.memory_space<vmem_shared>> -> memref<16xf32, #tpu.memory_space<vmem_shared>>
            tpu.enqueue_dma source(%dma_start3A_563 : memref<16xf32, #tpu.memory_space<vmem_shared>>) target(%dma_start3A_561 : memref<16xf32, #tpu.memory_space<vmem>>) target_semaphore(%run_scoped3A : memref<!tpu.dma_semaphore, #tpu.memory_space<semaphore_mem>>)
            %dma_wait3A = arith.constant 16 : i32
            %dma_wait3A_564 = tpu.memref_slice %arg9[%dma_wait3A] : memref<256xf32, #tpu.memory_space<vmem>> -> memref<16xf32, #tpu.memory_space<vmem>>
            %dma_wait3A_565 = arith.constant 16 : i32
            %dma_wait3A_566 = tpu.memref_slice %arg14[%dma_wait3A_565] : memref<256xf32, #tpu.memory_space<vmem_shared>> -> memref<16xf32, #tpu.memory_space<vmem_shared>>
            %dma_wait3A_567 = arith.constant 16 : i32
            %dma_wait3A_568 = tpu.memref_slice %arg9[%dma_wait3A_567] : memref<256xf32, #tpu.memory_space<vmem>> -> memref<16xf32, #tpu.memory_space<vmem>>
            %dma_wait3A_569 = arith.constant 16 : i32
            %dma_wait3A_570 = tpu.memref_slice %arg14[%dma_wait3A_569] : memref<256xf32, #tpu.memory_space<vmem_shared>> -> memref<16xf32, #tpu.memory_space<vmem_shared>>
            tpu.wait_dma2 semaphore(%run_scoped3A : memref<!tpu.dma_semaphore, #tpu.memory_space<semaphore_mem>>) src(%dma_wait3A_570 : memref<16xf32, #tpu.memory_space<vmem_shared>>) dst(%dma_wait3A_568 : memref<16xf32, #tpu.memory_space<vmem>>)
            tpu.yield
          }) : () -> ()
          "tpu.region"() ({
            %run_scoped3A = tpu.sem_alloc : memref<!tpu.dma_semaphore, #tpu.memory_space<semaphore_mem>>
            %dma_start3A = arith.constant 16 : i32
            %dma_start3A_557 = tpu.memref_slice %arg10[%dma_start3A] : memref<256xi32, #tpu.memory_space<vmem>> -> memref<16xi32, #tpu.memory_space<vmem>>
            %dma_start3A_558 = arith.constant 16 : i32
            %dma_start3A_559 = tpu.memref_slice %arg15[%dma_start3A_558] : memref<256xi32, #tpu.memory_space<vmem_shared>> -> memref<16xi32, #tpu.memory_space<vmem_shared>>
            %dma_start3A_560 = arith.constant 16 : i32
            %dma_start3A_561 = tpu.memref_slice %arg10[%dma_start3A_560] : memref<256xi32, #tpu.memory_space<vmem>> -> memref<16xi32, #tpu.memory_space<vmem>>
            %dma_start3A_562 = arith.constant 16 : i32
            %dma_start3A_563 = tpu.memref_slice %arg15[%dma_start3A_562] : memref<256xi32, #tpu.memory_space<vmem_shared>> -> memref<16xi32, #tpu.memory_space<vmem_shared>>
            tpu.enqueue_dma source(%dma_start3A_563 : memref<16xi32, #tpu.memory_space<vmem_shared>>) target(%dma_start3A_561 : memref<16xi32, #tpu.memory_space<vmem>>) target_semaphore(%run_scoped3A : memref<!tpu.dma_semaphore, #tpu.memory_space<semaphore_mem>>)
            %dma_wait3A = arith.constant 16 : i32
            %dma_wait3A_564 = tpu.memref_slice %arg10[%dma_wait3A] : memref<256xi32, #tpu.memory_space<vmem>> -> memref<16xi32, #tpu.memory_space<vmem>>
            %dma_wait3A_565 = arith.constant 16 : i32
            %dma_wait3A_566 = tpu.memref_slice %arg15[%dma_wait3A_565] : memref<256xi32, #tpu.memory_space<vmem_shared>> -> memref<16xi32, #tpu.memory_space<vmem_shared>>
            %dma_wait3A_567 = arith.constant 16 : i32
            %dma_wait3A_568 = tpu.memref_slice %arg10[%dma_wait3A_567] : memref<256xi32, #tpu.memory_space<vmem>> -> memref<16xi32, #tpu.memory_space<vmem>>
            %dma_wait3A_569 = arith.constant 16 : i32
            %dma_wait3A_570 = tpu.memref_slice %arg15[%dma_wait3A_569] : memref<256xi32, #tpu.memory_space<vmem_shared>> -> memref<16xi32, #tpu.memory_space<vmem_shared>>
            tpu.wait_dma2 semaphore(%run_scoped3A : memref<!tpu.dma_semaphore, #tpu.memory_space<semaphore_mem>>) src(%dma_wait3A_570 : memref<16xi32, #tpu.memory_space<vmem_shared>>) dst(%dma_wait3A_568 : memref<16xi32, #tpu.memory_space<vmem>>)
            tpu.yield
          }) : () -> ()
          "tpu.region"() ({
            %run_scoped3A = tpu.sem_alloc : memref<!tpu.dma_semaphore, #tpu.memory_space<semaphore_mem>>
            %dma_start3A = arith.constant 32 : i32
            %dma_start3A_557 = tpu.memref_slice %arg9[%dma_start3A] : memref<256xf32, #tpu.memory_space<vmem>> -> memref<16xf32, #tpu.memory_space<vmem>>
            %dma_start3A_558 = arith.constant 32 : i32
            %dma_start3A_559 = tpu.memref_slice %arg14[%dma_start3A_558] : memref<256xf32, #tpu.memory_space<vmem_shared>> -> memref<16xf32, #tpu.memory_space<vmem_shared>>
            %dma_start3A_560 = arith.constant 32 : i32
            %dma_start3A_561 = tpu.memref_slice %arg9[%dma_start3A_560] : memref<256xf32, #tpu.memory_space<vmem>> -> memref<16xf32, #tpu.memory_space<vmem>>
            %dma_start3A_562 = arith.constant 32 : i32
            %dma_start3A_563 = tpu.memref_slice %arg14[%dma_start3A_562] : memref<256xf32, #tpu.memory_space<vmem_shared>> -> memref<16xf32, #tpu.memory_space<vmem_shared>>
            tpu.enqueue_dma source(%dma_start3A_563 : memref<16xf32, #tpu.memory_space<vmem_shared>>) target(%dma_start3A_561 : memref<16xf32, #tpu.memory_space<vmem>>) target_semaphore(%run_scoped3A : memref<!tpu.dma_semaphore, #tpu.memory_space<semaphore_mem>>)
            %dma_wait3A = arith.constant 32 : i32
            %dma_wait3A_564 = tpu.memref_slice %arg9[%dma_wait3A] : memref<256xf32, #tpu.memory_space<vmem>> -> memref<16xf32, #tpu.memory_space<vmem>>
            %dma_wait3A_565 = arith.constant 32 : i32
            %dma_wait3A_566 = tpu.memref_slice %arg14[%dma_wait3A_565] : memref<256xf32, #tpu.memory_space<vmem_shared>> -> memref<16xf32, #tpu.memory_space<vmem_shared>>
            %dma_wait3A_567 = arith.constant 32 : i32
            %dma_wait3A_568 = tpu.memref_slice %arg9[%dma_wait3A_567] : memref<256xf32, #tpu.memory_space<vmem>> -> memref<16xf32, #tpu.memory_space<vmem>>
            %dma_wait3A_569 = arith.constant 32 : i32
            %dma_wait3A_570 = tpu.memref_slice %arg14[%dma_wait3A_569] : memref<256xf32, #tpu.memory_space<vmem_shared>> -> memref<16xf32, #tpu.memory_space<vmem_shared>>
            tpu.wait_dma2 semaphore(%run_scoped3A : memref<!tpu.dma_semaphore, #tpu.memory_space<semaphore_mem>>) src(%dma_wait3A_570 : memref<16xf32, #tpu.memory_space<vmem_shared>>) dst(%dma_wait3A_568 : memref<16xf32, #tpu.memory_space<vmem>>)
            tpu.yield
          }) : () -> ()
          "tpu.region"() ({
            %run_scoped3A = tpu.sem_alloc : memref<!tpu.dma_semaphore, #tpu.memory_space<semaphore_mem>>
            %dma_start3A = arith.constant 32 : i32
            %dma_start3A_557 = tpu.memref_slice %arg10[%dma_start3A] : memref<256xi32, #tpu.memory_space<vmem>> -> memref<16xi32, #tpu.memory_space<vmem>>
            %dma_start3A_558 = arith.constant 32 : i32
            %dma_start3A_559 = tpu.memref_slice %arg15[%dma_start3A_558] : memref<256xi32, #tpu.memory_space<vmem_shared>> -> memref<16xi32, #tpu.memory_space<vmem_shared>>
            %dma_start3A_560 = arith.constant 32 : i32
            %dma_start3A_561 = tpu.memref_slice %arg10[%dma_start3A_560] : memref<256xi32, #tpu.memory_space<vmem>> -> memref<16xi32, #tpu.memory_space<vmem>>
            %dma_start3A_562 = arith.constant 32 : i32
            %dma_start3A_563 = tpu.memref_slice %arg15[%dma_start3A_562] : memref<256xi32, #tpu.memory_space<vmem_shared>> -> memref<16xi32, #tpu.memory_space<vmem_shared>>
            tpu.enqueue_dma source(%dma_start3A_563 : memref<16xi32, #tpu.memory_space<vmem_shared>>) target(%dma_start3A_561 : memref<16xi32, #tpu.memory_space<vmem>>) target_semaphore(%run_scoped3A : memref<!tpu.dma_semaphore, #tpu.memory_space<semaphore_mem>>)
            %dma_wait3A = arith.constant 32 : i32
            %dma_wait3A_564 = tpu.memref_slice %arg10[%dma_wait3A] : memref<256xi32, #tpu.memory_space<vmem>> -> memref<16xi32, #tpu.memory_space<vmem>>
            %dma_wait3A_565 = arith.constant 32 : i32
            %dma_wait3A_566 = tpu.memref_slice %arg15[%dma_wait3A_565] : memref<256xi32, #tpu.memory_space<vmem_shared>> -> memref<16xi32, #tpu.memory_space<vmem_shared>>
            %dma_wait3A_567 = arith.constant 32 : i32
            %dma_wait3A_568 = tpu.memref_slice %arg10[%dma_wait3A_567] : memref<256xi32, #tpu.memory_space<vmem>> -> memref<16xi32, #tpu.memory_space<vmem>>
            %dma_wait3A_569 = arith.constant 32 : i32
            %dma_wait3A_570 = tpu.memref_slice %arg15[%dma_wait3A_569] : memref<256xi32, #tpu.memory_space<vmem_shared>> -> memref<16xi32, #tpu.memory_space<vmem_shared>>
            tpu.wait_dma2 semaphore(%run_scoped3A : memref<!tpu.dma_semaphore, #tpu.memory_space<semaphore_mem>>) src(%dma_wait3A_570 : memref<16xi32, #tpu.memory_space<vmem_shared>>) dst(%dma_wait3A_568 : memref<16xi32, #tpu.memory_space<vmem>>)
            tpu.yield
          }) : () -> ()
          "tpu.region"() ({
            %run_scoped3A = tpu.sem_alloc : memref<!tpu.dma_semaphore, #tpu.memory_space<semaphore_mem>>
            %dma_start3A = arith.constant 48 : i32
            %dma_start3A_557 = tpu.memref_slice %arg9[%dma_start3A] : memref<256xf32, #tpu.memory_space<vmem>> -> memref<16xf32, #tpu.memory_space<vmem>>
            %dma_start3A_558 = arith.constant 48 : i32
            %dma_start3A_559 = tpu.memref_slice %arg14[%dma_start3A_558] : memref<256xf32, #tpu.memory_space<vmem_shared>> -> memref<16xf32, #tpu.memory_space<vmem_shared>>
            %dma_start3A_560 = arith.constant 48 : i32
            %dma_start3A_561 = tpu.memref_slice %arg9[%dma_start3A_560] : memref<256xf32, #tpu.memory_space<vmem>> -> memref<16xf32, #tpu.memory_space<vmem>>
            %dma_start3A_562 = arith.constant 48 : i32
            %dma_start3A_563 = tpu.memref_slice %arg14[%dma_start3A_562] : memref<256xf32, #tpu.memory_space<vmem_shared>> -> memref<16xf32, #tpu.memory_space<vmem_shared>>
            tpu.enqueue_dma source(%dma_start3A_563 : memref<16xf32, #tpu.memory_space<vmem_shared>>) target(%dma_start3A_561 : memref<16xf32, #tpu.memory_space<vmem>>) target_semaphore(%run_scoped3A : memref<!tpu.dma_semaphore, #tpu.memory_space<semaphore_mem>>)
            %dma_wait3A = arith.constant 48 : i32
            %dma_wait3A_564 = tpu.memref_slice %arg9[%dma_wait3A] : memref<256xf32, #tpu.memory_space<vmem>> -> memref<16xf32, #tpu.memory_space<vmem>>
            %dma_wait3A_565 = arith.constant 48 : i32
            %dma_wait3A_566 = tpu.memref_slice %arg14[%dma_wait3A_565] : memref<256xf32, #tpu.memory_space<vmem_shared>> -> memref<16xf32, #tpu.memory_space<vmem_shared>>
            %dma_wait3A_567 = arith.constant 48 : i32
            %dma_wait3A_568 = tpu.memref_slice %arg9[%dma_wait3A_567] : memref<256xf32, #tpu.memory_space<vmem>> -> memref<16xf32, #tpu.memory_space<vmem>>
            %dma_wait3A_569 = arith.constant 48 : i32
            %dma_wait3A_570 = tpu.memref_slice %arg14[%dma_wait3A_569] : memref<256xf32, #tpu.memory_space<vmem_shared>> -> memref<16xf32, #tpu.memory_space<vmem_shared>>
            tpu.wait_dma2 semaphore(%run_scoped3A : memref<!tpu.dma_semaphore, #tpu.memory_space<semaphore_mem>>) src(%dma_wait3A_570 : memref<16xf32, #tpu.memory_space<vmem_shared>>) dst(%dma_wait3A_568 : memref<16xf32, #tpu.memory_space<vmem>>)
            tpu.yield
          }) : () -> ()
          "tpu.region"() ({
            %run_scoped3A = tpu.sem_alloc : memref<!tpu.dma_semaphore, #tpu.memory_space<semaphore_mem>>
            %dma_start3A = arith.constant 48 : i32
            %dma_start3A_557 = tpu.memref_slice %arg10[%dma_start3A] : memref<256xi32, #tpu.memory_space<vmem>> -> memref<16xi32, #tpu.memory_space<vmem>>
            %dma_start3A_558 = arith.constant 48 : i32
            %dma_start3A_559 = tpu.memref_slice %arg15[%dma_start3A_558] : memref<256xi32, #tpu.memory_space<vmem_shared>> -> memref<16xi32, #tpu.memory_space<vmem_shared>>
            %dma_start3A_560 = arith.constant 48 : i32
            %dma_start3A_561 = tpu.memref_slice %arg10[%dma_start3A_560] : memref<256xi32, #tpu.memory_space<vmem>> -> memref<16xi32, #tpu.memory_space<vmem>>
            %dma_start3A_562 = arith.constant 48 : i32
            %dma_start3A_563 = tpu.memref_slice %arg15[%dma_start3A_562] : memref<256xi32, #tpu.memory_space<vmem_shared>> -> memref<16xi32, #tpu.memory_space<vmem_shared>>
            tpu.enqueue_dma source(%dma_start3A_563 : memref<16xi32, #tpu.memory_space<vmem_shared>>) target(%dma_start3A_561 : memref<16xi32, #tpu.memory_space<vmem>>) target_semaphore(%run_scoped3A : memref<!tpu.dma_semaphore, #tpu.memory_space<semaphore_mem>>)
            %dma_wait3A = arith.constant 48 : i32
            %dma_wait3A_564 = tpu.memref_slice %arg10[%dma_wait3A] : memref<256xi32, #tpu.memory_space<vmem>> -> memref<16xi32, #tpu.memory_space<vmem>>
            %dma_wait3A_565 = arith.constant 48 : i32
            %dma_wait3A_566 = tpu.memref_slice %arg15[%dma_wait3A_565] : memref<256xi32, #tpu.memory_space<vmem_shared>> -> memref<16xi32, #tpu.memory_space<vmem_shared>>
            %dma_wait3A_567 = arith.constant 48 : i32
            %dma_wait3A_568 = tpu.memref_slice %arg10[%dma_wait3A_567] : memref<256xi32, #tpu.memory_space<vmem>> -> memref<16xi32, #tpu.memory_space<vmem>>
            %dma_wait3A_569 = arith.constant 48 : i32
            %dma_wait3A_570 = tpu.memref_slice %arg15[%dma_wait3A_569] : memref<256xi32, #tpu.memory_space<vmem_shared>> -> memref<16xi32, #tpu.memory_space<vmem_shared>>
            tpu.wait_dma2 semaphore(%run_scoped3A : memref<!tpu.dma_semaphore, #tpu.memory_space<semaphore_mem>>) src(%dma_wait3A_570 : memref<16xi32, #tpu.memory_space<vmem_shared>>) dst(%dma_wait3A_568 : memref<16xi32, #tpu.memory_space<vmem>>)
            tpu.yield
          }) : () -> ()
          "tpu.region"() ({
            %run_scoped3A = tpu.sem_alloc : memref<!tpu.dma_semaphore, #tpu.memory_space<semaphore_mem>>
            %dma_start3A = arith.constant 64 : i32
            %dma_start3A_557 = tpu.memref_slice %arg9[%dma_start3A] : memref<256xf32, #tpu.memory_space<vmem>> -> memref<16xf32, #tpu.memory_space<vmem>>
            %dma_start3A_558 = arith.constant 64 : i32
            %dma_start3A_559 = tpu.memref_slice %arg14[%dma_start3A_558] : memref<256xf32, #tpu.memory_space<vmem_shared>> -> memref<16xf32, #tpu.memory_space<vmem_shared>>
            %dma_start3A_560 = arith.constant 64 : i32
            %dma_start3A_561 = tpu.memref_slice %arg9[%dma_start3A_560] : memref<256xf32, #tpu.memory_space<vmem>> -> memref<16xf32, #tpu.memory_space<vmem>>
            %dma_start3A_562 = arith.constant 64 : i32
            %dma_start3A_563 = tpu.memref_slice %arg14[%dma_start3A_562] : memref<256xf32, #tpu.memory_space<vmem_shared>> -> memref<16xf32, #tpu.memory_space<vmem_shared>>
            tpu.enqueue_dma source(%dma_start3A_563 : memref<16xf32, #tpu.memory_space<vmem_shared>>) target(%dma_start3A_561 : memref<16xf32, #tpu.memory_space<vmem>>) target_semaphore(%run_scoped3A : memref<!tpu.dma_semaphore, #tpu.memory_space<semaphore_mem>>)
            %dma_wait3A = arith.constant 64 : i32
            %dma_wait3A_564 = tpu.memref_slice %arg9[%dma_wait3A] : memref<256xf32, #tpu.memory_space<vmem>> -> memref<16xf32, #tpu.memory_space<vmem>>
            %dma_wait3A_565 = arith.constant 64 : i32
            %dma_wait3A_566 = tpu.memref_slice %arg14[%dma_wait3A_565] : memref<256xf32, #tpu.memory_space<vmem_shared>> -> memref<16xf32, #tpu.memory_space<vmem_shared>>
            %dma_wait3A_567 = arith.constant 64 : i32
            %dma_wait3A_568 = tpu.memref_slice %arg9[%dma_wait3A_567] : memref<256xf32, #tpu.memory_space<vmem>> -> memref<16xf32, #tpu.memory_space<vmem>>
            %dma_wait3A_569 = arith.constant 64 : i32
            %dma_wait3A_570 = tpu.memref_slice %arg14[%dma_wait3A_569] : memref<256xf32, #tpu.memory_space<vmem_shared>> -> memref<16xf32, #tpu.memory_space<vmem_shared>>
            tpu.wait_dma2 semaphore(%run_scoped3A : memref<!tpu.dma_semaphore, #tpu.memory_space<semaphore_mem>>) src(%dma_wait3A_570 : memref<16xf32, #tpu.memory_space<vmem_shared>>) dst(%dma_wait3A_568 : memref<16xf32, #tpu.memory_space<vmem>>)
            tpu.yield
          }) : () -> ()
          "tpu.region"() ({
            %run_scoped3A = tpu.sem_alloc : memref<!tpu.dma_semaphore, #tpu.memory_space<semaphore_mem>>
            %dma_start3A = arith.constant 64 : i32
            %dma_start3A_557 = tpu.memref_slice %arg10[%dma_start3A] : memref<256xi32, #tpu.memory_space<vmem>> -> memref<16xi32, #tpu.memory_space<vmem>>
            %dma_start3A_558 = arith.constant 64 : i32
            %dma_start3A_559 = tpu.memref_slice %arg15[%dma_start3A_558] : memref<256xi32, #tpu.memory_space<vmem_shared>> -> memref<16xi32, #tpu.memory_space<vmem_shared>>
            %dma_start3A_560 = arith.constant 64 : i32
            %dma_start3A_561 = tpu.memref_slice %arg10[%dma_start3A_560] : memref<256xi32, #tpu.memory_space<vmem>> -> memref<16xi32, #tpu.memory_space<vmem>>
            %dma_start3A_562 = arith.constant 64 : i32
            %dma_start3A_563 = tpu.memref_slice %arg15[%dma_start3A_562] : memref<256xi32, #tpu.memory_space<vmem_shared>> -> memref<16xi32, #tpu.memory_space<vmem_shared>>
            tpu.enqueue_dma source(%dma_start3A_563 : memref<16xi32, #tpu.memory_space<vmem_shared>>) target(%dma_start3A_561 : memref<16xi32, #tpu.memory_space<vmem>>) target_semaphore(%run_scoped3A : memref<!tpu.dma_semaphore, #tpu.memory_space<semaphore_mem>>)
            %dma_wait3A = arith.constant 64 : i32
            %dma_wait3A_564 = tpu.memref_slice %arg10[%dma_wait3A] : memref<256xi32, #tpu.memory_space<vmem>> -> memref<16xi32, #tpu.memory_space<vmem>>
            %dma_wait3A_565 = arith.constant 64 : i32
            %dma_wait3A_566 = tpu.memref_slice %arg15[%dma_wait3A_565] : memref<256xi32, #tpu.memory_space<vmem_shared>> -> memref<16xi32, #tpu.memory_space<vmem_shared>>
            %dma_wait3A_567 = arith.constant 64 : i32
            %dma_wait3A_568 = tpu.memref_slice %arg10[%dma_wait3A_567] : memref<256xi32, #tpu.memory_space<vmem>> -> memref<16xi32, #tpu.memory_space<vmem>>
            %dma_wait3A_569 = arith.constant 64 : i32
            %dma_wait3A_570 = tpu.memref_slice %arg15[%dma_wait3A_569] : memref<256xi32, #tpu.memory_space<vmem_shared>> -> memref<16xi32, #tpu.memory_space<vmem_shared>>
            tpu.wait_dma2 semaphore(%run_scoped3A : memref<!tpu.dma_semaphore, #tpu.memory_space<semaphore_mem>>) src(%dma_wait3A_570 : memref<16xi32, #tpu.memory_space<vmem_shared>>) dst(%dma_wait3A_568 : memref<16xi32, #tpu.memory_space<vmem>>)
            tpu.yield
          }) : () -> ()
          "tpu.region"() ({
            %run_scoped3A = tpu.sem_alloc : memref<!tpu.dma_semaphore, #tpu.memory_space<semaphore_mem>>
            %dma_start3A = arith.constant 80 : i32
            %dma_start3A_557 = tpu.memref_slice %arg9[%dma_start3A] : memref<256xf32, #tpu.memory_space<vmem>> -> memref<16xf32, #tpu.memory_space<vmem>>
            %dma_start3A_558 = arith.constant 80 : i32
            %dma_start3A_559 = tpu.memref_slice %arg14[%dma_start3A_558] : memref<256xf32, #tpu.memory_space<vmem_shared>> -> memref<16xf32, #tpu.memory_space<vmem_shared>>
            %dma_start3A_560 = arith.constant 80 : i32
            %dma_start3A_561 = tpu.memref_slice %arg9[%dma_start3A_560] : memref<256xf32, #tpu.memory_space<vmem>> -> memref<16xf32, #tpu.memory_space<vmem>>
            %dma_start3A_562 = arith.constant 80 : i32
            %dma_start3A_563 = tpu.memref_slice %arg14[%dma_start3A_562] : memref<256xf32, #tpu.memory_space<vmem_shared>> -> memref<16xf32, #tpu.memory_space<vmem_shared>>
            tpu.enqueue_dma source(%dma_start3A_563 : memref<16xf32, #tpu.memory_space<vmem_shared>>) target(%dma_start3A_561 : memref<16xf32, #tpu.memory_space<vmem>>) target_semaphore(%run_scoped3A : memref<!tpu.dma_semaphore, #tpu.memory_space<semaphore_mem>>)
            %dma_wait3A = arith.constant 80 : i32
            %dma_wait3A_564 = tpu.memref_slice %arg9[%dma_wait3A] : memref<256xf32, #tpu.memory_space<vmem>> -> memref<16xf32, #tpu.memory_space<vmem>>
            %dma_wait3A_565 = arith.constant 80 : i32
            %dma_wait3A_566 = tpu.memref_slice %arg14[%dma_wait3A_565] : memref<256xf32, #tpu.memory_space<vmem_shared>> -> memref<16xf32, #tpu.memory_space<vmem_shared>>
            %dma_wait3A_567 = arith.constant 80 : i32
            %dma_wait3A_568 = tpu.memref_slice %arg9[%dma_wait3A_567] : memref<256xf32, #tpu.memory_space<vmem>> -> memref<16xf32, #tpu.memory_space<vmem>>
            %dma_wait3A_569 = arith.constant 80 : i32
            %dma_wait3A_570 = tpu.memref_slice %arg14[%dma_wait3A_569] : memref<256xf32, #tpu.memory_space<vmem_shared>> -> memref<16xf32, #tpu.memory_space<vmem_shared>>
            tpu.wait_dma2 semaphore(%run_scoped3A : memref<!tpu.dma_semaphore, #tpu.memory_space<semaphore_mem>>) src(%dma_wait3A_570 : memref<16xf32, #tpu.memory_space<vmem_shared>>) dst(%dma_wait3A_568 : memref<16xf32, #tpu.memory_space<vmem>>)
            tpu.yield
          }) : () -> ()
          "tpu.region"() ({
            %run_scoped3A = tpu.sem_alloc : memref<!tpu.dma_semaphore, #tpu.memory_space<semaphore_mem>>
            %dma_start3A = arith.constant 80 : i32
            %dma_start3A_557 = tpu.memref_slice %arg10[%dma_start3A] : memref<256xi32, #tpu.memory_space<vmem>> -> memref<16xi32, #tpu.memory_space<vmem>>
            %dma_start3A_558 = arith.constant 80 : i32
            %dma_start3A_559 = tpu.memref_slice %arg15[%dma_start3A_558] : memref<256xi32, #tpu.memory_space<vmem_shared>> -> memref<16xi32, #tpu.memory_space<vmem_shared>>
            %dma_start3A_560 = arith.constant 80 : i32
            %dma_start3A_561 = tpu.memref_slice %arg10[%dma_start3A_560] : memref<256xi32, #tpu.memory_space<vmem>> -> memref<16xi32, #tpu.memory_space<vmem>>
            %dma_start3A_562 = arith.constant 80 : i32
            %dma_start3A_563 = tpu.memref_slice %arg15[%dma_start3A_562] : memref<256xi32, #tpu.memory_space<vmem_shared>> -> memref<16xi32, #tpu.memory_space<vmem_shared>>
            tpu.enqueue_dma source(%dma_start3A_563 : memref<16xi32, #tpu.memory_space<vmem_shared>>) target(%dma_start3A_561 : memref<16xi32, #tpu.memory_space<vmem>>) target_semaphore(%run_scoped3A : memref<!tpu.dma_semaphore, #tpu.memory_space<semaphore_mem>>)
            %dma_wait3A = arith.constant 80 : i32
            %dma_wait3A_564 = tpu.memref_slice %arg10[%dma_wait3A] : memref<256xi32, #tpu.memory_space<vmem>> -> memref<16xi32, #tpu.memory_space<vmem>>
            %dma_wait3A_565 = arith.constant 80 : i32
            %dma_wait3A_566 = tpu.memref_slice %arg15[%dma_wait3A_565] : memref<256xi32, #tpu.memory_space<vmem_shared>> -> memref<16xi32, #tpu.memory_space<vmem_shared>>
            %dma_wait3A_567 = arith.constant 80 : i32
            %dma_wait3A_568 = tpu.memref_slice %arg10[%dma_wait3A_567] : memref<256xi32, #tpu.memory_space<vmem>> -> memref<16xi32, #tpu.memory_space<vmem>>
            %dma_wait3A_569 = arith.constant 80 : i32
            %dma_wait3A_570 = tpu.memref_slice %arg15[%dma_wait3A_569] : memref<256xi32, #tpu.memory_space<vmem_shared>> -> memref<16xi32, #tpu.memory_space<vmem_shared>>
            tpu.wait_dma2 semaphore(%run_scoped3A : memref<!tpu.dma_semaphore, #tpu.memory_space<semaphore_mem>>) src(%dma_wait3A_570 : memref<16xi32, #tpu.memory_space<vmem_shared>>) dst(%dma_wait3A_568 : memref<16xi32, #tpu.memory_space<vmem>>)
            tpu.yield
          }) : () -> ()
          "tpu.region"() ({
            %run_scoped3A = tpu.sem_alloc : memref<!tpu.dma_semaphore, #tpu.memory_space<semaphore_mem>>
            %dma_start3A = arith.constant 96 : i32
            %dma_start3A_557 = tpu.memref_slice %arg9[%dma_start3A] : memref<256xf32, #tpu.memory_space<vmem>> -> memref<16xf32, #tpu.memory_space<vmem>>
            %dma_start3A_558 = arith.constant 96 : i32
            %dma_start3A_559 = tpu.memref_slice %arg14[%dma_start3A_558] : memref<256xf32, #tpu.memory_space<vmem_shared>> -> memref<16xf32, #tpu.memory_space<vmem_shared>>
            %dma_start3A_560 = arith.constant 96 : i32
            %dma_start3A_561 = tpu.memref_slice %arg9[%dma_start3A_560] : memref<256xf32, #tpu.memory_space<vmem>> -> memref<16xf32, #tpu.memory_space<vmem>>
            %dma_start3A_562 = arith.constant 96 : i32
            %dma_start3A_563 = tpu.memref_slice %arg14[%dma_start3A_562] : memref<256xf32, #tpu.memory_space<vmem_shared>> -> memref<16xf32, #tpu.memory_space<vmem_shared>>
            tpu.enqueue_dma source(%dma_start3A_563 : memref<16xf32, #tpu.memory_space<vmem_shared>>) target(%dma_start3A_561 : memref<16xf32, #tpu.memory_space<vmem>>) target_semaphore(%run_scoped3A : memref<!tpu.dma_semaphore, #tpu.memory_space<semaphore_mem>>)
            %dma_wait3A = arith.constant 96 : i32
            %dma_wait3A_564 = tpu.memref_slice %arg9[%dma_wait3A] : memref<256xf32, #tpu.memory_space<vmem>> -> memref<16xf32, #tpu.memory_space<vmem>>
            %dma_wait3A_565 = arith.constant 96 : i32
            %dma_wait3A_566 = tpu.memref_slice %arg14[%dma_wait3A_565] : memref<256xf32, #tpu.memory_space<vmem_shared>> -> memref<16xf32, #tpu.memory_space<vmem_shared>>
            %dma_wait3A_567 = arith.constant 96 : i32
            %dma_wait3A_568 = tpu.memref_slice %arg9[%dma_wait3A_567] : memref<256xf32, #tpu.memory_space<vmem>> -> memref<16xf32, #tpu.memory_space<vmem>>
            %dma_wait3A_569 = arith.constant 96 : i32
            %dma_wait3A_570 = tpu.memref_slice %arg14[%dma_wait3A_569] : memref<256xf32, #tpu.memory_space<vmem_shared>> -> memref<16xf32, #tpu.memory_space<vmem_shared>>
            tpu.wait_dma2 semaphore(%run_scoped3A : memref<!tpu.dma_semaphore, #tpu.memory_space<semaphore_mem>>) src(%dma_wait3A_570 : memref<16xf32, #tpu.memory_space<vmem_shared>>) dst(%dma_wait3A_568 : memref<16xf32, #tpu.memory_space<vmem>>)
            tpu.yield
          }) : () -> ()
          "tpu.region"() ({
            %run_scoped3A = tpu.sem_alloc : memref<!tpu.dma_semaphore, #tpu.memory_space<semaphore_mem>>
            %dma_start3A = arith.constant 96 : i32
            %dma_start3A_557 = tpu.memref_slice %arg10[%dma_start3A] : memref<256xi32, #tpu.memory_space<vmem>> -> memref<16xi32, #tpu.memory_space<vmem>>
            %dma_start3A_558 = arith.constant 96 : i32
            %dma_start3A_559 = tpu.memref_slice %arg15[%dma_start3A_558] : memref<256xi32, #tpu.memory_space<vmem_shared>> -> memref<16xi32, #tpu.memory_space<vmem_shared>>
            %dma_start3A_560 = arith.constant 96 : i32
            %dma_start3A_561 = tpu.memref_slice %arg10[%dma_start3A_560] : memref<256xi32, #tpu.memory_space<vmem>> -> memref<16xi32, #tpu.memory_space<vmem>>
            %dma_start3A_562 = arith.constant 96 : i32
            %dma_start3A_563 = tpu.memref_slice %arg15[%dma_start3A_562] : memref<256xi32, #tpu.memory_space<vmem_shared>> -> memref<16xi32, #tpu.memory_space<vmem_shared>>
            tpu.enqueue_dma source(%dma_start3A_563 : memref<16xi32, #tpu.memory_space<vmem_shared>>) target(%dma_start3A_561 : memref<16xi32, #tpu.memory_space<vmem>>) target_semaphore(%run_scoped3A : memref<!tpu.dma_semaphore, #tpu.memory_space<semaphore_mem>>)
            %dma_wait3A = arith.constant 96 : i32
            %dma_wait3A_564 = tpu.memref_slice %arg10[%dma_wait3A] : memref<256xi32, #tpu.memory_space<vmem>> -> memref<16xi32, #tpu.memory_space<vmem>>
            %dma_wait3A_565 = arith.constant 96 : i32
            %dma_wait3A_566 = tpu.memref_slice %arg15[%dma_wait3A_565] : memref<256xi32, #tpu.memory_space<vmem_shared>> -> memref<16xi32, #tpu.memory_space<vmem_shared>>
            %dma_wait3A_567 = arith.constant 96 : i32
            %dma_wait3A_568 = tpu.memref_slice %arg10[%dma_wait3A_567] : memref<256xi32, #tpu.memory_space<vmem>> -> memref<16xi32, #tpu.memory_space<vmem>>
            %dma_wait3A_569 = arith.constant 96 : i32
            %dma_wait3A_570 = tpu.memref_slice %arg15[%dma_wait3A_569] : memref<256xi32, #tpu.memory_space<vmem_shared>> -> memref<16xi32, #tpu.memory_space<vmem_shared>>
            tpu.wait_dma2 semaphore(%run_scoped3A : memref<!tpu.dma_semaphore, #tpu.memory_space<semaphore_mem>>) src(%dma_wait3A_570 : memref<16xi32, #tpu.memory_space<vmem_shared>>) dst(%dma_wait3A_568 : memref<16xi32, #tpu.memory_space<vmem>>)
            tpu.yield
          }) : () -> ()
          "tpu.region"() ({
            %run_scoped3A = tpu.sem_alloc : memref<!tpu.dma_semaphore, #tpu.memory_space<semaphore_mem>>
            %dma_start3A = arith.constant 112 : i32
            %dma_start3A_557 = tpu.memref_slice %arg9[%dma_start3A] : memref<256xf32, #tpu.memory_space<vmem>> -> memref<16xf32, #tpu.memory_space<vmem>>
            %dma_start3A_558 = arith.constant 112 : i32
            %dma_start3A_559 = tpu.memref_slice %arg14[%dma_start3A_558] : memref<256xf32, #tpu.memory_space<vmem_shared>> -> memref<16xf32, #tpu.memory_space<vmem_shared>>
            %dma_start3A_560 = arith.constant 112 : i32
            %dma_start3A_561 = tpu.memref_slice %arg9[%dma_start3A_560] : memref<256xf32, #tpu.memory_space<vmem>> -> memref<16xf32, #tpu.memory_space<vmem>>
            %dma_start3A_562 = arith.constant 112 : i32
            %dma_start3A_563 = tpu.memref_slice %arg14[%dma_start3A_562] : memref<256xf32, #tpu.memory_space<vmem_shared>> -> memref<16xf32, #tpu.memory_space<vmem_shared>>
            tpu.enqueue_dma source(%dma_start3A_563 : memref<16xf32, #tpu.memory_space<vmem_shared>>) target(%dma_start3A_561 : memref<16xf32, #tpu.memory_space<vmem>>) target_semaphore(%run_scoped3A : memref<!tpu.dma_semaphore, #tpu.memory_space<semaphore_mem>>)
            %dma_wait3A = arith.constant 112 : i32
            %dma_wait3A_564 = tpu.memref_slice %arg9[%dma_wait3A] : memref<256xf32, #tpu.memory_space<vmem>> -> memref<16xf32, #tpu.memory_space<vmem>>
            %dma_wait3A_565 = arith.constant 112 : i32
            %dma_wait3A_566 = tpu.memref_slice %arg14[%dma_wait3A_565] : memref<256xf32, #tpu.memory_space<vmem_shared>> -> memref<16xf32, #tpu.memory_space<vmem_shared>>
            %dma_wait3A_567 = arith.constant 112 : i32
            %dma_wait3A_568 = tpu.memref_slice %arg9[%dma_wait3A_567] : memref<256xf32, #tpu.memory_space<vmem>> -> memref<16xf32, #tpu.memory_space<vmem>>
            %dma_wait3A_569 = arith.constant 112 : i32
            %dma_wait3A_570 = tpu.memref_slice %arg14[%dma_wait3A_569] : memref<256xf32, #tpu.memory_space<vmem_shared>> -> memref<16xf32, #tpu.memory_space<vmem_shared>>
            tpu.wait_dma2 semaphore(%run_scoped3A : memref<!tpu.dma_semaphore, #tpu.memory_space<semaphore_mem>>) src(%dma_wait3A_570 : memref<16xf32, #tpu.memory_space<vmem_shared>>) dst(%dma_wait3A_568 : memref<16xf32, #tpu.memory_space<vmem>>)
            tpu.yield
          }) : () -> ()
          "tpu.region"() ({
            %run_scoped3A = tpu.sem_alloc : memref<!tpu.dma_semaphore, #tpu.memory_space<semaphore_mem>>
            %dma_start3A = arith.constant 112 : i32
            %dma_start3A_557 = tpu.memref_slice %arg10[%dma_start3A] : memref<256xi32, #tpu.memory_space<vmem>> -> memref<16xi32, #tpu.memory_space<vmem>>
            %dma_start3A_558 = arith.constant 112 : i32
            %dma_start3A_559 = tpu.memref_slice %arg15[%dma_start3A_558] : memref<256xi32, #tpu.memory_space<vmem_shared>> -> memref<16xi32, #tpu.memory_space<vmem_shared>>
            %dma_start3A_560 = arith.constant 112 : i32
            %dma_start3A_561 = tpu.memref_slice %arg10[%dma_start3A_560] : memref<256xi32, #tpu.memory_space<vmem>> -> memref<16xi32, #tpu.memory_space<vmem>>
            %dma_start3A_562 = arith.constant 112 : i32
            %dma_start3A_563 = tpu.memref_slice %arg15[%dma_start3A_562] : memref<256xi32, #tpu.memory_space<vmem_shared>> -> memref<16xi32, #tpu.memory_space<vmem_shared>>
            tpu.enqueue_dma source(%dma_start3A_563 : memref<16xi32, #tpu.memory_space<vmem_shared>>) target(%dma_start3A_561 : memref<16xi32, #tpu.memory_space<vmem>>) target_semaphore(%run_scoped3A : memref<!tpu.dma_semaphore, #tpu.memory_space<semaphore_mem>>)
            %dma_wait3A = arith.constant 112 : i32
            %dma_wait3A_564 = tpu.memref_slice %arg10[%dma_wait3A] : memref<256xi32, #tpu.memory_space<vmem>> -> memref<16xi32, #tpu.memory_space<vmem>>
            %dma_wait3A_565 = arith.constant 112 : i32
            %dma_wait3A_566 = tpu.memref_slice %arg15[%dma_wait3A_565] : memref<256xi32, #tpu.memory_space<vmem_shared>> -> memref<16xi32, #tpu.memory_space<vmem_shared>>
            %dma_wait3A_567 = arith.constant 112 : i32
            %dma_wait3A_568 = tpu.memref_slice %arg10[%dma_wait3A_567] : memref<256xi32, #tpu.memory_space<vmem>> -> memref<16xi32, #tpu.memory_space<vmem>>
            %dma_wait3A_569 = arith.constant 112 : i32
            %dma_wait3A_570 = tpu.memref_slice %arg15[%dma_wait3A_569] : memref<256xi32, #tpu.memory_space<vmem_shared>> -> memref<16xi32, #tpu.memory_space<vmem_shared>>
            tpu.wait_dma2 semaphore(%run_scoped3A : memref<!tpu.dma_semaphore, #tpu.memory_space<semaphore_mem>>) src(%dma_wait3A_570 : memref<16xi32, #tpu.memory_space<vmem_shared>>) dst(%dma_wait3A_568 : memref<16xi32, #tpu.memory_space<vmem>>)
            tpu.yield
          }) : () -> ()
          "tpu.region"() ({
            %run_scoped3A = tpu.sem_alloc : memref<!tpu.dma_semaphore, #tpu.memory_space<semaphore_mem>>
            %dma_start3A = arith.constant 128 : i32
            %dma_start3A_557 = tpu.memref_slice %arg9[%dma_start3A] : memref<256xf32, #tpu.memory_space<vmem>> -> memref<16xf32, #tpu.memory_space<vmem>>
            %dma_start3A_558 = arith.constant 128 : i32
            %dma_start3A_559 = tpu.memref_slice %arg14[%dma_start3A_558] : memref<256xf32, #tpu.memory_space<vmem_shared>> -> memref<16xf32, #tpu.memory_space<vmem_shared>>
            %dma_start3A_560 = arith.constant 128 : i32
            %dma_start3A_561 = tpu.memref_slice %arg9[%dma_start3A_560] : memref<256xf32, #tpu.memory_space<vmem>> -> memref<16xf32, #tpu.memory_space<vmem>>
            %dma_start3A_562 = arith.constant 128 : i32
            %dma_start3A_563 = tpu.memref_slice %arg14[%dma_start3A_562] : memref<256xf32, #tpu.memory_space<vmem_shared>> -> memref<16xf32, #tpu.memory_space<vmem_shared>>
            tpu.enqueue_dma source(%dma_start3A_563 : memref<16xf32, #tpu.memory_space<vmem_shared>>) target(%dma_start3A_561 : memref<16xf32, #tpu.memory_space<vmem>>) target_semaphore(%run_scoped3A : memref<!tpu.dma_semaphore, #tpu.memory_space<semaphore_mem>>)
            %dma_wait3A = arith.constant 128 : i32
            %dma_wait3A_564 = tpu.memref_slice %arg9[%dma_wait3A] : memref<256xf32, #tpu.memory_space<vmem>> -> memref<16xf32, #tpu.memory_space<vmem>>
            %dma_wait3A_565 = arith.constant 128 : i32
            %dma_wait3A_566 = tpu.memref_slice %arg14[%dma_wait3A_565] : memref<256xf32, #tpu.memory_space<vmem_shared>> -> memref<16xf32, #tpu.memory_space<vmem_shared>>
            %dma_wait3A_567 = arith.constant 128 : i32
            %dma_wait3A_568 = tpu.memref_slice %arg9[%dma_wait3A_567] : memref<256xf32, #tpu.memory_space<vmem>> -> memref<16xf32, #tpu.memory_space<vmem>>
            %dma_wait3A_569 = arith.constant 128 : i32
            %dma_wait3A_570 = tpu.memref_slice %arg14[%dma_wait3A_569] : memref<256xf32, #tpu.memory_space<vmem_shared>> -> memref<16xf32, #tpu.memory_space<vmem_shared>>
            tpu.wait_dma2 semaphore(%run_scoped3A : memref<!tpu.dma_semaphore, #tpu.memory_space<semaphore_mem>>) src(%dma_wait3A_570 : memref<16xf32, #tpu.memory_space<vmem_shared>>) dst(%dma_wait3A_568 : memref<16xf32, #tpu.memory_space<vmem>>)
            tpu.yield
          }) : () -> ()
          "tpu.region"() ({
            %run_scoped3A = tpu.sem_alloc : memref<!tpu.dma_semaphore, #tpu.memory_space<semaphore_mem>>
            %dma_start3A = arith.constant 128 : i32
            %dma_start3A_557 = tpu.memref_slice %arg10[%dma_start3A] : memref<256xi32, #tpu.memory_space<vmem>> -> memref<16xi32, #tpu.memory_space<vmem>>
            %dma_start3A_558 = arith.constant 128 : i32
            %dma_start3A_559 = tpu.memref_slice %arg15[%dma_start3A_558] : memref<256xi32, #tpu.memory_space<vmem_shared>> -> memref<16xi32, #tpu.memory_space<vmem_shared>>
            %dma_start3A_560 = arith.constant 128 : i32
            %dma_start3A_561 = tpu.memref_slice %arg10[%dma_start3A_560] : memref<256xi32, #tpu.memory_space<vmem>> -> memref<16xi32, #tpu.memory_space<vmem>>
            %dma_start3A_562 = arith.constant 128 : i32
            %dma_start3A_563 = tpu.memref_slice %arg15[%dma_start3A_562] : memref<256xi32, #tpu.memory_space<vmem_shared>> -> memref<16xi32, #tpu.memory_space<vmem_shared>>
            tpu.enqueue_dma source(%dma_start3A_563 : memref<16xi32, #tpu.memory_space<vmem_shared>>) target(%dma_start3A_561 : memref<16xi32, #tpu.memory_space<vmem>>) target_semaphore(%run_scoped3A : memref<!tpu.dma_semaphore, #tpu.memory_space<semaphore_mem>>)
            %dma_wait3A = arith.constant 128 : i32
            %dma_wait3A_564 = tpu.memref_slice %arg10[%dma_wait3A] : memref<256xi32, #tpu.memory_space<vmem>> -> memref<16xi32, #tpu.memory_space<vmem>>
            %dma_wait3A_565 = arith.constant 128 : i32
            %dma_wait3A_566 = tpu.memref_slice %arg15[%dma_wait3A_565] : memref<256xi32, #tpu.memory_space<vmem_shared>> -> memref<16xi32, #tpu.memory_space<vmem_shared>>
            %dma_wait3A_567 = arith.constant 128 : i32
            %dma_wait3A_568 = tpu.memref_slice %arg10[%dma_wait3A_567] : memref<256xi32, #tpu.memory_space<vmem>> -> memref<16xi32, #tpu.memory_space<vmem>>
            %dma_wait3A_569 = arith.constant 128 : i32
            %dma_wait3A_570 = tpu.memref_slice %arg15[%dma_wait3A_569] : memref<256xi32, #tpu.memory_space<vmem_shared>> -> memref<16xi32, #tpu.memory_space<vmem_shared>>
            tpu.wait_dma2 semaphore(%run_scoped3A : memref<!tpu.dma_semaphore, #tpu.memory_space<semaphore_mem>>) src(%dma_wait3A_570 : memref<16xi32, #tpu.memory_space<vmem_shared>>) dst(%dma_wait3A_568 : memref<16xi32, #tpu.memory_space<vmem>>)
            tpu.yield
          }) : () -> ()
          "tpu.region"() ({
            %run_scoped3A = tpu.sem_alloc : memref<!tpu.dma_semaphore, #tpu.memory_space<semaphore_mem>>
            %dma_start3A = arith.constant 144 : i32
            %dma_start3A_557 = tpu.memref_slice %arg9[%dma_start3A] : memref<256xf32, #tpu.memory_space<vmem>> -> memref<16xf32, #tpu.memory_space<vmem>>
            %dma_start3A_558 = arith.constant 144 : i32
            %dma_start3A_559 = tpu.memref_slice %arg14[%dma_start3A_558] : memref<256xf32, #tpu.memory_space<vmem_shared>> -> memref<16xf32, #tpu.memory_space<vmem_shared>>
            %dma_start3A_560 = arith.constant 144 : i32
            %dma_start3A_561 = tpu.memref_slice %arg9[%dma_start3A_560] : memref<256xf32, #tpu.memory_space<vmem>> -> memref<16xf32, #tpu.memory_space<vmem>>
            %dma_start3A_562 = arith.constant 144 : i32
            %dma_start3A_563 = tpu.memref_slice %arg14[%dma_start3A_562] : memref<256xf32, #tpu.memory_space<vmem_shared>> -> memref<16xf32, #tpu.memory_space<vmem_shared>>
            tpu.enqueue_dma source(%dma_start3A_563 : memref<16xf32, #tpu.memory_space<vmem_shared>>) target(%dma_start3A_561 : memref<16xf32, #tpu.memory_space<vmem>>) target_semaphore(%run_scoped3A : memref<!tpu.dma_semaphore, #tpu.memory_space<semaphore_mem>>)
            %dma_wait3A = arith.constant 144 : i32
            %dma_wait3A_564 = tpu.memref_slice %arg9[%dma_wait3A] : memref<256xf32, #tpu.memory_space<vmem>> -> memref<16xf32, #tpu.memory_space<vmem>>
            %dma_wait3A_565 = arith.constant 144 : i32
            %dma_wait3A_566 = tpu.memref_slice %arg14[%dma_wait3A_565] : memref<256xf32, #tpu.memory_space<vmem_shared>> -> memref<16xf32, #tpu.memory_space<vmem_shared>>
            %dma_wait3A_567 = arith.constant 144 : i32
            %dma_wait3A_568 = tpu.memref_slice %arg9[%dma_wait3A_567] : memref<256xf32, #tpu.memory_space<vmem>> -> memref<16xf32, #tpu.memory_space<vmem>>
            %dma_wait3A_569 = arith.constant 144 : i32
            %dma_wait3A_570 = tpu.memref_slice %arg14[%dma_wait3A_569] : memref<256xf32, #tpu.memory_space<vmem_shared>> -> memref<16xf32, #tpu.memory_space<vmem_shared>>
            tpu.wait_dma2 semaphore(%run_scoped3A : memref<!tpu.dma_semaphore, #tpu.memory_space<semaphore_mem>>) src(%dma_wait3A_570 : memref<16xf32, #tpu.memory_space<vmem_shared>>) dst(%dma_wait3A_568 : memref<16xf32, #tpu.memory_space<vmem>>)
            tpu.yield
          }) : () -> ()
          "tpu.region"() ({
            %run_scoped3A = tpu.sem_alloc : memref<!tpu.dma_semaphore, #tpu.memory_space<semaphore_mem>>
            %dma_start3A = arith.constant 144 : i32
            %dma_start3A_557 = tpu.memref_slice %arg10[%dma_start3A] : memref<256xi32, #tpu.memory_space<vmem>> -> memref<16xi32, #tpu.memory_space<vmem>>
            %dma_start3A_558 = arith.constant 144 : i32
            %dma_start3A_559 = tpu.memref_slice %arg15[%dma_start3A_558] : memref<256xi32, #tpu.memory_space<vmem_shared>> -> memref<16xi32, #tpu.memory_space<vmem_shared>>
            %dma_start3A_560 = arith.constant 144 : i32
            %dma_start3A_561 = tpu.memref_slice %arg10[%dma_start3A_560] : memref<256xi32, #tpu.memory_space<vmem>> -> memref<16xi32, #tpu.memory_space<vmem>>
            %dma_start3A_562 = arith.constant 144 : i32
            %dma_start3A_563 = tpu.memref_slice %arg15[%dma_start3A_562] : memref<256xi32, #tpu.memory_space<vmem_shared>> -> memref<16xi32, #tpu.memory_space<vmem_shared>>
            tpu.enqueue_dma source(%dma_start3A_563 : memref<16xi32, #tpu.memory_space<vmem_shared>>) target(%dma_start3A_561 : memref<16xi32, #tpu.memory_space<vmem>>) target_semaphore(%run_scoped3A : memref<!tpu.dma_semaphore, #tpu.memory_space<semaphore_mem>>)
            %dma_wait3A = arith.constant 144 : i32
            %dma_wait3A_564 = tpu.memref_slice %arg10[%dma_wait3A] : memref<256xi32, #tpu.memory_space<vmem>> -> memref<16xi32, #tpu.memory_space<vmem>>
            %dma_wait3A_565 = arith.constant 144 : i32
            %dma_wait3A_566 = tpu.memref_slice %arg15[%dma_wait3A_565] : memref<256xi32, #tpu.memory_space<vmem_shared>> -> memref<16xi32, #tpu.memory_space<vmem_shared>>
            %dma_wait3A_567 = arith.constant 144 : i32
            %dma_wait3A_568 = tpu.memref_slice %arg10[%dma_wait3A_567] : memref<256xi32, #tpu.memory_space<vmem>> -> memref<16xi32, #tpu.memory_space<vmem>>
            %dma_wait3A_569 = arith.constant 144 : i32
            %dma_wait3A_570 = tpu.memref_slice %arg15[%dma_wait3A_569] : memref<256xi32, #tpu.memory_space<vmem_shared>> -> memref<16xi32, #tpu.memory_space<vmem_shared>>
            tpu.wait_dma2 semaphore(%run_scoped3A : memref<!tpu.dma_semaphore, #tpu.memory_space<semaphore_mem>>) src(%dma_wait3A_570 : memref<16xi32, #tpu.memory_space<vmem_shared>>) dst(%dma_wait3A_568 : memref<16xi32, #tpu.memory_space<vmem>>)
            tpu.yield
          }) : () -> ()
          "tpu.region"() ({
            %run_scoped3A = tpu.sem_alloc : memref<!tpu.dma_semaphore, #tpu.memory_space<semaphore_mem>>
            %dma_start3A = arith.constant 160 : i32
            %dma_start3A_557 = tpu.memref_slice %arg9[%dma_start3A] : memref<256xf32, #tpu.memory_space<vmem>> -> memref<16xf32, #tpu.memory_space<vmem>>
            %dma_start3A_558 = arith.constant 160 : i32
            %dma_start3A_559 = tpu.memref_slice %arg14[%dma_start3A_558] : memref<256xf32, #tpu.memory_space<vmem_shared>> -> memref<16xf32, #tpu.memory_space<vmem_shared>>
            %dma_start3A_560 = arith.constant 160 : i32
            %dma_start3A_561 = tpu.memref_slice %arg9[%dma_start3A_560] : memref<256xf32, #tpu.memory_space<vmem>> -> memref<16xf32, #tpu.memory_space<vmem>>
            %dma_start3A_562 = arith.constant 160 : i32
            %dma_start3A_563 = tpu.memref_slice %arg14[%dma_start3A_562] : memref<256xf32, #tpu.memory_space<vmem_shared>> -> memref<16xf32, #tpu.memory_space<vmem_shared>>
            tpu.enqueue_dma source(%dma_start3A_563 : memref<16xf32, #tpu.memory_space<vmem_shared>>) target(%dma_start3A_561 : memref<16xf32, #tpu.memory_space<vmem>>) target_semaphore(%run_scoped3A : memref<!tpu.dma_semaphore, #tpu.memory_space<semaphore_mem>>)
            %dma_wait3A = arith.constant 160 : i32
            %dma_wait3A_564 = tpu.memref_slice %arg9[%dma_wait3A] : memref<256xf32, #tpu.memory_space<vmem>> -> memref<16xf32, #tpu.memory_space<vmem>>
            %dma_wait3A_565 = arith.constant 160 : i32
            %dma_wait3A_566 = tpu.memref_slice %arg14[%dma_wait3A_565] : memref<256xf32, #tpu.memory_space<vmem_shared>> -> memref<16xf32, #tpu.memory_space<vmem_shared>>
            %dma_wait3A_567 = arith.constant 160 : i32
            %dma_wait3A_568 = tpu.memref_slice %arg9[%dma_wait3A_567] : memref<256xf32, #tpu.memory_space<vmem>> -> memref<16xf32, #tpu.memory_space<vmem>>
            %dma_wait3A_569 = arith.constant 160 : i32
            %dma_wait3A_570 = tpu.memref_slice %arg14[%dma_wait3A_569] : memref<256xf32, #tpu.memory_space<vmem_shared>> -> memref<16xf32, #tpu.memory_space<vmem_shared>>
            tpu.wait_dma2 semaphore(%run_scoped3A : memref<!tpu.dma_semaphore, #tpu.memory_space<semaphore_mem>>) src(%dma_wait3A_570 : memref<16xf32, #tpu.memory_space<vmem_shared>>) dst(%dma_wait3A_568 : memref<16xf32, #tpu.memory_space<vmem>>)
            tpu.yield
          }) : () -> ()
          "tpu.region"() ({
            %run_scoped3A = tpu.sem_alloc : memref<!tpu.dma_semaphore, #tpu.memory_space<semaphore_mem>>
            %dma_start3A = arith.constant 160 : i32
            %dma_start3A_557 = tpu.memref_slice %arg10[%dma_start3A] : memref<256xi32, #tpu.memory_space<vmem>> -> memref<16xi32, #tpu.memory_space<vmem>>
            %dma_start3A_558 = arith.constant 160 : i32
            %dma_start3A_559 = tpu.memref_slice %arg15[%dma_start3A_558] : memref<256xi32, #tpu.memory_space<vmem_shared>> -> memref<16xi32, #tpu.memory_space<vmem_shared>>
            %dma_start3A_560 = arith.constant 160 : i32
            %dma_start3A_561 = tpu.memref_slice %arg10[%dma_start3A_560] : memref<256xi32, #tpu.memory_space<vmem>> -> memref<16xi32, #tpu.memory_space<vmem>>
            %dma_start3A_562 = arith.constant 160 : i32
            %dma_start3A_563 = tpu.memref_slice %arg15[%dma_start3A_562] : memref<256xi32, #tpu.memory_space<vmem_shared>> -> memref<16xi32, #tpu.memory_space<vmem_shared>>
            tpu.enqueue_dma source(%dma_start3A_563 : memref<16xi32, #tpu.memory_space<vmem_shared>>) target(%dma_start3A_561 : memref<16xi32, #tpu.memory_space<vmem>>) target_semaphore(%run_scoped3A : memref<!tpu.dma_semaphore, #tpu.memory_space<semaphore_mem>>)
            %dma_wait3A = arith.constant 160 : i32
            %dma_wait3A_564 = tpu.memref_slice %arg10[%dma_wait3A] : memref<256xi32, #tpu.memory_space<vmem>> -> memref<16xi32, #tpu.memory_space<vmem>>
            %dma_wait3A_565 = arith.constant 160 : i32
            %dma_wait3A_566 = tpu.memref_slice %arg15[%dma_wait3A_565] : memref<256xi32, #tpu.memory_space<vmem_shared>> -> memref<16xi32, #tpu.memory_space<vmem_shared>>
            %dma_wait3A_567 = arith.constant 160 : i32
            %dma_wait3A_568 = tpu.memref_slice %arg10[%dma_wait3A_567] : memref<256xi32, #tpu.memory_space<vmem>> -> memref<16xi32, #tpu.memory_space<vmem>>
            %dma_wait3A_569 = arith.constant 160 : i32
            %dma_wait3A_570 = tpu.memref_slice %arg15[%dma_wait3A_569] : memref<256xi32, #tpu.memory_space<vmem_shared>> -> memref<16xi32, #tpu.memory_space<vmem_shared>>
            tpu.wait_dma2 semaphore(%run_scoped3A : memref<!tpu.dma_semaphore, #tpu.memory_space<semaphore_mem>>) src(%dma_wait3A_570 : memref<16xi32, #tpu.memory_space<vmem_shared>>) dst(%dma_wait3A_568 : memref<16xi32, #tpu.memory_space<vmem>>)
            tpu.yield
          }) : () -> ()
          "tpu.region"() ({
            %run_scoped3A = tpu.sem_alloc : memref<!tpu.dma_semaphore, #tpu.memory_space<semaphore_mem>>
            %dma_start3A = arith.constant 176 : i32
            %dma_start3A_557 = tpu.memref_slice %arg9[%dma_start3A] : memref<256xf32, #tpu.memory_space<vmem>> -> memref<16xf32, #tpu.memory_space<vmem>>
            %dma_start3A_558 = arith.constant 176 : i32
            %dma_start3A_559 = tpu.memref_slice %arg14[%dma_start3A_558] : memref<256xf32, #tpu.memory_space<vmem_shared>> -> memref<16xf32, #tpu.memory_space<vmem_shared>>
            %dma_start3A_560 = arith.constant 176 : i32
            %dma_start3A_561 = tpu.memref_slice %arg9[%dma_start3A_560] : memref<256xf32, #tpu.memory_space<vmem>> -> memref<16xf32, #tpu.memory_space<vmem>>
            %dma_start3A_562 = arith.constant 176 : i32
            %dma_start3A_563 = tpu.memref_slice %arg14[%dma_start3A_562] : memref<256xf32, #tpu.memory_space<vmem_shared>> -> memref<16xf32, #tpu.memory_space<vmem_shared>>
            tpu.enqueue_dma source(%dma_start3A_563 : memref<16xf32, #tpu.memory_space<vmem_shared>>) target(%dma_start3A_561 : memref<16xf32, #tpu.memory_space<vmem>>) target_semaphore(%run_scoped3A : memref<!tpu.dma_semaphore, #tpu.memory_space<semaphore_mem>>)
            %dma_wait3A = arith.constant 176 : i32
            %dma_wait3A_564 = tpu.memref_slice %arg9[%dma_wait3A] : memref<256xf32, #tpu.memory_space<vmem>> -> memref<16xf32, #tpu.memory_space<vmem>>
            %dma_wait3A_565 = arith.constant 176 : i32
            %dma_wait3A_566 = tpu.memref_slice %arg14[%dma_wait3A_565] : memref<256xf32, #tpu.memory_space<vmem_shared>> -> memref<16xf32, #tpu.memory_space<vmem_shared>>
            %dma_wait3A_567 = arith.constant 176 : i32
            %dma_wait3A_568 = tpu.memref_slice %arg9[%dma_wait3A_567] : memref<256xf32, #tpu.memory_space<vmem>> -> memref<16xf32, #tpu.memory_space<vmem>>
            %dma_wait3A_569 = arith.constant 176 : i32
            %dma_wait3A_570 = tpu.memref_slice %arg14[%dma_wait3A_569] : memref<256xf32, #tpu.memory_space<vmem_shared>> -> memref<16xf32, #tpu.memory_space<vmem_shared>>
            tpu.wait_dma2 semaphore(%run_scoped3A : memref<!tpu.dma_semaphore, #tpu.memory_space<semaphore_mem>>) src(%dma_wait3A_570 : memref<16xf32, #tpu.memory_space<vmem_shared>>) dst(%dma_wait3A_568 : memref<16xf32, #tpu.memory_space<vmem>>)
            tpu.yield
          }) : () -> ()
          "tpu.region"() ({
            %run_scoped3A = tpu.sem_alloc : memref<!tpu.dma_semaphore, #tpu.memory_space<semaphore_mem>>
            %dma_start3A = arith.constant 176 : i32
            %dma_start3A_557 = tpu.memref_slice %arg10[%dma_start3A] : memref<256xi32, #tpu.memory_space<vmem>> -> memref<16xi32, #tpu.memory_space<vmem>>
            %dma_start3A_558 = arith.constant 176 : i32
            %dma_start3A_559 = tpu.memref_slice %arg15[%dma_start3A_558] : memref<256xi32, #tpu.memory_space<vmem_shared>> -> memref<16xi32, #tpu.memory_space<vmem_shared>>
            %dma_start3A_560 = arith.constant 176 : i32
            %dma_start3A_561 = tpu.memref_slice %arg10[%dma_start3A_560] : memref<256xi32, #tpu.memory_space<vmem>> -> memref<16xi32, #tpu.memory_space<vmem>>
            %dma_start3A_562 = arith.constant 176 : i32
            %dma_start3A_563 = tpu.memref_slice %arg15[%dma_start3A_562] : memref<256xi32, #tpu.memory_space<vmem_shared>> -> memref<16xi32, #tpu.memory_space<vmem_shared>>
            tpu.enqueue_dma source(%dma_start3A_563 : memref<16xi32, #tpu.memory_space<vmem_shared>>) target(%dma_start3A_561 : memref<16xi32, #tpu.memory_space<vmem>>) target_semaphore(%run_scoped3A : memref<!tpu.dma_semaphore, #tpu.memory_space<semaphore_mem>>)
            %dma_wait3A = arith.constant 176 : i32
            %dma_wait3A_564 = tpu.memref_slice %arg10[%dma_wait3A] : memref<256xi32, #tpu.memory_space<vmem>> -> memref<16xi32, #tpu.memory_space<vmem>>
            %dma_wait3A_565 = arith.constant 176 : i32
            %dma_wait3A_566 = tpu.memref_slice %arg15[%dma_wait3A_565] : memref<256xi32, #tpu.memory_space<vmem_shared>> -> memref<16xi32, #tpu.memory_space<vmem_shared>>
            %dma_wait3A_567 = arith.constant 176 : i32
            %dma_wait3A_568 = tpu.memref_slice %arg10[%dma_wait3A_567] : memref<256xi32, #tpu.memory_space<vmem>> -> memref<16xi32, #tpu.memory_space<vmem>>
            %dma_wait3A_569 = arith.constant 176 : i32
            %dma_wait3A_570 = tpu.memref_slice %arg15[%dma_wait3A_569] : memref<256xi32, #tpu.memory_space<vmem_shared>> -> memref<16xi32, #tpu.memory_space<vmem_shared>>
            tpu.wait_dma2 semaphore(%run_scoped3A : memref<!tpu.dma_semaphore, #tpu.memory_space<semaphore_mem>>) src(%dma_wait3A_570 : memref<16xi32, #tpu.memory_space<vmem_shared>>) dst(%dma_wait3A_568 : memref<16xi32, #tpu.memory_space<vmem>>)
            tpu.yield
          }) : () -> ()
          "tpu.region"() ({
            %run_scoped3A = tpu.sem_alloc : memref<!tpu.dma_semaphore, #tpu.memory_space<semaphore_mem>>
            %dma_start3A = arith.constant 192 : i32
            %dma_start3A_557 = tpu.memref_slice %arg9[%dma_start3A] : memref<256xf32, #tpu.memory_space<vmem>> -> memref<16xf32, #tpu.memory_space<vmem>>
            %dma_start3A_558 = arith.constant 192 : i32
            %dma_start3A_559 = tpu.memref_slice %arg14[%dma_start3A_558] : memref<256xf32, #tpu.memory_space<vmem_shared>> -> memref<16xf32, #tpu.memory_space<vmem_shared>>
            %dma_start3A_560 = arith.constant 192 : i32
            %dma_start3A_561 = tpu.memref_slice %arg9[%dma_start3A_560] : memref<256xf32, #tpu.memory_space<vmem>> -> memref<16xf32, #tpu.memory_space<vmem>>
            %dma_start3A_562 = arith.constant 192 : i32
            %dma_start3A_563 = tpu.memref_slice %arg14[%dma_start3A_562] : memref<256xf32, #tpu.memory_space<vmem_shared>> -> memref<16xf32, #tpu.memory_space<vmem_shared>>
            tpu.enqueue_dma source(%dma_start3A_563 : memref<16xf32, #tpu.memory_space<vmem_shared>>) target(%dma_start3A_561 : memref<16xf32, #tpu.memory_space<vmem>>) target_semaphore(%run_scoped3A : memref<!tpu.dma_semaphore, #tpu.memory_space<semaphore_mem>>)
            %dma_wait3A = arith.constant 192 : i32
            %dma_wait3A_564 = tpu.memref_slice %arg9[%dma_wait3A] : memref<256xf32, #tpu.memory_space<vmem>> -> memref<16xf32, #tpu.memory_space<vmem>>
            %dma_wait3A_565 = arith.constant 192 : i32
            %dma_wait3A_566 = tpu.memref_slice %arg14[%dma_wait3A_565] : memref<256xf32, #tpu.memory_space<vmem_shared>> -> memref<16xf32, #tpu.memory_space<vmem_shared>>
            %dma_wait3A_567 = arith.constant 192 : i32
            %dma_wait3A_568 = tpu.memref_slice %arg9[%dma_wait3A_567] : memref<256xf32, #tpu.memory_space<vmem>> -> memref<16xf32, #tpu.memory_space<vmem>>
            %dma_wait3A_569 = arith.constant 192 : i32
            %dma_wait3A_570 = tpu.memref_slice %arg14[%dma_wait3A_569] : memref<256xf32, #tpu.memory_space<vmem_shared>> -> memref<16xf32, #tpu.memory_space<vmem_shared>>
            tpu.wait_dma2 semaphore(%run_scoped3A : memref<!tpu.dma_semaphore, #tpu.memory_space<semaphore_mem>>) src(%dma_wait3A_570 : memref<16xf32, #tpu.memory_space<vmem_shared>>) dst(%dma_wait3A_568 : memref<16xf32, #tpu.memory_space<vmem>>)
            tpu.yield
          }) : () -> ()
          "tpu.region"() ({
            %run_scoped3A = tpu.sem_alloc : memref<!tpu.dma_semaphore, #tpu.memory_space<semaphore_mem>>
            %dma_start3A = arith.constant 192 : i32
            %dma_start3A_557 = tpu.memref_slice %arg10[%dma_start3A] : memref<256xi32, #tpu.memory_space<vmem>> -> memref<16xi32, #tpu.memory_space<vmem>>
            %dma_start3A_558 = arith.constant 192 : i32
            %dma_start3A_559 = tpu.memref_slice %arg15[%dma_start3A_558] : memref<256xi32, #tpu.memory_space<vmem_shared>> -> memref<16xi32, #tpu.memory_space<vmem_shared>>
            %dma_start3A_560 = arith.constant 192 : i32
            %dma_start3A_561 = tpu.memref_slice %arg10[%dma_start3A_560] : memref<256xi32, #tpu.memory_space<vmem>> -> memref<16xi32, #tpu.memory_space<vmem>>
            %dma_start3A_562 = arith.constant 192 : i32
            %dma_start3A_563 = tpu.memref_slice %arg15[%dma_start3A_562] : memref<256xi32, #tpu.memory_space<vmem_shared>> -> memref<16xi32, #tpu.memory_space<vmem_shared>>
            tpu.enqueue_dma source(%dma_start3A_563 : memref<16xi32, #tpu.memory_space<vmem_shared>>) target(%dma_start3A_561 : memref<16xi32, #tpu.memory_space<vmem>>) target_semaphore(%run_scoped3A : memref<!tpu.dma_semaphore, #tpu.memory_space<semaphore_mem>>)
            %dma_wait3A = arith.constant 192 : i32
            %dma_wait3A_564 = tpu.memref_slice %arg10[%dma_wait3A] : memref<256xi32, #tpu.memory_space<vmem>> -> memref<16xi32, #tpu.memory_space<vmem>>
            %dma_wait3A_565 = arith.constant 192 : i32
            %dma_wait3A_566 = tpu.memref_slice %arg15[%dma_wait3A_565] : memref<256xi32, #tpu.memory_space<vmem_shared>> -> memref<16xi32, #tpu.memory_space<vmem_shared>>
            %dma_wait3A_567 = arith.constant 192 : i32
            %dma_wait3A_568 = tpu.memref_slice %arg10[%dma_wait3A_567] : memref<256xi32, #tpu.memory_space<vmem>> -> memref<16xi32, #tpu.memory_space<vmem>>
            %dma_wait3A_569 = arith.constant 192 : i32
            %dma_wait3A_570 = tpu.memref_slice %arg15[%dma_wait3A_569] : memref<256xi32, #tpu.memory_space<vmem_shared>> -> memref<16xi32, #tpu.memory_space<vmem_shared>>
            tpu.wait_dma2 semaphore(%run_scoped3A : memref<!tpu.dma_semaphore, #tpu.memory_space<semaphore_mem>>) src(%dma_wait3A_570 : memref<16xi32, #tpu.memory_space<vmem_shared>>) dst(%dma_wait3A_568 : memref<16xi32, #tpu.memory_space<vmem>>)
            tpu.yield
          }) : () -> ()
          "tpu.region"() ({
            %run_scoped3A = tpu.sem_alloc : memref<!tpu.dma_semaphore, #tpu.memory_space<semaphore_mem>>
            %dma_start3A = arith.constant 208 : i32
            %dma_start3A_557 = tpu.memref_slice %arg9[%dma_start3A] : memref<256xf32, #tpu.memory_space<vmem>> -> memref<16xf32, #tpu.memory_space<vmem>>
            %dma_start3A_558 = arith.constant 208 : i32
            %dma_start3A_559 = tpu.memref_slice %arg14[%dma_start3A_558] : memref<256xf32, #tpu.memory_space<vmem_shared>> -> memref<16xf32, #tpu.memory_space<vmem_shared>>
            %dma_start3A_560 = arith.constant 208 : i32
            %dma_start3A_561 = tpu.memref_slice %arg9[%dma_start3A_560] : memref<256xf32, #tpu.memory_space<vmem>> -> memref<16xf32, #tpu.memory_space<vmem>>
            %dma_start3A_562 = arith.constant 208 : i32
            %dma_start3A_563 = tpu.memref_slice %arg14[%dma_start3A_562] : memref<256xf32, #tpu.memory_space<vmem_shared>> -> memref<16xf32, #tpu.memory_space<vmem_shared>>
            tpu.enqueue_dma source(%dma_start3A_563 : memref<16xf32, #tpu.memory_space<vmem_shared>>) target(%dma_start3A_561 : memref<16xf32, #tpu.memory_space<vmem>>) target_semaphore(%run_scoped3A : memref<!tpu.dma_semaphore, #tpu.memory_space<semaphore_mem>>)
            %dma_wait3A = arith.constant 208 : i32
            %dma_wait3A_564 = tpu.memref_slice %arg9[%dma_wait3A] : memref<256xf32, #tpu.memory_space<vmem>> -> memref<16xf32, #tpu.memory_space<vmem>>
            %dma_wait3A_565 = arith.constant 208 : i32
            %dma_wait3A_566 = tpu.memref_slice %arg14[%dma_wait3A_565] : memref<256xf32, #tpu.memory_space<vmem_shared>> -> memref<16xf32, #tpu.memory_space<vmem_shared>>
            %dma_wait3A_567 = arith.constant 208 : i32
            %dma_wait3A_568 = tpu.memref_slice %arg9[%dma_wait3A_567] : memref<256xf32, #tpu.memory_space<vmem>> -> memref<16xf32, #tpu.memory_space<vmem>>
            %dma_wait3A_569 = arith.constant 208 : i32
            %dma_wait3A_570 = tpu.memref_slice %arg14[%dma_wait3A_569] : memref<256xf32, #tpu.memory_space<vmem_shared>> -> memref<16xf32, #tpu.memory_space<vmem_shared>>
            tpu.wait_dma2 semaphore(%run_scoped3A : memref<!tpu.dma_semaphore, #tpu.memory_space<semaphore_mem>>) src(%dma_wait3A_570 : memref<16xf32, #tpu.memory_space<vmem_shared>>) dst(%dma_wait3A_568 : memref<16xf32, #tpu.memory_space<vmem>>)
            tpu.yield
          }) : () -> ()
          "tpu.region"() ({
            %run_scoped3A = tpu.sem_alloc : memref<!tpu.dma_semaphore, #tpu.memory_space<semaphore_mem>>
            %dma_start3A = arith.constant 208 : i32
            %dma_start3A_557 = tpu.memref_slice %arg10[%dma_start3A] : memref<256xi32, #tpu.memory_space<vmem>> -> memref<16xi32, #tpu.memory_space<vmem>>
            %dma_start3A_558 = arith.constant 208 : i32
            %dma_start3A_559 = tpu.memref_slice %arg15[%dma_start3A_558] : memref<256xi32, #tpu.memory_space<vmem_shared>> -> memref<16xi32, #tpu.memory_space<vmem_shared>>
            %dma_start3A_560 = arith.constant 208 : i32
            %dma_start3A_561 = tpu.memref_slice %arg10[%dma_start3A_560] : memref<256xi32, #tpu.memory_space<vmem>> -> memref<16xi32, #tpu.memory_space<vmem>>
            %dma_start3A_562 = arith.constant 208 : i32
            %dma_start3A_563 = tpu.memref_slice %arg15[%dma_start3A_562] : memref<256xi32, #tpu.memory_space<vmem_shared>> -> memref<16xi32, #tpu.memory_space<vmem_shared>>
            tpu.enqueue_dma source(%dma_start3A_563 : memref<16xi32, #tpu.memory_space<vmem_shared>>) target(%dma_start3A_561 : memref<16xi32, #tpu.memory_space<vmem>>) target_semaphore(%run_scoped3A : memref<!tpu.dma_semaphore, #tpu.memory_space<semaphore_mem>>)
            %dma_wait3A = arith.constant 208 : i32
            %dma_wait3A_564 = tpu.memref_slice %arg10[%dma_wait3A] : memref<256xi32, #tpu.memory_space<vmem>> -> memref<16xi32, #tpu.memory_space<vmem>>
            %dma_wait3A_565 = arith.constant 208 : i32
            %dma_wait3A_566 = tpu.memref_slice %arg15[%dma_wait3A_565] : memref<256xi32, #tpu.memory_space<vmem_shared>> -> memref<16xi32, #tpu.memory_space<vmem_shared>>
            %dma_wait3A_567 = arith.constant 208 : i32
            %dma_wait3A_568 = tpu.memref_slice %arg10[%dma_wait3A_567] : memref<256xi32, #tpu.memory_space<vmem>> -> memref<16xi32, #tpu.memory_space<vmem>>
            %dma_wait3A_569 = arith.constant 208 : i32
            %dma_wait3A_570 = tpu.memref_slice %arg15[%dma_wait3A_569] : memref<256xi32, #tpu.memory_space<vmem_shared>> -> memref<16xi32, #tpu.memory_space<vmem_shared>>
            tpu.wait_dma2 semaphore(%run_scoped3A : memref<!tpu.dma_semaphore, #tpu.memory_space<semaphore_mem>>) src(%dma_wait3A_570 : memref<16xi32, #tpu.memory_space<vmem_shared>>) dst(%dma_wait3A_568 : memref<16xi32, #tpu.memory_space<vmem>>)
            tpu.yield
          }) : () -> ()
          "tpu.region"() ({
            %run_scoped3A = tpu.sem_alloc : memref<!tpu.dma_semaphore, #tpu.memory_space<semaphore_mem>>
            %dma_start3A = arith.constant 224 : i32
            %dma_start3A_557 = tpu.memref_slice %arg9[%dma_start3A] : memref<256xf32, #tpu.memory_space<vmem>> -> memref<16xf32, #tpu.memory_space<vmem>>
            %dma_start3A_558 = arith.constant 224 : i32
            %dma_start3A_559 = tpu.memref_slice %arg14[%dma_start3A_558] : memref<256xf32, #tpu.memory_space<vmem_shared>> -> memref<16xf32, #tpu.memory_space<vmem_shared>>
            %dma_start3A_560 = arith.constant 224 : i32
            %dma_start3A_561 = tpu.memref_slice %arg9[%dma_start3A_560] : memref<256xf32, #tpu.memory_space<vmem>> -> memref<16xf32, #tpu.memory_space<vmem>>
            %dma_start3A_562 = arith.constant 224 : i32
            %dma_start3A_563 = tpu.memref_slice %arg14[%dma_start3A_562] : memref<256xf32, #tpu.memory_space<vmem_shared>> -> memref<16xf32, #tpu.memory_space<vmem_shared>>
            tpu.enqueue_dma source(%dma_start3A_563 : memref<16xf32, #tpu.memory_space<vmem_shared>>) target(%dma_start3A_561 : memref<16xf32, #tpu.memory_space<vmem>>) target_semaphore(%run_scoped3A : memref<!tpu.dma_semaphore, #tpu.memory_space<semaphore_mem>>)
            %dma_wait3A = arith.constant 224 : i32
            %dma_wait3A_564 = tpu.memref_slice %arg9[%dma_wait3A] : memref<256xf32, #tpu.memory_space<vmem>> -> memref<16xf32, #tpu.memory_space<vmem>>
            %dma_wait3A_565 = arith.constant 224 : i32
            %dma_wait3A_566 = tpu.memref_slice %arg14[%dma_wait3A_565] : memref<256xf32, #tpu.memory_space<vmem_shared>> -> memref<16xf32, #tpu.memory_space<vmem_shared>>
            %dma_wait3A_567 = arith.constant 224 : i32
            %dma_wait3A_568 = tpu.memref_slice %arg9[%dma_wait3A_567] : memref<256xf32, #tpu.memory_space<vmem>> -> memref<16xf32, #tpu.memory_space<vmem>>
            %dma_wait3A_569 = arith.constant 224 : i32
            %dma_wait3A_570 = tpu.memref_slice %arg14[%dma_wait3A_569] : memref<256xf32, #tpu.memory_space<vmem_shared>> -> memref<16xf32, #tpu.memory_space<vmem_shared>>
            tpu.wait_dma2 semaphore(%run_scoped3A : memref<!tpu.dma_semaphore, #tpu.memory_space<semaphore_mem>>) src(%dma_wait3A_570 : memref<16xf32, #tpu.memory_space<vmem_shared>>) dst(%dma_wait3A_568 : memref<16xf32, #tpu.memory_space<vmem>>)
            tpu.yield
          }) : () -> ()
          "tpu.region"() ({
            %run_scoped3A = tpu.sem_alloc : memref<!tpu.dma_semaphore, #tpu.memory_space<semaphore_mem>>
            %dma_start3A = arith.constant 224 : i32
            %dma_start3A_557 = tpu.memref_slice %arg10[%dma_start3A] : memref<256xi32, #tpu.memory_space<vmem>> -> memref<16xi32, #tpu.memory_space<vmem>>
            %dma_start3A_558 = arith.constant 224 : i32
            %dma_start3A_559 = tpu.memref_slice %arg15[%dma_start3A_558] : memref<256xi32, #tpu.memory_space<vmem_shared>> -> memref<16xi32, #tpu.memory_space<vmem_shared>>
            %dma_start3A_560 = arith.constant 224 : i32
            %dma_start3A_561 = tpu.memref_slice %arg10[%dma_start3A_560] : memref<256xi32, #tpu.memory_space<vmem>> -> memref<16xi32, #tpu.memory_space<vmem>>
            %dma_start3A_562 = arith.constant 224 : i32
            %dma_start3A_563 = tpu.memref_slice %arg15[%dma_start3A_562] : memref<256xi32, #tpu.memory_space<vmem_shared>> -> memref<16xi32, #tpu.memory_space<vmem_shared>>
            tpu.enqueue_dma source(%dma_start3A_563 : memref<16xi32, #tpu.memory_space<vmem_shared>>) target(%dma_start3A_561 : memref<16xi32, #tpu.memory_space<vmem>>) target_semaphore(%run_scoped3A : memref<!tpu.dma_semaphore, #tpu.memory_space<semaphore_mem>>)
            %dma_wait3A = arith.constant 224 : i32
            %dma_wait3A_564 = tpu.memref_slice %arg10[%dma_wait3A] : memref<256xi32, #tpu.memory_space<vmem>> -> memref<16xi32, #tpu.memory_space<vmem>>
            %dma_wait3A_565 = arith.constant 224 : i32
            %dma_wait3A_566 = tpu.memref_slice %arg15[%dma_wait3A_565] : memref<256xi32, #tpu.memory_space<vmem_shared>> -> memref<16xi32, #tpu.memory_space<vmem_shared>>
            %dma_wait3A_567 = arith.constant 224 : i32
            %dma_wait3A_568 = tpu.memref_slice %arg10[%dma_wait3A_567] : memref<256xi32, #tpu.memory_space<vmem>> -> memref<16xi32, #tpu.memory_space<vmem>>
            %dma_wait3A_569 = arith.constant 224 : i32
            %dma_wait3A_570 = tpu.memref_slice %arg15[%dma_wait3A_569] : memref<256xi32, #tpu.memory_space<vmem_shared>> -> memref<16xi32, #tpu.memory_space<vmem_shared>>
            tpu.wait_dma2 semaphore(%run_scoped3A : memref<!tpu.dma_semaphore, #tpu.memory_space<semaphore_mem>>) src(%dma_wait3A_570 : memref<16xi32, #tpu.memory_space<vmem_shared>>) dst(%dma_wait3A_568 : memref<16xi32, #tpu.memory_space<vmem>>)
            tpu.yield
          }) : () -> ()
          "tpu.region"() ({
            %run_scoped3A = tpu.sem_alloc : memref<!tpu.dma_semaphore, #tpu.memory_space<semaphore_mem>>
            %dma_start3A = arith.constant 240 : i32
            %dma_start3A_557 = tpu.memref_slice %arg9[%dma_start3A] : memref<256xf32, #tpu.memory_space<vmem>> -> memref<16xf32, #tpu.memory_space<vmem>>
            %dma_start3A_558 = arith.constant 240 : i32
            %dma_start3A_559 = tpu.memref_slice %arg14[%dma_start3A_558] : memref<256xf32, #tpu.memory_space<vmem_shared>> -> memref<16xf32, #tpu.memory_space<vmem_shared>>
            %dma_start3A_560 = arith.constant 240 : i32
            %dma_start3A_561 = tpu.memref_slice %arg9[%dma_start3A_560] : memref<256xf32, #tpu.memory_space<vmem>> -> memref<16xf32, #tpu.memory_space<vmem>>
            %dma_start3A_562 = arith.constant 240 : i32
            %dma_start3A_563 = tpu.memref_slice %arg14[%dma_start3A_562] : memref<256xf32, #tpu.memory_space<vmem_shared>> -> memref<16xf32, #tpu.memory_space<vmem_shared>>
            tpu.enqueue_dma source(%dma_start3A_563 : memref<16xf32, #tpu.memory_space<vmem_shared>>) target(%dma_start3A_561 : memref<16xf32, #tpu.memory_space<vmem>>) target_semaphore(%run_scoped3A : memref<!tpu.dma_semaphore, #tpu.memory_space<semaphore_mem>>)
            %dma_wait3A = arith.constant 240 : i32
            %dma_wait3A_564 = tpu.memref_slice %arg9[%dma_wait3A] : memref<256xf32, #tpu.memory_space<vmem>> -> memref<16xf32, #tpu.memory_space<vmem>>
            %dma_wait3A_565 = arith.constant 240 : i32
            %dma_wait3A_566 = tpu.memref_slice %arg14[%dma_wait3A_565] : memref<256xf32, #tpu.memory_space<vmem_shared>> -> memref<16xf32, #tpu.memory_space<vmem_shared>>
            %dma_wait3A_567 = arith.constant 240 : i32
            %dma_wait3A_568 = tpu.memref_slice %arg9[%dma_wait3A_567] : memref<256xf32, #tpu.memory_space<vmem>> -> memref<16xf32, #tpu.memory_space<vmem>>
            %dma_wait3A_569 = arith.constant 240 : i32
            %dma_wait3A_570 = tpu.memref_slice %arg14[%dma_wait3A_569] : memref<256xf32, #tpu.memory_space<vmem_shared>> -> memref<16xf32, #tpu.memory_space<vmem_shared>>
            tpu.wait_dma2 semaphore(%run_scoped3A : memref<!tpu.dma_semaphore, #tpu.memory_space<semaphore_mem>>) src(%dma_wait3A_570 : memref<16xf32, #tpu.memory_space<vmem_shared>>) dst(%dma_wait3A_568 : memref<16xf32, #tpu.memory_space<vmem>>)
            tpu.yield
          }) : () -> ()
          "tpu.region"() ({
            %run_scoped3A = tpu.sem_alloc : memref<!tpu.dma_semaphore, #tpu.memory_space<semaphore_mem>>
            %dma_start3A = arith.constant 240 : i32
            %dma_start3A_557 = tpu.memref_slice %arg10[%dma_start3A] : memref<256xi32, #tpu.memory_space<vmem>> -> memref<16xi32, #tpu.memory_space<vmem>>
            %dma_start3A_558 = arith.constant 240 : i32
            %dma_start3A_559 = tpu.memref_slice %arg15[%dma_start3A_558] : memref<256xi32, #tpu.memory_space<vmem_shared>> -> memref<16xi32, #tpu.memory_space<vmem_shared>>
            %dma_start3A_560 = arith.constant 240 : i32
            %dma_start3A_561 = tpu.memref_slice %arg10[%dma_start3A_560] : memref<256xi32, #tpu.memory_space<vmem>> -> memref<16xi32, #tpu.memory_space<vmem>>
            %dma_start3A_562 = arith.constant 240 : i32
            %dma_start3A_563 = tpu.memref_slice %arg15[%dma_start3A_562] : memref<256xi32, #tpu.memory_space<vmem_shared>> -> memref<16xi32, #tpu.memory_space<vmem_shared>>
            tpu.enqueue_dma source(%dma_start3A_563 : memref<16xi32, #tpu.memory_space<vmem_shared>>) target(%dma_start3A_561 : memref<16xi32, #tpu.memory_space<vmem>>) target_semaphore(%run_scoped3A : memref<!tpu.dma_semaphore, #tpu.memory_space<semaphore_mem>>)
            %dma_wait3A = arith.constant 240 : i32
            %dma_wait3A_564 = tpu.memref_slice %arg10[%dma_wait3A] : memref<256xi32, #tpu.memory_space<vmem>> -> memref<16xi32, #tpu.memory_space<vmem>>
            %dma_wait3A_565 = arith.constant 240 : i32
            %dma_wait3A_566 = tpu.memref_slice %arg15[%dma_wait3A_565] : memref<256xi32, #tpu.memory_space<vmem_shared>> -> memref<16xi32, #tpu.memory_space<vmem_shared>>
            %dma_wait3A_567 = arith.constant 240 : i32
            %dma_wait3A_568 = tpu.memref_slice %arg10[%dma_wait3A_567] : memref<256xi32, #tpu.memory_space<vmem>> -> memref<16xi32, #tpu.memory_space<vmem>>
            %dma_wait3A_569 = arith.constant 240 : i32
            %dma_wait3A_570 = tpu.memref_slice %arg15[%dma_wait3A_569] : memref<256xi32, #tpu.memory_space<vmem_shared>> -> memref<16xi32, #tpu.memory_space<vmem_shared>>
            tpu.wait_dma2 semaphore(%run_scoped3A : memref<!tpu.dma_semaphore, #tpu.memory_space<semaphore_mem>>) src(%dma_wait3A_570 : memref<16xi32, #tpu.memory_space<vmem_shared>>) dst(%dma_wait3A_568 : memref<16xi32, #tpu.memory_space<vmem>>)
            tpu.yield
          }) : () -> ()
          %broadcast_in_dim3A_379 = arith.constant 0x7F800000 : f32
          %broadcast_in_dim3A_380 = vector.broadcast %broadcast_in_dim3A_379 : f32 to vector<16xf32>
          %broadcast_in_dim3A_381 = arith.constant 8192 : i32
          %broadcast_in_dim3A_382 = vector.broadcast %broadcast_in_dim3A_381 : i32 to vector<16xi32>
          %scan3A_383 = arith.constant 0 : i32
          %scan3A_384 = arith.constant 16 : i32
          %scan3A_385 = arith.addi %scan3A_383, %scan3A_384 : i32
          %scan3A_386 = arith.constant 1 : i32
          %scan3A_387:2 = scf.for %scan3A_557 = %scan3A_383 to %scan3A_385 step %scan3A_386 iter_args(%scan3A_558 = %broadcast_in_dim3A_380, %scan3A_559 = %broadcast_in_dim3A_382) -> (vector<16xf32>, vector<16xi32>)  : i32 {
            %mul3A_560 = arith.constant 16 : i32
            %mul3A_561 = arith.muli %scan3A_557, %mul3A_560 : i32
            %get3A_562 = arith.index_cast %mul3A_561 : i32 to index
            %get3A_563 = tpu.vector_load %arg9[%get3A_562] {strides = array<i32>} : memref<256xf32, #tpu.memory_space<vmem>>, vector<16xf32>,
            %get3A_564 = vector.shape_cast %get3A_563 : vector<16xf32> to vector<16xf32>
            %mul3A_565 = arith.constant 16 : i32
            %mul3A_566 = arith.muli %scan3A_557, %mul3A_565 : i32
            %get3A_567 = arith.index_cast %mul3A_566 : i32 to index
            %get3A_568 = tpu.vector_load %arg10[%get3A_567] {strides = array<i32>} : memref<256xi32, #tpu.memory_space<vmem>>, vector<16xi32>,
            %get3A_569 = vector.shape_cast %get3A_568 : vector<16xi32> to vector<16xi32>
            %lt3A_570 = arith.cmpf olt, %get3A_564, %scan3A_558 : vector<16xf32>
            %eq3A_571 = arith.cmpf oeq, %get3A_564, %scan3A_558 : vector<16xf32>
            %lt3A_572 = arith.cmpi slt, %get3A_569, %scan3A_559 : vector<16xi32>
            %and3A_573 = arith.andi %eq3A_571, %lt3A_572 : vector<16xi1>
            %or3A_574 = arith.ori %lt3A_570, %and3A_573 : vector<16xi1>
            %select_n3A_575 = arith.select %or3A_574, %get3A_564, %scan3A_558 : vector<16xi1>, vector<16xf32>
            %select_n3A_576 = arith.select %or3A_574, %get3A_569, %scan3A_559 : vector<16xi1>, vector<16xi32>
            scf.yield %select_n3A_575, %select_n3A_576 : vector<16xf32>, vector<16xi32>
          }
          %scan3A_388 = arith.constant 16 : i32
          %swap3A_389 = arith.constant 0 : index
          %swap3A_390 = tpu.vector_load %arg12[%swap3A_389] {strides = array<i32>} : memref<32xf32, #tpu.memory_space<vmem>>, vector<16xf32>,
          %swap3A_391 = vector.shape_cast %swap3A_390 : vector<16xf32> to vector<16xf32>
          %swap3A_392 = vector.shape_cast %scan3A_387#0 : vector<16xf32> to vector<16xf32>
          tpu.vector_store %arg12[%swap3A_389], %swap3A_392 {strides = array<i32>} : memref<32xf32, #tpu.memory_space<vmem>>, vector<16xf32>,
          %swap3A_393 = arith.constant 16 : index
          %swap3A_394 = tpu.vector_load %arg12[%swap3A_393] {strides = array<i32>} : memref<32xf32, #tpu.memory_space<vmem>>, vector<16xf32>,
          %swap3A_395 = vector.shape_cast %swap3A_394 : vector<16xf32> to vector<16xf32>
          %swap3A_396 = vector.shape_cast %scan3A_387#0 : vector<16xf32> to vector<16xf32>
          tpu.vector_store %arg12[%swap3A_393], %swap3A_396 {strides = array<i32>} : memref<32xf32, #tpu.memory_space<vmem>>, vector<16xf32>,
          %swap3A_397 = arith.constant 0 : index
          %swap3A_398 = tpu.vector_load %arg13[%swap3A_397] {strides = array<i32>} : memref<32xi32, #tpu.memory_space<vmem>>, vector<16xi32>,
          %swap3A_399 = vector.shape_cast %swap3A_398 : vector<16xi32> to vector<16xi32>
          %swap3A_400 = vector.shape_cast %scan3A_387#1 : vector<16xi32> to vector<16xi32>
          tpu.vector_store %arg13[%swap3A_397], %swap3A_400 {strides = array<i32>} : memref<32xi32, #tpu.memory_space<vmem>>, vector<16xi32>,
          %swap3A_401 = arith.constant 16 : index
          %swap3A_402 = tpu.vector_load %arg13[%swap3A_401] {strides = array<i32>} : memref<32xi32, #tpu.memory_space<vmem>>, vector<16xi32>,
          %swap3A_403 = vector.shape_cast %swap3A_402 : vector<16xi32> to vector<16xi32>
          %swap3A_404 = vector.shape_cast %scan3A_387#1 : vector<16xi32> to vector<16xi32>
          tpu.vector_store %arg13[%swap3A_401], %swap3A_404 {strides = array<i32>} : memref<32xi32, #tpu.memory_space<vmem>>, vector<16xi32>,
          %get3A_405 = arith.constant 8 : index
          %get3A_406 = tpu.vector_load %arg12[%get3A_405] {strides = array<i32>} : memref<32xf32, #tpu.memory_space<vmem>>, vector<16xf32>,
          %get3A_407 = vector.shape_cast %get3A_406 : vector<16xf32> to vector<16xf32>
          %get3A_408 = arith.constant 8 : index
          %get3A_409 = tpu.vector_load %arg13[%get3A_408] {strides = array<i32>} : memref<32xi32, #tpu.memory_space<vmem>>, vector<16xi32>,
          %get3A_410 = vector.shape_cast %get3A_409 : vector<16xi32> to vector<16xi32>
          %lt3A = arith.cmpf olt, %get3A_407, %scan3A_387#0 : vector<16xf32>
          %eq3A_411 = arith.cmpf oeq, %get3A_407, %scan3A_387#0 : vector<16xf32>
          %lt3A_412 = arith.cmpi slt, %get3A_410, %scan3A_387#1 : vector<16xi32>
          %and3A = arith.andi %eq3A_411, %lt3A_412 : vector<16xi1>
          %or3A = arith.ori %lt3A, %and3A : vector<16xi1>
          %select_n3A = arith.select %or3A, %get3A_407, %scan3A_387#0 : vector<16xi1>, vector<16xf32>
          %select_n3A_413 = arith.select %or3A, %get3A_410, %scan3A_387#1 : vector<16xi1>, vector<16xi32>
          %swap3A_414 = arith.constant 0 : index
          %swap3A_415 = tpu.vector_load %arg12[%swap3A_414] {strides = array<i32>} : memref<32xf32, #tpu.memory_space<vmem>>, vector<16xf32>,
          %swap3A_416 = vector.shape_cast %swap3A_415 : vector<16xf32> to vector<16xf32>
          %swap3A_417 = vector.shape_cast %select_n3A : vector<16xf32> to vector<16xf32>
          tpu.vector_store %arg12[%swap3A_414], %swap3A_417 {strides = array<i32>} : memref<32xf32, #tpu.memory_space<vmem>>, vector<16xf32>,
          %swap3A_418 = arith.constant 16 : index
          %swap3A_419 = tpu.vector_load %arg12[%swap3A_418] {strides = array<i32>} : memref<32xf32, #tpu.memory_space<vmem>>, vector<16xf32>,
          %swap3A_420 = vector.shape_cast %swap3A_419 : vector<16xf32> to vector<16xf32>
          %swap3A_421 = vector.shape_cast %select_n3A : vector<16xf32> to vector<16xf32>
          tpu.vector_store %arg12[%swap3A_418], %swap3A_421 {strides = array<i32>} : memref<32xf32, #tpu.memory_space<vmem>>, vector<16xf32>,
          %swap3A_422 = arith.constant 0 : index
          %swap3A_423 = tpu.vector_load %arg13[%swap3A_422] {strides = array<i32>} : memref<32xi32, #tpu.memory_space<vmem>>, vector<16xi32>,
          %swap3A_424 = vector.shape_cast %swap3A_423 : vector<16xi32> to vector<16xi32>
          %swap3A_425 = vector.shape_cast %select_n3A_413 : vector<16xi32> to vector<16xi32>
          tpu.vector_store %arg13[%swap3A_422], %swap3A_425 {strides = array<i32>} : memref<32xi32, #tpu.memory_space<vmem>>, vector<16xi32>,
          %swap3A_426 = arith.constant 16 : index
          %swap3A_427 = tpu.vector_load %arg13[%swap3A_426] {strides = array<i32>} : memref<32xi32, #tpu.memory_space<vmem>>, vector<16xi32>,
          %swap3A_428 = vector.shape_cast %swap3A_427 : vector<16xi32> to vector<16xi32>
          %swap3A_429 = vector.shape_cast %select_n3A_413 : vector<16xi32> to vector<16xi32>
          tpu.vector_store %arg13[%swap3A_426], %swap3A_429 {strides = array<i32>} : memref<32xi32, #tpu.memory_space<vmem>>, vector<16xi32>,
          %get3A_430 = arith.constant 4 : index
          %get3A_431 = tpu.vector_load %arg12[%get3A_430] {strides = array<i32>} : memref<32xf32, #tpu.memory_space<vmem>>, vector<16xf32>,
          %get3A_432 = vector.shape_cast %get3A_431 : vector<16xf32> to vector<16xf32>
          %get3A_433 = arith.constant 4 : index
          %get3A_434 = tpu.vector_load %arg13[%get3A_433] {strides = array<i32>} : memref<32xi32, #tpu.memory_space<vmem>>, vector<16xi32>,
          %get3A_435 = vector.shape_cast %get3A_434 : vector<16xi32> to vector<16xi32>
          %lt3A_436 = arith.cmpf olt, %get3A_432, %select_n3A : vector<16xf32>
          %eq3A_437 = arith.cmpf oeq, %get3A_432, %select_n3A : vector<16xf32>
          %lt3A_438 = arith.cmpi slt, %get3A_435, %select_n3A_413 : vector<16xi32>
          %and3A_439 = arith.andi %eq3A_437, %lt3A_438 : vector<16xi1>
          %or3A_440 = arith.ori %lt3A_436, %and3A_439 : vector<16xi1>
          %select_n3A_441 = arith.select %or3A_440, %get3A_432, %select_n3A : vector<16xi1>, vector<16xf32>
          %select_n3A_442 = arith.select %or3A_440, %get3A_435, %select_n3A_413 : vector<16xi1>, vector<16xi32>
          %swap3A_443 = arith.constant 0 : index
          %swap3A_444 = tpu.vector_load %arg12[%swap3A_443] {strides = array<i32>} : memref<32xf32, #tpu.memory_space<vmem>>, vector<16xf32>,
          %swap3A_445 = vector.shape_cast %swap3A_444 : vector<16xf32> to vector<16xf32>
          %swap3A_446 = vector.shape_cast %select_n3A_441 : vector<16xf32> to vector<16xf32>
          tpu.vector_store %arg12[%swap3A_443], %swap3A_446 {strides = array<i32>} : memref<32xf32, #tpu.memory_space<vmem>>, vector<16xf32>,
          %swap3A_447 = arith.constant 16 : index
          %swap3A_448 = tpu.vector_load %arg12[%swap3A_447] {strides = array<i32>} : memref<32xf32, #tpu.memory_space<vmem>>, vector<16xf32>,
          %swap3A_449 = vector.shape_cast %swap3A_448 : vector<16xf32> to vector<16xf32>
          %swap3A_450 = vector.shape_cast %select_n3A_441 : vector<16xf32> to vector<16xf32>
          tpu.vector_store %arg12[%swap3A_447], %swap3A_450 {strides = array<i32>} : memref<32xf32, #tpu.memory_space<vmem>>, vector<16xf32>,
          %swap3A_451 = arith.constant 0 : index
          %swap3A_452 = tpu.vector_load %arg13[%swap3A_451] {strides = array<i32>} : memref<32xi32, #tpu.memory_space<vmem>>, vector<16xi32>,
          %swap3A_453 = vector.shape_cast %swap3A_452 : vector<16xi32> to vector<16xi32>
          %swap3A_454 = vector.shape_cast %select_n3A_442 : vector<16xi32> to vector<16xi32>
          tpu.vector_store %arg13[%swap3A_451], %swap3A_454 {strides = array<i32>} : memref<32xi32, #tpu.memory_space<vmem>>, vector<16xi32>,
          %swap3A_455 = arith.constant 16 : index
          %swap3A_456 = tpu.vector_load %arg13[%swap3A_455] {strides = array<i32>} : memref<32xi32, #tpu.memory_space<vmem>>, vector<16xi32>,
          %swap3A_457 = vector.shape_cast %swap3A_456 : vector<16xi32> to vector<16xi32>
          %swap3A_458 = vector.shape_cast %select_n3A_442 : vector<16xi32> to vector<16xi32>
          tpu.vector_store %arg13[%swap3A_455], %swap3A_458 {strides = array<i32>} : memref<32xi32, #tpu.memory_space<vmem>>, vector<16xi32>,
          %get3A_459 = arith.constant 2 : index
          %get3A_460 = tpu.vector_load %arg12[%get3A_459] {strides = array<i32>} : memref<32xf32, #tpu.memory_space<vmem>>, vector<16xf32>,
          %get3A_461 = vector.shape_cast %get3A_460 : vector<16xf32> to vector<16xf32>
          %get3A_462 = arith.constant 2 : index
          %get3A_463 = tpu.vector_load %arg13[%get3A_462] {strides = array<i32>} : memref<32xi32, #tpu.memory_space<vmem>>, vector<16xi32>,
          %get3A_464 = vector.shape_cast %get3A_463 : vector<16xi32> to vector<16xi32>
          %lt3A_465 = arith.cmpf olt, %get3A_461, %select_n3A_441 : vector<16xf32>
          %eq3A_466 = arith.cmpf oeq, %get3A_461, %select_n3A_441 : vector<16xf32>
          %lt3A_467 = arith.cmpi slt, %get3A_464, %select_n3A_442 : vector<16xi32>
          %and3A_468 = arith.andi %eq3A_466, %lt3A_467 : vector<16xi1>
          %or3A_469 = arith.ori %lt3A_465, %and3A_468 : vector<16xi1>
          %select_n3A_470 = arith.select %or3A_469, %get3A_461, %select_n3A_441 : vector<16xi1>, vector<16xf32>
          %select_n3A_471 = arith.select %or3A_469, %get3A_464, %select_n3A_442 : vector<16xi1>, vector<16xi32>
          %swap3A_472 = arith.constant 0 : index
          %swap3A_473 = tpu.vector_load %arg12[%swap3A_472] {strides = array<i32>} : memref<32xf32, #tpu.memory_space<vmem>>, vector<16xf32>,
          %swap3A_474 = vector.shape_cast %swap3A_473 : vector<16xf32> to vector<16xf32>
          %swap3A_475 = vector.shape_cast %select_n3A_470 : vector<16xf32> to vector<16xf32>
          tpu.vector_store %arg12[%swap3A_472], %swap3A_475 {strides = array<i32>} : memref<32xf32, #tpu.memory_space<vmem>>, vector<16xf32>,
          %swap3A_476 = arith.constant 16 : index
          %swap3A_477 = tpu.vector_load %arg12[%swap3A_476] {strides = array<i32>} : memref<32xf32, #tpu.memory_space<vmem>>, vector<16xf32>,
          %swap3A_478 = vector.shape_cast %swap3A_477 : vector<16xf32> to vector<16xf32>
          %swap3A_479 = vector.shape_cast %select_n3A_470 : vector<16xf32> to vector<16xf32>
          tpu.vector_store %arg12[%swap3A_476], %swap3A_479 {strides = array<i32>} : memref<32xf32, #tpu.memory_space<vmem>>, vector<16xf32>,
          %swap3A_480 = arith.constant 0 : index
          %swap3A_481 = tpu.vector_load %arg13[%swap3A_480] {strides = array<i32>} : memref<32xi32, #tpu.memory_space<vmem>>, vector<16xi32>,
          %swap3A_482 = vector.shape_cast %swap3A_481 : vector<16xi32> to vector<16xi32>
          %swap3A_483 = vector.shape_cast %select_n3A_471 : vector<16xi32> to vector<16xi32>
          tpu.vector_store %arg13[%swap3A_480], %swap3A_483 {strides = array<i32>} : memref<32xi32, #tpu.memory_space<vmem>>, vector<16xi32>,
          %swap3A_484 = arith.constant 16 : index
          %swap3A_485 = tpu.vector_load %arg13[%swap3A_484] {strides = array<i32>} : memref<32xi32, #tpu.memory_space<vmem>>, vector<16xi32>,
          %swap3A_486 = vector.shape_cast %swap3A_485 : vector<16xi32> to vector<16xi32>
          %swap3A_487 = vector.shape_cast %select_n3A_471 : vector<16xi32> to vector<16xi32>
          tpu.vector_store %arg13[%swap3A_484], %swap3A_487 {strides = array<i32>} : memref<32xi32, #tpu.memory_space<vmem>>, vector<16xi32>,
          %get3A_488 = arith.constant 1 : index
          %get3A_489 = tpu.vector_load %arg12[%get3A_488] {strides = array<i32>} : memref<32xf32, #tpu.memory_space<vmem>>, vector<16xf32>,
          %get3A_490 = vector.shape_cast %get3A_489 : vector<16xf32> to vector<16xf32>
          %get3A_491 = arith.constant 1 : index
          %get3A_492 = tpu.vector_load %arg13[%get3A_491] {strides = array<i32>} : memref<32xi32, #tpu.memory_space<vmem>>, vector<16xi32>,
          %get3A_493 = vector.shape_cast %get3A_492 : vector<16xi32> to vector<16xi32>
          %lt3A_494 = arith.cmpf olt, %get3A_490, %select_n3A_470 : vector<16xf32>
          %eq3A_495 = arith.cmpf oeq, %get3A_490, %select_n3A_470 : vector<16xf32>
          %lt3A_496 = arith.cmpi slt, %get3A_493, %select_n3A_471 : vector<16xi32>
          %and3A_497 = arith.andi %eq3A_495, %lt3A_496 : vector<16xi1>
          %or3A_498 = arith.ori %lt3A_494, %and3A_497 : vector<16xi1>
          %select_n3A_499 = arith.select %or3A_498, %get3A_490, %select_n3A_470 : vector<16xi1>, vector<16xf32>
          %select_n3A_500 = arith.select %or3A_498, %get3A_493, %select_n3A_471 : vector<16xi1>, vector<16xi32>
          %swap3A_501 = arith.constant 0 : index
          %swap3A_502 = tpu.vector_load %arg7[%swap3A_501] {strides = array<i32>} : memref<16xf32, #tpu.memory_space<vmem>>, vector<16xf32>,
          %swap3A_503 = vector.shape_cast %swap3A_502 : vector<16xf32> to vector<16xf32>
          %swap3A_504 = vector.shape_cast %select_n3A_499 : vector<16xf32> to vector<16xf32>
          tpu.vector_store %arg7[%swap3A_501], %swap3A_504 {strides = array<i32>} : memref<16xf32, #tpu.memory_space<vmem>>, vector<16xf32>,
          %swap3A_505 = arith.constant 0 : index
          %swap3A_506 = tpu.vector_load %arg8[%swap3A_505] {strides = array<i32>} : memref<16xi32, #tpu.memory_space<vmem>>, vector<16xi32>,
          %swap3A_507 = vector.shape_cast %swap3A_506 : vector<16xi32> to vector<16xi32>
          %swap3A_508 = vector.shape_cast %select_n3A_500 : vector<16xi32> to vector<16xi32>
          tpu.vector_store %arg8[%swap3A_505], %swap3A_508 {strides = array<i32>} : memref<16xi32, #tpu.memory_space<vmem>>, vector<16xi32>,
          "tpu.region"() ({
            %run_scoped3A = tpu.sem_alloc : memref<!tpu.dma_semaphore, #tpu.memory_space<semaphore_mem>>
            tpu.enqueue_dma source(%arg7 : memref<16xf32, #tpu.memory_space<vmem>>) target(%arg16 : memref<16xf32, #tpu.memory_space<vmem_shared>>) target_semaphore(%run_scoped3A : memref<!tpu.dma_semaphore, #tpu.memory_space<semaphore_mem>>)
            tpu.wait_dma2 semaphore(%run_scoped3A : memref<!tpu.dma_semaphore, #tpu.memory_space<semaphore_mem>>) src(%arg7 : memref<16xf32, #tpu.memory_space<vmem>>) dst(%arg16 : memref<16xf32, #tpu.memory_space<vmem_shared>>)
            tpu.yield
          }) : () -> ()
          "tpu.region"() ({
            %run_scoped3A = tpu.sem_alloc : memref<!tpu.dma_semaphore, #tpu.memory_space<semaphore_mem>>
            tpu.enqueue_dma source(%arg8 : memref<16xi32, #tpu.memory_space<vmem>>) target(%arg17 : memref<16xi32, #tpu.memory_space<vmem_shared>>) target_semaphore(%run_scoped3A : memref<!tpu.dma_semaphore, #tpu.memory_space<semaphore_mem>>)
            tpu.wait_dma2 semaphore(%run_scoped3A : memref<!tpu.dma_semaphore, #tpu.memory_space<semaphore_mem>>) src(%arg8 : memref<16xi32, #tpu.memory_space<vmem>>) dst(%arg17 : memref<16xi32, #tpu.memory_space<vmem_shared>>)
            tpu.yield
          }) : () -> ()
          %get3A_509 = arith.constant 0 : index
          %get3A_510 = tpu.vector_load %arg11[%get3A_509] {strides = array<i32>} : memref<64xi32, #tpu.memory_space<vmem>>, vector<16xi32>,
          %get3A_511 = vector.shape_cast %get3A_510 : vector<16xi32> to vector<16xi32>
          %add3A_512 = arith.constant 0 : i32
          %add3A_513 = vector.broadcast %add3A_512 : i32 to vector<16xi32>
          %add3A_514 = arith.addi %add3A_513, %iota3A : vector<16xi32>
          %eq3A_515 = arith.cmpi eq, %add3A_514, %scan3A_341 : vector<16xi32>
          %select_n3A_516 = arith.select %eq3A_515, %select_n3A_500, %get3A_511 : vector<16xi1>, vector<16xi32>
          %swap3A_517 = arith.constant 0 : index
          %swap3A_518 = tpu.vector_load %arg11[%swap3A_517] {strides = array<i32>} : memref<64xi32, #tpu.memory_space<vmem>>, vector<16xi32>,
          %swap3A_519 = vector.shape_cast %swap3A_518 : vector<16xi32> to vector<16xi32>
          %swap3A_520 = vector.shape_cast %select_n3A_516 : vector<16xi32> to vector<16xi32>
          tpu.vector_store %arg11[%swap3A_517], %swap3A_520 {strides = array<i32>} : memref<64xi32, #tpu.memory_space<vmem>>, vector<16xi32>,
          %get3A_521 = arith.constant 16 : index
          %get3A_522 = tpu.vector_load %arg11[%get3A_521] {strides = array<i32>} : memref<64xi32, #tpu.memory_space<vmem>>, vector<16xi32>,
          %get3A_523 = vector.shape_cast %get3A_522 : vector<16xi32> to vector<16xi32>
          %add3A_524 = arith.constant 16 : i32
          %add3A_525 = vector.broadcast %add3A_524 : i32 to vector<16xi32>
          %add3A_526 = arith.addi %add3A_525, %iota3A : vector<16xi32>
          %eq3A_527 = arith.cmpi eq, %add3A_526, %scan3A_341 : vector<16xi32>
          %select_n3A_528 = arith.select %eq3A_527, %select_n3A_500, %get3A_523 : vector<16xi1>, vector<16xi32>
          %swap3A_529 = arith.constant 16 : index
          %swap3A_530 = tpu.vector_load %arg11[%swap3A_529] {strides = array<i32>} : memref<64xi32, #tpu.memory_space<vmem>>, vector<16xi32>,
          %swap3A_531 = vector.shape_cast %swap3A_530 : vector<16xi32> to vector<16xi32>
          %swap3A_532 = vector.shape_cast %select_n3A_528 : vector<16xi32> to vector<16xi32>
          tpu.vector_store %arg11[%swap3A_529], %swap3A_532 {strides = array<i32>} : memref<64xi32, #tpu.memory_space<vmem>>, vector<16xi32>,
          %get3A_533 = arith.constant 32 : index
          %get3A_534 = tpu.vector_load %arg11[%get3A_533] {strides = array<i32>} : memref<64xi32, #tpu.memory_space<vmem>>, vector<16xi32>,
          %get3A_535 = vector.shape_cast %get3A_534 : vector<16xi32> to vector<16xi32>
          %add3A_536 = arith.constant 32 : i32
          %add3A_537 = vector.broadcast %add3A_536 : i32 to vector<16xi32>
          %add3A_538 = arith.addi %add3A_537, %iota3A : vector<16xi32>
          %eq3A_539 = arith.cmpi eq, %add3A_538, %scan3A_341 : vector<16xi32>
          %select_n3A_540 = arith.select %eq3A_539, %select_n3A_500, %get3A_535 : vector<16xi1>, vector<16xi32>
          %swap3A_541 = arith.constant 32 : index
          %swap3A_542 = tpu.vector_load %arg11[%swap3A_541] {strides = array<i32>} : memref<64xi32, #tpu.memory_space<vmem>>, vector<16xi32>,
          %swap3A_543 = vector.shape_cast %swap3A_542 : vector<16xi32> to vector<16xi32>
          %swap3A_544 = vector.shape_cast %select_n3A_540 : vector<16xi32> to vector<16xi32>
          tpu.vector_store %arg11[%swap3A_541], %swap3A_544 {strides = array<i32>} : memref<64xi32, #tpu.memory_space<vmem>>, vector<16xi32>,
          %get3A_545 = arith.constant 48 : index
          %get3A_546 = tpu.vector_load %arg11[%get3A_545] {strides = array<i32>} : memref<64xi32, #tpu.memory_space<vmem>>, vector<16xi32>,
          %get3A_547 = vector.shape_cast %get3A_546 : vector<16xi32> to vector<16xi32>
          %add3A_548 = arith.constant 48 : i32
          %add3A_549 = vector.broadcast %add3A_548 : i32 to vector<16xi32>
          %add3A_550 = arith.addi %add3A_549, %iota3A : vector<16xi32>
          %eq3A_551 = arith.cmpi eq, %add3A_550, %scan3A_341 : vector<16xi32>
          %select_n3A_552 = arith.select %eq3A_551, %select_n3A_500, %get3A_547 : vector<16xi1>, vector<16xi32>
          %swap3A_553 = arith.constant 48 : index
          %swap3A_554 = tpu.vector_load %arg11[%swap3A_553] {strides = array<i32>} : memref<64xi32, #tpu.memory_space<vmem>>, vector<16xi32>,
          %swap3A_555 = vector.shape_cast %swap3A_554 : vector<16xi32> to vector<16xi32>
          %swap3A_556 = vector.shape_cast %select_n3A_552 : vector<16xi32> to vector<16xi32>
          tpu.vector_store %arg11[%swap3A_553], %swap3A_556 {strides = array<i32>} : memref<64xi32, #tpu.memory_space<vmem>>, vector<16xi32>,
        } else {
        }
        %barrier3A_371 = arith.constant 0 : index
        tpu.barrier barrier_id(%barrier3A_371)
        "tpu.region"() ({
          %run_scoped3A = tpu.sem_alloc : memref<!tpu.dma_semaphore, #tpu.memory_space<semaphore_mem>>
          tpu.enqueue_dma source(%arg16 : memref<16xf32, #tpu.memory_space<vmem_shared>>) target(%arg7 : memref<16xf32, #tpu.memory_space<vmem>>) target_semaphore(%run_scoped3A : memref<!tpu.dma_semaphore, #tpu.memory_space<semaphore_mem>>)
          tpu.wait_dma2 semaphore(%run_scoped3A : memref<!tpu.dma_semaphore, #tpu.memory_space<semaphore_mem>>) src(%arg16 : memref<16xf32, #tpu.memory_space<vmem_shared>>) dst(%arg7 : memref<16xf32, #tpu.memory_space<vmem>>)
          tpu.yield
        }) : () -> ()
        "tpu.region"() ({
          %run_scoped3A = tpu.sem_alloc : memref<!tpu.dma_semaphore, #tpu.memory_space<semaphore_mem>>
          tpu.enqueue_dma source(%arg17 : memref<16xi32, #tpu.memory_space<vmem_shared>>) target(%arg8 : memref<16xi32, #tpu.memory_space<vmem>>) target_semaphore(%run_scoped3A : memref<!tpu.dma_semaphore, #tpu.memory_space<semaphore_mem>>)
          tpu.wait_dma2 semaphore(%run_scoped3A : memref<!tpu.dma_semaphore, #tpu.memory_space<semaphore_mem>>) src(%arg17 : memref<16xi32, #tpu.memory_space<vmem_shared>>) dst(%arg8 : memref<16xi32, #tpu.memory_space<vmem>>)
          tpu.yield
        }) : () -> ()
        %get3A = arith.constant 0 : index
        %get3A_372 = tpu.vector_load %arg7[%get3A] {strides = array<i32>} : memref<16xf32, #tpu.memory_space<vmem>>, vector<16xf32>,
        %get3A_373 = vector.shape_cast %get3A_372 : vector<16xf32> to vector<16xf32>
        %get3A_374 = arith.constant 0 : index
        %get3A_375 = tpu.vector_load %arg8[%get3A_374] {strides = array<i32>} : memref<16xi32, #tpu.memory_space<vmem>>, vector<16xi32>,
        %get3A_376 = vector.shape_cast %get3A_375 : vector<16xi32> to vector<16xi32>
        %add3A_377 = arith.addi %scan3A_341, %broadcast_in_dim3A_2 : vector<16xi32>
        %add3A_378 = arith.addf %scan3A_343, %get3A_373 : vector<16xf32>
        scf.yield %add3A_377, %get3A_376, %add3A_378 : vector<16xi32>, vector<16xi32>, vector<16xf32>
      }
      %scan3A_334 = arith.constant 64 : i32
      %eq3A_335 = arith.constant 0 : i32
      %eq3A_336 = arith.cmpi eq, %arg1, %eq3A_335 : i32
      %convert_element_type3A_337 = arith.extui %eq3A_336 : i1 to i32
      %cond3A_338 = arith.constant 0 : i32
      %cond3A_339 = arith.cmpi ne, %convert_element_type3A_337, %cond3A_338 : i32
      scf.if %cond3A_339 {
        %swap3A_340 = arith.constant 0 : index
        %swap3A_341 = tpu.vector_load %arg7[%swap3A_340] {strides = array<i32>} : memref<16xf32, #tpu.memory_space<vmem>>, vector<16xf32>,
        %swap3A_342 = vector.shape_cast %swap3A_341 : vector<16xf32> to vector<16xf32>
        %swap3A_343 = vector.shape_cast %scan3A_333#2 : vector<16xf32> to vector<16xf32>
        tpu.vector_store %arg7[%swap3A_340], %swap3A_343 {strides = array<i32>} : memref<16xf32, #tpu.memory_space<vmem>>, vector<16xf32>,
        "tpu.region"() ({
          %run_scoped3A = tpu.sem_alloc : memref<!tpu.dma_semaphore, #tpu.memory_space<semaphore_mem>>
          tpu.enqueue_dma source(%arg7 : memref<16xf32, #tpu.memory_space<vmem>>) target(%arg4 : memref<16xf32, #tpu.memory_space<hbm>>) target_semaphore(%run_scoped3A : memref<!tpu.dma_semaphore, #tpu.memory_space<semaphore_mem>>)
          tpu.wait_dma2 semaphore(%run_scoped3A : memref<!tpu.dma_semaphore, #tpu.memory_space<semaphore_mem>>) src(%arg7 : memref<16xf32, #tpu.memory_space<vmem>>) dst(%arg4 : memref<16xf32, #tpu.memory_space<hbm>>)
          tpu.yield
        }) : () -> ()
        "tpu.region"() ({
          %run_scoped3A = tpu.sem_alloc : memref<!tpu.dma_semaphore, #tpu.memory_space<semaphore_mem>>
          tpu.enqueue_dma source(%arg11 : memref<64xi32, #tpu.memory_space<vmem>>) target(%arg3 : memref<64xi32, #tpu.memory_space<hbm>>) target_semaphore(%run_scoped3A : memref<!tpu.dma_semaphore, #tpu.memory_space<semaphore_mem>>)
          tpu.wait_dma2 semaphore(%run_scoped3A : memref<!tpu.dma_semaphore, #tpu.memory_space<semaphore_mem>>) src(%arg11 : memref<64xi32, #tpu.memory_space<vmem>>) dst(%arg3 : memref<64xi32, #tpu.memory_space<hbm>>)
          tpu.yield
        }) : () -> ()
      } else {
      }
    } else {
    }
    return
  }
}

module attributes {stable_mosaic.version = 14 : i64} {
  func.func @_match_fc_body(%arg0: memref<64x64xf32, #tpu.memory_space<vmem>>, %arg1: memref<64x8192xf32, #tpu.memory_space<vmem>>, %arg2: memref<1x8xf32, #tpu.memory_space<vmem>>, %arg3: memref<64x96xf32, #tpu.memory_space<vmem>>, %arg4: memref<8x96xf32, #tpu.memory_space<vmem>>, %arg5: memref<1x96xf32, #tpu.memory_space<vmem>>, %arg6: memref<96x4096xf32, #tpu.memory_space<vmem>>, %arg7: memref<1x4096xf32, #tpu.memory_space<vmem>>, %arg8: memref<64x4096xf32, #tpu.memory_space<vmem>>, %arg9: memref<64x8192xf32, #tpu.memory_space<vmem>>) attributes {dimension_semantics = [], scalar_prefetch = 0 : i64, scratch_operands = 0 : i64, tpu.core_type = #tpu.core_type<tc>} {
    %get3A = arith.constant 0 : index
    %get3A_0 = arith.constant 0 : index
    %get3A_1 = vector.load %arg0[%get3A, %get3A_0] : memref<64x64xf32, #tpu.memory_space<vmem>>, vector<64x64xf32>
    %get3A_2 = arith.constant 0 : index
    %get3A_3 = arith.constant 0 : index
    %get3A_4 = vector.load %arg1[%get3A_2, %get3A_3] : memref<64x8192xf32, #tpu.memory_space<vmem>>, vector<64x8192xf32>
    %dot_general3A = arith.constant dense<0.000000e+00> : vector<64x8192xf32>
    %dot_general3A_5 = tpu.matmul %get3A_1, %get3A_4, %dot_general3A {dimension_numbers = #tpu.dot_dimension_numbers<[1], [0], [0], [1], [0, 0, 1, 1], [], []>, precision = #tpu.contract_precision<fp32>, transpose_lhs_hint = false} : vector<64x64xf32>, vector<64x8192xf32>, vector<64x8192xf32> -> vector<64x8192xf32>
    %mul3A = arith.mulf %get3A_4, %get3A_4 : vector<64x8192xf32>
    %reduce_sum3A = arith.constant dense<0.000000e+00> : vector<8192xf32>
    %reduce_sum3A_6 = vector.multi_reduction <add>, %mul3A, %reduce_sum3A [0] : vector<64x8192xf32> to vector<8192xf32>
    %broadcast_in_dim3A = vector.shape_cast %reduce_sum3A_6 : vector<8192xf32> to vector<1x8192xf32>
    %mul3A_7 = arith.mulf %get3A_1, %get3A_1 : vector<64x64xf32>
    %reduce_sum3A_8 = arith.constant dense<0.000000e+00> : vector<64xf32>
    %reduce_sum3A_9 = vector.multi_reduction <add>, %mul3A_7, %reduce_sum3A_8 [1] : vector<64x64xf32> to vector<64xf32>
    %broadcast_in_dim3A_10 = vector.shape_cast %reduce_sum3A_9 : vector<64xf32> to vector<64x1xf32>
    %mul3A_11 = arith.constant 2.000000e+00 : f32
    %mul3A_12 = vector.broadcast %mul3A_11 : f32 to vector<64x8192xf32>
    %mul3A_13 = arith.mulf %mul3A_12, %dot_general3A_5 : vector<64x8192xf32>
    %sub3A = vector.broadcast %broadcast_in_dim3A_10 : vector<64x1xf32> to vector<64x8192xf32>
    %sub3A_14 = arith.subf %sub3A, %mul3A_13 : vector<64x8192xf32>
    %add3A = vector.broadcast %broadcast_in_dim3A : vector<1x8192xf32> to vector<64x8192xf32>
    %add3A_15 = arith.addf %sub3A_14, %add3A : vector<64x8192xf32>
    %swap3A = arith.constant 0 : index
    %swap3A_16 = arith.constant 0 : index
    %swap3A_17 = vector.load %arg9[%swap3A, %swap3A_16] : memref<64x8192xf32, #tpu.memory_space<vmem>>, vector<64x8192xf32>
    tpu.vector_store %arg9[%swap3A, %swap3A_16], %add3A_15 {strides = array<i32>} : memref<64x8192xf32, #tpu.memory_space<vmem>>, vector<64x8192xf32>,
    %get3A_18 = arith.constant 0 : index
    %get3A_19 = arith.constant 0 : index
    %get3A_20 = vector.load %arg3[%get3A_18, %get3A_19] : memref<64x96xf32, #tpu.memory_space<vmem>>, vector<64x96xf32>
    %dot_general3A_21 = arith.constant dense<0.000000e+00> : vector<64x96xf32>
    %dot_general3A_22 = tpu.matmul %get3A_1, %get3A_20, %dot_general3A_21 {dimension_numbers = #tpu.dot_dimension_numbers<[1], [0], [0], [1], [0, 0, 1, 1], [], []>, transpose_lhs_hint = false} : vector<64x64xf32>, vector<64x96xf32>, vector<64x96xf32> -> vector<64x96xf32>
    %get3A_23 = arith.constant 0 : index
    %get3A_24 = arith.constant 0 : index
    %get3A_25 = vector.load %arg2[%get3A_23, %get3A_24] : memref<1x8xf32, #tpu.memory_space<vmem>>, vector<1x8xf32>
    %get3A_26 = arith.constant 0 : index
    %get3A_27 = arith.constant 0 : index
    %get3A_28 = vector.load %arg4[%get3A_26, %get3A_27] : memref<8x96xf32, #tpu.memory_space<vmem>>, vector<8x96xf32>
    %dot_general3A_29 = arith.constant dense<0.000000e+00> : vector<1x96xf32>
    %dot_general3A_30 = tpu.matmul %get3A_25, %get3A_28, %dot_general3A_29 {dimension_numbers = #tpu.dot_dimension_numbers<[1], [0], [0], [1], [0, 0, 1, 1], [], []>, transpose_lhs_hint = false} : vector<1x8xf32>, vector<8x96xf32>, vector<1x96xf32> -> vector<1x96xf32>
    %add3A_31 = vector.broadcast %dot_general3A_30 : vector<1x96xf32> to vector<64x96xf32>
    %add3A_32 = arith.addf %dot_general3A_22, %add3A_31 : vector<64x96xf32>
    %get3A_33 = arith.constant 0 : index
    %get3A_34 = arith.constant 0 : index
    %get3A_35 = vector.load %arg5[%get3A_33, %get3A_34] : memref<1x96xf32, #tpu.memory_space<vmem>>, vector<1x96xf32>
    %add3A_36 = vector.broadcast %get3A_35 : vector<1x96xf32> to vector<64x96xf32>
    %add3A_37 = arith.addf %add3A_32, %add3A_36 : vector<64x96xf32>
    %ge3A = arith.constant 0.000000e+00 : f32
    %ge3A_38 = vector.broadcast %ge3A : f32 to vector<64x96xf32>
    %ge3A_39 = arith.cmpf oge, %add3A_37, %ge3A_38 : vector<64x96xf32>
    %mul3A_40 = arith.constant 0.00999999977 : f32
    %mul3A_41 = vector.broadcast %mul3A_40 : f32 to vector<64x96xf32>
    %mul3A_42 = arith.mulf %mul3A_41, %add3A_37 : vector<64x96xf32>
    %select_n3A = arith.select %ge3A_39, %add3A_37, %mul3A_42 : vector<64x96xi1>, vector<64x96xf32>
    %get3A_43 = arith.constant 0 : index
    %get3A_44 = arith.constant 0 : index
    %get3A_45 = vector.load %arg6[%get3A_43, %get3A_44] : memref<96x4096xf32, #tpu.memory_space<vmem>>, vector<96x4096xf32>
    %dot_general3A_46 = arith.constant dense<0.000000e+00> : vector<64x4096xf32>
    %dot_general3A_47 = tpu.matmul %select_n3A, %get3A_45, %dot_general3A_46 {dimension_numbers = #tpu.dot_dimension_numbers<[1], [0], [0], [1], [0, 0, 1, 1], [], []>, transpose_lhs_hint = false} : vector<64x96xf32>, vector<96x4096xf32>, vector<64x4096xf32> -> vector<64x4096xf32>
    %get3A_48 = arith.constant 0 : index
    %get3A_49 = arith.constant 0 : index
    %get3A_50 = vector.load %arg7[%get3A_48, %get3A_49] : memref<1x4096xf32, #tpu.memory_space<vmem>>, vector<1x4096xf32>
    %add3A_51 = vector.broadcast %get3A_50 : vector<1x4096xf32> to vector<64x4096xf32>
    %add3A_52 = arith.addf %dot_general3A_47, %add3A_51 : vector<64x4096xf32>
    %ge3A_53 = arith.constant 0.000000e+00 : f32
    %ge3A_54 = vector.broadcast %ge3A_53 : f32 to vector<64x4096xf32>
    %ge3A_55 = arith.cmpf oge, %add3A_52, %ge3A_54 : vector<64x4096xf32>
    %mul3A_56 = arith.constant 0.00999999977 : f32
    %mul3A_57 = vector.broadcast %mul3A_56 : f32 to vector<64x4096xf32>
    %mul3A_58 = arith.mulf %mul3A_57, %add3A_52 : vector<64x4096xf32>
    %select_n3A_59 = arith.select %ge3A_55, %add3A_52, %mul3A_58 : vector<64x4096xi1>, vector<64x4096xf32>
    %swap3A_60 = arith.constant 0 : index
    %swap3A_61 = arith.constant 0 : index
    %swap3A_62 = vector.load %arg8[%swap3A_60, %swap3A_61] : memref<64x4096xf32, #tpu.memory_space<vmem>>, vector<64x4096xf32>
    tpu.vector_store %arg8[%swap3A_60, %swap3A_61], %select_n3A_59 {strides = array<i32>} : memref<64x4096xf32, #tpu.memory_space<vmem>>, vector<64x4096xf32>,
    return
  }
}

</mosaic_0001>

<sc_bundles>
// kernel: kernel.4.cloned.1.call-start
scs
__scs_entry_jumppad:
0x0: {  	(pc) =	sbr.rel $0x88, $3  }
0x1: {  	(tag) =	ssettag $0x0;
	lr =	simm.s32 $0x1  }
0x2: {  	[smem:$0x3F85] =	sst lr;
	_ =	strace $0xD0000000  }
0x3: {  	_ = 	snop  }
0x4: {  	_ = 	snop  }
0x5: {  	_ = 	snop  }
0x6: {  	_ = 	snop  }
0x7: {  	_ = 	snop  }
__scs_overlays_trampoline_lowered:
0x8: {  	[smem:$0x3F94] =	sst s0  }
0x9: {  	[smem:$0x3F95] =	sst s1  }
0xa: {  	[smem:$0x3F96] =	sst s2  }
0xb: {  	[smem:$0x3F97] =	sst s3  }
0xc: {  	[smem:$0x3F98] =	sst s4  }
0xd: {  	[smem:$0x3F99] =	sst s5  }
0xe: {  	[smem:$0x3F9A] =	sst s6  }
0xf: {  	[smem:$0x3F9B] =	sst s7  }
0x10: {  	[smem:$0x3F9C] =	sst s8  }
0x11: {  	[smem:$0x3F9D] =	sst s9;
	s0 =	simm.s32 @!p0 $0x0  }
0x12: {  	s1 =	sld [smem:$0x3F83];
	s0 =	simm.s32 @p0 $0x1  }
0x13: {  	[smem:$0x3F9E] =	sst s0;
	s0 =	simm.s32 @!p1 $0x0  }
0x14: {  	s2 =	sld [smem:$0x3F82];
	s0 =	simm.s32 @p1 $0x1  }
0x15: {  	[smem:$0x3F9F] =	sst s0;
	s0 =	simm.s32 @!p2 $0x0  }
0x16: {  	s3 =	sld [smem:$0x3FDB];
	s0 =	simm.s32 @p2 $0x1  }
0x17: {  	s4 =	simm.s32 $0x1BF5;
	[smem:$0x3FA1] =	sst s0  }
0x18: {  	s0 =	sld [smem:$0x3F84];
	_ =	swait.ge [sflag:s4], $0x0  }
0x19: {  	s7 =	sld [smem:$0x3F85]  }
0x1a: {  	s8 =	sadd.s32 $0xFFFFE003, lr  }
0x1b: {  	s9 =	sadd.s32 $0xFFFFFEF7, lr;
	s5 =	simm.s32 $0xFFFFFFFF;
	p2 =	slt.u32 s8, $0xFFFFF086  }
0x1c: {  	p1 =	slt.u32 s9, $0xF7A;
	s5 =	simm.s32 @!p2 $0x0  }
0x1d: {  	s5 =	simm.s32 @p1 $0x1;
	p0 =	seq.s32 s7, s2  }
0x1e: {  	s7 =	smul.u32 @!p0 $0xF7A, s2;
	p2 =	seq.s32 @!p0 s5, $0x0  }
0x1f: {  	s9 =	smul.u32 $0xF7A, s1;
	s8 =	simm.s32 @!p0 $0x1BF5;
	p2 =	por !p2, p0  }
0x20: {  	[sflag:s8] =	ssyncset.s32 @!p0 $0xFFFFF086;
	s6 =	sadd.s32 @!p0 s3, s7;
	s7 =	simm.s32 @!p0 $0x108  }
0x21: {  	s3 =	sadd.s32 s3, s9;
	s6 =	sadd.s32 @!p0 $0x88, s6;
	s7 =	simm.s32 @p2 $0x1082  }
0x22: {  	[simem:s7], [sflag:s8] =	dma.local @!p0 [hbm:s6], $0xF7A  }
0x23: {  	s9 =	sor.u32 $0xD0000000, s2;
	s6 =	simm.s32 $0x108;
	_ =	swait.ge @!p0 [sflag:s8], $0x0  }
0x24: {  	s3 =	sadd.s32 $0x88, s3;
	s6 =	simm.s32 @!p1 $0x1082;
	[sflag:s4] =	ssyncset.s32 $0xFFFFF086  }
0x25: {  	[simem:s6], [sflag:s4] =	dma.local [hbm:s3], $0xF7A  }
0x26: {  	[smem:$0x3F85] =	sst s1;
	(tag) =	ssettag s2;
	_ =	strace s9  }
0x27: {  	s1 =	sld [smem:$0x3F95]  }
0x28: {  	s2 =	sld [smem:$0x3F96]  }
0x29: {  	s4 =	sld [smem:$0x3F98]  }
0x2a: {  	p0 =	seq.s32 s5, $0x0;
	s5 =	sld [smem:$0x3F99]  }
0x2b: {  	s6 =	sld [smem:$0x3F9A]  }
0x2c: {  	s7 =	sld [smem:$0x3F9B]  }
0x2d: {  	s3 =	simm.s32 $0x108;
	s8 =	sld [smem:$0x3F9C]  }
0x2e: {  	s3 =	simm.s32 @!p0 $0x1082;
	s9 =	sld [smem:$0x3F9D]  }
0x2f: {  	lr =	sadd.s32 s0, s3;
	s0 =	sld [smem:$0x3F94]  }
0x30: {  	s3 =	sld [smem:$0x3F97]  }
0x31: {  	[smem:$0x3FA0] =	sst s10  }
0x32: {  	s10 =	sld [smem:$0x3F9E];
	_ =	sdelay $0x3  }
0x33: {  	p0 =	seq.s32 s10, $0x1;
	s10 =	sld [smem:$0x3FA0];
	_ =	sdelay $0x3  }
0x34: {  	[smem:$0x3FA0] =	sst s10  }
0x35: {  	s10 =	sld [smem:$0x3F9F];
	_ =	sdelay $0x3  }
0x36: {  	p1 =	seq.s32 s10, $0x1;
	s10 =	sld [smem:$0x3FA0];
	_ =	sdelay $0x3  }
0x37: {  	[smem:$0x3FA0] =	sst s10  }
0x38: {  	s10 =	sld [smem:$0x3FA1]  }
0x39: {  	_ = 	snop;
	(pc) =	sbr.ind lr, $3  }
0x3a: {  	_ = 	snop  }
0x3b: {  	_ = 	snop  }
0x3c: {  	p2 =	seq.s32 s10, $0x1;
	s10 =	sld [smem:$0x3FA0]  }
0x3d: {  	_ =	shalt  }
0x3e: {  	_ =	shalt  }
0x3f: {  	_ =	shalt  }
0x40: {  	_ =	shalt  }
0x41: {  	_ =	shalt  }
0x42: {  	_ =	shalt  }
0x43: {  	_ =	shalt  }
0x44: {  	_ =	shalt  }
0x45: {  	_ =	shalt  }
0x46: {  	_ =	shalt  }
0x47: {  	_ =	shalt  }
0x48: {  	_ =	shalt  }
0x49: {  	_ =	shalt  }
0x4a: {  	_ =	shalt  }
0x4b: {  	_ =	shalt  }
0x4c: {  	_ =	shalt  }
0x4d: {  	_ =	shalt  }
0x4e: {  	_ =	shalt  }
0x4f: {  	_ =	shalt  }
0x50: {  	_ =	shalt  }
0x51: {  	_ =	shalt  }
0x52: {  	_ =	shalt  }
0x53: {  	_ =	shalt  }
0x54: {  	_ =	shalt  }
0x55: {  	_ =	shalt  }
0x56: {  	_ =	shalt  }
0x57: {  	_ =	shalt  }
0x58: {  	_ =	shalt  }
0x59: {  	_ =	shalt  }
0x5a: {  	_ =	shalt  }
0x5b: {  	_ =	shalt  }
0x5c: {  	_ =	shalt  }
0x5d: {  	_ =	shalt  }
0x5e: {  	_ =	shalt  }
0x5f: {  	_ =	shalt  }
0x60: {  	_ =	shalt  }
0x61: {  	_ =	shalt  }
0x62: {  	_ =	shalt  }
0x63: {  	_ =	shalt  }
0x64: {  	_ =	shalt  }
0x65: {  	_ =	shalt  }
0x66: {  	_ =	shalt  }
0x67: {  	_ =	shalt  }
0x68: {  	_ =	shalt  }
0x69: {  	_ =	shalt  }
0x6a: {  	_ =	shalt  }
0x6b: {  	_ =	shalt  }
0x6c: {  	_ =	shalt  }
0x6d: {  	_ =	shalt  }
0x6e: {  	_ =	shalt  }
0x6f: {  	_ =	shalt  }
0x70: {  	_ =	shalt  }
0x71: {  	_ =	shalt  }
0x72: {  	_ =	shalt  }
0x73: {  	_ =	shalt  }
0x74: {  	_ =	shalt  }
0x75: {  	_ =	shalt  }
0x76: {  	_ =	shalt  }
0x77: {  	_ =	shalt  }
0x78: {  	_ =	shalt  }
0x79: {  	_ =	shalt  }
0x7a: {  	_ =	shalt  }
0x7b: {  	_ =	shalt  }
0x7c: {  	_ =	shalt  }
0x7d: {  	_ =	shalt  }
0x7e: {  	_ =	shalt  }
0x7f: {  	_ =	shalt  }
0x80: {  	_ =	shalt  }
0x81: {  	_ =	shalt  }
0x82: {  	_ =	shalt  }
0x83: {  	_ =	shalt  }
0x84: {  	_ =	shalt  }
0x85: {  	_ =	shalt  }
0x86: {  	_ =	shalt  }
0x87: {  	_ =	shalt  }
.Lfunc_end0:
.L_simem_size_0:
called_computation_lowered:
.L_overlay_start_0:
0x88: {  	s2 =	sld [smem:$0x3FD9]  }
0x89: {  	s3 =	sld [smem:$0x3FFE];
	_ =	sdelay $0x1  }
0x8a: {  	s1 =	srdreg.scid  }
0x8b: {  	s0 =	sand.u32 $0x1, s1  }
0x8c: {  	s14 =	sshll.u32 s0, $0xA;
	s2 =	sadd.s32 s3, s2  }
0x8d: {  	s2 =	sadd.s32 s2, s14  }
0x8e: {  	[smem:$0x3FAC] =	sst s2  }
0x8f: {  	_ = 	snop  }
0x90: {  	s2 =	sld [smem:$0x3FD0];
	_ =	sdelay $0x2  }
0x91: {  	s15 =	simm.s32 $0xA;
	s4 =	simm.s32 $0x10  }
0x92: {  	[smem:s4], [sflag:s15] =	dma.local [hbm:s2], $0x1  }
0x93: {  	_ =	swait.eq [sflag:s15], $0x1  }
0x94: {  	[sflag:s15] =	ssyncset.done $0x0  }
0x95: {  	s16 =	sld [smem:$0x11];
	[sflag:s15] =	ssyncadd.s32 $0xFFFFFFFF  }
0x96: {  	s17 =	sld [smem:$0x12];
	(tm) =	ssettm $0x1  }
0x97: {  	s18 =	sld [smem:$0x3FFB];
	_ =	sdelay $0x3  }
0x98: {  	_ =	strace s18  }
0x99: {  	s4 =	sld [smem:$0x3FFC];
	_ =	sdelay $0x3  }
0x9a: {  	_ =	strace s4  }
0x9b: {  	s4 =	sld [smem:$0x3FFD];
	_ =	sdelay $0x3  }
0x9c: {  	_ =	strace s4  }
0x9d: {  	_ =	strace $0x8FFFFFFF  }
0x9e: {  	s19 =	sld [smem:$0x3FDB];
	_ =	sdelay $0x1  }
0x9f: {  	s5 =	simm.s32 $_scs_section_size  }
0xa0: {  	s6 =	simm.s32 $_size__tile_overlayer_lowered;
	s7 =	simm.s32 $_tile_overlayer_lowered  }
0xa1: {  	s22 =	simm.s32 $0x1BFF;
	s21 =	sshll.u32 s7, $0x1;
	s4 =	sadd.s32 s5, s19  }
0xa2: {  	s8 =	simm.s32 $0x0;
	s20 =	sshll.u32 s6, $0x1;
	s6 =	sadd.s32 s21, s4  }
0xa3: {  	[timem:s8], [sflag:s22] =	dma.local [hbm:s6], s20  }
0xa4: {  	_ =	swait.ge [sflag:s22], s20  }
0xa5: {  	s5 =	ssub.s32 $0x0, s20;
	[sflag:s22] =	ssyncset.done $0x0  }
0xa6: {  	[sflag:s22] =	ssyncadd.s32 s5;
	_ =	sdelay $0x1  }
0xa7: {  	s23 =	simm.s32 $0x1B8B  }
0xa8: {  	_ =	swait.ge [sflag:s23], $0x1  }
0xa9: {  	[sflag:s23] =	ssyncset.done $0x0  }
0xaa: {  	s25 =	simm.s32 $0x1B8E;
	s24 =	sld [smem:$0x3FFE];
	[sflag:s23] =	ssyncadd.s32 $0xFFFFFFFF  }
0xab: {  	s26 =	simm.s32 $execute0_lowered;
	[smem:$0x3FD2] =	sst s25  }
0xac: {  	s6 =	sshll.u32 s26, $0x1;
	_ =	strace $0x80000046;
	[dreg:$0x1] =	wrdreg $0xFFFFFFFF  }
0xad: {  	s28 =	simm.s32 $_size_execute0_lowered;
	s4 =	sadd.s32 s4, s6;
	[dreg:$0x0] =	wrdreg $0x0  }
0xae: {  	s6 =	sshll.u32 s28, $0x1;
	[dreg:$0x2] =	wrdreg s4  }
0xaf: {  	[dreg:$0x3] =	wrdreg s6  }
0xb0: {  	[dreg:$0x4] =	wrdreg $0xC0  }
0xb1: {  	_ =	task [dreg:s8], $0x5FFFF  }
0xb2: {  	[dreg:$0x1] =	wrdreg $0xFFFFFFFF  }
0xb3: {  	[dreg:$0x0] =	wrdreg $0x60  }
0xb4: {  	[dreg:$0x2] =	wrdreg s24  }
0xb5: {  	[dreg:$0x3] =	wrdreg s17  }
0xb6: {  	[dreg:$0x4] =	wrdreg s16  }
0xb7: {  	[dreg:$0x5] =	wrdreg $0x86800  }
0xb8: {  	[dreg:$0x6] =	wrdreg $0x86900  }
0xb9: {  	[dreg:$0x7] =	wrdreg $0x86A00  }
0xba: {  	[dreg:$0x8] =	wrdreg $0x86A80  }
0xbb: {  	[dreg:$0x9] =	wrdreg $0x9  }
0xbc: {  	_ =	task.clear_ibuf [dreg:s8], $0xAFFFF;
	_ =	strace $0x90000046  }
0xbd: {  	s29 =	simm.s32 $0x9;
	_ =	strace $0x80000048  }
0xbe: {  	_ =	swait.ge [sflag:s29], $0x1  }
0xbf: {  	[sflag:s29] =	ssyncadd.s32 $0xFFFFFFFF  }
0xc0: {  	_ =	strace $0x90000048  }
0xc1: {  	_ =	sfence  }
0xc2: {  	s30 =	sld [smem:$0x0];
	_ =	sdelay $0x2  }
0xc3: {  	s31 =	sshll.u32 s1, $0xD;
	s1 =	sshrl.u32 s1, $0x2  }
0xc4: {  	s3 =	sand.u32 $0x4000, s31;
	s1 =	sadd.s32 s1, s30  }
0xc5: {  	s0 =	sor.u32 s3, s0;
	s1 =	sshll.u32 s1, $0x11  }
0xc6: {  	s0 =	sor.u32 s1, s0  }
0xc7: {  	s0 =	sadd.s32 $0x8F2B, s0  }
0xc8: {  	[sflag:s0] =	ssyncadd.remote.s32 $0x1  }
0xc9: {  	_ =	sfence.sel $0xFFFF  }
0xca: {  	[dreg:$0x0] =	wrdreg $0xFFFFFFFF;
	(pc) =	sbr.abs _section_cstart, $3  }
0xcb: {  	[dreg:$0x1] =	wrdreg $0xFFFFFFFF  }
0xcc: {  	_ =	task.clear_ibuf [dreg:s8], $0x2FFFF;
	_ =	strace $0x9FFFFFFF  }
0xcd: {  	(tm) =	ssettm $0x7FFFFFFF  }
tec
execute0_lowered:
.L_overlay_start_1:
0x0: {  	(tag) =	ssettag $0x1  }
0x1: {  	s1 =	srdreg.scid  }
0x2: {  	s1 =	sand.u32 $0x1, s1  }
0x3: {  	p0 =	seq.s32 s1, $0x1  }
.Ltmp0:
0x4: {  	s0 =	rddreg [dreg:$0x0];
	(pc) =	sbr.rel @p0 .LBB2_10-.Ltmp0, $4  }
0x5: {  	s15 =	rddreg [dreg:$0x3]  }
0x6: {  	s16 =	rddreg [dreg:$0x4];
	s8 =	simm.s32 $0x0  }
0x7: {  	[smem:$0x7FF] =	sst s8  }
0x8: {  	s2 =	rddreg [dreg:$0x7];
	s4 =	stileid.u32;
	_ =	strace $0x80000047  }
0x9: {  	s0 =	sadd.s32 $0x1A00, s0;
	s1 =	sshll.u32 s4, $0x6  }
0xa: {  	s9 =	simm.s32 $0x1;
	s0 =	sadd.s32 s0, s1  }
0xb: {  	[tilespmem:s8], [sflag:$0x1] =	stream.linear.gather [hbm4b:s0+s8], $0x200, $0x38;
	[tilespmem:$0x86B0] =	vst v63  }
0xc: {  	_ =	swait.ge [sflag:s9], $0x200  }
0xd: {  	[sflag:s9] =	ssyncset.done $0x0  }
0xe: {  	s2 =	simm.s32 $0x200;
	s1 =	sadd.s32 $0x400, s0;
	[sflag:s9] =	ssyncadd.s32 $0xFFFFFE00  }
0xf: {  	[tilespmem:s2], [sflag:$0x1] =	stream.linear.gather [hbm4b:s1+s8], $0x200, $0x38;
	[tilespmem:$0x86B0] =	vst v63  }
0x10: {  	_ =	swait.ge [sflag:s9], $0x200  }
0x11: {  	[sflag:s9] =	ssyncset.done $0x0  }
0x12: {  	s10 =	simm.s32 $0x400;
	s7 =	sadd.s32 $0x800, s0;
	[sflag:s9] =	ssyncadd.s32 $0xFFFFFE00  }
0x13: {  	[tilespmem:s10], [sflag:$0x1] =	stream.linear.gather [hbm4b:s7+s8], $0x200, $0x38;
	[tilespmem:$0x86B0] =	vst v63  }
0x14: {  	_ =	swait.ge [sflag:s9], $0x200  }
0x15: {  	[sflag:s9] =	ssyncset.done $0x0  }
0x16: {  	s12 =	simm.s32 $0x600;
	s11 =	sadd.s32 $0xC00, s0;
	[sflag:s9] =	ssyncadd.s32 $0xFFFFFE00  }
0x17: {  	[tilespmem:s12], [sflag:$0x1] =	stream.linear.gather [hbm4b:s11+s8], $0x200, $0x38;
	[tilespmem:$0x86B0] =	vst v63  }
0x18: {  	_ =	swait.ge [sflag:s9], $0x200  }
0x19: {  	[sflag:s9] =	ssyncset.done $0x0  }
0x1a: {  	s14 =	simm.s32 $0x800;
	s13 =	sadd.s32 $0x1000, s0;
	[sflag:s9] =	ssyncadd.s32 $0xFFFFFE00  }
0x1b: {  	[tilespmem:s14], [sflag:$0x1] =	stream.linear.gather [hbm4b:s13+s8], $0x200, $0x38;
	[tilespmem:$0x86B0] =	vst v63  }
0x1c: {  	_ =	swait.ge [sflag:s9], $0x200  }
0x1d: {  	[sflag:s9] =	ssyncset.done $0x0  }
0x1e: {  	s18 =	simm.s32 $0xA00;
	s17 =	sadd.s32 $0x1400, s0;
	[sflag:s9] =	ssyncadd.s32 $0xFFFFFE00  }
0x1f: {  	[tilespmem:s18], [sflag:$0x1] =	stream.linear.gather [hbm4b:s17+s8], $0x200, $0x38;
	[tilespmem:$0x86B0] =	vst v63  }
0x20: {  	_ =	swait.ge [sflag:s9], $0x200  }
0x21: {  	[sflag:s9] =	ssyncset.done $0x0  }
0x22: {  	s20 =	simm.s32 $0xC00;
	s19 =	sadd.s32 $0x1800, s0;
	[sflag:s9] =	ssyncadd.s32 $0xFFFFFE00  }
0x23: {  	[tilespmem:s20], [sflag:$0x1] =	stream.linear.gather [hbm4b:s19+s8], $0x200, $0x38;
	[tilespmem:$0x86B0] =	vst v63  }
0x24: {  	_ =	swait.ge [sflag:s9], $0x200  }
0x25: {  	[sflag:s9] =	ssyncset.done $0x0  }
0x26: {  	s22 =	simm.s32 $0xE00;
	s21 =	sadd.s32 $0x1C00, s0;
	[sflag:s9] =	ssyncadd.s32 $0xFFFFFE00  }
0x27: {  	[tilespmem:s22], [sflag:$0x1] =	stream.linear.gather [hbm4b:s21+s8], $0x200, $0x38;
	[tilespmem:$0x86B0] =	vst v63  }
0x28: {  	_ =	swait.ge [sflag:s9], $0x200  }
0x29: {  	[sflag:s9] =	ssyncset.done $0x0  }
0x2a: {  	s24 =	simm.s32 $0x1000;
	s23 =	sadd.s32 $0x2000, s0;
	[sflag:s9] =	ssyncadd.s32 $0xFFFFFE00  }
0x2b: {  	[tilespmem:s24], [sflag:$0x1] =	stream.linear.gather [hbm4b:s23+s8], $0x200, $0x38;
	[tilespmem:$0x86B0] =	vst v63  }
0x2c: {  	_ =	swait.ge [sflag:s9], $0x200  }
0x2d: {  	[sflag:s9] =	ssyncset.done $0x0  }
0x2e: {  	s26 =	simm.s32 $0x1200;
	s25 =	sadd.s32 $0x2400, s0;
	[sflag:s9] =	ssyncadd.s32 $0xFFFFFE00  }
0x2f: {  	[tilespmem:s26], [sflag:$0x1] =	stream.linear.gather [hbm4b:s25+s8], $0x200, $0x38;
	[tilespmem:$0x86B0] =	vst v63  }
0x30: {  	_ =	swait.ge [sflag:s9], $0x200  }
0x31: {  	[sflag:s9] =	ssyncset.done $0x0  }
0x32: {  	s3 =	simm.s32 $0x1400;
	s2 =	sadd.s32 $0x2800, s0;
	[sflag:s9] =	ssyncadd.s32 $0xFFFFFE00  }
0x33: {  	[tilespmem:s3], [sflag:$0x1] =	stream.linear.gather [hbm4b:s2+s8], $0x200, $0x38;
	[tilespmem:$0x86B0] =	vst v63  }
0x34: {  	_ =	swait.ge [sflag:s9], $0x200  }
0x35: {  	[sflag:s9] =	ssyncset.done $0x0  }
0x36: {  	s6 =	simm.s32 $0x1600;
	s5 =	sadd.s32 $0x2C00, s0;
	[sflag:s9] =	ssyncadd.s32 $0xFFFFFE00  }
0x37: {  	[tilespmem:s6], [sflag:$0x1] =	stream.linear.gather [hbm4b:s5+s8], $0x200, $0x38;
	[tilespmem:$0x86B0] =	vst v63  }
0x38: {  	_ =	swait.ge [sflag:s9], $0x200  }
0x39: {  	[sflag:s9] =	ssyncset.done $0x0  }
0x3a: {  	s7 =	sadd.s32 $0x3000, s0;
	s10 =	simm.s32 $0x1800;
	[sflag:s9] =	ssyncadd.s32 $0xFFFFFE00  }
0x3b: {  	[tilespmem:s10], [sflag:$0x1] =	stream.linear.gather [hbm4b:s7+s8], $0x200, $0x38;
	[tilespmem:$0x86B0] =	vst v63  }
0x3c: {  	_ =	swait.ge [sflag:s9], $0x200  }
0x3d: {  	[sflag:s9] =	ssyncset.done $0x0  }
0x3e: {  	s11 =	sadd.s32 $0x3400, s0;
	s12 =	simm.s32 $0x1A00;
	[sflag:s9] =	ssyncadd.s32 $0xFFFFFE00  }
0x3f: {  	[tilespmem:s12], [sflag:$0x1] =	stream.linear.gather [hbm4b:s11+s8], $0x200, $0x38;
	[tilespmem:$0x86B0] =	vst v63  }
0x40: {  	_ =	swait.ge [sflag:s9], $0x200  }
0x41: {  	[sflag:s9] =	ssyncset.done $0x0  }
0x42: {  	s13 =	sadd.s32 $0x3800, s0;
	s14 =	simm.s32 $0x1C00;
	[sflag:s9] =	ssyncadd.s32 $0xFFFFFE00  }
0x43: {  	[tilespmem:s14], [sflag:$0x1] =	stream.linear.gather [hbm4b:s13+s8], $0x200, $0x38;
	[tilespmem:$0x86B0] =	vst v63  }
0x44: {  	_ =	swait.ge [sflag:s9], $0x200  }
0x45: {  	[sflag:s9] =	ssyncset.done $0x0  }
0x46: {  	s17 =	sadd.s32 $0x3C00, s0;
	s18 =	simm.s32 $0x1E00;
	[sflag:s9] =	ssyncadd.s32 $0xFFFFFE00  }
0x47: {  	[tilespmem:s18], [sflag:$0x1] =	stream.linear.gather [hbm4b:s17+s8], $0x200, $0x38;
	[tilespmem:$0x86B0] =	vst v63  }
0x48: {  	_ =	swait.ge [sflag:s9], $0x200  }
0x49: {  	[sflag:s9] =	ssyncset.done $0x0  }
0x4a: {  	s19 =	sadd.s32 $0x4000, s0;
	s20 =	simm.s32 $0x2000;
	[sflag:s9] =	ssyncadd.s32 $0xFFFFFE00  }
0x4b: {  	[tilespmem:s20], [sflag:$0x1] =	stream.linear.gather [hbm4b:s19+s8], $0x200, $0x38;
	[tilespmem:$0x86B0] =	vst v63  }
0x4c: {  	_ =	swait.ge [sflag:s9], $0x200  }
0x4d: {  	[sflag:s9] =	ssyncset.done $0x0  }
0x4e: {  	s21 =	sadd.s32 $0x4400, s0;
	s22 =	simm.s32 $0x2200;
	[sflag:s9] =	ssyncadd.s32 $0xFFFFFE00  }
0x4f: {  	[tilespmem:s22], [sflag:$0x1] =	stream.linear.gather [hbm4b:s21+s8], $0x200, $0x38;
	[tilespmem:$0x86B0] =	vst v63  }
0x50: {  	_ =	swait.ge [sflag:s9], $0x200  }
0x51: {  	[sflag:s9] =	ssyncset.done $0x0  }
0x52: {  	s23 =	sadd.s32 $0x4800, s0;
	s24 =	simm.s32 $0x2400;
	[sflag:s9] =	ssyncadd.s32 $0xFFFFFE00  }
0x53: {  	[tilespmem:s24], [sflag:$0x1] =	stream.linear.gather [hbm4b:s23+s8], $0x200, $0x38;
	[tilespmem:$0x86B0] =	vst v63  }
0x54: {  	_ =	swait.ge [sflag:s9], $0x200  }
0x55: {  	[sflag:s9] =	ssyncset.done $0x0  }
0x56: {  	s25 =	sadd.s32 $0x4C00, s0;
	s26 =	simm.s32 $0x2600;
	[sflag:s9] =	ssyncadd.s32 $0xFFFFFE00  }
0x57: {  	[tilespmem:s26], [sflag:$0x1] =	stream.linear.gather [hbm4b:s25+s8], $0x200, $0x38;
	[tilespmem:$0x86B0] =	vst v63  }
0x58: {  	_ =	swait.ge [sflag:s9], $0x200  }
0x59: {  	[sflag:s9] =	ssyncset.done $0x0  }
0x5a: {  	s2 =	sadd.s32 $0x5000, s0;
	s3 =	simm.s32 $0x2800;
	[sflag:s9] =	ssyncadd.s32 $0xFFFFFE00  }
0x5b: {  	[tilespmem:s3], [sflag:$0x1] =	stream.linear.gather [hbm4b:s2+s8], $0x200, $0x38;
	[tilespmem:$0x86B0] =	vst v63  }
0x5c: {  	_ =	swait.ge [sflag:s9], $0x200  }
0x5d: {  	[sflag:s9] =	ssyncset.done $0x0  }
0x5e: {  	s5 =	sadd.s32 $0x5400, s0;
	s6 =	simm.s32 $0x2A00;
	[sflag:s9] =	ssyncadd.s32 $0xFFFFFE00  }
0x5f: {  	[tilespmem:s6], [sflag:$0x1] =	stream.linear.gather [hbm4b:s5+s8], $0x200, $0x38;
	[tilespmem:$0x86B0] =	vst v63  }
0x60: {  	_ =	swait.ge [sflag:s9], $0x200  }
0x61: {  	[sflag:s9] =	ssyncset.done $0x0  }
0x62: {  	s7 =	sadd.s32 $0x5800, s0;
	s10 =	simm.s32 $0x2C00;
	[sflag:s9] =	ssyncadd.s32 $0xFFFFFE00  }
0x63: {  	[tilespmem:s10], [sflag:$0x1] =	stream.linear.gather [hbm4b:s7+s8], $0x200, $0x38;
	[tilespmem:$0x86B0] =	vst v63  }
0x64: {  	_ =	swait.ge [sflag:s9], $0x200  }
0x65: {  	[sflag:s9] =	ssyncset.done $0x0  }
0x66: {  	s11 =	sadd.s32 $0x5C00, s0;
	s12 =	simm.s32 $0x2E00;
	[sflag:s9] =	ssyncadd.s32 $0xFFFFFE00  }
0x67: {  	[tilespmem:s12], [sflag:$0x1] =	stream.linear.gather [hbm4b:s11+s8], $0x200, $0x38;
	[tilespmem:$0x86B0] =	vst v63  }
0x68: {  	_ =	swait.ge [sflag:s9], $0x200  }
0x69: {  	[sflag:s9] =	ssyncset.done $0x0  }
0x6a: {  	s13 =	sadd.s32 $0x6000, s0;
	s14 =	simm.s32 $0x3000;
	[sflag:s9] =	ssyncadd.s32 $0xFFFFFE00  }
0x6b: {  	[tilespmem:s14], [sflag:$0x1] =	stream.linear.gather [hbm4b:s13+s8], $0x200, $0x38;
	[tilespmem:$0x86B0] =	vst v63  }
0x6c: {  	_ =	swait.ge [sflag:s9], $0x200  }
0x6d: {  	[sflag:s9] =	ssyncset.done $0x0  }
0x6e: {  	s17 =	sadd.s32 $0x6400, s0;
	s18 =	simm.s32 $0x3200;
	[sflag:s9] =	ssyncadd.s32 $0xFFFFFE00  }
0x6f: {  	[tilespmem:s18], [sflag:$0x1] =	stream.linear.gather [hbm4b:s17+s8], $0x200, $0x38;
	[tilespmem:$0x86B0] =	vst v63  }
0x70: {  	_ =	swait.ge [sflag:s9], $0x200  }
0x71: {  	[sflag:s9] =	ssyncset.done $0x0  }
0x72: {  	s19 =	sadd.s32 $0x6800, s0;
	s20 =	simm.s32 $0x3400;
	[sflag:s9] =	ssyncadd.s32 $0xFFFFFE00  }
0x73: {  	[tilespmem:s20], [sflag:$0x1] =	stream.linear.gather [hbm4b:s19+s8], $0x200, $0x38;
	[tilespmem:$0x86B0] =	vst v63  }
0x74: {  	_ =	swait.ge [sflag:s9], $0x200  }
0x75: {  	[sflag:s9] =	ssyncset.done $0x0  }
0x76: {  	s21 =	sadd.s32 $0x6C00, s0;
	s22 =	simm.s32 $0x3600;
	[sflag:s9] =	ssyncadd.s32 $0xFFFFFE00  }
0x77: {  	[tilespmem:s22], [sflag:$0x1] =	stream.linear.gather [hbm4b:s21+s8], $0x200, $0x38;
	[tilespmem:$0x86B0] =	vst v63  }
0x78: {  	_ =	swait.ge [sflag:s9], $0x200  }
0x79: {  	[sflag:s9] =	ssyncset.done $0x0  }
0x7a: {  	s23 =	sadd.s32 $0x7000, s0;
	s24 =	simm.s32 $0x3800;
	[sflag:s9] =	ssyncadd.s32 $0xFFFFFE00  }
0x7b: {  	[tilespmem:s24], [sflag:$0x1] =	stream.linear.gather [hbm4b:s23+s8], $0x200, $0x38;
	[tilespmem:$0x86B0] =	vst v63  }
0x7c: {  	_ =	swait.ge [sflag:s9], $0x200  }
0x7d: {  	[sflag:s9] =	ssyncset.done $0x0  }
0x7e: {  	s25 =	sadd.s32 $0x7400, s0;
	s26 =	simm.s32 $0x3A00;
	[sflag:s9] =	ssyncadd.s32 $0xFFFFFE00  }
0x7f: {  	[tilespmem:s26], [sflag:$0x1] =	stream.linear.gather [hbm4b:s25+s8], $0x200, $0x38;
	[tilespmem:$0x86B0] =	vst v63  }
0x80: {  	_ =	swait.ge [sflag:s9], $0x200  }
0x81: {  	[sflag:s9] =	ssyncset.done $0x0  }
0x82: {  	s2 =	sadd.s32 $0x7800, s0;
	s3 =	simm.s32 $0x3C00;
	[sflag:s9] =	ssyncadd.s32 $0xFFFFFE00  }
0x83: {  	[tilespmem:s3], [sflag:$0x1] =	stream.linear.gather [hbm4b:s2+s8], $0x200, $0x38;
	[tilespmem:$0x86B0] =	vst v63  }
0x84: {  	_ =	swait.ge [sflag:s9], $0x200  }
0x85: {  	[sflag:s9] =	ssyncset.done $0x0  }
0x86: {  	s5 =	sadd.s32 $0x7C00, s0;
	s6 =	simm.s32 $0x3E00;
	[sflag:s9] =	ssyncadd.s32 $0xFFFFFE00  }
0x87: {  	[tilespmem:s6], [sflag:$0x1] =	stream.linear.gather [hbm4b:s5+s8], $0x200, $0x38;
	[tilespmem:$0x86B0] =	vst v63  }
0x88: {  	_ =	swait.ge [sflag:s9], $0x200  }
0x89: {  	[sflag:s9] =	ssyncset.done $0x0  }
0x8a: {  	s7 =	sadd.s32 $0x8000, s0;
	s10 =	simm.s32 $0x4000;
	[sflag:s9] =	ssyncadd.s32 $0xFFFFFE00  }
0x8b: {  	[tilespmem:s10], [sflag:$0x1] =	stream.linear.gather [hbm4b:s7+s8], $0x200, $0x38;
	[tilespmem:$0x86B0] =	vst v63  }
0x8c: {  	_ =	swait.ge [sflag:s9], $0x200  }
0x8d: {  	[sflag:s9] =	ssyncset.done $0x0  }
0x8e: {  	s11 =	sadd.s32 $0x8400, s0;
	s12 =	simm.s32 $0x4200;
	[sflag:s9] =	ssyncadd.s32 $0xFFFFFE00  }
0x8f: {  	[tilespmem:s12], [sflag:$0x1] =	stream.linear.gather [hbm4b:s11+s8], $0x200, $0x38;
	[tilespmem:$0x86B0] =	vst v63  }
0x90: {  	_ =	swait.ge [sflag:s9], $0x200  }
0x91: {  	[sflag:s9] =	ssyncset.done $0x0  }
0x92: {  	s13 =	sadd.s32 $0x8800, s0;
	s14 =	simm.s32 $0x4400;
	[sflag:s9] =	ssyncadd.s32 $0xFFFFFE00  }
0x93: {  	[tilespmem:s14], [sflag:$0x1] =	stream.linear.gather [hbm4b:s13+s8], $0x200, $0x38;
	[tilespmem:$0x86B0] =	vst v63  }
0x94: {  	_ =	swait.ge [sflag:s9], $0x200  }
0x95: {  	[sflag:s9] =	ssyncset.done $0x0  }
0x96: {  	s17 =	sadd.s32 $0x8C00, s0;
	s18 =	simm.s32 $0x4600;
	[sflag:s9] =	ssyncadd.s32 $0xFFFFFE00  }
0x97: {  	[tilespmem:s18], [sflag:$0x1] =	stream.linear.gather [hbm4b:s17+s8], $0x200, $0x38;
	[tilespmem:$0x86B0] =	vst v63  }
0x98: {  	_ =	swait.ge [sflag:s9], $0x200  }
0x99: {  	[sflag:s9] =	ssyncset.done $0x0  }
0x9a: {  	s19 =	sadd.s32 $0x9000, s0;
	s20 =	simm.s32 $0x4800;
	[sflag:s9] =	ssyncadd.s32 $0xFFFFFE00  }
0x9b: {  	[tilespmem:s20], [sflag:$0x1] =	stream.linear.gather [hbm4b:s19+s8], $0x200, $0x38;
	[tilespmem:$0x86B0] =	vst v63  }
0x9c: {  	_ =	swait.ge [sflag:s9], $0x200  }
0x9d: {  	[sflag:s9] =	ssyncset.done $0x0  }
0x9e: {  	s21 =	sadd.s32 $0x9400, s0;
	s22 =	simm.s32 $0x4A00;
	[sflag:s9] =	ssyncadd.s32 $0xFFFFFE00  }
0x9f: {  	[tilespmem:s22], [sflag:$0x1] =	stream.linear.gather [hbm4b:s21+s8], $0x200, $0x38;
	[tilespmem:$0x86B0] =	vst v63  }
0xa0: {  	_ =	swait.ge [sflag:s9], $0x200  }
0xa1: {  	[sflag:s9] =	ssyncset.done $0x0  }
0xa2: {  	s23 =	sadd.s32 $0x9800, s0;
	s24 =	simm.s32 $0x4C00;
	[sflag:s9] =	ssyncadd.s32 $0xFFFFFE00  }
0xa3: {  	[tilespmem:s24], [sflag:$0x1] =	stream.linear.gather [hbm4b:s23+s8], $0x200, $0x38;
	[tilespmem:$0x86B0] =	vst v63  }
0xa4: {  	_ =	swait.ge [sflag:s9], $0x200  }
0xa5: {  	[sflag:s9] =	ssyncset.done $0x0  }
0xa6: {  	s25 =	sadd.s32 $0x9C00, s0;
	s26 =	simm.s32 $0x4E00;
	[sflag:s9] =	ssyncadd.s32 $0xFFFFFE00  }
0xa7: {  	[tilespmem:s26], [sflag:$0x1] =	stream.linear.gather [hbm4b:s25+s8], $0x200, $0x38;
	[tilespmem:$0x86B0] =	vst v63  }
0xa8: {  	_ =	swait.ge [sflag:s9], $0x200  }
0xa9: {  	[sflag:s9] =	ssyncset.done $0x0  }
0xaa: {  	s2 =	sadd.s32 $0xA000, s0;
	s3 =	simm.s32 $0x5000;
	[sflag:s9] =	ssyncadd.s32 $0xFFFFFE00  }
0xab: {  	[tilespmem:s3], [sflag:$0x1] =	stream.linear.gather [hbm4b:s2+s8], $0x200, $0x38;
	[tilespmem:$0x86B0] =	vst v63  }
0xac: {  	_ =	swait.ge [sflag:s9], $0x200  }
0xad: {  	[sflag:s9] =	ssyncset.done $0x0  }
0xae: {  	s5 =	sadd.s32 $0xA400, s0;
	s6 =	simm.s32 $0x5200;
	[sflag:s9] =	ssyncadd.s32 $0xFFFFFE00  }
0xaf: {  	[tilespmem:s6], [sflag:$0x1] =	stream.linear.gather [hbm4b:s5+s8], $0x200, $0x38;
	[tilespmem:$0x86B0] =	vst v63  }
0xb0: {  	_ =	swait.ge [sflag:s9], $0x200  }
0xb1: {  	[sflag:s9] =	ssyncset.done $0x0  }
0xb2: {  	s7 =	sadd.s32 $0xA800, s0;
	s10 =	simm.s32 $0x5400;
	[sflag:s9] =	ssyncadd.s32 $0xFFFFFE00  }
0xb3: {  	[tilespmem:s10], [sflag:$0x1] =	stream.linear.gather [hbm4b:s7+s8], $0x200, $0x38;
	[tilespmem:$0x86B0] =	vst v63  }
0xb4: {  	_ =	swait.ge [sflag:s9], $0x200  }
0xb5: {  	[sflag:s9] =	ssyncset.done $0x0  }
0xb6: {  	s11 =	sadd.s32 $0xAC00, s0;
	s12 =	simm.s32 $0x5600;
	[sflag:s9] =	ssyncadd.s32 $0xFFFFFE00  }
0xb7: {  	[tilespmem:s12], [sflag:$0x1] =	stream.linear.gather [hbm4b:s11+s8], $0x200, $0x38;
	[tilespmem:$0x86B0] =	vst v63  }
0xb8: {  	_ =	swait.ge [sflag:s9], $0x200  }
0xb9: {  	[sflag:s9] =	ssyncset.done $0x0  }
0xba: {  	s13 =	sadd.s32 $0xB000, s0;
	s14 =	simm.s32 $0x5800;
	[sflag:s9] =	ssyncadd.s32 $0xFFFFFE00  }
0xbb: {  	[tilespmem:s14], [sflag:$0x1] =	stream.linear.gather [hbm4b:s13+s8], $0x200, $0x38;
	[tilespmem:$0x86B0] =	vst v63  }
0xbc: {  	_ =	swait.ge [sflag:s9], $0x200  }
0xbd: {  	[sflag:s9] =	ssyncset.done $0x0  }
0xbe: {  	s17 =	sadd.s32 $0xB400, s0;
	s18 =	simm.s32 $0x5A00;
	[sflag:s9] =	ssyncadd.s32 $0xFFFFFE00  }
0xbf: {  	[tilespmem:s18], [sflag:$0x1] =	stream.linear.gather [hbm4b:s17+s8], $0x200, $0x38;
	[tilespmem:$0x86B0] =	vst v63  }
0xc0: {  	_ =	swait.ge [sflag:s9], $0x200  }
0xc1: {  	[sflag:s9] =	ssyncset.done $0x0  }
0xc2: {  	s19 =	sadd.s32 $0xB800, s0;
	s20 =	simm.s32 $0x5C00;
	[sflag:s9] =	ssyncadd.s32 $0xFFFFFE00  }
0xc3: {  	[tilespmem:s20], [sflag:$0x1] =	stream.linear.gather [hbm4b:s19+s8], $0x200, $0x38;
	[tilespmem:$0x86B0] =	vst v63  }
0xc4: {  	_ =	swait.ge [sflag:s9], $0x200  }
0xc5: {  	[sflag:s9] =	ssyncset.done $0x0  }
0xc6: {  	s21 =	sadd.s32 $0xBC00, s0;
	s22 =	simm.s32 $0x5E00;
	[sflag:s9] =	ssyncadd.s32 $0xFFFFFE00  }
0xc7: {  	[tilespmem:s22], [sflag:$0x1] =	stream.linear.gather [hbm4b:s21+s8], $0x200, $0x38;
	[tilespmem:$0x86B0] =	vst v63  }
0xc8: {  	_ =	swait.ge [sflag:s9], $0x200  }
0xc9: {  	[sflag:s9] =	ssyncset.done $0x0  }
0xca: {  	s23 =	sadd.s32 $0xC000, s0;
	s24 =	simm.s32 $0x6000;
	[sflag:s9] =	ssyncadd.s32 $0xFFFFFE00  }
0xcb: {  	[tilespmem:s24], [sflag:$0x1] =	stream.linear.gather [hbm4b:s23+s8], $0x200, $0x38;
	[tilespmem:$0x86B0] =	vst v63  }
0xcc: {  	_ =	swait.ge [sflag:s9], $0x200  }
0xcd: {  	[sflag:s9] =	ssyncset.done $0x0  }
0xce: {  	s25 =	sadd.s32 $0xC400, s0;
	s26 =	simm.s32 $0x6200;
	[sflag:s9] =	ssyncadd.s32 $0xFFFFFE00  }
0xcf: {  	[tilespmem:s26], [sflag:$0x1] =	stream.linear.gather [hbm4b:s25+s8], $0x200, $0x38;
	[tilespmem:$0x86B0] =	vst v63  }
0xd0: {  	_ =	swait.ge [sflag:s9], $0x200  }
0xd1: {  	[sflag:s9] =	ssyncset.done $0x0  }
0xd2: {  	s2 =	sadd.s32 $0xC800, s0;
	s3 =	simm.s32 $0x6400;
	[sflag:s9] =	ssyncadd.s32 $0xFFFFFE00  }
0xd3: {  	[tilespmem:s3], [sflag:$0x1] =	stream.linear.gather [hbm4b:s2+s8], $0x200, $0x38;
	[tilespmem:$0x86B0] =	vst v63  }
0xd4: {  	_ =	swait.ge [sflag:s9], $0x200  }
0xd5: {  	[sflag:s9] =	ssyncset.done $0x0  }
0xd6: {  	s5 =	sadd.s32 $0xCC00, s0;
	s6 =	simm.s32 $0x6600;
	[sflag:s9] =	ssyncadd.s32 $0xFFFFFE00  }
0xd7: {  	[tilespmem:s6], [sflag:$0x1] =	stream.linear.gather [hbm4b:s5+s8], $0x200, $0x38;
	[tilespmem:$0x86B0] =	vst v63  }
0xd8: {  	_ =	swait.ge [sflag:s9], $0x200  }
0xd9: {  	[sflag:s9] =	ssyncset.done $0x0  }
0xda: {  	s7 =	sadd.s32 $0xD000, s0;
	s10 =	simm.s32 $0x6800;
	[sflag:s9] =	ssyncadd.s32 $0xFFFFFE00  }
0xdb: {  	[tilespmem:s10], [sflag:$0x1] =	stream.linear.gather [hbm4b:s7+s8], $0x200, $0x38;
	[tilespmem:$0x86B0] =	vst v63  }
0xdc: {  	_ =	swait.ge [sflag:s9], $0x200  }
0xdd: {  	[sflag:s9] =	ssyncset.done $0x0  }
0xde: {  	s11 =	sadd.s32 $0xD400, s0;
	s12 =	simm.s32 $0x6A00;
	[sflag:s9] =	ssyncadd.s32 $0xFFFFFE00  }
0xdf: {  	[tilespmem:s12], [sflag:$0x1] =	stream.linear.gather [hbm4b:s11+s8], $0x200, $0x38;
	[tilespmem:$0x86B0] =	vst v63  }
0xe0: {  	_ =	swait.ge [sflag:s9], $0x200  }
0xe1: {  	[sflag:s9] =	ssyncset.done $0x0  }
0xe2: {  	s13 =	sadd.s32 $0xD800, s0;
	s14 =	simm.s32 $0x6C00;
	[sflag:s9] =	ssyncadd.s32 $0xFFFFFE00  }
0xe3: {  	[tilespmem:s14], [sflag:$0x1] =	stream.linear.gather [hbm4b:s13+s8], $0x200, $0x38;
	[tilespmem:$0x86B0] =	vst v63  }
0xe4: {  	_ =	swait.ge [sflag:s9], $0x200  }
0xe5: {  	[sflag:s9] =	ssyncset.done $0x0  }
0xe6: {  	s17 =	sadd.s32 $0xDC00, s0;
	s18 =	simm.s32 $0x6E00;
	[sflag:s9] =	ssyncadd.s32 $0xFFFFFE00  }
0xe7: {  	[tilespmem:s18], [sflag:$0x1] =	stream.linear.gather [hbm4b:s17+s8], $0x200, $0x38;
	[tilespmem:$0x86B0] =	vst v63  }
0xe8: {  	_ =	swait.ge [sflag:s9], $0x200  }
0xe9: {  	[sflag:s9] =	ssyncset.done $0x0  }
0xea: {  	s19 =	sadd.s32 $0xE000, s0;
	s20 =	simm.s32 $0x7000;
	[sflag:s9] =	ssyncadd.s32 $0xFFFFFE00  }
0xeb: {  	[tilespmem:s20], [sflag:$0x1] =	stream.linear.gather [hbm4b:s19+s8], $0x200, $0x38;
	[tilespmem:$0x86B0] =	vst v63  }
0xec: {  	_ =	swait.ge [sflag:s9], $0x200  }
0xed: {  	[sflag:s9] =	ssyncset.done $0x0  }
0xee: {  	s21 =	sadd.s32 $0xE400, s0;
	s22 =	simm.s32 $0x7200;
	[sflag:s9] =	ssyncadd.s32 $0xFFFFFE00  }
0xef: {  	[tilespmem:s22], [sflag:$0x1] =	stream.linear.gather [hbm4b:s21+s8], $0x200, $0x38;
	[tilespmem:$0x86B0] =	vst v63  }
0xf0: {  	_ =	swait.ge [sflag:s9], $0x200  }
0xf1: {  	[sflag:s9] =	ssyncset.done $0x0  }
0xf2: {  	s23 =	sadd.s32 $0xE800, s0;
	s24 =	simm.s32 $0x7400;
	[sflag:s9] =	ssyncadd.s32 $0xFFFFFE00  }
0xf3: {  	[tilespmem:s24], [sflag:$0x1] =	stream.linear.gather [hbm4b:s23+s8], $0x200, $0x38;
	[tilespmem:$0x86B0] =	vst v63  }
0xf4: {  	_ =	swait.ge [sflag:s9], $0x200  }
0xf5: {  	[sflag:s9] =	ssyncset.done $0x0  }
0xf6: {  	s25 =	sadd.s32 $0xEC00, s0;
	s26 =	simm.s32 $0x7600;
	[sflag:s9] =	ssyncadd.s32 $0xFFFFFE00  }
0xf7: {  	[tilespmem:s26], [sflag:$0x1] =	stream.linear.gather [hbm4b:s25+s8], $0x200, $0x38;
	[tilespmem:$0x86B0] =	vst v63  }
0xf8: {  	_ =	swait.ge [sflag:s9], $0x200  }
0xf9: {  	[sflag:s9] =	ssyncset.done $0x0  }
0xfa: {  	s2 =	sadd.s32 $0xF000, s0;
	s3 =	simm.s32 $0x7800;
	[sflag:s9] =	ssyncadd.s32 $0xFFFFFE00  }
0xfb: {  	[tilespmem:s3], [sflag:$0x1] =	stream.linear.gather [hbm4b:s2+s8], $0x200, $0x38;
	[tilespmem:$0x86B0] =	vst v63  }
0xfc: {  	_ =	swait.ge [sflag:s9], $0x200  }
0xfd: {  	[sflag:s9] =	ssyncset.done $0x0  }
0xfe: {  	s5 =	sadd.s32 $0xF400, s0;
	s6 =	simm.s32 $0x7A00;
	[sflag:s9] =	ssyncadd.s32 $0xFFFFFE00  }
0xff: {  	[tilespmem:s6], [sflag:$0x1] =	stream.linear.gather [hbm4b:s5+s8], $0x200, $0x38;
	[tilespmem:$0x86B0] =	vst v63  }
0x100: {  	_ =	swait.ge [sflag:s9], $0x200  }
0x101: {  	[sflag:s9] =	ssyncset.done $0x0  }
0x102: {  	s7 =	sadd.s32 $0xF800, s0;
	s10 =	simm.s32 $0x7C00;
	[sflag:s9] =	ssyncadd.s32 $0xFFFFFE00  }
0x103: {  	[tilespmem:s10], [sflag:$0x1] =	stream.linear.gather [hbm4b:s7+s8], $0x200, $0x38;
	[tilespmem:$0x86B0] =	vst v63  }
0x104: {  	_ =	swait.ge [sflag:s9], $0x200  }
0x105: {  	[sflag:s9] =	ssyncset.done $0x0  }
0x106: {  	s0 =	sadd.s32 $0xFC00, s0;
	s11 =	simm.s32 $0x7E00;
	[sflag:s9] =	ssyncadd.s32 $0xFFFFFE00  }
0x107: {  	[tilespmem:s11], [sflag:$0x1] =	stream.linear.gather [hbm4b:s0+s8], $0x200, $0x38;
	[tilespmem:$0x86B0] =	vst v63  }
0x108: {  	_ =	swait.ge [sflag:s9], $0x200  }
0x109: {  	[sflag:s9] =	ssyncset.done $0x0  }
0x10a: {  	v0 =	vimm.f32 $0.0e+00;
	[sflag:s9] =	ssyncadd.s32 $0xFFFFFE00  }
0x10b: {  	[tilespmem:$0x8000] =	vst v0  }
0x10c: {  	[tilespmem:$0x8010] =	vst v0  }
0x10d: {  	[tilespmem:$0x8020] =	vst v0  }
0x10e: {  	[tilespmem:$0x8030] =	vst v0  }
0x10f: {  	[tilespmem:$0x8040] =	vst v0  }
0x110: {  	[tilespmem:$0x8050] =	vst v0  }
0x111: {  	[tilespmem:$0x8060] =	vst v0  }
0x112: {  	[tilespmem:$0x8070] =	vst v0  }
0x113: {  	[tilespmem:$0x8080] =	vst v0  }
0x114: {  	[tilespmem:$0x8090] =	vst v0  }
0x115: {  	[tilespmem:$0x80A0] =	vst v0  }
0x116: {  	[tilespmem:$0x80B0] =	vst v0  }
0x117: {  	[tilespmem:$0x80C0] =	vst v0  }
0x118: {  	[tilespmem:$0x80D0] =	vst v0  }
0x119: {  	[tilespmem:$0x80E0] =	vst v0  }
0x11a: {  	s28 =	sadd.s32 $0x80, s15;
	s29 =	sadd.s32 $0x80, s16;
	[tilespmem:$0x80F0] =	vst v0  }
0x11b: {  	s30 =	sadd.s32 $0x90, s15;
	s31 =	sadd.s32 $0x90, s16;
	p0 =	sne.s32 s4, $0x0;
	[tilespmem:$0x8100] =	vst v0  }
0x11c: {  	s1 =	sadd.s32 $0xA0, s15;
	s12 =	sshll.u32 s4, $0x4;
	s13 =	sadd.s32 $0x10, s15;
	[tilespmem:$0x8110] =	vst v0  }
0x11d: {  	s14 =	sadd.s32 $0x10, s16;
	s17 =	sadd.s32 $0x20, s15;
	[dreg:$0x8] =	wrdreg s13;
	[tilespmem:$0x8120] =	vst v0  }
0x11e: {  	s18 =	sadd.s32 $0x20, s16;
	s19 =	sadd.s32 $0x30, s15;
	[dreg:$0x9] =	wrdreg s14;
	[tilespmem:$0x8130] =	vst v0  }
0x11f: {  	s20 =	sadd.s32 $0x30, s16;
	s21 =	sadd.s32 $0x40, s15;
	[dreg:$0xa] =	wrdreg s17;
	[tilespmem:$0x8140] =	vst v0  }
0x120: {  	s22 =	sadd.s32 $0x40, s16;
	s23 =	sadd.s32 $0x50, s15;
	[dreg:$0xb] =	wrdreg s18;
	[tilespmem:$0x8150] =	vst v0  }
0x121: {  	s24 =	sadd.s32 $0x50, s16;
	s25 =	sadd.s32 $0x60, s15;
	[dreg:$0xc] =	wrdreg s19;
	[tilespmem:$0x8160] =	vst v0  }
0x122: {  	s26 =	sadd.s32 $0x60, s16;
	s3 =	sadd.s32 $0xA0, s16;
	[dreg:$0xd] =	wrdreg s20;
	[tilespmem:$0x8170] =	vst v0  }
0x123: {  	s2 =	sadd.s32 $0xB0, s16;
	s5 =	sadd.s32 $0xC0, s16;
	[dreg:$0xe] =	wrdreg s21;
	[tilespmem:$0x8180] =	vst v0  }
0x124: {  	s6 =	sadd.s32 $0xD0, s15;
	s10 =	sshll.u32 s4, $0x9;
	[dreg:$0xf] =	wrdreg s22;
	[tilespmem:$0x8190] =	vst v0  }
0x125: {  	s4 =	sadd.s32 $0xC0, s15;
	s7 =	sadd.s32 $0xD0, s16;
	[dreg:$0x10] =	wrdreg s23;
	[tilespmem:$0x81A0] =	vst v0  }
.Ltmp1:
0x126: {  	s11 =	sadd.s32 s12, s15;
	[dreg:$0x11] =	wrdreg s24;
	[tilespmem:$0x81B0] =	vst v0;
	(pc) =	sbr.rel .LBB2_2-.Ltmp1, $4  }
0x127: {  	s12 =	sadd.s32 s12, s16;
	s0 =	sadd.s32 $0xB0, s15;
	[dreg:$0x12] =	wrdreg s25;
	[tilespmem:$0x81C0] =	vst v0  }
0x128: {  	v2 =	vlaneseq.u32;
	[dreg:$0x13] =	wrdreg s26;
	s25 =	sadd.s32 $0x70, s15;
	s26 =	sadd.s32 $0x70, s16;
	[tilespmem:$0x81D0] =	vst v0  }
0x129: {  	v1 =	vimm.s32 $0x0;
	v3 =	vor.u32 $0x10, v2;
	s13 =	sadd.s32 $0xE0, s15;
	s14 =	sadd.s32 $0xE0, s16;
	s15 =	sadd.s32 $0xF0, s15;
	[tilespmem:$0x81E0] =	vst v0  }
0x12a: {  	v6 =	vimm.s32 $0xFFFFFFFF;
	v4 =	vor.u32 $0x20, v2;
	v5 =	vor.u32 $0x30, v2;
	s16 =	sadd.s32 $0xF0, s16;
	s17 =	simm.s32 $0x8200;
	s18 =	simm.s32 $0x8280;
	[tilespmem:$0x81F0] =	vst v0  }
.LBB2_7:
0x12b: {  	vm0 =	veq.f32 v8, v7;
	vm1 =	vlt.s32 v9, v6  }
0x12c: {  	vm2 =	vlt.f32 v8, v7;
	vm0 =	vmand vm0, vm1  }
0x12d: {  	vm0 =	vmor vm2, vm0  }
0x12e: {  	v7 =	vsel vm0, v8, v7  }
0x12f: {  	[tilespmem:$0x8580] =	vst v7  }
0x130: {  	v6 =	vsel vm0, v9, v6;
	[tilespmem:$0x8590] =	vst v7  }
0x131: {  	[tilespmem:$0x8600] =	vst v6  }
0x132: {  	[tilespmem:$0x8610] =	vst v6;
	v54 =	vld [tilespmem:$0x8588]  }
0x133: {  	v55 =	vld [tilespmem:$0x8608];
	_ =	sdelay $0x4  }
0x134: {  	vm12 =	veq.f32 v54, v7;
	vm13 =	vlt.s32 v55, v6  }
0x135: {  	vm14 =	vlt.f32 v54, v7;
	vm0 =	vmand vm12, vm13  }
0x136: {  	vm0 =	vmor vm14, vm0  }
0x137: {  	v7 =	vsel vm0, v54, v7  }
0x138: {  	[tilespmem:$0x8580] =	vst v7  }
0x139: {  	v6 =	vsel vm0, v55, v6;
	[tilespmem:$0x8590] =	vst v7  }
0x13a: {  	[tilespmem:$0x8600] =	vst v6  }
0x13b: {  	[tilespmem:$0x8610] =	vst v6;
	v56 =	vld [tilespmem:$0x8584]  }
0x13c: {  	v57 =	vld [tilespmem:$0x8604];
	_ =	sdelay $0x4  }
0x13d: {  	vm15 =	veq.f32 v56, v7;
	vm4 =	vlt.s32 v57, v6  }
0x13e: {  	vm5 =	vlt.f32 v56, v7;
	vm0 =	vmand vm15, vm4  }
0x13f: {  	vm0 =	vmor vm5, vm0  }
0x140: {  	v7 =	vsel vm0, v56, v7  }
0x141: {  	[tilespmem:$0x8580] =	vst v7  }
0x142: {  	v6 =	vsel vm0, v57, v6;
	[tilespmem:$0x8590] =	vst v7  }
0x143: {  	[tilespmem:$0x8600] =	vst v6  }
0x144: {  	[tilespmem:$0x8610] =	vst v6;
	v58 =	vld [tilespmem:$0x8582]  }
0x145: {  	v59 =	vld [tilespmem:$0x8602];
	_ =	sdelay $0x4  }
0x146: {  	vm6 =	veq.f32 v58, v7;
	vm7 =	vlt.s32 v59, v6  }
0x147: {  	vm8 =	vlt.f32 v58, v7;
	vm0 =	vmand vm6, vm7  }
0x148: {  	vm0 =	vmor vm8, vm0  }
0x149: {  	v7 =	vsel vm0, v58, v7  }
0x14a: {  	[tilespmem:$0x8580] =	vst v7  }
0x14b: {  	v6 =	vsel vm0, v59, v6;
	[tilespmem:$0x8590] =	vst v7  }
0x14c: {  	[tilespmem:$0x8600] =	vst v6  }
0x14d: {  	[tilespmem:$0x8610] =	vst v6;
	v60 =	vld [tilespmem:$0x8581]  }
0x14e: {  	v61 =	vld [tilespmem:$0x8601];
	_ =	sdelay $0x4  }
0x14f: {  	vm9 =	veq.f32 v60, v7;
	vm10 =	vlt.s32 v61, v6  }
0x150: {  	vm11 =	vlt.f32 v60, v7;
	vm0 =	vmand vm9, vm10  }
0x151: {  	vm0 =	vmor vm11, vm0  }
0x152: {  	v7 =	vsel vm0, v60, v7  }
0x153: {  	v6 =	vsel vm0, v61, v6;
	[tilespmem:$0x8200] =	vst v7  }
0x154: {  	s19 =	rddreg [dreg:$0x5];
	[tilespmem:$0x8280] =	vst v6  }
0x155: {  	[spmem:s19] =	stream.linear.scatter [tilespmem:s17], [sflag:$0x1], $0x80, $0x38;
	[tilespmem:$0x86B0] =	vst v63  }
0x156: {  	_ =	swait.ge [sflag:s9], $0x80  }
0x157: {  	[sflag:s9] =	ssyncset.done $0x0  }
0x158: {  	[sflag:s9] =	ssyncadd.s32 $0xFFFFFF80  }
0x159: {  	s24 =	rddreg [dreg:$0x6]  }
0x15a: {  	[spmem:s24] =	stream.linear.scatter [tilespmem:s18], [sflag:$0x1], $0x80, $0x38;
	[tilespmem:$0x86B0] =	vst v63  }
0x15b: {  	_ =	swait.ge [sflag:s9], $0x80  }
0x15c: {  	[sflag:s9] =	ssyncset.done $0x0  }
0x15d: {  	[sflag:s9] =	ssyncadd.s32 $0xFFFFFF80  }
0x15e: {  	v7 =	vld [tilespmem:$0x8500]  }
0x15f: {  	v62 =	vld [tilespmem:$0x8510]  }
0x160: {  	v63 =	vld [tilespmem:$0x8520]  }
0x161: {  	v10 =	vld [tilespmem:$0x8530]  }
0x162: {  	vm12 =	veq.s32 v1, v2  }
0x163: {  	vm13 =	veq.s32 v1, v3;
	v7 =	vsel vm12, v6, v7  }
0x164: {  	vm14 =	veq.s32 v1, v4;
	[tilespmem:$0x8500] =	vst v7;
	v7 =	vsel vm13, v6, v62  }
0x165: {  	vm15 =	veq.s32 v1, v5;
	[tilespmem:$0x8510] =	vst v7;
	v7 =	vsel vm14, v6, v63  }
0x166: {  	v6 =	vsel vm15, v6, v10;
	[tilespmem:$0x8520] =	vst v7  }
0x167: {  	[tilespmem:$0x8530] =	vst v6  }
.LBB2_8:
0x168: {  	[bflag:$0x0] =	sbarrier.arrive $0xFFFF  }
0x169: {  	s19 =	rddreg [dreg:$0x5]  }
0x16a: {  	[tilespmem:s17], [sflag:$0x1] =	stream.linear.gather [spmem:s19], $0x80, $0x38;
	[tilespmem:$0x86B0] =	vst v63  }
0x16b: {  	_ =	swait.ge [sflag:s9], $0x80  }
0x16c: {  	[sflag:s9] =	ssyncset.done $0x0  }
0x16d: {  	[sflag:s9] =	ssyncadd.s32 $0xFFFFFF80  }
0x16e: {  	s24 =	rddreg [dreg:$0x6]  }
0x16f: {  	[tilespmem:s18], [sflag:$0x1] =	stream.linear.gather [spmem:s24], $0x80, $0x38;
	[tilespmem:$0x86B0] =	vst v63  }
0x170: {  	_ =	swait.ge [sflag:s9], $0x80  }
0x171: {  	[sflag:s9] =	ssyncset.done $0x0  }
0x172: {  	s8 =	sadd.s32 $0x1, s8;
	[sflag:s9] =	ssyncadd.s32 $0xFFFFFF80  }
0x173: {  	p1 =	sne.s32 s8, $0x40;
	v7 =	vld [tilespmem:$0x8200]  }
.Ltmp2:
0x174: {  	v6 =	vld [tilespmem:$0x8280];
	(pc) =	sbr.rel @!p1 .LBB2_9-.Ltmp2, $2  }
0x175: {  	_ =	sdelay $0x2  }
0x176: {  	v1 =	vadd.s32 $0x1, v1;
	v0 =	vadd.f32 v7, v0  }
.LBB2_2:
0x177: {  	s19 =	sshll.u32 s8, $0x9;
	s21 =	simm.s32 $0x0  }
0x178: {  	s20 =	simm.s32 $0x8000;
	s19 =	sand.u32 $0x3FFFFE00, s19;
	s22 =	sand.u32 $0x180, s21  }
0x179: {  	s21 =	sand.u32 $0x70, s21;
	v11 =	vld [tilespmem:s20+$0x0];
	s22 =	sadd.s32 s22, s19  }
0x17a: {  	s22 =	sadd.s32 s21, s22  }
0x17b: {  	s23 =	sadd.s32 $0x0, s10;
	v10 =	vld [tilespmem:s22+$0x0]  }
0x17c: {  	v7 =	vimm.f32 $+Inf;
	v8 =	vimm.s32 $0x0;
	v9 =	vor.u32 s23, v2;
	s21 =	simm.s32 $0x10;
	s22 =	simm.s32 $0x20  }
.LBB2_3:
0x17d: {  	p1 =	sne.s32 s22, $0x1F0;
	vm0 =	veq.s32 v9, v6  }
0x17e: {  	v11 =	vsel vm0, $0x3F800000, v11  }
.Ltmp3:
0x17f: {  	s23 =	sand.u32 $0x180, s21;
	[tilespmem:s20+$0x0] =	vst v11;
	vm0 =	vgt.f32 v11, $0.0e+00;
	s20 =	sadd.s32 $0x10, s20;
	(pc) =	sbr.rel @p1 .LBB2_3-.Ltmp3, $4  }
0x180: {  	s24 =	sand.u32 $0x70, s21;
	s23 =	sadd.s32 s23, s19;
	v11 =	vld [tilespmem:s20+$0x0];
	v12 =	vsel vm0, $0x47C34F80, v10  }
0x181: {  	s23 =	sadd.s32 s24, s23;
	vm0 =	vlt.f32 v12, v7  }
0x182: {  	v10 =	vld [tilespmem:s23+$0x0];
	s23 =	sadd.s32 s21, s10;
	v7 =	vsel vm0, v12, v7;
	v8 =	vsel vm0, v9, v8;
	s21 =	smov.u32 s22  }
0x183: {  	s22 =	sadd.s32 $0x10, s22;
	v9 =	vor.u32 s23, v2  }
0x184: {  	vm0 =	veq.s32 v9, v6  }
0x185: {  	v11 =	vsel vm0, $0x3F800000, v11  }
0x186: {  	s22 =	sand.u32 $0x180, s21;
	[tilespmem:s20+$0x0] =	vst v11;
	s20 =	sadd.s32 $0x10, s20  }
0x187: {  	s23 =	sand.u32 $0x70, s21;
	s19 =	sadd.s32 s22, s19;
	v12 =	vld [tilespmem:s20+$0x0]  }
0x188: {  	s19 =	sadd.s32 s23, s19  }
0x189: {  	s24 =	sadd.s32 s21, s10;
	v13 =	vld [tilespmem:s19+$0x0]  }
0x18a: {  	v14 =	vor.u32 s24, v2  }
0x18b: {  	vm0 =	vgt.f32 v11, $0.0e+00;
	vm1 =	veq.s32 v14, v6  }
0x18c: {  	v6 =	vsel vm0, $0x47C34F80, v10;
	v63 =	vsel vm1, $0x3F800000, v12  }
0x18d: {  	vm0 =	vlt.f32 v6, v7;
	vm1 =	vgt.f32 v63, $0.0e+00  }
0x18e: {  	v6 =	vsel vm0, v6, v7;
	v7 =	vsel vm1, $0x47C34F80, v13  }
0x18f: {  	vm1 =	vlt.f32 v7, v6  }
0x190: {  	v8 =	vsel vm0, v9, v8;
	[tilespmem:s20+$0x0] =	vst v63;
	v6 =	vsel vm1, v7, v6  }
0x191: {  	v7 =	vsel vm1, v14, v8;
	[tilespmem:$0x8200] =	vst v6  }
0x192: {  	[tilespmem:$0x8280] =	vst v7  }
0x193: {  	[spmem:s11] =	stream.linear.scatter [tilespmem:s17], [sflag:$0x1], $0x10, $0x38;
	[tilespmem:$0x86B0] =	vst v63  }
0x194: {  	_ =	swait.ge [sflag:s9], $0x10  }
0x195: {  	[sflag:s9] =	ssyncset.done $0x0  }
0x196: {  	[sflag:s9] =	ssyncadd.s32 $0xFFFFFFF0  }
0x197: {  	[spmem:s12] =	stream.linear.scatter [tilespmem:s18], [sflag:$0x1], $0x10, $0x38;
	[tilespmem:$0x86B0] =	vst v63  }
.Ltmp4:
0x198: {  	_ =	swait.ge [sflag:s9], $0x10;
	(pc) =	sbr.rel @p0 .LBB2_8-.Ltmp4, $3  }
0x199: {  	[sflag:s9] =	ssyncset.done $0x0  }
0x19a: {  	[sflag:s9] =	ssyncadd.s32 $0xFFFFFFF0  }
0x19b: {  	[bflag:$0x0] =	sbarrier.arrive $0xFFFF;
	_ =	sdelay $0x1  }
0x19c: {  	s19 =	rddreg [dreg:$0x3];
	s20 =	simm.s32 $0x8300  }
0x19d: {  	[tilespmem:s20], [sflag:$0x1] =	stream.linear.gather [spmem:s19], $0x10, $0x38;
	[tilespmem:$0x86B0] =	vst v63  }
0x19e: {  	_ =	swait.ge [sflag:s9], $0x10  }
0x19f: {  	[sflag:s9] =	ssyncset.done $0x0  }
0x1a0: {  	[sflag:s9] =	ssyncadd.s32 $0xFFFFFFF0  }
0x1a1: {  	s24 =	simm.s32 $0x8400;
	s23 =	rddreg [dreg:$0x4]  }
0x1a2: {  	[tilespmem:s24], [sflag:$0x1] =	stream.linear.gather [spmem:s23], $0x10, $0x38;
	[tilespmem:$0x86B0] =	vst v63  }
0x1a3: {  	_ =	swait.ge [sflag:s9], $0x10  }
0x1a4: {  	[sflag:s9] =	ssyncset.done $0x0  }
0x1a5: {  	s22 =	simm.s32 $0x8310;
	s21 =	rddreg [dreg:$0x8];
	[sflag:s9] =	ssyncadd.s32 $0xFFFFFFF0  }
0x1a6: {  	[tilespmem:s22], [sflag:$0x1] =	stream.linear.gather [spmem:s21], $0x10, $0x38;
	[tilespmem:$0x86B0] =	vst v63  }
0x1a7: {  	_ =	swait.ge [sflag:s9], $0x10  }
0x1a8: {  	[sflag:s9] =	ssyncset.done $0x0  }
0x1a9: {  	s24 =	simm.s32 $0x8410;
	s23 =	rddreg [dreg:$0x9];
	[sflag:s9] =	ssyncadd.s32 $0xFFFFFFF0  }
0x1aa: {  	[tilespmem:s24], [sflag:$0x1] =	stream.linear.gather [spmem:s23], $0x10, $0x38;
	[tilespmem:$0x86B0] =	vst v63  }
0x1ab: {  	_ =	swait.ge [sflag:s9], $0x10  }
0x1ac: {  	[sflag:s9] =	ssyncset.done $0x0  }
0x1ad: {  	s22 =	simm.s32 $0x8320;
	s21 =	rddreg [dreg:$0xa];
	[sflag:s9] =	ssyncadd.s32 $0xFFFFFFF0  }
0x1ae: {  	[tilespmem:s22], [sflag:$0x1] =	stream.linear.gather [spmem:s21], $0x10, $0x38;
	[tilespmem:$0x86B0] =	vst v63  }
0x1af: {  	_ =	swait.ge [sflag:s9], $0x10  }
0x1b0: {  	[sflag:s9] =	ssyncset.done $0x0  }
0x1b1: {  	s24 =	simm.s32 $0x8420;
	s23 =	rddreg [dreg:$0xb];
	[sflag:s9] =	ssyncadd.s32 $0xFFFFFFF0  }
0x1b2: {  	[tilespmem:s24], [sflag:$0x1] =	stream.linear.gather [spmem:s23], $0x10, $0x38;
	[tilespmem:$0x86B0] =	vst v63  }
0x1b3: {  	_ =	swait.ge [sflag:s9], $0x10  }
0x1b4: {  	[sflag:s9] =	ssyncset.done $0x0  }
0x1b5: {  	s22 =	simm.s32 $0x8330;
	s21 =	rddreg [dreg:$0xc];
	[sflag:s9] =	ssyncadd.s32 $0xFFFFFFF0  }
0x1b6: {  	[tilespmem:s22], [sflag:$0x1] =	stream.linear.gather [spmem:s21], $0x10, $0x38;
	[tilespmem:$0x86B0] =	vst v63  }
0x1b7: {  	_ =	swait.ge [sflag:s9], $0x10  }
0x1b8: {  	[sflag:s9] =	ssyncset.done $0x0  }
0x1b9: {  	s24 =	simm.s32 $0x8430;
	s23 =	rddreg [dreg:$0xd];
	[sflag:s9] =	ssyncadd.s32 $0xFFFFFFF0  }
0x1ba: {  	[tilespmem:s24], [sflag:$0x1] =	stream.linear.gather [spmem:s23], $0x10, $0x38;
	[tilespmem:$0x86B0] =	vst v63  }
0x1bb: {  	_ =	swait.ge [sflag:s9], $0x10  }
0x1bc: {  	[sflag:s9] =	ssyncset.done $0x0  }
0x1bd: {  	s22 =	simm.s32 $0x8340;
	s21 =	rddreg [dreg:$0xe];
	[sflag:s9] =	ssyncadd.s32 $0xFFFFFFF0  }
0x1be: {  	[tilespmem:s22], [sflag:$0x1] =	stream.linear.gather [spmem:s21], $0x10, $0x38;
	[tilespmem:$0x86B0] =	vst v63  }
0x1bf: {  	_ =	swait.ge [sflag:s9], $0x10  }
0x1c0: {  	[sflag:s9] =	ssyncset.done $0x0  }
0x1c1: {  	s24 =	simm.s32 $0x8440;
	s23 =	rddreg [dreg:$0xf];
	[sflag:s9] =	ssyncadd.s32 $0xFFFFFFF0  }
0x1c2: {  	[tilespmem:s24], [sflag:$0x1] =	stream.linear.gather [spmem:s23], $0x10, $0x38;
	[tilespmem:$0x86B0] =	vst v63  }
0x1c3: {  	_ =	swait.ge [sflag:s9], $0x10  }
0x1c4: {  	[sflag:s9] =	ssyncset.done $0x0  }
0x1c5: {  	s22 =	simm.s32 $0x8350;
	s21 =	rddreg [dreg:$0x10];
	[sflag:s9] =	ssyncadd.s32 $0xFFFFFFF0  }
0x1c6: {  	[tilespmem:s22], [sflag:$0x1] =	stream.linear.gather [spmem:s21], $0x10, $0x38;
	[tilespmem:$0x86B0] =	vst v63  }
0x1c7: {  	_ =	swait.ge [sflag:s9], $0x10  }
0x1c8: {  	[sflag:s9] =	ssyncset.done $0x0  }
0x1c9: {  	s24 =	simm.s32 $0x8450;
	s23 =	rddreg [dreg:$0x11];
	[sflag:s9] =	ssyncadd.s32 $0xFFFFFFF0  }
0x1ca: {  	[tilespmem:s24], [sflag:$0x1] =	stream.linear.gather [spmem:s23], $0x10, $0x38;
	[tilespmem:$0x86B0] =	vst v63  }
0x1cb: {  	_ =	swait.ge [sflag:s9], $0x10  }
0x1cc: {  	[sflag:s9] =	ssyncset.done $0x0  }
0x1cd: {  	s22 =	simm.s32 $0x8360;
	s21 =	rddreg [dreg:$0x12];
	[sflag:s9] =	ssyncadd.s32 $0xFFFFFFF0  }
0x1ce: {  	[tilespmem:s22], [sflag:$0x1] =	stream.linear.gather [spmem:s21], $0x10, $0x38;
	[tilespmem:$0x86B0] =	vst v63  }
0x1cf: {  	_ =	swait.ge [sflag:s9], $0x10  }
0x1d0: {  	[sflag:s9] =	ssyncset.done $0x0  }
0x1d1: {  	s24 =	simm.s32 $0x8460;
	s23 =	rddreg [dreg:$0x13];
	[sflag:s9] =	ssyncadd.s32 $0xFFFFFFF0  }
0x1d2: {  	[tilespmem:s24], [sflag:$0x1] =	stream.linear.gather [spmem:s23], $0x10, $0x38;
	[tilespmem:$0x86B0] =	vst v63  }
0x1d3: {  	_ =	swait.ge [sflag:s9], $0x10  }
0x1d4: {  	[sflag:s9] =	ssyncset.done $0x0  }
0x1d5: {  	s21 =	simm.s32 $0x8370;
	[sflag:s9] =	ssyncadd.s32 $0xFFFFFFF0  }
0x1d6: {  	[tilespmem:s21], [sflag:$0x1] =	stream.linear.gather [spmem:s25], $0x10, $0x38;
	[tilespmem:$0x86B0] =	vst v63  }
0x1d7: {  	_ =	swait.ge [sflag:s9], $0x10  }
0x1d8: {  	[sflag:s9] =	ssyncset.done $0x0  }
0x1d9: {  	s22 =	simm.s32 $0x8470;
	[sflag:s9] =	ssyncadd.s32 $0xFFFFFFF0  }
0x1da: {  	[tilespmem:s22], [sflag:$0x1] =	stream.linear.gather [spmem:s26], $0x10, $0x38;
	[tilespmem:$0x86B0] =	vst v63  }
0x1db: {  	_ =	swait.ge [sflag:s9], $0x10  }
0x1dc: {  	[sflag:s9] =	ssyncset.done $0x0  }
0x1dd: {  	s23 =	simm.s32 $0x8380;
	[sflag:s9] =	ssyncadd.s32 $0xFFFFFFF0  }
0x1de: {  	[tilespmem:s23], [sflag:$0x1] =	stream.linear.gather [spmem:s28], $0x10, $0x38;
	[tilespmem:$0x86B0] =	vst v63  }
0x1df: {  	_ =	swait.ge [sflag:s9], $0x10  }
0x1e0: {  	[sflag:s9] =	ssyncset.done $0x0  }
0x1e1: {  	s24 =	simm.s32 $0x8480;
	[sflag:s9] =	ssyncadd.s32 $0xFFFFFFF0  }
0x1e2: {  	[tilespmem:s24], [sflag:$0x1] =	stream.linear.gather [spmem:s29], $0x10, $0x38;
	[tilespmem:$0x86B0] =	vst v63  }
0x1e3: {  	_ =	swait.ge [sflag:s9], $0x10  }
0x1e4: {  	[sflag:s9] =	ssyncset.done $0x0  }
0x1e5: {  	s20 =	simm.s32 $0x8390;
	[sflag:s9] =	ssyncadd.s32 $0xFFFFFFF0  }
0x1e6: {  	[tilespmem:s20], [sflag:$0x1] =	stream.linear.gather [spmem:s30], $0x10, $0x38;
	[tilespmem:$0x86B0] =	vst v63  }
0x1e7: {  	_ =	swait.ge [sflag:s9], $0x10  }
0x1e8: {  	[sflag:s9] =	ssyncset.done $0x0  }
0x1e9: {  	s21 =	simm.s32 $0x8490;
	[sflag:s9] =	ssyncadd.s32 $0xFFFFFFF0  }
0x1ea: {  	[tilespmem:s21], [sflag:$0x1] =	stream.linear.gather [spmem:s31], $0x10, $0x38;
	[tilespmem:$0x86B0] =	vst v63  }
0x1eb: {  	_ =	swait.ge [sflag:s9], $0x10  }
0x1ec: {  	[sflag:s9] =	ssyncset.done $0x0  }
0x1ed: {  	s22 =	simm.s32 $0x83A0;
	[sflag:s9] =	ssyncadd.s32 $0xFFFFFFF0  }
0x1ee: {  	[tilespmem:s22], [sflag:$0x1] =	stream.linear.gather [spmem:s1], $0x10, $0x38;
	[tilespmem:$0x86B0] =	vst v63  }
0x1ef: {  	_ =	swait.ge [sflag:s9], $0x10  }
0x1f0: {  	[sflag:s9] =	ssyncset.done $0x0  }
0x1f1: {  	s23 =	simm.s32 $0x84A0;
	[sflag:s9] =	ssyncadd.s32 $0xFFFFFFF0  }
0x1f2: {  	[tilespmem:s23], [sflag:$0x1] =	stream.linear.gather [spmem:s3], $0x10, $0x38;
	[tilespmem:$0x86B0] =	vst v63  }
0x1f3: {  	_ =	swait.ge [sflag:s9], $0x10  }
0x1f4: {  	[sflag:s9] =	ssyncset.done $0x0  }
0x1f5: {  	s24 =	simm.s32 $0x83B0;
	[sflag:s9] =	ssyncadd.s32 $0xFFFFFFF0  }
0x1f6: {  	[tilespmem:s24], [sflag:$0x1] =	stream.linear.gather [spmem:s0], $0x10, $0x38;
	[tilespmem:$0x86B0] =	vst v63  }
0x1f7: {  	_ =	swait.ge [sflag:s9], $0x10  }
0x1f8: {  	[sflag:s9] =	ssyncset.done $0x0  }
0x1f9: {  	s20 =	simm.s32 $0x84B0;
	[sflag:s9] =	ssyncadd.s32 $0xFFFFFFF0  }
0x1fa: {  	[tilespmem:s20], [sflag:$0x1] =	stream.linear.gather [spmem:s2], $0x10, $0x38;
	[tilespmem:$0x86B0] =	vst v63  }
0x1fb: {  	_ =	swait.ge [sflag:s9], $0x10  }
0x1fc: {  	[sflag:s9] =	ssyncset.done $0x0  }
0x1fd: {  	s21 =	simm.s32 $0x83C0;
	[sflag:s9] =	ssyncadd.s32 $0xFFFFFFF0  }
0x1fe: {  	[tilespmem:s21], [sflag:$0x1] =	stream.linear.gather [spmem:s4], $0x10, $0x38;
	[tilespmem:$0x86B0] =	vst v63  }
0x1ff: {  	_ =	swait.ge [sflag:s9], $0x10  }
0x200: {  	[sflag:s9] =	ssyncset.done $0x0  }
0x201: {  	s22 =	simm.s32 $0x84C0;
	[sflag:s9] =	ssyncadd.s32 $0xFFFFFFF0  }
0x202: {  	[tilespmem:s22], [sflag:$0x1] =	stream.linear.gather [spmem:s5], $0x10, $0x38;
	[tilespmem:$0x86B0] =	vst v63  }
0x203: {  	_ =	swait.ge [sflag:s9], $0x10  }
0x204: {  	[sflag:s9] =	ssyncset.done $0x0  }
0x205: {  	s23 =	simm.s32 $0x83D0;
	[sflag:s9] =	ssyncadd.s32 $0xFFFFFFF0  }
0x206: {  	[tilespmem:s23], [sflag:$0x1] =	stream.linear.gather [spmem:s6], $0x10, $0x38;
	[tilespmem:$0x86B0] =	vst v63  }
0x207: {  	_ =	swait.ge [sflag:s9], $0x10  }
0x208: {  	[sflag:s9] =	ssyncset.done $0x0  }
0x209: {  	s24 =	simm.s32 $0x84D0;
	[sflag:s9] =	ssyncadd.s32 $0xFFFFFFF0  }
0x20a: {  	[tilespmem:s24], [sflag:$0x1] =	stream.linear.gather [spmem:s7], $0x10, $0x38;
	[tilespmem:$0x86B0] =	vst v63  }
0x20b: {  	_ =	swait.ge [sflag:s9], $0x10  }
0x20c: {  	[sflag:s9] =	ssyncset.done $0x0  }
0x20d: {  	s20 =	simm.s32 $0x83E0;
	[sflag:s9] =	ssyncadd.s32 $0xFFFFFFF0  }
0x20e: {  	[tilespmem:s20], [sflag:$0x1] =	stream.linear.gather [spmem:s13], $0x10, $0x38;
	[tilespmem:$0x86B0] =	vst v63  }
0x20f: {  	_ =	swait.ge [sflag:s9], $0x10  }
0x210: {  	[sflag:s9] =	ssyncset.done $0x0  }
0x211: {  	s21 =	simm.s32 $0x84E0;
	[sflag:s9] =	ssyncadd.s32 $0xFFFFFFF0  }
0x212: {  	[tilespmem:s21], [sflag:$0x1] =	stream.linear.gather [spmem:s14], $0x10, $0x38;
	[tilespmem:$0x86B0] =	vst v63  }
0x213: {  	_ =	swait.ge [sflag:s9], $0x10  }
0x214: {  	[sflag:s9] =	ssyncset.done $0x0  }
0x215: {  	s22 =	simm.s32 $0x83F0;
	[sflag:s9] =	ssyncadd.s32 $0xFFFFFFF0  }
0x216: {  	[tilespmem:s22], [sflag:$0x1] =	stream.linear.gather [spmem:s15], $0x10, $0x38;
	[tilespmem:$0x86B0] =	vst v63  }
0x217: {  	_ =	swait.ge [sflag:s9], $0x10  }
0x218: {  	[sflag:s9] =	ssyncset.done $0x0  }
0x219: {  	s23 =	simm.s32 $0x84F0;
	[sflag:s9] =	ssyncadd.s32 $0xFFFFFFF0  }
0x21a: {  	[tilespmem:s23], [sflag:$0x1] =	stream.linear.gather [spmem:s16], $0x10, $0x38;
	[tilespmem:$0x86B0] =	vst v63  }
0x21b: {  	_ =	swait.ge [sflag:s9], $0x10  }
0x21c: {  	[sflag:s9] =	ssyncset.done $0x0  }
0x21d: {  	s24 =	simm.s32 $0x0;
	[sflag:s9] =	ssyncadd.s32 $0xFFFFFFF0  }
0x21e: {  	v8 =	vld [tilespmem:s24+$0x8300]  }
0x21f: {  	v9 =	vld [tilespmem:s24+$0x8400];
	_ =	sdelay $0x1  }
0x220: {  	v7 =	vimm.f32 $+Inf;
	v6 =	vimm.s32 $0x2000;
	s19 =	simm.s32 $0x40  }
.LBB2_6:
0x221: {  	p1 =	sne.s32 s19, $0x3C0  }
.Ltmp5:
0x222: {  	s20 =	sshra.s32 s19, $0x2;
	v10 =	vmov v8;
	(pc) =	sbr.rel @p1 .LBB2_6-.Ltmp5, $4  }
0x223: {  	s19 =	sadd.s32 $0x40, s19;
	vm1 =	vlt.s32 v9, v6;
	v11 =	vmov v9;
	v8 =	vld [tilespmem:s20+$0x8300];
	vm0 =	veq.f32 v10, v7  }
0x224: {  	vm2 =	vlt.f32 v10, v7;
	v9 =	vld [tilespmem:s20+$0x8400];
	vm0 =	vmand vm0, vm1  }
0x225: {  	vm0 =	vmor vm2, vm0  }
0x226: {  	v7 =	vsel vm0, v10, v7;
	v6 =	vsel vm0, v11, v6  }
.Ltmp6:
0x227: {  	_ = 	snop;
	(pc) =	sbr.rel .LBB2_7-.Ltmp6, $1  }
0x228: {  	_ =	sdelay $0x3  }
.LBB2_9:
0x229: {  	_ = 	snop  }
0x22a: {  	s0 =	simm.s32 @!p0 $0x0;
	s1 =	simm.s32 @!p0 $0x8200;
	s2 =	rddreg [dreg:$0x2];
	[tilespmem:$0x8200] =	vst @!p0 v0  }
0x22b: {  	[hbm4b:s2+s0] =	stream.linear.scatter @!p0 [tilespmem:s1], [sflag:$0x1], $0x80, $0x38;
	[tilespmem:$0x86B0] =	vst v63  }
0x22c: {  	s1 =	simm.s32 @!p0 $0x1  }
0x22d: {  	_ =	swait.ge @!p0 [sflag:s1], $0x80  }
0x22e: {  	[sflag:s1] =	ssyncset.done @!p0 $0x0  }
0x22f: {  	[sflag:s1] =	ssyncadd.s32 @!p0 $0xFFFFFF80  }
0x230: {  	s2 =	simm.s32 @!p0 $0x8500;
	s3 =	rddreg [dreg:$0x1]  }
0x231: {  	[hbm4b:s3+s0] =	stream.linear.scatter @!p0 [tilespmem:s2], [sflag:$0x1], $0x80, $0x38;
	[tilespmem:$0x86B0] =	vst v63  }
0x232: {  	_ =	swait.ge @!p0 [sflag:s1], $0x80  }
0x233: {  	[sflag:s1] =	ssyncset.done @!p0 $0x0  }
0x234: {  	[sflag:s1] =	ssyncadd.s32 @!p0 $0xFFFFFF80  }
0x235: {  	s4 =	stileid.u32;
	s2 =	rddreg [dreg:$0x7]  }
.LBB2_10:
0x236: {  	_ =	sfence.sel $0x180000  }
0x237: {  	[bflag:$0x0] =	sbarrier.arrive $0xFFFF  }
0x238: {  	p0 =	sne.s32 s4, $0x0;
	_ =	strace $0x90000047  }
0x239: {  	s0 =	sadd.s32 @!p0 $0x100000, s2;
	[bflag:$0x2] =	sbarrier.arrive $0xFFFF  }
0x23a: {  	[sflag:s0] =	ssyncadd.tile.s32 @!p0 $0x1;
	_ =	shalt  }
.Lfunc_end2:
_tile_overlayer_lowered:
.L_overlay_start_2:
0x23b: {  	(tag) =	ssettag $0x2  }
0x23c: {  	s0 =	rddreg [dreg:$0x0];
	s2 =	stileid.u32  }
0x23d: {  	s1 =	rddreg [dreg:$0x1];
	p0 =	sne.s32 s2, $0x0  }
0x23e: {  	s3 =	rddreg [dreg:$0x2];
	[bflag:$0x3] =	sbarrier.arrive $0xFFFF;
	s2 =	simm.s32 @!p0 $0x1C01  }
0x23f: {  	[timem:s3], [sflag:s2] =	dma.local @!p0 [hbm:s0], s1  }
0x240: {  	s0 =	simm.s32 @!p0 $0x1  }
0x241: {  	_ =	swait.ge @!p0 [sflag:s0], s1  }
0x242: {  	s1 =	ssub.s32 @!p0 $0x0, s1;
	[sflag:s0] =	ssyncset.done @!p0 $0x0  }
0x243: {  	[sflag:s0] =	ssyncadd.s32 @!p0 s1  }
0x244: {  	[bflag:$0x3] =	sbarrier.arrive $0xFFFF  }
0x245: {  	_ =	shalt  }

</sc_bundles>
